<compile_context>
chip_gen: v7x
topology: tpu7x:2x2x1
jax: 0.10.2.dev20260603
libtpu: 0.0.44.dev20260713+nightly
codegen_flags: <defaults>
</compile_context>

<pallas_src>
import jax
import jax.numpy as jnp
from jax import lax
from jax.experimental import pallas as pl
from jax.experimental.pallas import tpu as pltpu
from jax.experimental.pallas import tpu_sc as plsc

N = 10000
E = 320000
HID = 128
NUM_RELS = 16

NC = 2
NS = 16
NW = NC * NS

N_PAD = 10240
ROWS_PER_TILE = N_PAD // NS
CHUNK = 128
NBUF = 2
NCHUNK = 80
EPW = NCHUNK * CHUNK
E_PAD = NW * EPW
KMAX = NCHUNK // NBUF

_EROWS = E // HID
_EROWS_PAD = E_PAD // HID
EDW = 4 * CHUNK


def _dense_body(x_ref, w_ref, att_ref, rel_ref, wrel_ref, conf_ref,
                ei_ref, et_ref,
                h_ref, s_ref, c_ref, ed_ref):
    x = x_ref[...]
    h = lax.dot_general(x, w_ref[...], (((1,), (1,)), ((), ())),
                        preferred_element_type=jnp.float32)
    h_ref[...] = h
    att = att_ref[...]
    s_ref[...] = lax.dot_general(att[0:2, :], h, (((1,), (1,)), ((), ())),
                                 preferred_element_type=jnp.float32)
    rproj = lax.dot_general(rel_ref[...], wrel_ref[...],
                            (((1,), (1,)), ((), ())),
                            preferred_element_type=jnp.float32)
    c_ref[...] = lax.dot_general(att[2:3, :], rproj, (((1,), (1,)), ((), ())),
                                 preferred_element_type=jnp.float32)
    npad_rows = _EROWS_PAD - _EROWS
    spread = (lax.broadcasted_iota(jnp.int32, (npad_rows, HID), 0) * HID
              + lax.broadcasted_iota(jnp.int32, (npad_rows, HID), 1)) % N
    qbits = lax.bitcast_convert_type(
        jnp.sqrt(jnp.maximum(conf_ref[...], 1e-6)), jnp.int32)
    ed_ref[0:_EROWS, 0:HID] = ei_ref[0]
    ed_ref[_EROWS:_EROWS_PAD, 0:HID] = spread
    ed_ref[0:_EROWS, HID:2 * HID] = ei_ref[1]
    ed_ref[_EROWS:_EROWS_PAD, HID:2 * HID] = spread
    ed_ref[0:_EROWS, 2 * HID:3 * HID] = et_ref[...]
    ed_ref[_EROWS:_EROWS_PAD, 2 * HID:3 * HID] = jnp.zeros(
        (npad_rows, HID), jnp.int32)
    ed_ref[0:_EROWS, 3 * HID:4 * HID] = qbits
    ed_ref[_EROWS:_EROWS_PAD, 3 * HID:4 * HID] = jnp.zeros(
        (npad_rows, HID), jnp.int32)


_dense_call = pl.pallas_call(
    _dense_body,
    out_shape=[
        jax.ShapeDtypeStruct((N, HID), jnp.float32),
        jax.ShapeDtypeStruct((2, N), jnp.float32),
        jax.ShapeDtypeStruct((1, NUM_RELS), jnp.float32),
        jax.ShapeDtypeStruct((_EROWS_PAD, EDW), jnp.int32),
    ],
)


_mesh = plsc.VectorSubcoreMesh(core_axis_name="c", subcore_axis_name="s")

_sc_scratch = (
    [pltpu.VMEM_SHARED((N_PAD, HID), jnp.float32),
     pltpu.VMEM_SHARED((N_PAD,), jnp.float32),
     pltpu.VMEM_SHARED((N,), jnp.float32),
     pltpu.VMEM_SHARED((N,), jnp.float32),
     pltpu.VMEM((NUM_RELS,), jnp.float32)]
    + [pltpu.VMEM((EDW,), jnp.int32)] * NBUF
    + [pltpu.VMEM((CHUNK,), jnp.int32)] * NBUF
    + [pltpu.VMEM((CHUNK,), jnp.int32)] * NBUF
    + [pltpu.VMEM((CHUNK,), jnp.float32)] * NBUF
    + [pltpu.VMEM((CHUNK,), jnp.float32)] * NBUF
    + [pltpu.VMEM((CHUNK,), jnp.float32)] * NBUF
    + [pltpu.VMEM((CHUNK, HID), jnp.float32)] * NBUF
    + [pltpu.SemaphoreType.DMA] * (4 * NBUF)
)


def _sc_body(h_hbm, s_hbm, c_hbm, ed_hbm,
             acc_out, den_out, *scr):
    acc_sh, den_sh, s1_sh, s2_sh, c_v = scr[0:5]
    o = 5
    ed_b = scr[o:o + NBUF]; o += NBUF
    src_b = scr[o:o + NBUF]; o += NBUF
    ds_b = scr[o:o + NBUF]; o += NBUF
    w_b = scr[o:o + NBUF]; o += NBUF
    s1_b = scr[o:o + NBUF]; o += NBUF
    s2_b = scr[o:o + NBUF]; o += NBUF
    h_b = scr[o:o + NBUF]; o += NBUF
    semi = scr[o:o + NBUF]; o += NBUF
    semg = scr[o:o + NBUF]; o += NBUF
    semt = scr[o:o + NBUF]; o += NBUF
    sems = scr[o:o + NBUF]; o += NBUF

    cid = lax.axis_index("c")
    sid = lax.axis_index("s")
    zeros16 = jnp.zeros((16,), jnp.float32)

    wid = cid * NS + sid
    cbase = wid * NCHUNK

    def idx_issue(p, ch):
        pltpu.async_copy(ed_hbm.at[cbase + ch], ed_b[p], semi[p])

    def idx_drain(p):
        pltpu.make_async_copy(ed_hbm.at[0], ed_b[p], semi[p]).wait()

    def extract(p):
        for i in range(CHUNK // 16):
            src_b[p][pl.ds(i * 16, 16)] = ed_b[p][pl.ds(i * 16, 16)]
            ds_b[p][pl.ds(i * 16, 16)] = ed_b[p][pl.ds(CHUNK + i * 16, 16)]

    def gather_issue(p):
        pltpu.async_copy(h_hbm.at[src_b[p]], h_b[p], semg[p])

    def gather_wait(p):
        pltpu.make_async_copy(h_hbm.at[src_b[p]], h_b[p], semg[p]).wait()

    def sgather_issue(p):
        pltpu.async_copy(s1_sh.at[ds_b[p]], s1_b[p], semt[p])
        pltpu.async_copy(s2_sh.at[src_b[p]], s2_b[p], semt[p])

    def sgather_drain(p):
        pltpu.make_async_copy(s1_sh.at[ds_b[p]], s1_b[p], semt[p]).wait()
        pltpu.make_async_copy(s2_sh.at[src_b[p]], s2_b[p], semt[p]).wait()

    def scat_issue(p):
        pltpu.async_copy(h_b[p], acc_sh.at[ds_b[p]], sems[p], add=True)
        pltpu.async_copy(w_b[p], den_sh.at[ds_b[p]], sems[p], add=True)

    def scat_drain(p):
        pltpu.make_async_copy(h_b[p], acc_sh.at[ds_b[p]], sems[p]).wait()
        pltpu.make_async_copy(w_b[p], den_sh.at[ds_b[p]], sems[p]).wait()

    def compute_w(p):
        for i in range(CHUNK // 16):
            sl = pl.ds(i * 16, 16)
            t16 = jnp.clip(ed_b[p][pl.ds(2 * CHUNK + i * 16, 16)],
                           0, NUM_RELS - 1)
            q16 = plsc.bitcast(ed_b[p][pl.ds(3 * CHUNK + i * 16, 16)],
                               jnp.float32)
            cc = plsc.load_gather(c_v, [t16])
            e = s1_b[p][sl] + s2_b[p][sl] + cc
            e = jnp.maximum(e, 0.2 * e)
            w_b[p][sl] = jnp.exp(e) * q16

    def scale(p):
        def _sgroup(g, c2):
            wg = w_b[p][pl.ds(g * 16, 16)]
            for j in range(16):
                sw = wg[j]
                row = g * 16 + j
                for k in range(HID // 16):
                    slk = pl.ds(k * 16, 16)
                    h_b[p][row, slk] = h_b[p][row, slk] * sw
            return c2
        lax.fori_loop(0, CHUNK // 16, _sgroup, 0)

    for p in range(NBUF):
        idx_issue(p, p)

    def _zrow(j, carry):
        for k in range(HID // 16):
            h_b[0][j, pl.ds(k * 16, 16)] = zeros16
        return carry
    lax.fori_loop(0, CHUNK, _zrow, 0)
    for i in range(CHUNK // 16):
        w_b[0][pl.ds(i * 16, 16)] = zeros16
    for b in range(ROWS_PER_TILE // CHUNK):
        rs = sid * ROWS_PER_TILE + b * CHUNK
        pltpu.sync_copy(h_b[0], acc_sh.at[pl.ds(rs, CHUNK), :])
        pltpu.sync_copy(w_b[0], den_sh.at[pl.ds(rs, CHUNK)])

    @pl.when(sid == 0)
    def _():
        pltpu.sync_copy(s_hbm.at[0], s1_sh)
        pltpu.sync_copy(s_hbm.at[1], s2_sh)
    pltpu.sync_copy(c_hbm, c_v)

    idx_drain(0)
    extract(0)
    gather_issue(0)
    plsc.subcore_barrier()
    sgather_issue(0)

    def body(k, carry):
        for j in range(NBUF):
            ch = k * NBUF + j
            p = j
            p1 = (j + 1) % NBUF
            sgather_drain(p)
            compute_w(p)
            if j == NBUF - 1:
                scat_drain(p1)

                @pl.when(k < KMAX - 1)
                def _():
                    idx_drain(p1)
                    extract(p1)
                    gather_issue(p1)
                    sgather_issue(p1)
            else:
                @pl.when(k > 0)
                def _():
                    scat_drain(p1)
                idx_drain(p1)
                extract(p1)
                gather_issue(p1)
                sgather_issue(p1)
            gather_wait(p)
            scale(p)
            scat_issue(p)

            @pl.when(k < KMAX - 1)
            def _():
                idx_issue(p, ch + NBUF)
        return carry

    lax.fori_loop(0, KMAX, body, 0)

    scat_drain(1)

    plsc.subcore_barrier()

    for b in range(ROWS_PER_TILE // CHUNK):
        rs = sid * ROWS_PER_TILE + b * CHUNK
        pltpu.sync_copy(acc_sh.at[pl.ds(rs, CHUNK), :],
                        acc_out.at[cid, pl.ds(rs, CHUNK), :])
        pltpu.sync_copy(den_sh.at[pl.ds(rs, CHUNK)],
                        den_out.at[cid, pl.ds(rs, CHUNK)])


_sc_call = pl.kernel(
    _sc_body,
    out_type=[
        jax.ShapeDtypeStruct((NC, N_PAD, HID), jnp.float32),
        jax.ShapeDtypeStruct((NC, N_PAD), jnp.float32),
    ],
    mesh=_mesh,
    compiler_params=pltpu.CompilerParams(needs_layout_passes=False),
    scratch_types=_sc_scratch,
)


def _combine_body(acc_ref, den_ref, bias_ref, out_ref):
    a = acc_ref[0, 0:N, :] + acc_ref[1, 0:N, :]
    d = den_ref[0, 0:N, :] + den_ref[1, 0:N, :]
    out_ref[...] = a / (d + 1e-16) + bias_ref[...]


_combine_call = pl.pallas_call(
    _combine_body,
    out_shape=jax.ShapeDtypeStruct((N, HID), jnp.float32),
)


def kernel(x, edge_index, edge_type_in, edge_attr, W_msg, rel_emb, W_rel,
           att_vec, bias):
    att3 = att_vec.reshape(3, HID)
    conf2d = edge_attr.reshape(_EROWS, HID)
    ei2d = edge_index.reshape(2, _EROWS, HID)
    et2d = edge_type_in.reshape(_EROWS, HID)
    h, s, crel, ed = _dense_call(
        x, W_msg, att3, rel_emb, W_rel, conf2d, ei2d, et2d)

    acc, den = _sc_call(h, s, crel.reshape(NUM_RELS), ed)
    return _combine_call(acc, den[:, :, None], bias.reshape(1, HID))

# --- scband reference (transcript-rebuilt; emitter-appended) ---
"""Pipeline reference for scband-tiny-rgatlayer-30614526885989 (READ-ONLY COPY).

The authoritative reference and input builder live on the scoring server;
editing this copy changes nothing except your own understanding.
"""

import jax, jax.numpy as jnp
import numpy as np

N = 10000
E = 320000
HID = 128
NUM_RELS = 16
REL_DIM = 16
CONF_LOG_WEIGHT = 0.5


def setup_inputs(seed: int = 0) -> dict:
    key = jax.random.key(seed)
    ks = jax.random.split(key, 9)
    x = jax.random.normal(ks[0], (N, HID), dtype=jnp.float32)
    edge_index = jax.random.randint(ks[1], (2, E), 0, N, dtype=jnp.int32)
    edge_type_in = jax.random.randint(ks[2], (E,), 0, NUM_RELS, dtype=jnp.int32)
    edge_attr = jax.random.uniform(ks[3], (E, 1), dtype=jnp.float32)
    W_msg = jax.random.normal(ks[4], (HID, HID), dtype=jnp.float32) * (1.0 / np.sqrt(HID))
    rel_emb = jax.random.normal(ks[5], (NUM_RELS, REL_DIM), dtype=jnp.float32)
    W_rel = jax.random.normal(ks[6], (HID, REL_DIM), dtype=jnp.float32) * (1.0 / np.sqrt(REL_DIM))
    att_vec = jax.random.normal(ks[7], (3 * HID,), dtype=jnp.float32) * 0.05
    bias = jnp.zeros((HID,), dtype=jnp.float32)
    return {"x": x, "edge_index": edge_index, "edge_type_in": edge_type_in,
            "edge_attr": edge_attr, "W_msg": W_msg, "rel_emb": rel_emb,
            "W_rel": W_rel, "att_vec": att_vec, "bias": bias}


def reference(x, edge_index, edge_type_in, edge_attr, W_msg, rel_emb, W_rel, att_vec, bias):
    src = edge_index[0]
    dst = edge_index[1]
    t = jnp.clip(edge_type_in, 0, NUM_RELS - 1)
    # msg_lin (no bias): y = x @ W.T
    h_src = jnp.take(x, src, axis=0) @ W_msg.T
    h_dst = jnp.take(x, dst, axis=0) @ W_msg.T
    # relation embedding lookup + projection
    r = jnp.take(rel_emb, t, axis=0) @ W_rel.T
    z = jnp.concatenate([h_dst, h_src, r], axis=-1)
    e = jnp.sum(z * att_vec, axis=-1)
    # LeakyReLU(0.2)
    e = jnp.where(e >= 0, e, 0.2 * e)
    # confidence log term
    conf = jnp.clip(edge_attr[:, 0], 1e-06, None)
    e = e + CONF_LOG_WEIGHT * jnp.log(conf)
    # dropout is identity in eval mode
    # segment softmax over dst (pyg-style)
    e_max = jax.ops.segment_max(e, dst, num_segments=N)
    ex = jnp.exp(e - jnp.take(e_max, dst, axis=0))
    denom = jax.ops.segment_sum(ex, dst, num_segments=N)
    alpha = ex / (jnp.take(denom, dst, axis=0) + 1e-16)
    msg = h_src * alpha[:, None]
    out = jnp.zeros((N, HID), dtype=x.dtype).at[dst].add(msg)
    out = out + bias
    return out

if __name__ == "__main__":
    import jax
    _d = setup_inputs()
    print(jax.jit(kernel)(*tuple(_d.values())))

</pallas_src>

<mosaic_0001>
#map = affine_map<(d0, d1) -> (0, 0)>
#map1 = affine_map<(d0, d1) -> (0)>
#map2 = affine_map<(d0, d1) -> (0, 0, 0)>
module attributes {stable_mosaic.version = 14 : i64} {
  func.func @_sc_body(%arg0: i32, %arg1: i32, %arg2: memref<10000x128xf32, #tpu.memory_space<hbm>>, %arg3: memref<2x10000xf32, #tpu.memory_space<hbm>>, %arg4: memref<16xf32, #tpu.memory_space<hbm>>, %arg5: memref<2560x512xi32, #tpu.memory_space<hbm>>, %arg6: memref<2x10240x128xf32, #tpu.memory_space<hbm>>, %arg7: memref<2x10240xf32, #tpu.memory_space<hbm>>, %arg8: memref<10240x128xf32, #tpu.memory_space<vmem_shared>>, %arg9: memref<10240xf32, #tpu.memory_space<vmem_shared>>, %arg10: memref<10000xf32, #tpu.memory_space<vmem_shared>>, %arg11: memref<10000xf32, #tpu.memory_space<vmem_shared>>, %arg12: memref<16xf32, #tpu.memory_space<vmem>>, %arg13: memref<512xi32, #tpu.memory_space<vmem>>, %arg14: memref<512xi32, #tpu.memory_space<vmem>>, %arg15: memref<128xi32, #tpu.memory_space<vmem>>, %arg16: memref<128xi32, #tpu.memory_space<vmem>>, %arg17: memref<128xi32, #tpu.memory_space<vmem>>, %arg18: memref<128xi32, #tpu.memory_space<vmem>>, %arg19: memref<128xf32, #tpu.memory_space<vmem>>, %arg20: memref<128xf32, #tpu.memory_space<vmem>>, %arg21: memref<128xf32, #tpu.memory_space<vmem>>, %arg22: memref<128xf32, #tpu.memory_space<vmem>>, %arg23: memref<128xf32, #tpu.memory_space<vmem>>, %arg24: memref<128xf32, #tpu.memory_space<vmem>>, %arg25: memref<128x128xf32, #tpu.memory_space<vmem>>, %arg26: memref<128x128xf32, #tpu.memory_space<vmem>>, %arg27: memref<!tpu.dma_semaphore, #tpu.memory_space<semaphore_mem>>, %arg28: memref<!tpu.dma_semaphore, #tpu.memory_space<semaphore_mem>>, %arg29: memref<!tpu.dma_semaphore, #tpu.memory_space<semaphore_mem>>, %arg30: memref<!tpu.dma_semaphore, #tpu.memory_space<semaphore_mem>>, %arg31: memref<!tpu.dma_semaphore, #tpu.memory_space<semaphore_mem>>, %arg32: memref<!tpu.dma_semaphore, #tpu.memory_space<semaphore_mem>>, %arg33: memref<!tpu.dma_semaphore, #tpu.memory_space<semaphore_mem>>, %arg34: memref<!tpu.dma_semaphore, #tpu.memory_space<semaphore_mem>>) attributes {dimension_semantics = [#tpu.dimension_semantics<core_parallel>, #tpu.dimension_semantics<subcore_parallel>], iteration_bounds = array<i64: 2, 16>, scalar_prefetch = 0 : i64, scratch_operands = 27 : i64, tpu.core_type = #tpu.core_type<sc_vector_subcore>, window_params = [{transform_indices = #map}, {transform_indices = #map}, {transform_indices = #map1}, {transform_indices = #map}, {transform_indices = #map2}, {transform_indices = #map}]} {
    %broadcast_in_dim3A = arith.constant 0.000000e+00 : f32
    %broadcast_in_dim3A_0 = vector.broadcast %broadcast_in_dim3A : f32 to vector<16xf32>
    %mul3A = arith.constant 16 : i32
    %mul3A_1 = arith.muli %arg0, %mul3A : i32
    %add3A = arith.addi %mul3A_1, %arg1 : i32
    %mul3A_2 = arith.constant 80 : i32
    %mul3A_3 = arith.muli %add3A, %mul3A_2 : i32
    %add3A_4 = arith.constant 0 : i32
    %add3A_5 = arith.addi %mul3A_3, %add3A_4 : i32
    %dma_start3A = arith.constant 0 : i32
    %dma_start3A_6 = tpu.memref_slice %arg5[%add3A_5, %dma_start3A] : memref<2560x512xi32, #tpu.memory_space<hbm>> -> memref<1x512xi32, #tpu.memory_space<hbm>>
    %dma_start3A_7 = tpu.memref_squeeze %dma_start3A_6 : memref<1x512xi32, #tpu.memory_space<hbm>> -> memref<512xi32, #tpu.memory_space<hbm>>
    %dma_start3A_8 = arith.constant 0 : i32
    %dma_start3A_9 = tpu.memref_slice %arg5[%add3A_5, %dma_start3A_8] : memref<2560x512xi32, #tpu.memory_space<hbm>> -> memref<1x512xi32, #tpu.memory_space<hbm>>
    %dma_start3A_10 = tpu.memref_squeeze %dma_start3A_9 : memref<1x512xi32, #tpu.memory_space<hbm>> -> memref<512xi32, #tpu.memory_space<hbm>>
    tpu.enqueue_dma source(%dma_start3A_10 : memref<512xi32, #tpu.memory_space<hbm>>) target(%arg13 : memref<512xi32, #tpu.memory_space<vmem>>) target_semaphore(%arg27 : memref<!tpu.dma_semaphore, #tpu.memory_space<semaphore_mem>>)
    %add3A_11 = arith.constant 1 : i32
    %add3A_12 = arith.addi %mul3A_3, %add3A_11 : i32
    %dma_start3A_13 = arith.constant 0 : i32
    %dma_start3A_14 = tpu.memref_slice %arg5[%add3A_12, %dma_start3A_13] : memref<2560x512xi32, #tpu.memory_space<hbm>> -> memref<1x512xi32, #tpu.memory_space<hbm>>
    %dma_start3A_15 = tpu.memref_squeeze %dma_start3A_14 : memref<1x512xi32, #tpu.memory_space<hbm>> -> memref<512xi32, #tpu.memory_space<hbm>>
    %dma_start3A_16 = arith.constant 0 : i32
    %dma_start3A_17 = tpu.memref_slice %arg5[%add3A_12, %dma_start3A_16] : memref<2560x512xi32, #tpu.memory_space<hbm>> -> memref<1x512xi32, #tpu.memory_space<hbm>>
    %dma_start3A_18 = tpu.memref_squeeze %dma_start3A_17 : memref<1x512xi32, #tpu.memory_space<hbm>> -> memref<512xi32, #tpu.memory_space<hbm>>
    tpu.enqueue_dma source(%dma_start3A_18 : memref<512xi32, #tpu.memory_space<hbm>>) target(%arg14 : memref<512xi32, #tpu.memory_space<vmem>>) target_semaphore(%arg28 : memref<!tpu.dma_semaphore, #tpu.memory_space<semaphore_mem>>)
    %scan3A = arith.constant 0 : i32
    %scan3A_19 = arith.constant 0 : i32
    %scan3A_20 = arith.constant 128 : i32
    %scan3A_21 = arith.addi %scan3A_19, %scan3A_20 : i32
    %scan3A_22 = arith.constant 1 : i32
    scf.for %scan3A_169 = %scan3A_19 to %scan3A_21 step %scan3A_22  : i32 {
      %swap3A_170 = arith.index_cast %scan3A_169 : i32 to index
      %swap3A_171 = arith.constant 0 : index
      %swap3A_172 = tpu.vector_load %arg25[%swap3A_170, %swap3A_171] {strides = array<i32>} : memref<128x128xf32, #tpu.memory_space<vmem>>, vector<16xf32>,
      tpu.vector_store %arg25[%swap3A_170, %swap3A_171], %broadcast_in_dim3A_0 {strides = array<i32>} : memref<128x128xf32, #tpu.memory_space<vmem>>, vector<16xf32>,
      %swap3A_173 = arith.index_cast %scan3A_169 : i32 to index
      %swap3A_174 = arith.constant 16 : index
      %swap3A_175 = tpu.vector_load %arg25[%swap3A_173, %swap3A_174] {strides = array<i32>} : memref<128x128xf32, #tpu.memory_space<vmem>>, vector<16xf32>,
      tpu.vector_store %arg25[%swap3A_173, %swap3A_174], %broadcast_in_dim3A_0 {strides = array<i32>} : memref<128x128xf32, #tpu.memory_space<vmem>>, vector<16xf32>,
      %swap3A_176 = arith.index_cast %scan3A_169 : i32 to index
      %swap3A_177 = arith.constant 32 : index
      %swap3A_178 = tpu.vector_load %arg25[%swap3A_176, %swap3A_177] {strides = array<i32>} : memref<128x128xf32, #tpu.memory_space<vmem>>, vector<16xf32>,
      tpu.vector_store %arg25[%swap3A_176, %swap3A_177], %broadcast_in_dim3A_0 {strides = array<i32>} : memref<128x128xf32, #tpu.memory_space<vmem>>, vector<16xf32>,
      %swap3A_179 = arith.index_cast %scan3A_169 : i32 to index
      %swap3A_180 = arith.constant 48 : index
      %swap3A_181 = tpu.vector_load %arg25[%swap3A_179, %swap3A_180] {strides = array<i32>} : memref<128x128xf32, #tpu.memory_space<vmem>>, vector<16xf32>,
      tpu.vector_store %arg25[%swap3A_179, %swap3A_180], %broadcast_in_dim3A_0 {strides = array<i32>} : memref<128x128xf32, #tpu.memory_space<vmem>>, vector<16xf32>,
      %swap3A_182 = arith.index_cast %scan3A_169 : i32 to index
      %swap3A_183 = arith.constant 64 : index
      %swap3A_184 = tpu.vector_load %arg25[%swap3A_182, %swap3A_183] {strides = array<i32>} : memref<128x128xf32, #tpu.memory_space<vmem>>, vector<16xf32>,
      tpu.vector_store %arg25[%swap3A_182, %swap3A_183], %broadcast_in_dim3A_0 {strides = array<i32>} : memref<128x128xf32, #tpu.memory_space<vmem>>, vector<16xf32>,
      %swap3A_185 = arith.index_cast %scan3A_169 : i32 to index
      %swap3A_186 = arith.constant 80 : index
      %swap3A_187 = tpu.vector_load %arg25[%swap3A_185, %swap3A_186] {strides = array<i32>} : memref<128x128xf32, #tpu.memory_space<vmem>>, vector<16xf32>,
      tpu.vector_store %arg25[%swap3A_185, %swap3A_186], %broadcast_in_dim3A_0 {strides = array<i32>} : memref<128x128xf32, #tpu.memory_space<vmem>>, vector<16xf32>,
      %swap3A_188 = arith.index_cast %scan3A_169 : i32 to index
      %swap3A_189 = arith.constant 96 : index
      %swap3A_190 = tpu.vector_load %arg25[%swap3A_188, %swap3A_189] {strides = array<i32>} : memref<128x128xf32, #tpu.memory_space<vmem>>, vector<16xf32>,
      tpu.vector_store %arg25[%swap3A_188, %swap3A_189], %broadcast_in_dim3A_0 {strides = array<i32>} : memref<128x128xf32, #tpu.memory_space<vmem>>, vector<16xf32>,
      %swap3A_191 = arith.index_cast %scan3A_169 : i32 to index
      %swap3A_192 = arith.constant 112 : index
      %swap3A_193 = tpu.vector_load %arg25[%swap3A_191, %swap3A_192] {strides = array<i32>} : memref<128x128xf32, #tpu.memory_space<vmem>>, vector<16xf32>,
      tpu.vector_store %arg25[%swap3A_191, %swap3A_192], %broadcast_in_dim3A_0 {strides = array<i32>} : memref<128x128xf32, #tpu.memory_space<vmem>>, vector<16xf32>,
    }
    %scan3A_23 = arith.constant 128 : i32
    %swap3A = arith.constant 0 : index
    %swap3A_24 = tpu.vector_load %arg19[%swap3A] {strides = array<i32>} : memref<128xf32, #tpu.memory_space<vmem>>, vector<16xf32>,
    tpu.vector_store %arg19[%swap3A], %broadcast_in_dim3A_0 {strides = array<i32>} : memref<128xf32, #tpu.memory_space<vmem>>, vector<16xf32>,
    %swap3A_25 = arith.constant 16 : index
    %swap3A_26 = tpu.vector_load %arg19[%swap3A_25] {strides = array<i32>} : memref<128xf32, #tpu.memory_space<vmem>>, vector<16xf32>,
    tpu.vector_store %arg19[%swap3A_25], %broadcast_in_dim3A_0 {strides = array<i32>} : memref<128xf32, #tpu.memory_space<vmem>>, vector<16xf32>,
    %swap3A_27 = arith.constant 32 : index
    %swap3A_28 = tpu.vector_load %arg19[%swap3A_27] {strides = array<i32>} : memref<128xf32, #tpu.memory_space<vmem>>, vector<16xf32>,
    tpu.vector_store %arg19[%swap3A_27], %broadcast_in_dim3A_0 {strides = array<i32>} : memref<128xf32, #tpu.memory_space<vmem>>, vector<16xf32>,
    %swap3A_29 = arith.constant 48 : index
    %swap3A_30 = tpu.vector_load %arg19[%swap3A_29] {strides = array<i32>} : memref<128xf32, #tpu.memory_space<vmem>>, vector<16xf32>,
    tpu.vector_store %arg19[%swap3A_29], %broadcast_in_dim3A_0 {strides = array<i32>} : memref<128xf32, #tpu.memory_space<vmem>>, vector<16xf32>,
    %swap3A_31 = arith.constant 64 : index
    %swap3A_32 = tpu.vector_load %arg19[%swap3A_31] {strides = array<i32>} : memref<128xf32, #tpu.memory_space<vmem>>, vector<16xf32>,
    tpu.vector_store %arg19[%swap3A_31], %broadcast_in_dim3A_0 {strides = array<i32>} : memref<128xf32, #tpu.memory_space<vmem>>, vector<16xf32>,
    %swap3A_33 = arith.constant 80 : index
    %swap3A_34 = tpu.vector_load %arg19[%swap3A_33] {strides = array<i32>} : memref<128xf32, #tpu.memory_space<vmem>>, vector<16xf32>,
    tpu.vector_store %arg19[%swap3A_33], %broadcast_in_dim3A_0 {strides = array<i32>} : memref<128xf32, #tpu.memory_space<vmem>>, vector<16xf32>,
    %swap3A_35 = arith.constant 96 : index
    %swap3A_36 = tpu.vector_load %arg19[%swap3A_35] {strides = array<i32>} : memref<128xf32, #tpu.memory_space<vmem>>, vector<16xf32>,
    tpu.vector_store %arg19[%swap3A_35], %broadcast_in_dim3A_0 {strides = array<i32>} : memref<128xf32, #tpu.memory_space<vmem>>, vector<16xf32>,
    %swap3A_37 = arith.constant 112 : index
    %swap3A_38 = tpu.vector_load %arg19[%swap3A_37] {strides = array<i32>} : memref<128xf32, #tpu.memory_space<vmem>>, vector<16xf32>,
    tpu.vector_store %arg19[%swap3A_37], %broadcast_in_dim3A_0 {strides = array<i32>} : memref<128xf32, #tpu.memory_space<vmem>>, vector<16xf32>,
    %mul3A_39 = arith.constant 640 : i32
    %mul3A_40 = arith.muli %arg1, %mul3A_39 : i32
    %add3A_41 = arith.constant 0 : i32
    %add3A_42 = arith.addi %mul3A_40, %add3A_41 : i32
    "tpu.region"() ({
      %run_scoped3A = tpu.sem_alloc : memref<!tpu.dma_semaphore, #tpu.memory_space<semaphore_mem>>
      %dma_start3A_169 = arith.constant 0 : i32
      %dma_start3A_170 = tpu.memref_slice %arg8[%add3A_42, %dma_start3A_169] : memref<10240x128xf32, #tpu.memory_space<vmem_shared>> -> memref<128x128xf32, #tpu.memory_space<vmem_shared>>
      %dma_start3A_171 = arith.constant 0 : i32
      %dma_start3A_172 = tpu.memref_slice %arg8[%add3A_42, %dma_start3A_171] : memref<10240x128xf32, #tpu.memory_space<vmem_shared>> -> memref<128x128xf32, #tpu.memory_space<vmem_shared>>
      tpu.enqueue_dma source(%arg25 : memref<128x128xf32, #tpu.memory_space<vmem>>) target(%dma_start3A_172 : memref<128x128xf32, #tpu.memory_space<vmem_shared>>) target_semaphore(%run_scoped3A : memref<!tpu.dma_semaphore, #tpu.memory_space<semaphore_mem>>)
      %dma_wait3A_173 = arith.constant 0 : i32
      %dma_wait3A_174 = tpu.memref_slice %arg8[%add3A_42, %dma_wait3A_173] : memref<10240x128xf32, #tpu.memory_space<vmem_shared>> -> memref<128x128xf32, #tpu.memory_space<vmem_shared>>
      %dma_wait3A_175 = arith.constant 0 : i32
      %dma_wait3A_176 = tpu.memref_slice %arg8[%add3A_42, %dma_wait3A_175] : memref<10240x128xf32, #tpu.memory_space<vmem_shared>> -> memref<128x128xf32, #tpu.memory_space<vmem_shared>>
      tpu.wait_dma2 semaphore(%run_scoped3A : memref<!tpu.dma_semaphore, #tpu.memory_space<semaphore_mem>>) src(%arg25 : memref<128x128xf32, #tpu.memory_space<vmem>>) dst(%dma_wait3A_176 : memref<128x128xf32, #tpu.memory_space<vmem_shared>>)
      tpu.yield
    }) : () -> ()
    "tpu.region"() ({
      %run_scoped3A = tpu.sem_alloc : memref<!tpu.dma_semaphore, #tpu.memory_space<semaphore_mem>>
      %dma_start3A_169 = tpu.memref_slice %arg9[%add3A_42] : memref<10240xf32, #tpu.memory_space<vmem_shared>> -> memref<128xf32, #tpu.memory_space<vmem_shared>>
      %dma_start3A_170 = tpu.memref_slice %arg9[%add3A_42] : memref<10240xf32, #tpu.memory_space<vmem_shared>> -> memref<128xf32, #tpu.memory_space<vmem_shared>>
      tpu.enqueue_dma source(%arg19 : memref<128xf32, #tpu.memory_space<vmem>>) target(%dma_start3A_170 : memref<128xf32, #tpu.memory_space<vmem_shared>>) target_semaphore(%run_scoped3A : memref<!tpu.dma_semaphore, #tpu.memory_space<semaphore_mem>>)
      %dma_wait3A_171 = tpu.memref_slice %arg9[%add3A_42] : memref<10240xf32, #tpu.memory_space<vmem_shared>> -> memref<128xf32, #tpu.memory_space<vmem_shared>>
      %dma_wait3A_172 = tpu.memref_slice %arg9[%add3A_42] : memref<10240xf32, #tpu.memory_space<vmem_shared>> -> memref<128xf32, #tpu.memory_space<vmem_shared>>
      tpu.wait_dma2 semaphore(%run_scoped3A : memref<!tpu.dma_semaphore, #tpu.memory_space<semaphore_mem>>) src(%arg19 : memref<128xf32, #tpu.memory_space<vmem>>) dst(%dma_wait3A_172 : memref<128xf32, #tpu.memory_space<vmem_shared>>)
      tpu.yield
    }) : () -> ()
    %mul3A_43 = arith.constant 640 : i32
    %mul3A_44 = arith.muli %arg1, %mul3A_43 : i32
    %add3A_45 = arith.constant 128 : i32
    %add3A_46 = arith.addi %mul3A_44, %add3A_45 : i32
    "tpu.region"() ({
      %run_scoped3A = tpu.sem_alloc : memref<!tpu.dma_semaphore, #tpu.memory_space<semaphore_mem>>
      %dma_start3A_169 = arith.constant 0 : i32
      %dma_start3A_170 = tpu.memref_slice %arg8[%add3A_46, %dma_start3A_169] : memref<10240x128xf32, #tpu.memory_space<vmem_shared>> -> memref<128x128xf32, #tpu.memory_space<vmem_shared>>
      %dma_start3A_171 = arith.constant 0 : i32
      %dma_start3A_172 = tpu.memref_slice %arg8[%add3A_46, %dma_start3A_171] : memref<10240x128xf32, #tpu.memory_space<vmem_shared>> -> memref<128x128xf32, #tpu.memory_space<vmem_shared>>
      tpu.enqueue_dma source(%arg25 : memref<128x128xf32, #tpu.memory_space<vmem>>) target(%dma_start3A_172 : memref<128x128xf32, #tpu.memory_space<vmem_shared>>) target_semaphore(%run_scoped3A : memref<!tpu.dma_semaphore, #tpu.memory_space<semaphore_mem>>)
      %dma_wait3A_173 = arith.constant 0 : i32
      %dma_wait3A_174 = tpu.memref_slice %arg8[%add3A_46, %dma_wait3A_173] : memref<10240x128xf32, #tpu.memory_space<vmem_shared>> -> memref<128x128xf32, #tpu.memory_space<vmem_shared>>
      %dma_wait3A_175 = arith.constant 0 : i32
      %dma_wait3A_176 = tpu.memref_slice %arg8[%add3A_46, %dma_wait3A_175] : memref<10240x128xf32, #tpu.memory_space<vmem_shared>> -> memref<128x128xf32, #tpu.memory_space<vmem_shared>>
      tpu.wait_dma2 semaphore(%run_scoped3A : memref<!tpu.dma_semaphore, #tpu.memory_space<semaphore_mem>>) src(%arg25 : memref<128x128xf32, #tpu.memory_space<vmem>>) dst(%dma_wait3A_176 : memref<128x128xf32, #tpu.memory_space<vmem_shared>>)
      tpu.yield
    }) : () -> ()
    "tpu.region"() ({
      %run_scoped3A = tpu.sem_alloc : memref<!tpu.dma_semaphore, #tpu.memory_space<semaphore_mem>>
      %dma_start3A_169 = tpu.memref_slice %arg9[%add3A_46] : memref<10240xf32, #tpu.memory_space<vmem_shared>> -> memref<128xf32, #tpu.memory_space<vmem_shared>>
      %dma_start3A_170 = tpu.memref_slice %arg9[%add3A_46] : memref<10240xf32, #tpu.memory_space<vmem_shared>> -> memref<128xf32, #tpu.memory_space<vmem_shared>>
      tpu.enqueue_dma source(%arg19 : memref<128xf32, #tpu.memory_space<vmem>>) target(%dma_start3A_170 : memref<128xf32, #tpu.memory_space<vmem_shared>>) target_semaphore(%run_scoped3A : memref<!tpu.dma_semaphore, #tpu.memory_space<semaphore_mem>>)
      %dma_wait3A_171 = tpu.memref_slice %arg9[%add3A_46] : memref<10240xf32, #tpu.memory_space<vmem_shared>> -> memref<128xf32, #tpu.memory_space<vmem_shared>>
      %dma_wait3A_172 = tpu.memref_slice %arg9[%add3A_46] : memref<10240xf32, #tpu.memory_space<vmem_shared>> -> memref<128xf32, #tpu.memory_space<vmem_shared>>
      tpu.wait_dma2 semaphore(%run_scoped3A : memref<!tpu.dma_semaphore, #tpu.memory_space<semaphore_mem>>) src(%arg19 : memref<128xf32, #tpu.memory_space<vmem>>) dst(%dma_wait3A_172 : memref<128xf32, #tpu.memory_space<vmem_shared>>)
      tpu.yield
    }) : () -> ()
    %mul3A_47 = arith.constant 640 : i32
    %mul3A_48 = arith.muli %arg1, %mul3A_47 : i32
    %add3A_49 = arith.constant 256 : i32
    %add3A_50 = arith.addi %mul3A_48, %add3A_49 : i32
    "tpu.region"() ({
      %run_scoped3A = tpu.sem_alloc : memref<!tpu.dma_semaphore, #tpu.memory_space<semaphore_mem>>
      %dma_start3A_169 = arith.constant 0 : i32
      %dma_start3A_170 = tpu.memref_slice %arg8[%add3A_50, %dma_start3A_169] : memref<10240x128xf32, #tpu.memory_space<vmem_shared>> -> memref<128x128xf32, #tpu.memory_space<vmem_shared>>
      %dma_start3A_171 = arith.constant 0 : i32
      %dma_start3A_172 = tpu.memref_slice %arg8[%add3A_50, %dma_start3A_171] : memref<10240x128xf32, #tpu.memory_space<vmem_shared>> -> memref<128x128xf32, #tpu.memory_space<vmem_shared>>
      tpu.enqueue_dma source(%arg25 : memref<128x128xf32, #tpu.memory_space<vmem>>) target(%dma_start3A_172 : memref<128x128xf32, #tpu.memory_space<vmem_shared>>) target_semaphore(%run_scoped3A : memref<!tpu.dma_semaphore, #tpu.memory_space<semaphore_mem>>)
      %dma_wait3A_173 = arith.constant 0 : i32
      %dma_wait3A_174 = tpu.memref_slice %arg8[%add3A_50, %dma_wait3A_173] : memref<10240x128xf32, #tpu.memory_space<vmem_shared>> -> memref<128x128xf32, #tpu.memory_space<vmem_shared>>
      %dma_wait3A_175 = arith.constant 0 : i32
      %dma_wait3A_176 = tpu.memref_slice %arg8[%add3A_50, %dma_wait3A_175] : memref<10240x128xf32, #tpu.memory_space<vmem_shared>> -> memref<128x128xf32, #tpu.memory_space<vmem_shared>>
      tpu.wait_dma2 semaphore(%run_scoped3A : memref<!tpu.dma_semaphore, #tpu.memory_space<semaphore_mem>>) src(%arg25 : memref<128x128xf32, #tpu.memory_space<vmem>>) dst(%dma_wait3A_176 : memref<128x128xf32, #tpu.memory_space<vmem_shared>>)
      tpu.yield
    }) : () -> ()
    "tpu.region"() ({
      %run_scoped3A = tpu.sem_alloc : memref<!tpu.dma_semaphore, #tpu.memory_space<semaphore_mem>>
      %dma_start3A_169 = tpu.memref_slice %arg9[%add3A_50] : memref<10240xf32, #tpu.memory_space<vmem_shared>> -> memref<128xf32, #tpu.memory_space<vmem_shared>>
      %dma_start3A_170 = tpu.memref_slice %arg9[%add3A_50] : memref<10240xf32, #tpu.memory_space<vmem_shared>> -> memref<128xf32, #tpu.memory_space<vmem_shared>>
      tpu.enqueue_dma source(%arg19 : memref<128xf32, #tpu.memory_space<vmem>>) target(%dma_start3A_170 : memref<128xf32, #tpu.memory_space<vmem_shared>>) target_semaphore(%run_scoped3A : memref<!tpu.dma_semaphore, #tpu.memory_space<semaphore_mem>>)
      %dma_wait3A_171 = tpu.memref_slice %arg9[%add3A_50] : memref<10240xf32, #tpu.memory_space<vmem_shared>> -> memref<128xf32, #tpu.memory_space<vmem_shared>>
      %dma_wait3A_172 = tpu.memref_slice %arg9[%add3A_50] : memref<10240xf32, #tpu.memory_space<vmem_shared>> -> memref<128xf32, #tpu.memory_space<vmem_shared>>
      tpu.wait_dma2 semaphore(%run_scoped3A : memref<!tpu.dma_semaphore, #tpu.memory_space<semaphore_mem>>) src(%arg19 : memref<128xf32, #tpu.memory_space<vmem>>) dst(%dma_wait3A_172 : memref<128xf32, #tpu.memory_space<vmem_shared>>)
      tpu.yield
    }) : () -> ()
    %mul3A_51 = arith.constant 640 : i32
    %mul3A_52 = arith.muli %arg1, %mul3A_51 : i32
    %add3A_53 = arith.constant 384 : i32
    %add3A_54 = arith.addi %mul3A_52, %add3A_53 : i32
    "tpu.region"() ({
      %run_scoped3A = tpu.sem_alloc : memref<!tpu.dma_semaphore, #tpu.memory_space<semaphore_mem>>
      %dma_start3A_169 = arith.constant 0 : i32
      %dma_start3A_170 = tpu.memref_slice %arg8[%add3A_54, %dma_start3A_169] : memref<10240x128xf32, #tpu.memory_space<vmem_shared>> -> memref<128x128xf32, #tpu.memory_space<vmem_shared>>
      %dma_start3A_171 = arith.constant 0 : i32
      %dma_start3A_172 = tpu.memref_slice %arg8[%add3A_54, %dma_start3A_171] : memref<10240x128xf32, #tpu.memory_space<vmem_shared>> -> memref<128x128xf32, #tpu.memory_space<vmem_shared>>
      tpu.enqueue_dma source(%arg25 : memref<128x128xf32, #tpu.memory_space<vmem>>) target(%dma_start3A_172 : memref<128x128xf32, #tpu.memory_space<vmem_shared>>) target_semaphore(%run_scoped3A : memref<!tpu.dma_semaphore, #tpu.memory_space<semaphore_mem>>)
      %dma_wait3A_173 = arith.constant 0 : i32
      %dma_wait3A_174 = tpu.memref_slice %arg8[%add3A_54, %dma_wait3A_173] : memref<10240x128xf32, #tpu.memory_space<vmem_shared>> -> memref<128x128xf32, #tpu.memory_space<vmem_shared>>
      %dma_wait3A_175 = arith.constant 0 : i32
      %dma_wait3A_176 = tpu.memref_slice %arg8[%add3A_54, %dma_wait3A_175] : memref<10240x128xf32, #tpu.memory_space<vmem_shared>> -> memref<128x128xf32, #tpu.memory_space<vmem_shared>>
      tpu.wait_dma2 semaphore(%run_scoped3A : memref<!tpu.dma_semaphore, #tpu.memory_space<semaphore_mem>>) src(%arg25 : memref<128x128xf32, #tpu.memory_space<vmem>>) dst(%dma_wait3A_176 : memref<128x128xf32, #tpu.memory_space<vmem_shared>>)
      tpu.yield
    }) : () -> ()
    "tpu.region"() ({
      %run_scoped3A = tpu.sem_alloc : memref<!tpu.dma_semaphore, #tpu.memory_space<semaphore_mem>>
      %dma_start3A_169 = tpu.memref_slice %arg9[%add3A_54] : memref<10240xf32, #tpu.memory_space<vmem_shared>> -> memref<128xf32, #tpu.memory_space<vmem_shared>>
      %dma_start3A_170 = tpu.memref_slice %arg9[%add3A_54] : memref<10240xf32, #tpu.memory_space<vmem_shared>> -> memref<128xf32, #tpu.memory_space<vmem_shared>>
      tpu.enqueue_dma source(%arg19 : memref<128xf32, #tpu.memory_space<vmem>>) target(%dma_start3A_170 : memref<128xf32, #tpu.memory_space<vmem_shared>>) target_semaphore(%run_scoped3A : memref<!tpu.dma_semaphore, #tpu.memory_space<semaphore_mem>>)
      %dma_wait3A_171 = tpu.memref_slice %arg9[%add3A_54] : memref<10240xf32, #tpu.memory_space<vmem_shared>> -> memref<128xf32, #tpu.memory_space<vmem_shared>>
      %dma_wait3A_172 = tpu.memref_slice %arg9[%add3A_54] : memref<10240xf32, #tpu.memory_space<vmem_shared>> -> memref<128xf32, #tpu.memory_space<vmem_shared>>
      tpu.wait_dma2 semaphore(%run_scoped3A : memref<!tpu.dma_semaphore, #tpu.memory_space<semaphore_mem>>) src(%arg19 : memref<128xf32, #tpu.memory_space<vmem>>) dst(%dma_wait3A_172 : memref<128xf32, #tpu.memory_space<vmem_shared>>)
      tpu.yield
    }) : () -> ()
    %mul3A_55 = arith.constant 640 : i32
    %mul3A_56 = arith.muli %arg1, %mul3A_55 : i32
    %add3A_57 = arith.constant 512 : i32
    %add3A_58 = arith.addi %mul3A_56, %add3A_57 : i32
    "tpu.region"() ({
      %run_scoped3A = tpu.sem_alloc : memref<!tpu.dma_semaphore, #tpu.memory_space<semaphore_mem>>
      %dma_start3A_169 = arith.constant 0 : i32
      %dma_start3A_170 = tpu.memref_slice %arg8[%add3A_58, %dma_start3A_169] : memref<10240x128xf32, #tpu.memory_space<vmem_shared>> -> memref<128x128xf32, #tpu.memory_space<vmem_shared>>
      %dma_start3A_171 = arith.constant 0 : i32
      %dma_start3A_172 = tpu.memref_slice %arg8[%add3A_58, %dma_start3A_171] : memref<10240x128xf32, #tpu.memory_space<vmem_shared>> -> memref<128x128xf32, #tpu.memory_space<vmem_shared>>
      tpu.enqueue_dma source(%arg25 : memref<128x128xf32, #tpu.memory_space<vmem>>) target(%dma_start3A_172 : memref<128x128xf32, #tpu.memory_space<vmem_shared>>) target_semaphore(%run_scoped3A : memref<!tpu.dma_semaphore, #tpu.memory_space<semaphore_mem>>)
      %dma_wait3A_173 = arith.constant 0 : i32
      %dma_wait3A_174 = tpu.memref_slice %arg8[%add3A_58, %dma_wait3A_173] : memref<10240x128xf32, #tpu.memory_space<vmem_shared>> -> memref<128x128xf32, #tpu.memory_space<vmem_shared>>
      %dma_wait3A_175 = arith.constant 0 : i32
      %dma_wait3A_176 = tpu.memref_slice %arg8[%add3A_58, %dma_wait3A_175] : memref<10240x128xf32, #tpu.memory_space<vmem_shared>> -> memref<128x128xf32, #tpu.memory_space<vmem_shared>>
      tpu.wait_dma2 semaphore(%run_scoped3A : memref<!tpu.dma_semaphore, #tpu.memory_space<semaphore_mem>>) src(%arg25 : memref<128x128xf32, #tpu.memory_space<vmem>>) dst(%dma_wait3A_176 : memref<128x128xf32, #tpu.memory_space<vmem_shared>>)
      tpu.yield
    }) : () -> ()
    "tpu.region"() ({
      %run_scoped3A = tpu.sem_alloc : memref<!tpu.dma_semaphore, #tpu.memory_space<semaphore_mem>>
      %dma_start3A_169 = tpu.memref_slice %arg9[%add3A_58] : memref<10240xf32, #tpu.memory_space<vmem_shared>> -> memref<128xf32, #tpu.memory_space<vmem_shared>>
      %dma_start3A_170 = tpu.memref_slice %arg9[%add3A_58] : memref<10240xf32, #tpu.memory_space<vmem_shared>> -> memref<128xf32, #tpu.memory_space<vmem_shared>>
      tpu.enqueue_dma source(%arg19 : memref<128xf32, #tpu.memory_space<vmem>>) target(%dma_start3A_170 : memref<128xf32, #tpu.memory_space<vmem_shared>>) target_semaphore(%run_scoped3A : memref<!tpu.dma_semaphore, #tpu.memory_space<semaphore_mem>>)
      %dma_wait3A_171 = tpu.memref_slice %arg9[%add3A_58] : memref<10240xf32, #tpu.memory_space<vmem_shared>> -> memref<128xf32, #tpu.memory_space<vmem_shared>>
      %dma_wait3A_172 = tpu.memref_slice %arg9[%add3A_58] : memref<10240xf32, #tpu.memory_space<vmem_shared>> -> memref<128xf32, #tpu.memory_space<vmem_shared>>
      tpu.wait_dma2 semaphore(%run_scoped3A : memref<!tpu.dma_semaphore, #tpu.memory_space<semaphore_mem>>) src(%arg19 : memref<128xf32, #tpu.memory_space<vmem>>) dst(%dma_wait3A_172 : memref<128xf32, #tpu.memory_space<vmem_shared>>)
      tpu.yield
    }) : () -> ()
    %eq3A = arith.constant 0 : i32
    %eq3A_59 = arith.cmpi eq, %arg1, %eq3A : i32
    %convert_element_type3A = arith.extui %eq3A_59 : i1 to i32
    %cond3A = arith.constant 0 : i32
    %cond3A_60 = arith.cmpi ne, %convert_element_type3A, %cond3A : i32
    scf.if %cond3A_60 {
      %run_scoped3A = arith.constant 0 : i32
      "tpu.region"() ({
        %run_scoped3A_170 = tpu.sem_alloc : memref<!tpu.dma_semaphore, #tpu.memory_space<semaphore_mem>>
        %dma_start3A_171 = arith.constant 0 : i32
        %dma_start3A_172 = tpu.memref_slice %arg3[%run_scoped3A, %dma_start3A_171] : memref<2x10000xf32, #tpu.memory_space<hbm>> -> memref<1x10000xf32, #tpu.memory_space<hbm>>
        %dma_start3A_173 = tpu.memref_squeeze %dma_start3A_172 : memref<1x10000xf32, #tpu.memory_space<hbm>> -> memref<10000xf32, #tpu.memory_space<hbm>>
        tpu.enqueue_dma source(%dma_start3A_173 : memref<10000xf32, #tpu.memory_space<hbm>>) target(%arg10 : memref<10000xf32, #tpu.memory_space<vmem_shared>>) target_semaphore(%run_scoped3A_170 : memref<!tpu.dma_semaphore, #tpu.memory_space<semaphore_mem>>)
        %dma_wait3A_174 = arith.constant 0 : i32
        %dma_wait3A_175 = tpu.memref_slice %arg3[%run_scoped3A, %dma_wait3A_174] : memref<2x10000xf32, #tpu.memory_space<hbm>> -> memref<1x10000xf32, #tpu.memory_space<hbm>>
        %dma_wait3A_176 = tpu.memref_squeeze %dma_wait3A_175 : memref<1x10000xf32, #tpu.memory_space<hbm>> -> memref<10000xf32, #tpu.memory_space<hbm>>
        tpu.wait_dma2 semaphore(%run_scoped3A_170 : memref<!tpu.dma_semaphore, #tpu.memory_space<semaphore_mem>>) src(%dma_wait3A_176 : memref<10000xf32, #tpu.memory_space<hbm>>) dst(%arg10 : memref<10000xf32, #tpu.memory_space<vmem_shared>>)
        tpu.yield
      }) : () -> ()
      %run_scoped3A_169 = arith.constant 1 : i32
      "tpu.region"() ({
        %run_scoped3A_170 = tpu.sem_alloc : memref<!tpu.dma_semaphore, #tpu.memory_space<semaphore_mem>>
        %dma_start3A_171 = arith.constant 0 : i32
        %dma_start3A_172 = tpu.memref_slice %arg3[%run_scoped3A_169, %dma_start3A_171] : memref<2x10000xf32, #tpu.memory_space<hbm>> -> memref<1x10000xf32, #tpu.memory_space<hbm>>
        %dma_start3A_173 = tpu.memref_squeeze %dma_start3A_172 : memref<1x10000xf32, #tpu.memory_space<hbm>> -> memref<10000xf32, #tpu.memory_space<hbm>>
        tpu.enqueue_dma source(%dma_start3A_173 : memref<10000xf32, #tpu.memory_space<hbm>>) target(%arg11 : memref<10000xf32, #tpu.memory_space<vmem_shared>>) target_semaphore(%run_scoped3A_170 : memref<!tpu.dma_semaphore, #tpu.memory_space<semaphore_mem>>)
        %dma_wait3A_174 = arith.constant 0 : i32
        %dma_wait3A_175 = tpu.memref_slice %arg3[%run_scoped3A_169, %dma_wait3A_174] : memref<2x10000xf32, #tpu.memory_space<hbm>> -> memref<1x10000xf32, #tpu.memory_space<hbm>>
        %dma_wait3A_176 = tpu.memref_squeeze %dma_wait3A_175 : memref<1x10000xf32, #tpu.memory_space<hbm>> -> memref<10000xf32, #tpu.memory_space<hbm>>
        tpu.wait_dma2 semaphore(%run_scoped3A_170 : memref<!tpu.dma_semaphore, #tpu.memory_space<semaphore_mem>>) src(%dma_wait3A_176 : memref<10000xf32, #tpu.memory_space<hbm>>) dst(%arg11 : memref<10000xf32, #tpu.memory_space<vmem_shared>>)
        tpu.yield
      }) : () -> ()
    } else {
    }
    "tpu.region"() ({
      %run_scoped3A = tpu.sem_alloc : memref<!tpu.dma_semaphore, #tpu.memory_space<semaphore_mem>>
      tpu.enqueue_dma source(%arg4 : memref<16xf32, #tpu.memory_space<hbm>>) target(%arg12 : memref<16xf32, #tpu.memory_space<vmem>>) target_semaphore(%run_scoped3A : memref<!tpu.dma_semaphore, #tpu.memory_space<semaphore_mem>>)
      tpu.wait_dma2 semaphore(%run_scoped3A : memref<!tpu.dma_semaphore, #tpu.memory_space<semaphore_mem>>) src(%arg4 : memref<16xf32, #tpu.memory_space<hbm>>) dst(%arg12 : memref<16xf32, #tpu.memory_space<vmem>>)
      tpu.yield
    }) : () -> ()
    %dma_wait3A = arith.constant 0 : i32
    %dma_wait3A_61 = arith.constant 0 : i32
    %dma_wait3A_62 = tpu.memref_slice %arg5[%dma_wait3A, %dma_wait3A_61] : memref<2560x512xi32, #tpu.memory_space<hbm>> -> memref<1x512xi32, #tpu.memory_space<hbm>>
    %dma_wait3A_63 = tpu.memref_squeeze %dma_wait3A_62 : memref<1x512xi32, #tpu.memory_space<hbm>> -> memref<512xi32, #tpu.memory_space<hbm>>
    %dma_wait3A_64 = arith.constant 0 : i32
    %dma_wait3A_65 = tpu.memref_slice %arg5[%dma_wait3A, %dma_wait3A_64] : memref<2560x512xi32, #tpu.memory_space<hbm>> -> memref<1x512xi32, #tpu.memory_space<hbm>>
    %dma_wait3A_66 = tpu.memref_squeeze %dma_wait3A_65 : memref<1x512xi32, #tpu.memory_space<hbm>> -> memref<512xi32, #tpu.memory_space<hbm>>
    tpu.wait_dma2 semaphore(%arg27 : memref<!tpu.dma_semaphore, #tpu.memory_space<semaphore_mem>>) src(%dma_wait3A_66 : memref<512xi32, #tpu.memory_space<hbm>>) dst(%arg13 : memref<512xi32, #tpu.memory_space<vmem>>)
    %get3A = arith.constant 0 : index
    %get3A_67 = tpu.vector_load %arg13[%get3A] {strides = array<i32>} : memref<512xi32, #tpu.memory_space<vmem>>, vector<16xi32>,
    %swap3A_68 = arith.constant 0 : index
    %swap3A_69 = tpu.vector_load %arg15[%swap3A_68] {strides = array<i32>} : memref<128xi32, #tpu.memory_space<vmem>>, vector<16xi32>,
    tpu.vector_store %arg15[%swap3A_68], %get3A_67 {strides = array<i32>} : memref<128xi32, #tpu.memory_space<vmem>>, vector<16xi32>,
    %get3A_70 = arith.constant 128 : index
    %get3A_71 = tpu.vector_load %arg13[%get3A_70] {strides = array<i32>} : memref<512xi32, #tpu.memory_space<vmem>>, vector<16xi32>,
    %swap3A_72 = arith.constant 0 : index
    %swap3A_73 = tpu.vector_load %arg17[%swap3A_72] {strides = array<i32>} : memref<128xi32, #tpu.memory_space<vmem>>, vector<16xi32>,
    tpu.vector_store %arg17[%swap3A_72], %get3A_71 {strides = array<i32>} : memref<128xi32, #tpu.memory_space<vmem>>, vector<16xi32>,
    %get3A_74 = arith.constant 16 : index
    %get3A_75 = tpu.vector_load %arg13[%get3A_74] {strides = array<i32>} : memref<512xi32, #tpu.memory_space<vmem>>, vector<16xi32>,
    %swap3A_76 = arith.constant 16 : index
    %swap3A_77 = tpu.vector_load %arg15[%swap3A_76] {strides = array<i32>} : memref<128xi32, #tpu.memory_space<vmem>>, vector<16xi32>,
    tpu.vector_store %arg15[%swap3A_76], %get3A_75 {strides = array<i32>} : memref<128xi32, #tpu.memory_space<vmem>>, vector<16xi32>,
    %get3A_78 = arith.constant 144 : index
    %get3A_79 = tpu.vector_load %arg13[%get3A_78] {strides = array<i32>} : memref<512xi32, #tpu.memory_space<vmem>>, vector<16xi32>,
    %swap3A_80 = arith.constant 16 : index
    %swap3A_81 = tpu.vector_load %arg17[%swap3A_80] {strides = array<i32>} : memref<128xi32, #tpu.memory_space<vmem>>, vector<16xi32>,
    tpu.vector_store %arg17[%swap3A_80], %get3A_79 {strides = array<i32>} : memref<128xi32, #tpu.memory_space<vmem>>, vector<16xi32>,
    %get3A_82 = arith.constant 32 : index
    %get3A_83 = tpu.vector_load %arg13[%get3A_82] {strides = array<i32>} : memref<512xi32, #tpu.memory_space<vmem>>, vector<16xi32>,
    %swap3A_84 = arith.constant 32 : index
    %swap3A_85 = tpu.vector_load %arg15[%swap3A_84] {strides = array<i32>} : memref<128xi32, #tpu.memory_space<vmem>>, vector<16xi32>,
    tpu.vector_store %arg15[%swap3A_84], %get3A_83 {strides = array<i32>} : memref<128xi32, #tpu.memory_space<vmem>>, vector<16xi32>,
    %get3A_86 = arith.constant 160 : index
    %get3A_87 = tpu.vector_load %arg13[%get3A_86] {strides = array<i32>} : memref<512xi32, #tpu.memory_space<vmem>>, vector<16xi32>,
    %swap3A_88 = arith.constant 32 : index
    %swap3A_89 = tpu.vector_load %arg17[%swap3A_88] {strides = array<i32>} : memref<128xi32, #tpu.memory_space<vmem>>, vector<16xi32>,
    tpu.vector_store %arg17[%swap3A_88], %get3A_87 {strides = array<i32>} : memref<128xi32, #tpu.memory_space<vmem>>, vector<16xi32>,
    %get3A_90 = arith.constant 48 : index
    %get3A_91 = tpu.vector_load %arg13[%get3A_90] {strides = array<i32>} : memref<512xi32, #tpu.memory_space<vmem>>, vector<16xi32>,
    %swap3A_92 = arith.constant 48 : index
    %swap3A_93 = tpu.vector_load %arg15[%swap3A_92] {strides = array<i32>} : memref<128xi32, #tpu.memory_space<vmem>>, vector<16xi32>,
    tpu.vector_store %arg15[%swap3A_92], %get3A_91 {strides = array<i32>} : memref<128xi32, #tpu.memory_space<vmem>>, vector<16xi32>,
    %get3A_94 = arith.constant 176 : index
    %get3A_95 = tpu.vector_load %arg13[%get3A_94] {strides = array<i32>} : memref<512xi32, #tpu.memory_space<vmem>>, vector<16xi32>,
    %swap3A_96 = arith.constant 48 : index
    %swap3A_97 = tpu.vector_load %arg17[%swap3A_96] {strides = array<i32>} : memref<128xi32, #tpu.memory_space<vmem>>, vector<16xi32>,
    tpu.vector_store %arg17[%swap3A_96], %get3A_95 {strides = array<i32>} : memref<128xi32, #tpu.memory_space<vmem>>, vector<16xi32>,
    %get3A_98 = arith.constant 64 : index
    %get3A_99 = tpu.vector_load %arg13[%get3A_98] {strides = array<i32>} : memref<512xi32, #tpu.memory_space<vmem>>, vector<16xi32>,
    %swap3A_100 = arith.constant 64 : index
    %swap3A_101 = tpu.vector_load %arg15[%swap3A_100] {strides = array<i32>} : memref<128xi32, #tpu.memory_space<vmem>>, vector<16xi32>,
    tpu.vector_store %arg15[%swap3A_100], %get3A_99 {strides = array<i32>} : memref<128xi32, #tpu.memory_space<vmem>>, vector<16xi32>,
    %get3A_102 = arith.constant 192 : index
    %get3A_103 = tpu.vector_load %arg13[%get3A_102] {strides = array<i32>} : memref<512xi32, #tpu.memory_space<vmem>>, vector<16xi32>,
    %swap3A_104 = arith.constant 64 : index
    %swap3A_105 = tpu.vector_load %arg17[%swap3A_104] {strides = array<i32>} : memref<128xi32, #tpu.memory_space<vmem>>, vector<16xi32>,
    tpu.vector_store %arg17[%swap3A_104], %get3A_103 {strides = array<i32>} : memref<128xi32, #tpu.memory_space<vmem>>, vector<16xi32>,
    %get3A_106 = arith.constant 80 : index
    %get3A_107 = tpu.vector_load %arg13[%get3A_106] {strides = array<i32>} : memref<512xi32, #tpu.memory_space<vmem>>, vector<16xi32>,
    %swap3A_108 = arith.constant 80 : index
    %swap3A_109 = tpu.vector_load %arg15[%swap3A_108] {strides = array<i32>} : memref<128xi32, #tpu.memory_space<vmem>>, vector<16xi32>,
    tpu.vector_store %arg15[%swap3A_108], %get3A_107 {strides = array<i32>} : memref<128xi32, #tpu.memory_space<vmem>>, vector<16xi32>,
    %get3A_110 = arith.constant 208 : index
    %get3A_111 = tpu.vector_load %arg13[%get3A_110] {strides = array<i32>} : memref<512xi32, #tpu.memory_space<vmem>>, vector<16xi32>,
    %swap3A_112 = arith.constant 80 : index
    %swap3A_113 = tpu.vector_load %arg17[%swap3A_112] {strides = array<i32>} : memref<128xi32, #tpu.memory_space<vmem>>, vector<16xi32>,
    tpu.vector_store %arg17[%swap3A_112], %get3A_111 {strides = array<i32>} : memref<128xi32, #tpu.memory_space<vmem>>, vector<16xi32>,
    %get3A_114 = arith.constant 96 : index
    %get3A_115 = tpu.vector_load %arg13[%get3A_114] {strides = array<i32>} : memref<512xi32, #tpu.memory_space<vmem>>, vector<16xi32>,
    %swap3A_116 = arith.constant 96 : index
    %swap3A_117 = tpu.vector_load %arg15[%swap3A_116] {strides = array<i32>} : memref<128xi32, #tpu.memory_space<vmem>>, vector<16xi32>,
    tpu.vector_store %arg15[%swap3A_116], %get3A_115 {strides = array<i32>} : memref<128xi32, #tpu.memory_space<vmem>>, vector<16xi32>,
    %get3A_118 = arith.constant 224 : index
    %get3A_119 = tpu.vector_load %arg13[%get3A_118] {strides = array<i32>} : memref<512xi32, #tpu.memory_space<vmem>>, vector<16xi32>,
    %swap3A_120 = arith.constant 96 : index
    %swap3A_121 = tpu.vector_load %arg17[%swap3A_120] {strides = array<i32>} : memref<128xi32, #tpu.memory_space<vmem>>, vector<16xi32>,
    tpu.vector_store %arg17[%swap3A_120], %get3A_119 {strides = array<i32>} : memref<128xi32, #tpu.memory_space<vmem>>, vector<16xi32>,
    %get3A_122 = arith.constant 112 : index
    %get3A_123 = tpu.vector_load %arg13[%get3A_122] {strides = array<i32>} : memref<512xi32, #tpu.memory_space<vmem>>, vector<16xi32>,
    %swap3A_124 = arith.constant 112 : index
    %swap3A_125 = tpu.vector_load %arg15[%swap3A_124] {strides = array<i32>} : memref<128xi32, #tpu.memory_space<vmem>>, vector<16xi32>,
    tpu.vector_store %arg15[%swap3A_124], %get3A_123 {strides = array<i32>} : memref<128xi32, #tpu.memory_space<vmem>>, vector<16xi32>,
    %get3A_126 = arith.constant 240 : index
    %get3A_127 = tpu.vector_load %arg13[%get3A_126] {strides = array<i32>} : memref<512xi32, #tpu.memory_space<vmem>>, vector<16xi32>,
    %swap3A_128 = arith.constant 112 : index
    %swap3A_129 = tpu.vector_load %arg17[%swap3A_128] {strides = array<i32>} : memref<128xi32, #tpu.memory_space<vmem>>, vector<16xi32>,
    tpu.vector_store %arg17[%swap3A_128], %get3A_127 {strides = array<i32>} : memref<128xi32, #tpu.memory_space<vmem>>, vector<16xi32>,
    %dma_start3A_130 = arith.constant 0 : i32
    %dma_start3A_131 = arith.constant 0 : i32
    %dma_start3A_132 = tpu.memref_slice %arg2[%dma_start3A_130, %dma_start3A_131] : memref<10000x128xf32, #tpu.memory_space<hbm>> -> memref<10000x128xf32, #tpu.memory_space<hbm>>
    tpu.enqueue_indirect_dma source(%dma_start3A_132 : memref<10000x128xf32, #tpu.memory_space<hbm>>) target(%arg25 : memref<128x128xf32, #tpu.memory_space<vmem>>) offsets(%arg15 : memref<128xi32, #tpu.memory_space<vmem>>) semaphore(%arg29 : memref<!tpu.dma_semaphore, #tpu.memory_space<semaphore_mem>>)
    %barrier3A = arith.constant 0 : index
    tpu.barrier barrier_id(%barrier3A)
    %dma_start3A_133 = arith.constant 0 : i32
    %dma_start3A_134 = tpu.memref_slice %arg10[%dma_start3A_133] : memref<10000xf32, #tpu.memory_space<vmem_shared>> -> memref<10000xf32, #tpu.memory_space<vmem_shared>>
    tpu.enqueue_indirect_dma source(%dma_start3A_134 : memref<10000xf32, #tpu.memory_space<vmem_shared>>) target(%arg21 : memref<128xf32, #tpu.memory_space<vmem>>) offsets(%arg17 : memref<128xi32, #tpu.memory_space<vmem>>) semaphore(%arg31 : memref<!tpu.dma_semaphore, #tpu.memory_space<semaphore_mem>>)
    %dma_start3A_135 = arith.constant 0 : i32
    %dma_start3A_136 = tpu.memref_slice %arg11[%dma_start3A_135] : memref<10000xf32, #tpu.memory_space<vmem_shared>> -> memref<10000xf32, #tpu.memory_space<vmem_shared>>
    tpu.enqueue_indirect_dma source(%dma_start3A_136 : memref<10000xf32, #tpu.memory_space<vmem_shared>>) target(%arg23 : memref<128xf32, #tpu.memory_space<vmem>>) offsets(%arg15 : memref<128xi32, #tpu.memory_space<vmem>>) semaphore(%arg31 : memref<!tpu.dma_semaphore, #tpu.memory_space<semaphore_mem>>)
    %scan3A_137 = arith.constant 0 : i32
    %scan3A_138 = arith.constant 0 : i32
    %scan3A_139 = arith.constant 40 : i32
    %scan3A_140 = arith.addi %scan3A_138, %scan3A_139 : i32
    %scan3A_141 = arith.constant 1 : i32
    scf.for %scan3A_169 = %scan3A_138 to %scan3A_140 step %scan3A_141  : i32 {
      %mul3A_170 = arith.constant 2 : i32
      %mul3A_171 = arith.muli %scan3A_169, %mul3A_170 : i32
      %add3A_172 = arith.constant 0 : i32
      %add3A_173 = arith.addi %mul3A_171, %add3A_172 : i32
      %dma_wait3A_174 = arith.constant 0 : i32
      %dma_wait3A_175 = tpu.memref_slice %arg10[%dma_wait3A_174] : memref<10000xf32, #tpu.memory_space<vmem_shared>> -> memref<10000xf32, #tpu.memory_space<vmem_shared>>
      tpu.wait_indirect_dma semaphore(%arg31 : memref<!tpu.dma_semaphore, #tpu.memory_space<semaphore_mem>>) src(%dma_wait3A_175 : memref<10000xf32, #tpu.memory_space<vmem_shared>>) dst(%arg21 : memref<128xf32, #tpu.memory_space<vmem>>)
      %dma_wait3A_176 = arith.constant 0 : i32
      %dma_wait3A_177 = tpu.memref_slice %arg11[%dma_wait3A_176] : memref<10000xf32, #tpu.memory_space<vmem_shared>> -> memref<10000xf32, #tpu.memory_space<vmem_shared>>
      tpu.wait_indirect_dma semaphore(%arg31 : memref<!tpu.dma_semaphore, #tpu.memory_space<semaphore_mem>>) src(%dma_wait3A_177 : memref<10000xf32, #tpu.memory_space<vmem_shared>>) dst(%arg23 : memref<128xf32, #tpu.memory_space<vmem>>)
      %get3A_178 = arith.constant 256 : index
      %get3A_179 = tpu.vector_load %arg13[%get3A_178] {strides = array<i32>} : memref<512xi32, #tpu.memory_space<vmem>>, vector<16xi32>,
      %jit3A = arith.constant 0 : i32
      %jit3A_180 = arith.constant 15 : i32
      %max3A = vector.broadcast %jit3A : i32 to vector<16xi32>
      %max3A_181 = arith.maxsi %max3A, %get3A_179 : vector<16xi32>
      %min3A = vector.broadcast %jit3A_180 : i32 to vector<16xi32>
      %min3A_182 = arith.minsi %min3A, %max3A_181 : vector<16xi32>
      %get3A_183 = arith.constant 384 : index
      %get3A_184 = tpu.vector_load %arg13[%get3A_183] {strides = array<i32>} : memref<512xi32, #tpu.memory_space<vmem>>, vector<16xi32>,
      %bitcast3A = vector.bitcast %get3A_184 : vector<16xi32> to vector<16xf32>
      %gather3A = tpu.vector_load_idx %arg12[%min3A_182] : memref<16xf32, #tpu.memory_space<vmem>>[vector<16xi32>], vector<16xf32>,
      %get3A_185 = arith.constant 0 : index
      %get3A_186 = tpu.vector_load %arg21[%get3A_185] {strides = array<i32>} : memref<128xf32, #tpu.memory_space<vmem>>, vector<16xf32>,
      %get3A_187 = arith.constant 0 : index
      %get3A_188 = tpu.vector_load %arg23[%get3A_187] {strides = array<i32>} : memref<128xf32, #tpu.memory_space<vmem>>, vector<16xf32>,
      %add3A_189 = arith.addf %get3A_186, %get3A_188 : vector<16xf32>
      %add3A_190 = arith.addf %add3A_189, %gather3A : vector<16xf32>
      %mul3A_191 = arith.constant 2.000000e-01 : f32
      %mul3A_192 = vector.broadcast %mul3A_191 : f32 to vector<16xf32>
      %mul3A_193 = arith.mulf %mul3A_192, %add3A_190 : vector<16xf32>
      %max3A_194 = arith.maximumf %add3A_190, %mul3A_193 : vector<16xf32>
      %exp3A = math.exp %max3A_194 : vector<16xf32>
      %mul3A_195 = arith.mulf %exp3A, %bitcast3A : vector<16xf32>
      %swap3A_196 = arith.constant 0 : index
      %swap3A_197 = tpu.vector_load %arg19[%swap3A_196] {strides = array<i32>} : memref<128xf32, #tpu.memory_space<vmem>>, vector<16xf32>,
      tpu.vector_store %arg19[%swap3A_196], %mul3A_195 {strides = array<i32>} : memref<128xf32, #tpu.memory_space<vmem>>, vector<16xf32>,
      %get3A_198 = arith.constant 272 : index
      %get3A_199 = tpu.vector_load %arg13[%get3A_198] {strides = array<i32>} : memref<512xi32, #tpu.memory_space<vmem>>, vector<16xi32>,
      %jit3A_200 = arith.constant 0 : i32
      %jit3A_201 = arith.constant 15 : i32
      %max3A_202 = vector.broadcast %jit3A_200 : i32 to vector<16xi32>
      %max3A_203 = arith.maxsi %max3A_202, %get3A_199 : vector<16xi32>
      %min3A_204 = vector.broadcast %jit3A_201 : i32 to vector<16xi32>
      %min3A_205 = arith.minsi %min3A_204, %max3A_203 : vector<16xi32>
      %get3A_206 = arith.constant 400 : index
      %get3A_207 = tpu.vector_load %arg13[%get3A_206] {strides = array<i32>} : memref<512xi32, #tpu.memory_space<vmem>>, vector<16xi32>,
      %bitcast3A_208 = vector.bitcast %get3A_207 : vector<16xi32> to vector<16xf32>
      %gather3A_209 = tpu.vector_load_idx %arg12[%min3A_205] : memref<16xf32, #tpu.memory_space<vmem>>[vector<16xi32>], vector<16xf32>,
      %get3A_210 = arith.constant 16 : index
      %get3A_211 = tpu.vector_load %arg21[%get3A_210] {strides = array<i32>} : memref<128xf32, #tpu.memory_space<vmem>>, vector<16xf32>,
      %get3A_212 = arith.constant 16 : index
      %get3A_213 = tpu.vector_load %arg23[%get3A_212] {strides = array<i32>} : memref<128xf32, #tpu.memory_space<vmem>>, vector<16xf32>,
      %add3A_214 = arith.addf %get3A_211, %get3A_213 : vector<16xf32>
      %add3A_215 = arith.addf %add3A_214, %gather3A_209 : vector<16xf32>
      %mul3A_216 = arith.constant 2.000000e-01 : f32
      %mul3A_217 = vector.broadcast %mul3A_216 : f32 to vector<16xf32>
      %mul3A_218 = arith.mulf %mul3A_217, %add3A_215 : vector<16xf32>
      %max3A_219 = arith.maximumf %add3A_215, %mul3A_218 : vector<16xf32>
      %exp3A_220 = math.exp %max3A_219 : vector<16xf32>
      %mul3A_221 = arith.mulf %exp3A_220, %bitcast3A_208 : vector<16xf32>
      %swap3A_222 = arith.constant 16 : index
      %swap3A_223 = tpu.vector_load %arg19[%swap3A_222] {strides = array<i32>} : memref<128xf32, #tpu.memory_space<vmem>>, vector<16xf32>,
      tpu.vector_store %arg19[%swap3A_222], %mul3A_221 {strides = array<i32>} : memref<128xf32, #tpu.memory_space<vmem>>, vector<16xf32>,
      %get3A_224 = arith.constant 288 : index
      %get3A_225 = tpu.vector_load %arg13[%get3A_224] {strides = array<i32>} : memref<512xi32, #tpu.memory_space<vmem>>, vector<16xi32>,
      %jit3A_226 = arith.constant 0 : i32
      %jit3A_227 = arith.constant 15 : i32
      %max3A_228 = vector.broadcast %jit3A_226 : i32 to vector<16xi32>
      %max3A_229 = arith.maxsi %max3A_228, %get3A_225 : vector<16xi32>
      %min3A_230 = vector.broadcast %jit3A_227 : i32 to vector<16xi32>
      %min3A_231 = arith.minsi %min3A_230, %max3A_229 : vector<16xi32>
      %get3A_232 = arith.constant 416 : index
      %get3A_233 = tpu.vector_load %arg13[%get3A_232] {strides = array<i32>} : memref<512xi32, #tpu.memory_space<vmem>>, vector<16xi32>,
      %bitcast3A_234 = vector.bitcast %get3A_233 : vector<16xi32> to vector<16xf32>
      %gather3A_235 = tpu.vector_load_idx %arg12[%min3A_231] : memref<16xf32, #tpu.memory_space<vmem>>[vector<16xi32>], vector<16xf32>,
      %get3A_236 = arith.constant 32 : index
      %get3A_237 = tpu.vector_load %arg21[%get3A_236] {strides = array<i32>} : memref<128xf32, #tpu.memory_space<vmem>>, vector<16xf32>,
      %get3A_238 = arith.constant 32 : index
      %get3A_239 = tpu.vector_load %arg23[%get3A_238] {strides = array<i32>} : memref<128xf32, #tpu.memory_space<vmem>>, vector<16xf32>,
      %add3A_240 = arith.addf %get3A_237, %get3A_239 : vector<16xf32>
      %add3A_241 = arith.addf %add3A_240, %gather3A_235 : vector<16xf32>
      %mul3A_242 = arith.constant 2.000000e-01 : f32
      %mul3A_243 = vector.broadcast %mul3A_242 : f32 to vector<16xf32>
      %mul3A_244 = arith.mulf %mul3A_243, %add3A_241 : vector<16xf32>
      %max3A_245 = arith.maximumf %add3A_241, %mul3A_244 : vector<16xf32>
      %exp3A_246 = math.exp %max3A_245 : vector<16xf32>
      %mul3A_247 = arith.mulf %exp3A_246, %bitcast3A_234 : vector<16xf32>
      %swap3A_248 = arith.constant 32 : index
      %swap3A_249 = tpu.vector_load %arg19[%swap3A_248] {strides = array<i32>} : memref<128xf32, #tpu.memory_space<vmem>>, vector<16xf32>,
      tpu.vector_store %arg19[%swap3A_248], %mul3A_247 {strides = array<i32>} : memref<128xf32, #tpu.memory_space<vmem>>, vector<16xf32>,
      %get3A_250 = arith.constant 304 : index
      %get3A_251 = tpu.vector_load %arg13[%get3A_250] {strides = array<i32>} : memref<512xi32, #tpu.memory_space<vmem>>, vector<16xi32>,
      %jit3A_252 = arith.constant 0 : i32
      %jit3A_253 = arith.constant 15 : i32
      %max3A_254 = vector.broadcast %jit3A_252 : i32 to vector<16xi32>
      %max3A_255 = arith.maxsi %max3A_254, %get3A_251 : vector<16xi32>
      %min3A_256 = vector.broadcast %jit3A_253 : i32 to vector<16xi32>
      %min3A_257 = arith.minsi %min3A_256, %max3A_255 : vector<16xi32>
      %get3A_258 = arith.constant 432 : index
      %get3A_259 = tpu.vector_load %arg13[%get3A_258] {strides = array<i32>} : memref<512xi32, #tpu.memory_space<vmem>>, vector<16xi32>,
      %bitcast3A_260 = vector.bitcast %get3A_259 : vector<16xi32> to vector<16xf32>
      %gather3A_261 = tpu.vector_load_idx %arg12[%min3A_257] : memref<16xf32, #tpu.memory_space<vmem>>[vector<16xi32>], vector<16xf32>,
      %get3A_262 = arith.constant 48 : index
      %get3A_263 = tpu.vector_load %arg21[%get3A_262] {strides = array<i32>} : memref<128xf32, #tpu.memory_space<vmem>>, vector<16xf32>,
      %get3A_264 = arith.constant 48 : index
      %get3A_265 = tpu.vector_load %arg23[%get3A_264] {strides = array<i32>} : memref<128xf32, #tpu.memory_space<vmem>>, vector<16xf32>,
      %add3A_266 = arith.addf %get3A_263, %get3A_265 : vector<16xf32>
      %add3A_267 = arith.addf %add3A_266, %gather3A_261 : vector<16xf32>
      %mul3A_268 = arith.constant 2.000000e-01 : f32
      %mul3A_269 = vector.broadcast %mul3A_268 : f32 to vector<16xf32>
      %mul3A_270 = arith.mulf %mul3A_269, %add3A_267 : vector<16xf32>
      %max3A_271 = arith.maximumf %add3A_267, %mul3A_270 : vector<16xf32>
      %exp3A_272 = math.exp %max3A_271 : vector<16xf32>
      %mul3A_273 = arith.mulf %exp3A_272, %bitcast3A_260 : vector<16xf32>
      %swap3A_274 = arith.constant 48 : index
      %swap3A_275 = tpu.vector_load %arg19[%swap3A_274] {strides = array<i32>} : memref<128xf32, #tpu.memory_space<vmem>>, vector<16xf32>,
      tpu.vector_store %arg19[%swap3A_274], %mul3A_273 {strides = array<i32>} : memref<128xf32, #tpu.memory_space<vmem>>, vector<16xf32>,
      %get3A_276 = arith.constant 320 : index
      %get3A_277 = tpu.vector_load %arg13[%get3A_276] {strides = array<i32>} : memref<512xi32, #tpu.memory_space<vmem>>, vector<16xi32>,
      %jit3A_278 = arith.constant 0 : i32
      %jit3A_279 = arith.constant 15 : i32
      %max3A_280 = vector.broadcast %jit3A_278 : i32 to vector<16xi32>
      %max3A_281 = arith.maxsi %max3A_280, %get3A_277 : vector<16xi32>
      %min3A_282 = vector.broadcast %jit3A_279 : i32 to vector<16xi32>
      %min3A_283 = arith.minsi %min3A_282, %max3A_281 : vector<16xi32>
      %get3A_284 = arith.constant 448 : index
      %get3A_285 = tpu.vector_load %arg13[%get3A_284] {strides = array<i32>} : memref<512xi32, #tpu.memory_space<vmem>>, vector<16xi32>,
      %bitcast3A_286 = vector.bitcast %get3A_285 : vector<16xi32> to vector<16xf32>
      %gather3A_287 = tpu.vector_load_idx %arg12[%min3A_283] : memref<16xf32, #tpu.memory_space<vmem>>[vector<16xi32>], vector<16xf32>,
      %get3A_288 = arith.constant 64 : index
      %get3A_289 = tpu.vector_load %arg21[%get3A_288] {strides = array<i32>} : memref<128xf32, #tpu.memory_space<vmem>>, vector<16xf32>,
      %get3A_290 = arith.constant 64 : index
      %get3A_291 = tpu.vector_load %arg23[%get3A_290] {strides = array<i32>} : memref<128xf32, #tpu.memory_space<vmem>>, vector<16xf32>,
      %add3A_292 = arith.addf %get3A_289, %get3A_291 : vector<16xf32>
      %add3A_293 = arith.addf %add3A_292, %gather3A_287 : vector<16xf32>
      %mul3A_294 = arith.constant 2.000000e-01 : f32
      %mul3A_295 = vector.broadcast %mul3A_294 : f32 to vector<16xf32>
      %mul3A_296 = arith.mulf %mul3A_295, %add3A_293 : vector<16xf32>
      %max3A_297 = arith.maximumf %add3A_293, %mul3A_296 : vector<16xf32>
      %exp3A_298 = math.exp %max3A_297 : vector<16xf32>
      %mul3A_299 = arith.mulf %exp3A_298, %bitcast3A_286 : vector<16xf32>
      %swap3A_300 = arith.constant 64 : index
      %swap3A_301 = tpu.vector_load %arg19[%swap3A_300] {strides = array<i32>} : memref<128xf32, #tpu.memory_space<vmem>>, vector<16xf32>,
      tpu.vector_store %arg19[%swap3A_300], %mul3A_299 {strides = array<i32>} : memref<128xf32, #tpu.memory_space<vmem>>, vector<16xf32>,
      %get3A_302 = arith.constant 336 : index
      %get3A_303 = tpu.vector_load %arg13[%get3A_302] {strides = array<i32>} : memref<512xi32, #tpu.memory_space<vmem>>, vector<16xi32>,
      %jit3A_304 = arith.constant 0 : i32
      %jit3A_305 = arith.constant 15 : i32
      %max3A_306 = vector.broadcast %jit3A_304 : i32 to vector<16xi32>
      %max3A_307 = arith.maxsi %max3A_306, %get3A_303 : vector<16xi32>
      %min3A_308 = vector.broadcast %jit3A_305 : i32 to vector<16xi32>
      %min3A_309 = arith.minsi %min3A_308, %max3A_307 : vector<16xi32>
      %get3A_310 = arith.constant 464 : index
      %get3A_311 = tpu.vector_load %arg13[%get3A_310] {strides = array<i32>} : memref<512xi32, #tpu.memory_space<vmem>>, vector<16xi32>,
      %bitcast3A_312 = vector.bitcast %get3A_311 : vector<16xi32> to vector<16xf32>
      %gather3A_313 = tpu.vector_load_idx %arg12[%min3A_309] : memref<16xf32, #tpu.memory_space<vmem>>[vector<16xi32>], vector<16xf32>,
      %get3A_314 = arith.constant 80 : index
      %get3A_315 = tpu.vector_load %arg21[%get3A_314] {strides = array<i32>} : memref<128xf32, #tpu.memory_space<vmem>>, vector<16xf32>,
      %get3A_316 = arith.constant 80 : index
      %get3A_317 = tpu.vector_load %arg23[%get3A_316] {strides = array<i32>} : memref<128xf32, #tpu.memory_space<vmem>>, vector<16xf32>,
      %add3A_318 = arith.addf %get3A_315, %get3A_317 : vector<16xf32>
      %add3A_319 = arith.addf %add3A_318, %gather3A_313 : vector<16xf32>
      %mul3A_320 = arith.constant 2.000000e-01 : f32
      %mul3A_321 = vector.broadcast %mul3A_320 : f32 to vector<16xf32>
      %mul3A_322 = arith.mulf %mul3A_321, %add3A_319 : vector<16xf32>
      %max3A_323 = arith.maximumf %add3A_319, %mul3A_322 : vector<16xf32>
      %exp3A_324 = math.exp %max3A_323 : vector<16xf32>
      %mul3A_325 = arith.mulf %exp3A_324, %bitcast3A_312 : vector<16xf32>
      %swap3A_326 = arith.constant 80 : index
      %swap3A_327 = tpu.vector_load %arg19[%swap3A_326] {strides = array<i32>} : memref<128xf32, #tpu.memory_space<vmem>>, vector<16xf32>,
      tpu.vector_store %arg19[%swap3A_326], %mul3A_325 {strides = array<i32>} : memref<128xf32, #tpu.memory_space<vmem>>, vector<16xf32>,
      %get3A_328 = arith.constant 352 : index
      %get3A_329 = tpu.vector_load %arg13[%get3A_328] {strides = array<i32>} : memref<512xi32, #tpu.memory_space<vmem>>, vector<16xi32>,
      %jit3A_330 = arith.constant 0 : i32
      %jit3A_331 = arith.constant 15 : i32
      %max3A_332 = vector.broadcast %jit3A_330 : i32 to vector<16xi32>
      %max3A_333 = arith.maxsi %max3A_332, %get3A_329 : vector<16xi32>
      %min3A_334 = vector.broadcast %jit3A_331 : i32 to vector<16xi32>
      %min3A_335 = arith.minsi %min3A_334, %max3A_333 : vector<16xi32>
      %get3A_336 = arith.constant 480 : index
      %get3A_337 = tpu.vector_load %arg13[%get3A_336] {strides = array<i32>} : memref<512xi32, #tpu.memory_space<vmem>>, vector<16xi32>,
      %bitcast3A_338 = vector.bitcast %get3A_337 : vector<16xi32> to vector<16xf32>
      %gather3A_339 = tpu.vector_load_idx %arg12[%min3A_335] : memref<16xf32, #tpu.memory_space<vmem>>[vector<16xi32>], vector<16xf32>,
      %get3A_340 = arith.constant 96 : index
      %get3A_341 = tpu.vector_load %arg21[%get3A_340] {strides = array<i32>} : memref<128xf32, #tpu.memory_space<vmem>>, vector<16xf32>,
      %get3A_342 = arith.constant 96 : index
      %get3A_343 = tpu.vector_load %arg23[%get3A_342] {strides = array<i32>} : memref<128xf32, #tpu.memory_space<vmem>>, vector<16xf32>,
      %add3A_344 = arith.addf %get3A_341, %get3A_343 : vector<16xf32>
      %add3A_345 = arith.addf %add3A_344, %gather3A_339 : vector<16xf32>
      %mul3A_346 = arith.constant 2.000000e-01 : f32
      %mul3A_347 = vector.broadcast %mul3A_346 : f32 to vector<16xf32>
      %mul3A_348 = arith.mulf %mul3A_347, %add3A_345 : vector<16xf32>
      %max3A_349 = arith.maximumf %add3A_345, %mul3A_348 : vector<16xf32>
      %exp3A_350 = math.exp %max3A_349 : vector<16xf32>
      %mul3A_351 = arith.mulf %exp3A_350, %bitcast3A_338 : vector<16xf32>
      %swap3A_352 = arith.constant 96 : index
      %swap3A_353 = tpu.vector_load %arg19[%swap3A_352] {strides = array<i32>} : memref<128xf32, #tpu.memory_space<vmem>>, vector<16xf32>,
      tpu.vector_store %arg19[%swap3A_352], %mul3A_351 {strides = array<i32>} : memref<128xf32, #tpu.memory_space<vmem>>, vector<16xf32>,
      %get3A_354 = arith.constant 368 : index
      %get3A_355 = tpu.vector_load %arg13[%get3A_354] {strides = array<i32>} : memref<512xi32, #tpu.memory_space<vmem>>, vector<16xi32>,
      %jit3A_356 = arith.constant 0 : i32
      %jit3A_357 = arith.constant 15 : i32
      %max3A_358 = vector.broadcast %jit3A_356 : i32 to vector<16xi32>
      %max3A_359 = arith.maxsi %max3A_358, %get3A_355 : vector<16xi32>
      %min3A_360 = vector.broadcast %jit3A_357 : i32 to vector<16xi32>
      %min3A_361 = arith.minsi %min3A_360, %max3A_359 : vector<16xi32>
      %get3A_362 = arith.constant 496 : index
      %get3A_363 = tpu.vector_load %arg13[%get3A_362] {strides = array<i32>} : memref<512xi32, #tpu.memory_space<vmem>>, vector<16xi32>,
      %bitcast3A_364 = vector.bitcast %get3A_363 : vector<16xi32> to vector<16xf32>
      %gather3A_365 = tpu.vector_load_idx %arg12[%min3A_361] : memref<16xf32, #tpu.memory_space<vmem>>[vector<16xi32>], vector<16xf32>,
      %get3A_366 = arith.constant 112 : index
      %get3A_367 = tpu.vector_load %arg21[%get3A_366] {strides = array<i32>} : memref<128xf32, #tpu.memory_space<vmem>>, vector<16xf32>,
      %get3A_368 = arith.constant 112 : index
      %get3A_369 = tpu.vector_load %arg23[%get3A_368] {strides = array<i32>} : memref<128xf32, #tpu.memory_space<vmem>>, vector<16xf32>,
      %add3A_370 = arith.addf %get3A_367, %get3A_369 : vector<16xf32>
      %add3A_371 = arith.addf %add3A_370, %gather3A_365 : vector<16xf32>
      %mul3A_372 = arith.constant 2.000000e-01 : f32
      %mul3A_373 = vector.broadcast %mul3A_372 : f32 to vector<16xf32>
      %mul3A_374 = arith.mulf %mul3A_373, %add3A_371 : vector<16xf32>
      %max3A_375 = arith.maximumf %add3A_371, %mul3A_374 : vector<16xf32>
      %exp3A_376 = math.exp %max3A_375 : vector<16xf32>
      %mul3A_377 = arith.mulf %exp3A_376, %bitcast3A_364 : vector<16xf32>
      %swap3A_378 = arith.constant 112 : index
      %swap3A_379 = tpu.vector_load %arg19[%swap3A_378] {strides = array<i32>} : memref<128xf32, #tpu.memory_space<vmem>>, vector<16xf32>,
      tpu.vector_store %arg19[%swap3A_378], %mul3A_377 {strides = array<i32>} : memref<128xf32, #tpu.memory_space<vmem>>, vector<16xf32>,
      %gt3A = arith.constant 0 : i32
      %gt3A_380 = arith.cmpi sgt, %scan3A_169, %gt3A : i32
      %convert_element_type3A_381 = arith.extui %gt3A_380 : i1 to i32
      %cond3A_382 = arith.constant 0 : i32
      %cond3A_383 = arith.cmpi ne, %convert_element_type3A_381, %cond3A_382 : i32
      scf.if %cond3A_383 {
        %dma_wait3A_725 = arith.constant 0 : i32
        %dma_wait3A_726 = arith.constant 0 : i32
        %dma_wait3A_727 = tpu.memref_slice %arg8[%dma_wait3A_725, %dma_wait3A_726] : memref<10240x128xf32, #tpu.memory_space<vmem_shared>> -> memref<10240x128xf32, #tpu.memory_space<vmem_shared>>
        tpu.wait_indirect_dma semaphore(%arg34 : memref<!tpu.dma_semaphore, #tpu.memory_space<semaphore_mem>>) src(%arg26 : memref<128x128xf32, #tpu.memory_space<vmem>>) dst(%dma_wait3A_727 : memref<10240x128xf32, #tpu.memory_space<vmem_shared>>)
        %dma_wait3A_728 = arith.constant 0 : i32
        %dma_wait3A_729 = tpu.memref_slice %arg9[%dma_wait3A_728] : memref<10240xf32, #tpu.memory_space<vmem_shared>> -> memref<10240xf32, #tpu.memory_space<vmem_shared>>
        tpu.wait_indirect_dma semaphore(%arg34 : memref<!tpu.dma_semaphore, #tpu.memory_space<semaphore_mem>>) src(%arg20 : memref<128xf32, #tpu.memory_space<vmem>>) dst(%dma_wait3A_729 : memref<10240xf32, #tpu.memory_space<vmem_shared>>)
      } else {
      }
      %dma_wait3A_384 = arith.constant 0 : i32
      %dma_wait3A_385 = arith.constant 0 : i32
      %dma_wait3A_386 = tpu.memref_slice %arg5[%dma_wait3A_384, %dma_wait3A_385] : memref<2560x512xi32, #tpu.memory_space<hbm>> -> memref<1x512xi32, #tpu.memory_space<hbm>>
      %dma_wait3A_387 = tpu.memref_squeeze %dma_wait3A_386 : memref<1x512xi32, #tpu.memory_space<hbm>> -> memref<512xi32, #tpu.memory_space<hbm>>
      %dma_wait3A_388 = arith.constant 0 : i32
      %dma_wait3A_389 = tpu.memref_slice %arg5[%dma_wait3A_384, %dma_wait3A_388] : memref<2560x512xi32, #tpu.memory_space<hbm>> -> memref<1x512xi32, #tpu.memory_space<hbm>>
      %dma_wait3A_390 = tpu.memref_squeeze %dma_wait3A_389 : memref<1x512xi32, #tpu.memory_space<hbm>> -> memref<512xi32, #tpu.memory_space<hbm>>
      tpu.wait_dma2 semaphore(%arg28 : memref<!tpu.dma_semaphore, #tpu.memory_space<semaphore_mem>>) src(%dma_wait3A_390 : memref<512xi32, #tpu.memory_space<hbm>>) dst(%arg14 : memref<512xi32, #tpu.memory_space<vmem>>)
      %get3A_391 = arith.constant 0 : index
      %get3A_392 = tpu.vector_load %arg14[%get3A_391] {strides = array<i32>} : memref<512xi32, #tpu.memory_space<vmem>>, vector<16xi32>,
      %swap3A_393 = arith.constant 0 : index
      %swap3A_394 = tpu.vector_load %arg16[%swap3A_393] {strides = array<i32>} : memref<128xi32, #tpu.memory_space<vmem>>, vector<16xi32>,
      tpu.vector_store %arg16[%swap3A_393], %get3A_392 {strides = array<i32>} : memref<128xi32, #tpu.memory_space<vmem>>, vector<16xi32>,
      %get3A_395 = arith.constant 128 : index
      %get3A_396 = tpu.vector_load %arg14[%get3A_395] {strides = array<i32>} : memref<512xi32, #tpu.memory_space<vmem>>, vector<16xi32>,
      %swap3A_397 = arith.constant 0 : index
      %swap3A_398 = tpu.vector_load %arg18[%swap3A_397] {strides = array<i32>} : memref<128xi32, #tpu.memory_space<vmem>>, vector<16xi32>,
      tpu.vector_store %arg18[%swap3A_397], %get3A_396 {strides = array<i32>} : memref<128xi32, #tpu.memory_space<vmem>>, vector<16xi32>,
      %get3A_399 = arith.constant 16 : index
      %get3A_400 = tpu.vector_load %arg14[%get3A_399] {strides = array<i32>} : memref<512xi32, #tpu.memory_space<vmem>>, vector<16xi32>,
      %swap3A_401 = arith.constant 16 : index
      %swap3A_402 = tpu.vector_load %arg16[%swap3A_401] {strides = array<i32>} : memref<128xi32, #tpu.memory_space<vmem>>, vector<16xi32>,
      tpu.vector_store %arg16[%swap3A_401], %get3A_400 {strides = array<i32>} : memref<128xi32, #tpu.memory_space<vmem>>, vector<16xi32>,
      %get3A_403 = arith.constant 144 : index
      %get3A_404 = tpu.vector_load %arg14[%get3A_403] {strides = array<i32>} : memref<512xi32, #tpu.memory_space<vmem>>, vector<16xi32>,
      %swap3A_405 = arith.constant 16 : index
      %swap3A_406 = tpu.vector_load %arg18[%swap3A_405] {strides = array<i32>} : memref<128xi32, #tpu.memory_space<vmem>>, vector<16xi32>,
      tpu.vector_store %arg18[%swap3A_405], %get3A_404 {strides = array<i32>} : memref<128xi32, #tpu.memory_space<vmem>>, vector<16xi32>,
      %get3A_407 = arith.constant 32 : index
      %get3A_408 = tpu.vector_load %arg14[%get3A_407] {strides = array<i32>} : memref<512xi32, #tpu.memory_space<vmem>>, vector<16xi32>,
      %swap3A_409 = arith.constant 32 : index
      %swap3A_410 = tpu.vector_load %arg16[%swap3A_409] {strides = array<i32>} : memref<128xi32, #tpu.memory_space<vmem>>, vector<16xi32>,
      tpu.vector_store %arg16[%swap3A_409], %get3A_408 {strides = array<i32>} : memref<128xi32, #tpu.memory_space<vmem>>, vector<16xi32>,
      %get3A_411 = arith.constant 160 : index
      %get3A_412 = tpu.vector_load %arg14[%get3A_411] {strides = array<i32>} : memref<512xi32, #tpu.memory_space<vmem>>, vector<16xi32>,
      %swap3A_413 = arith.constant 32 : index
      %swap3A_414 = tpu.vector_load %arg18[%swap3A_413] {strides = array<i32>} : memref<128xi32, #tpu.memory_space<vmem>>, vector<16xi32>,
      tpu.vector_store %arg18[%swap3A_413], %get3A_412 {strides = array<i32>} : memref<128xi32, #tpu.memory_space<vmem>>, vector<16xi32>,
      %get3A_415 = arith.constant 48 : index
      %get3A_416 = tpu.vector_load %arg14[%get3A_415] {strides = array<i32>} : memref<512xi32, #tpu.memory_space<vmem>>, vector<16xi32>,
      %swap3A_417 = arith.constant 48 : index
      %swap3A_418 = tpu.vector_load %arg16[%swap3A_417] {strides = array<i32>} : memref<128xi32, #tpu.memory_space<vmem>>, vector<16xi32>,
      tpu.vector_store %arg16[%swap3A_417], %get3A_416 {strides = array<i32>} : memref<128xi32, #tpu.memory_space<vmem>>, vector<16xi32>,
      %get3A_419 = arith.constant 176 : index
      %get3A_420 = tpu.vector_load %arg14[%get3A_419] {strides = array<i32>} : memref<512xi32, #tpu.memory_space<vmem>>, vector<16xi32>,
      %swap3A_421 = arith.constant 48 : index
      %swap3A_422 = tpu.vector_load %arg18[%swap3A_421] {strides = array<i32>} : memref<128xi32, #tpu.memory_space<vmem>>, vector<16xi32>,
      tpu.vector_store %arg18[%swap3A_421], %get3A_420 {strides = array<i32>} : memref<128xi32, #tpu.memory_space<vmem>>, vector<16xi32>,
      %get3A_423 = arith.constant 64 : index
      %get3A_424 = tpu.vector_load %arg14[%get3A_423] {strides = array<i32>} : memref<512xi32, #tpu.memory_space<vmem>>, vector<16xi32>,
      %swap3A_425 = arith.constant 64 : index
      %swap3A_426 = tpu.vector_load %arg16[%swap3A_425] {strides = array<i32>} : memref<128xi32, #tpu.memory_space<vmem>>, vector<16xi32>,
      tpu.vector_store %arg16[%swap3A_425], %get3A_424 {strides = array<i32>} : memref<128xi32, #tpu.memory_space<vmem>>, vector<16xi32>,
      %get3A_427 = arith.constant 192 : index
      %get3A_428 = tpu.vector_load %arg14[%get3A_427] {strides = array<i32>} : memref<512xi32, #tpu.memory_space<vmem>>, vector<16xi32>,
      %swap3A_429 = arith.constant 64 : index
      %swap3A_430 = tpu.vector_load %arg18[%swap3A_429] {strides = array<i32>} : memref<128xi32, #tpu.memory_space<vmem>>, vector<16xi32>,
      tpu.vector_store %arg18[%swap3A_429], %get3A_428 {strides = array<i32>} : memref<128xi32, #tpu.memory_space<vmem>>, vector<16xi32>,
      %get3A_431 = arith.constant 80 : index
      %get3A_432 = tpu.vector_load %arg14[%get3A_431] {strides = array<i32>} : memref<512xi32, #tpu.memory_space<vmem>>, vector<16xi32>,
      %swap3A_433 = arith.constant 80 : index
      %swap3A_434 = tpu.vector_load %arg16[%swap3A_433] {strides = array<i32>} : memref<128xi32, #tpu.memory_space<vmem>>, vector<16xi32>,
      tpu.vector_store %arg16[%swap3A_433], %get3A_432 {strides = array<i32>} : memref<128xi32, #tpu.memory_space<vmem>>, vector<16xi32>,
      %get3A_435 = arith.constant 208 : index
      %get3A_436 = tpu.vector_load %arg14[%get3A_435] {strides = array<i32>} : memref<512xi32, #tpu.memory_space<vmem>>, vector<16xi32>,
      %swap3A_437 = arith.constant 80 : index
      %swap3A_438 = tpu.vector_load %arg18[%swap3A_437] {strides = array<i32>} : memref<128xi32, #tpu.memory_space<vmem>>, vector<16xi32>,
      tpu.vector_store %arg18[%swap3A_437], %get3A_436 {strides = array<i32>} : memref<128xi32, #tpu.memory_space<vmem>>, vector<16xi32>,
      %get3A_439 = arith.constant 96 : index
      %get3A_440 = tpu.vector_load %arg14[%get3A_439] {strides = array<i32>} : memref<512xi32, #tpu.memory_space<vmem>>, vector<16xi32>,
      %swap3A_441 = arith.constant 96 : index
      %swap3A_442 = tpu.vector_load %arg16[%swap3A_441] {strides = array<i32>} : memref<128xi32, #tpu.memory_space<vmem>>, vector<16xi32>,
      tpu.vector_store %arg16[%swap3A_441], %get3A_440 {strides = array<i32>} : memref<128xi32, #tpu.memory_space<vmem>>, vector<16xi32>,
      %get3A_443 = arith.constant 224 : index
      %get3A_444 = tpu.vector_load %arg14[%get3A_443] {strides = array<i32>} : memref<512xi32, #tpu.memory_space<vmem>>, vector<16xi32>,
      %swap3A_445 = arith.constant 96 : index
      %swap3A_446 = tpu.vector_load %arg18[%swap3A_445] {strides = array<i32>} : memref<128xi32, #tpu.memory_space<vmem>>, vector<16xi32>,
      tpu.vector_store %arg18[%swap3A_445], %get3A_444 {strides = array<i32>} : memref<128xi32, #tpu.memory_space<vmem>>, vector<16xi32>,
      %get3A_447 = arith.constant 112 : index
      %get3A_448 = tpu.vector_load %arg14[%get3A_447] {strides = array<i32>} : memref<512xi32, #tpu.memory_space<vmem>>, vector<16xi32>,
      %swap3A_449 = arith.constant 112 : index
      %swap3A_450 = tpu.vector_load %arg16[%swap3A_449] {strides = array<i32>} : memref<128xi32, #tpu.memory_space<vmem>>, vector<16xi32>,
      tpu.vector_store %arg16[%swap3A_449], %get3A_448 {strides = array<i32>} : memref<128xi32, #tpu.memory_space<vmem>>, vector<16xi32>,
      %get3A_451 = arith.constant 240 : index
      %get3A_452 = tpu.vector_load %arg14[%get3A_451] {strides = array<i32>} : memref<512xi32, #tpu.memory_space<vmem>>, vector<16xi32>,
      %swap3A_453 = arith.constant 112 : index
      %swap3A_454 = tpu.vector_load %arg18[%swap3A_453] {strides = array<i32>} : memref<128xi32, #tpu.memory_space<vmem>>, vector<16xi32>,
      tpu.vector_store %arg18[%swap3A_453], %get3A_452 {strides = array<i32>} : memref<128xi32, #tpu.memory_space<vmem>>, vector<16xi32>,
      %dma_start3A_455 = arith.constant 0 : i32
      %dma_start3A_456 = arith.constant 0 : i32
      %dma_start3A_457 = tpu.memref_slice %arg2[%dma_start3A_455, %dma_start3A_456] : memref<10000x128xf32, #tpu.memory_space<hbm>> -> memref<10000x128xf32, #tpu.memory_space<hbm>>
      tpu.enqueue_indirect_dma source(%dma_start3A_457 : memref<10000x128xf32, #tpu.memory_space<hbm>>) target(%arg26 : memref<128x128xf32, #tpu.memory_space<vmem>>) offsets(%arg16 : memref<128xi32, #tpu.memory_space<vmem>>) semaphore(%arg30 : memref<!tpu.dma_semaphore, #tpu.memory_space<semaphore_mem>>)
      %dma_start3A_458 = arith.constant 0 : i32
      %dma_start3A_459 = tpu.memref_slice %arg10[%dma_start3A_458] : memref<10000xf32, #tpu.memory_space<vmem_shared>> -> memref<10000xf32, #tpu.memory_space<vmem_shared>>
      tpu.enqueue_indirect_dma source(%dma_start3A_459 : memref<10000xf32, #tpu.memory_space<vmem_shared>>) target(%arg22 : memref<128xf32, #tpu.memory_space<vmem>>) offsets(%arg18 : memref<128xi32, #tpu.memory_space<vmem>>) semaphore(%arg32 : memref<!tpu.dma_semaphore, #tpu.memory_space<semaphore_mem>>)
      %dma_start3A_460 = arith.constant 0 : i32
      %dma_start3A_461 = tpu.memref_slice %arg11[%dma_start3A_460] : memref<10000xf32, #tpu.memory_space<vmem_shared>> -> memref<10000xf32, #tpu.memory_space<vmem_shared>>
      tpu.enqueue_indirect_dma source(%dma_start3A_461 : memref<10000xf32, #tpu.memory_space<vmem_shared>>) target(%arg24 : memref<128xf32, #tpu.memory_space<vmem>>) offsets(%arg16 : memref<128xi32, #tpu.memory_space<vmem>>) semaphore(%arg32 : memref<!tpu.dma_semaphore, #tpu.memory_space<semaphore_mem>>)
      %dma_wait3A_462 = arith.constant 0 : i32
      %dma_wait3A_463 = arith.constant 0 : i32
      %dma_wait3A_464 = tpu.memref_slice %arg2[%dma_wait3A_462, %dma_wait3A_463] : memref<10000x128xf32, #tpu.memory_space<hbm>> -> memref<10000x128xf32, #tpu.memory_space<hbm>>
      tpu.wait_indirect_dma semaphore(%arg29 : memref<!tpu.dma_semaphore, #tpu.memory_space<semaphore_mem>>) src(%dma_wait3A_464 : memref<10000x128xf32, #tpu.memory_space<hbm>>) dst(%arg25 : memref<128x128xf32, #tpu.memory_space<vmem>>)
      %scan3A_465 = arith.constant 0 : i32
      %scan3A_466 = arith.constant 0 : i32
      %scan3A_467 = arith.constant 8 : i32
      %scan3A_468 = arith.addi %scan3A_466, %scan3A_467 : i32
      %scan3A_469 = arith.constant 1 : i32
      scf.for %scan3A_725 = %scan3A_466 to %scan3A_468 step %scan3A_469  : i32 {
        %mul3A_726 = arith.constant 16 : i32
        %mul3A_727 = arith.muli %scan3A_725, %mul3A_726 : i32
        %get3A_728 = arith.index_cast %mul3A_727 : i32 to index
        %get3A_729 = tpu.vector_load %arg19[%get3A_728] {strides = array<i32>} : memref<128xf32, #tpu.memory_space<vmem>>, vector<16xf32>,
        %slice3A = vector.extract_strided_slice %get3A_729 {offsets = [0], sizes = [1], strides = [1]} : vector<16xf32> to vector<1xf32>
        %squeeze3A = vector.extract %slice3A[0] : f32 from vector<1xf32>
        %mul3A_730 = arith.constant 16 : i32
        %mul3A_731 = arith.muli %scan3A_725, %mul3A_730 : i32
        %add3A_732 = arith.constant 0 : i32
        %add3A_733 = arith.addi %mul3A_731, %add3A_732 : i32
        %get3A_734 = arith.index_cast %add3A_733 : i32 to index
        %get3A_735 = arith.constant 0 : index
        %get3A_736 = tpu.vector_load %arg25[%get3A_734, %get3A_735] {strides = array<i32>} : memref<128x128xf32, #tpu.memory_space<vmem>>, vector<16xf32>,
        %mul3A_737 = vector.broadcast %squeeze3A : f32 to vector<16xf32>
        %mul3A_738 = arith.mulf %get3A_736, %mul3A_737 : vector<16xf32>
        %swap3A_739 = arith.index_cast %add3A_733 : i32 to index
        %swap3A_740 = arith.constant 0 : index
        %swap3A_741 = tpu.vector_load %arg25[%swap3A_739, %swap3A_740] {strides = array<i32>} : memref<128x128xf32, #tpu.memory_space<vmem>>, vector<16xf32>,
        tpu.vector_store %arg25[%swap3A_739, %swap3A_740], %mul3A_738 {strides = array<i32>} : memref<128x128xf32, #tpu.memory_space<vmem>>, vector<16xf32>,
        %get3A_742 = arith.index_cast %add3A_733 : i32 to index
        %get3A_743 = arith.constant 16 : index
        %get3A_744 = tpu.vector_load %arg25[%get3A_742, %get3A_743] {strides = array<i32>} : memref<128x128xf32, #tpu.memory_space<vmem>>, vector<16xf32>,
        %mul3A_745 = vector.broadcast %squeeze3A : f32 to vector<16xf32>
        %mul3A_746 = arith.mulf %get3A_744, %mul3A_745 : vector<16xf32>
        %swap3A_747 = arith.index_cast %add3A_733 : i32 to index
        %swap3A_748 = arith.constant 16 : index
        %swap3A_749 = tpu.vector_load %arg25[%swap3A_747, %swap3A_748] {strides = array<i32>} : memref<128x128xf32, #tpu.memory_space<vmem>>, vector<16xf32>,
        tpu.vector_store %arg25[%swap3A_747, %swap3A_748], %mul3A_746 {strides = array<i32>} : memref<128x128xf32, #tpu.memory_space<vmem>>, vector<16xf32>,
        %get3A_750 = arith.index_cast %add3A_733 : i32 to index
        %get3A_751 = arith.constant 32 : index
        %get3A_752 = tpu.vector_load %arg25[%get3A_750, %get3A_751] {strides = array<i32>} : memref<128x128xf32, #tpu.memory_space<vmem>>, vector<16xf32>,
        %mul3A_753 = vector.broadcast %squeeze3A : f32 to vector<16xf32>
        %mul3A_754 = arith.mulf %get3A_752, %mul3A_753 : vector<16xf32>
        %swap3A_755 = arith.index_cast %add3A_733 : i32 to index
        %swap3A_756 = arith.constant 32 : index
        %swap3A_757 = tpu.vector_load %arg25[%swap3A_755, %swap3A_756] {strides = array<i32>} : memref<128x128xf32, #tpu.memory_space<vmem>>, vector<16xf32>,
        tpu.vector_store %arg25[%swap3A_755, %swap3A_756], %mul3A_754 {strides = array<i32>} : memref<128x128xf32, #tpu.memory_space<vmem>>, vector<16xf32>,
        %get3A_758 = arith.index_cast %add3A_733 : i32 to index
        %get3A_759 = arith.constant 48 : index
        %get3A_760 = tpu.vector_load %arg25[%get3A_758, %get3A_759] {strides = array<i32>} : memref<128x128xf32, #tpu.memory_space<vmem>>, vector<16xf32>,
        %mul3A_761 = vector.broadcast %squeeze3A : f32 to vector<16xf32>
        %mul3A_762 = arith.mulf %get3A_760, %mul3A_761 : vector<16xf32>
        %swap3A_763 = arith.index_cast %add3A_733 : i32 to index
        %swap3A_764 = arith.constant 48 : index
        %swap3A_765 = tpu.vector_load %arg25[%swap3A_763, %swap3A_764] {strides = array<i32>} : memref<128x128xf32, #tpu.memory_space<vmem>>, vector<16xf32>,
        tpu.vector_store %arg25[%swap3A_763, %swap3A_764], %mul3A_762 {strides = array<i32>} : memref<128x128xf32, #tpu.memory_space<vmem>>, vector<16xf32>,
        %get3A_766 = arith.index_cast %add3A_733 : i32 to index
        %get3A_767 = arith.constant 64 : index
        %get3A_768 = tpu.vector_load %arg25[%get3A_766, %get3A_767] {strides = array<i32>} : memref<128x128xf32, #tpu.memory_space<vmem>>, vector<16xf32>,
        %mul3A_769 = vector.broadcast %squeeze3A : f32 to vector<16xf32>
        %mul3A_770 = arith.mulf %get3A_768, %mul3A_769 : vector<16xf32>
        %swap3A_771 = arith.index_cast %add3A_733 : i32 to index
        %swap3A_772 = arith.constant 64 : index
        %swap3A_773 = tpu.vector_load %arg25[%swap3A_771, %swap3A_772] {strides = array<i32>} : memref<128x128xf32, #tpu.memory_space<vmem>>, vector<16xf32>,
        tpu.vector_store %arg25[%swap3A_771, %swap3A_772], %mul3A_770 {strides = array<i32>} : memref<128x128xf32, #tpu.memory_space<vmem>>, vector<16xf32>,
        %get3A_774 = arith.index_cast %add3A_733 : i32 to index
        %get3A_775 = arith.constant 80 : index
        %get3A_776 = tpu.vector_load %arg25[%get3A_774, %get3A_775] {strides = array<i32>} : memref<128x128xf32, #tpu.memory_space<vmem>>, vector<16xf32>,
        %mul3A_777 = vector.broadcast %squeeze3A : f32 to vector<16xf32>
        %mul3A_778 = arith.mulf %get3A_776, %mul3A_777 : vector<16xf32>
        %swap3A_779 = arith.index_cast %add3A_733 : i32 to index
        %swap3A_780 = arith.constant 80 : index
        %swap3A_781 = tpu.vector_load %arg25[%swap3A_779, %swap3A_780] {strides = array<i32>} : memref<128x128xf32, #tpu.memory_space<vmem>>, vector<16xf32>,
        tpu.vector_store %arg25[%swap3A_779, %swap3A_780], %mul3A_778 {strides = array<i32>} : memref<128x128xf32, #tpu.memory_space<vmem>>, vector<16xf32>,
        %get3A_782 = arith.index_cast %add3A_733 : i32 to index
        %get3A_783 = arith.constant 96 : index
        %get3A_784 = tpu.vector_load %arg25[%get3A_782, %get3A_783] {strides = array<i32>} : memref<128x128xf32, #tpu.memory_space<vmem>>, vector<16xf32>,
        %mul3A_785 = vector.broadcast %squeeze3A : f32 to vector<16xf32>
        %mul3A_786 = arith.mulf %get3A_784, %mul3A_785 : vector<16xf32>
        %swap3A_787 = arith.index_cast %add3A_733 : i32 to index
        %swap3A_788 = arith.constant 96 : index
        %swap3A_789 = tpu.vector_load %arg25[%swap3A_787, %swap3A_788] {strides = array<i32>} : memref<128x128xf32, #tpu.memory_space<vmem>>, vector<16xf32>,
        tpu.vector_store %arg25[%swap3A_787, %swap3A_788], %mul3A_786 {strides = array<i32>} : memref<128x128xf32, #tpu.memory_space<vmem>>, vector<16xf32>,
        %get3A_790 = arith.index_cast %add3A_733 : i32 to index
        %get3A_791 = arith.constant 112 : index
        %get3A_792 = tpu.vector_load %arg25[%get3A_790, %get3A_791] {strides = array<i32>} : memref<128x128xf32, #tpu.memory_space<vmem>>, vector<16xf32>,
        %mul3A_793 = vector.broadcast %squeeze3A : f32 to vector<16xf32>
        %mul3A_794 = arith.mulf %get3A_792, %mul3A_793 : vector<16xf32>
        %swap3A_795 = arith.index_cast %add3A_733 : i32 to index
        %swap3A_796 = arith.constant 112 : index
        %swap3A_797 = tpu.vector_load %arg25[%swap3A_795, %swap3A_796] {strides = array<i32>} : memref<128x128xf32, #tpu.memory_space<vmem>>, vector<16xf32>,
        tpu.vector_store %arg25[%swap3A_795, %swap3A_796], %mul3A_794 {strides = array<i32>} : memref<128x128xf32, #tpu.memory_space<vmem>>, vector<16xf32>,
        %slice3A_798 = vector.extract_strided_slice %get3A_729 {offsets = [1], sizes = [1], strides = [1]} : vector<16xf32> to vector<1xf32>
        %squeeze3A_799 = vector.extract %slice3A_798[0] : f32 from vector<1xf32>
        %mul3A_800 = arith.constant 16 : i32
        %mul3A_801 = arith.muli %scan3A_725, %mul3A_800 : i32
        %add3A_802 = arith.constant 1 : i32
        %add3A_803 = arith.addi %mul3A_801, %add3A_802 : i32
        %get3A_804 = arith.index_cast %add3A_803 : i32 to index
        %get3A_805 = arith.constant 0 : index
        %get3A_806 = tpu.vector_load %arg25[%get3A_804, %get3A_805] {strides = array<i32>} : memref<128x128xf32, #tpu.memory_space<vmem>>, vector<16xf32>,
        %mul3A_807 = vector.broadcast %squeeze3A_799 : f32 to vector<16xf32>
        %mul3A_808 = arith.mulf %get3A_806, %mul3A_807 : vector<16xf32>
        %swap3A_809 = arith.index_cast %add3A_803 : i32 to index
        %swap3A_810 = arith.constant 0 : index
        %swap3A_811 = tpu.vector_load %arg25[%swap3A_809, %swap3A_810] {strides = array<i32>} : memref<128x128xf32, #tpu.memory_space<vmem>>, vector<16xf32>,
        tpu.vector_store %arg25[%swap3A_809, %swap3A_810], %mul3A_808 {strides = array<i32>} : memref<128x128xf32, #tpu.memory_space<vmem>>, vector<16xf32>,
        %get3A_812 = arith.index_cast %add3A_803 : i32 to index
        %get3A_813 = arith.constant 16 : index
        %get3A_814 = tpu.vector_load %arg25[%get3A_812, %get3A_813] {strides = array<i32>} : memref<128x128xf32, #tpu.memory_space<vmem>>, vector<16xf32>,
        %mul3A_815 = vector.broadcast %squeeze3A_799 : f32 to vector<16xf32>
        %mul3A_816 = arith.mulf %get3A_814, %mul3A_815 : vector<16xf32>
        %swap3A_817 = arith.index_cast %add3A_803 : i32 to index
        %swap3A_818 = arith.constant 16 : index
        %swap3A_819 = tpu.vector_load %arg25[%swap3A_817, %swap3A_818] {strides = array<i32>} : memref<128x128xf32, #tpu.memory_space<vmem>>, vector<16xf32>,
        tpu.vector_store %arg25[%swap3A_817, %swap3A_818], %mul3A_816 {strides = array<i32>} : memref<128x128xf32, #tpu.memory_space<vmem>>, vector<16xf32>,
        %get3A_820 = arith.index_cast %add3A_803 : i32 to index
        %get3A_821 = arith.constant 32 : index
        %get3A_822 = tpu.vector_load %arg25[%get3A_820, %get3A_821] {strides = array<i32>} : memref<128x128xf32, #tpu.memory_space<vmem>>, vector<16xf32>,
        %mul3A_823 = vector.broadcast %squeeze3A_799 : f32 to vector<16xf32>
        %mul3A_824 = arith.mulf %get3A_822, %mul3A_823 : vector<16xf32>
        %swap3A_825 = arith.index_cast %add3A_803 : i32 to index
        %swap3A_826 = arith.constant 32 : index
        %swap3A_827 = tpu.vector_load %arg25[%swap3A_825, %swap3A_826] {strides = array<i32>} : memref<128x128xf32, #tpu.memory_space<vmem>>, vector<16xf32>,
        tpu.vector_store %arg25[%swap3A_825, %swap3A_826], %mul3A_824 {strides = array<i32>} : memref<128x128xf32, #tpu.memory_space<vmem>>, vector<16xf32>,
        %get3A_828 = arith.index_cast %add3A_803 : i32 to index
        %get3A_829 = arith.constant 48 : index
        %get3A_830 = tpu.vector_load %arg25[%get3A_828, %get3A_829] {strides = array<i32>} : memref<128x128xf32, #tpu.memory_space<vmem>>, vector<16xf32>,
        %mul3A_831 = vector.broadcast %squeeze3A_799 : f32 to vector<16xf32>
        %mul3A_832 = arith.mulf %get3A_830, %mul3A_831 : vector<16xf32>
        %swap3A_833 = arith.index_cast %add3A_803 : i32 to index
        %swap3A_834 = arith.constant 48 : index
        %swap3A_835 = tpu.vector_load %arg25[%swap3A_833, %swap3A_834] {strides = array<i32>} : memref<128x128xf32, #tpu.memory_space<vmem>>, vector<16xf32>,
        tpu.vector_store %arg25[%swap3A_833, %swap3A_834], %mul3A_832 {strides = array<i32>} : memref<128x128xf32, #tpu.memory_space<vmem>>, vector<16xf32>,
        %get3A_836 = arith.index_cast %add3A_803 : i32 to index
        %get3A_837 = arith.constant 64 : index
        %get3A_838 = tpu.vector_load %arg25[%get3A_836, %get3A_837] {strides = array<i32>} : memref<128x128xf32, #tpu.memory_space<vmem>>, vector<16xf32>,
        %mul3A_839 = vector.broadcast %squeeze3A_799 : f32 to vector<16xf32>
        %mul3A_840 = arith.mulf %get3A_838, %mul3A_839 : vector<16xf32>
        %swap3A_841 = arith.index_cast %add3A_803 : i32 to index
        %swap3A_842 = arith.constant 64 : index
        %swap3A_843 = tpu.vector_load %arg25[%swap3A_841, %swap3A_842] {strides = array<i32>} : memref<128x128xf32, #tpu.memory_space<vmem>>, vector<16xf32>,
        tpu.vector_store %arg25[%swap3A_841, %swap3A_842], %mul3A_840 {strides = array<i32>} : memref<128x128xf32, #tpu.memory_space<vmem>>, vector<16xf32>,
        %get3A_844 = arith.index_cast %add3A_803 : i32 to index
        %get3A_845 = arith.constant 80 : index
        %get3A_846 = tpu.vector_load %arg25[%get3A_844, %get3A_845] {strides = array<i32>} : memref<128x128xf32, #tpu.memory_space<vmem>>, vector<16xf32>,
        %mul3A_847 = vector.broadcast %squeeze3A_799 : f32 to vector<16xf32>
        %mul3A_848 = arith.mulf %get3A_846, %mul3A_847 : vector<16xf32>
        %swap3A_849 = arith.index_cast %add3A_803 : i32 to index
        %swap3A_850 = arith.constant 80 : index
        %swap3A_851 = tpu.vector_load %arg25[%swap3A_849, %swap3A_850] {strides = array<i32>} : memref<128x128xf32, #tpu.memory_space<vmem>>, vector<16xf32>,
        tpu.vector_store %arg25[%swap3A_849, %swap3A_850], %mul3A_848 {strides = array<i32>} : memref<128x128xf32, #tpu.memory_space<vmem>>, vector<16xf32>,
        %get3A_852 = arith.index_cast %add3A_803 : i32 to index
        %get3A_853 = arith.constant 96 : index
        %get3A_854 = tpu.vector_load %arg25[%get3A_852, %get3A_853] {strides = array<i32>} : memref<128x128xf32, #tpu.memory_space<vmem>>, vector<16xf32>,
        %mul3A_855 = vector.broadcast %squeeze3A_799 : f32 to vector<16xf32>
        %mul3A_856 = arith.mulf %get3A_854, %mul3A_855 : vector<16xf32>
        %swap3A_857 = arith.index_cast %add3A_803 : i32 to index
        %swap3A_858 = arith.constant 96 : index
        %swap3A_859 = tpu.vector_load %arg25[%swap3A_857, %swap3A_858] {strides = array<i32>} : memref<128x128xf32, #tpu.memory_space<vmem>>, vector<16xf32>,
        tpu.vector_store %arg25[%swap3A_857, %swap3A_858], %mul3A_856 {strides = array<i32>} : memref<128x128xf32, #tpu.memory_space<vmem>>, vector<16xf32>,
        %get3A_860 = arith.index_cast %add3A_803 : i32 to index
        %get3A_861 = arith.constant 112 : index
        %get3A_862 = tpu.vector_load %arg25[%get3A_860, %get3A_861] {strides = array<i32>} : memref<128x128xf32, #tpu.memory_space<vmem>>, vector<16xf32>,
        %mul3A_863 = vector.broadcast %squeeze3A_799 : f32 to vector<16xf32>
        %mul3A_864 = arith.mulf %get3A_862, %mul3A_863 : vector<16xf32>
        %swap3A_865 = arith.index_cast %add3A_803 : i32 to index
        %swap3A_866 = arith.constant 112 : index
        %swap3A_867 = tpu.vector_load %arg25[%swap3A_865, %swap3A_866] {strides = array<i32>} : memref<128x128xf32, #tpu.memory_space<vmem>>, vector<16xf32>,
        tpu.vector_store %arg25[%swap3A_865, %swap3A_866], %mul3A_864 {strides = array<i32>} : memref<128x128xf32, #tpu.memory_space<vmem>>, vector<16xf32>,
        %slice3A_868 = vector.extract_strided_slice %get3A_729 {offsets = [2], sizes = [1], strides = [1]} : vector<16xf32> to vector<1xf32>
        %squeeze3A_869 = vector.extract %slice3A_868[0] : f32 from vector<1xf32>
        %mul3A_870 = arith.constant 16 : i32
        %mul3A_871 = arith.muli %scan3A_725, %mul3A_870 : i32
        %add3A_872 = arith.constant 2 : i32
        %add3A_873 = arith.addi %mul3A_871, %add3A_872 : i32
        %get3A_874 = arith.index_cast %add3A_873 : i32 to index
        %get3A_875 = arith.constant 0 : index
        %get3A_876 = tpu.vector_load %arg25[%get3A_874, %get3A_875] {strides = array<i32>} : memref<128x128xf32, #tpu.memory_space<vmem>>, vector<16xf32>,
        %mul3A_877 = vector.broadcast %squeeze3A_869 : f32 to vector<16xf32>
        %mul3A_878 = arith.mulf %get3A_876, %mul3A_877 : vector<16xf32>
        %swap3A_879 = arith.index_cast %add3A_873 : i32 to index
        %swap3A_880 = arith.constant 0 : index
        %swap3A_881 = tpu.vector_load %arg25[%swap3A_879, %swap3A_880] {strides = array<i32>} : memref<128x128xf32, #tpu.memory_space<vmem>>, vector<16xf32>,
        tpu.vector_store %arg25[%swap3A_879, %swap3A_880], %mul3A_878 {strides = array<i32>} : memref<128x128xf32, #tpu.memory_space<vmem>>, vector<16xf32>,
        %get3A_882 = arith.index_cast %add3A_873 : i32 to index
        %get3A_883 = arith.constant 16 : index
        %get3A_884 = tpu.vector_load %arg25[%get3A_882, %get3A_883] {strides = array<i32>} : memref<128x128xf32, #tpu.memory_space<vmem>>, vector<16xf32>,
        %mul3A_885 = vector.broadcast %squeeze3A_869 : f32 to vector<16xf32>
        %mul3A_886 = arith.mulf %get3A_884, %mul3A_885 : vector<16xf32>
        %swap3A_887 = arith.index_cast %add3A_873 : i32 to index
        %swap3A_888 = arith.constant 16 : index
        %swap3A_889 = tpu.vector_load %arg25[%swap3A_887, %swap3A_888] {strides = array<i32>} : memref<128x128xf32, #tpu.memory_space<vmem>>, vector<16xf32>,
        tpu.vector_store %arg25[%swap3A_887, %swap3A_888], %mul3A_886 {strides = array<i32>} : memref<128x128xf32, #tpu.memory_space<vmem>>, vector<16xf32>,
        %get3A_890 = arith.index_cast %add3A_873 : i32 to index
        %get3A_891 = arith.constant 32 : index
        %get3A_892 = tpu.vector_load %arg25[%get3A_890, %get3A_891] {strides = array<i32>} : memref<128x128xf32, #tpu.memory_space<vmem>>, vector<16xf32>,
        %mul3A_893 = vector.broadcast %squeeze3A_869 : f32 to vector<16xf32>
        %mul3A_894 = arith.mulf %get3A_892, %mul3A_893 : vector<16xf32>
        %swap3A_895 = arith.index_cast %add3A_873 : i32 to index
        %swap3A_896 = arith.constant 32 : index
        %swap3A_897 = tpu.vector_load %arg25[%swap3A_895, %swap3A_896] {strides = array<i32>} : memref<128x128xf32, #tpu.memory_space<vmem>>, vector<16xf32>,
        tpu.vector_store %arg25[%swap3A_895, %swap3A_896], %mul3A_894 {strides = array<i32>} : memref<128x128xf32, #tpu.memory_space<vmem>>, vector<16xf32>,
        %get3A_898 = arith.index_cast %add3A_873 : i32 to index
        %get3A_899 = arith.constant 48 : index
        %get3A_900 = tpu.vector_load %arg25[%get3A_898, %get3A_899] {strides = array<i32>} : memref<128x128xf32, #tpu.memory_space<vmem>>, vector<16xf32>,
        %mul3A_901 = vector.broadcast %squeeze3A_869 : f32 to vector<16xf32>
        %mul3A_902 = arith.mulf %get3A_900, %mul3A_901 : vector<16xf32>
        %swap3A_903 = arith.index_cast %add3A_873 : i32 to index
        %swap3A_904 = arith.constant 48 : index
        %swap3A_905 = tpu.vector_load %arg25[%swap3A_903, %swap3A_904] {strides = array<i32>} : memref<128x128xf32, #tpu.memory_space<vmem>>, vector<16xf32>,
        tpu.vector_store %arg25[%swap3A_903, %swap3A_904], %mul3A_902 {strides = array<i32>} : memref<128x128xf32, #tpu.memory_space<vmem>>, vector<16xf32>,
        %get3A_906 = arith.index_cast %add3A_873 : i32 to index
        %get3A_907 = arith.constant 64 : index
        %get3A_908 = tpu.vector_load %arg25[%get3A_906, %get3A_907] {strides = array<i32>} : memref<128x128xf32, #tpu.memory_space<vmem>>, vector<16xf32>,
        %mul3A_909 = vector.broadcast %squeeze3A_869 : f32 to vector<16xf32>
        %mul3A_910 = arith.mulf %get3A_908, %mul3A_909 : vector<16xf32>
        %swap3A_911 = arith.index_cast %add3A_873 : i32 to index
        %swap3A_912 = arith.constant 64 : index
        %swap3A_913 = tpu.vector_load %arg25[%swap3A_911, %swap3A_912] {strides = array<i32>} : memref<128x128xf32, #tpu.memory_space<vmem>>, vector<16xf32>,
        tpu.vector_store %arg25[%swap3A_911, %swap3A_912], %mul3A_910 {strides = array<i32>} : memref<128x128xf32, #tpu.memory_space<vmem>>, vector<16xf32>,
        %get3A_914 = arith.index_cast %add3A_873 : i32 to index
        %get3A_915 = arith.constant 80 : index
        %get3A_916 = tpu.vector_load %arg25[%get3A_914, %get3A_915] {strides = array<i32>} : memref<128x128xf32, #tpu.memory_space<vmem>>, vector<16xf32>,
        %mul3A_917 = vector.broadcast %squeeze3A_869 : f32 to vector<16xf32>
        %mul3A_918 = arith.mulf %get3A_916, %mul3A_917 : vector<16xf32>
        %swap3A_919 = arith.index_cast %add3A_873 : i32 to index
        %swap3A_920 = arith.constant 80 : index
        %swap3A_921 = tpu.vector_load %arg25[%swap3A_919, %swap3A_920] {strides = array<i32>} : memref<128x128xf32, #tpu.memory_space<vmem>>, vector<16xf32>,
        tpu.vector_store %arg25[%swap3A_919, %swap3A_920], %mul3A_918 {strides = array<i32>} : memref<128x128xf32, #tpu.memory_space<vmem>>, vector<16xf32>,
        %get3A_922 = arith.index_cast %add3A_873 : i32 to index
        %get3A_923 = arith.constant 96 : index
        %get3A_924 = tpu.vector_load %arg25[%get3A_922, %get3A_923] {strides = array<i32>} : memref<128x128xf32, #tpu.memory_space<vmem>>, vector<16xf32>,
        %mul3A_925 = vector.broadcast %squeeze3A_869 : f32 to vector<16xf32>
        %mul3A_926 = arith.mulf %get3A_924, %mul3A_925 : vector<16xf32>
        %swap3A_927 = arith.index_cast %add3A_873 : i32 to index
        %swap3A_928 = arith.constant 96 : index
        %swap3A_929 = tpu.vector_load %arg25[%swap3A_927, %swap3A_928] {strides = array<i32>} : memref<128x128xf32, #tpu.memory_space<vmem>>, vector<16xf32>,
        tpu.vector_store %arg25[%swap3A_927, %swap3A_928], %mul3A_926 {strides = array<i32>} : memref<128x128xf32, #tpu.memory_space<vmem>>, vector<16xf32>,
        %get3A_930 = arith.index_cast %add3A_873 : i32 to index
        %get3A_931 = arith.constant 112 : index
        %get3A_932 = tpu.vector_load %arg25[%get3A_930, %get3A_931] {strides = array<i32>} : memref<128x128xf32, #tpu.memory_space<vmem>>, vector<16xf32>,
        %mul3A_933 = vector.broadcast %squeeze3A_869 : f32 to vector<16xf32>
        %mul3A_934 = arith.mulf %get3A_932, %mul3A_933 : vector<16xf32>
        %swap3A_935 = arith.index_cast %add3A_873 : i32 to index
        %swap3A_936 = arith.constant 112 : index
        %swap3A_937 = tpu.vector_load %arg25[%swap3A_935, %swap3A_936] {strides = array<i32>} : memref<128x128xf32, #tpu.memory_space<vmem>>, vector<16xf32>,
        tpu.vector_store %arg25[%swap3A_935, %swap3A_936], %mul3A_934 {strides = array<i32>} : memref<128x128xf32, #tpu.memory_space<vmem>>, vector<16xf32>,
        %slice3A_938 = vector.extract_strided_slice %get3A_729 {offsets = [3], sizes = [1], strides = [1]} : vector<16xf32> to vector<1xf32>
        %squeeze3A_939 = vector.extract %slice3A_938[0] : f32 from vector<1xf32>
        %mul3A_940 = arith.constant 16 : i32
        %mul3A_941 = arith.muli %scan3A_725, %mul3A_940 : i32
        %add3A_942 = arith.constant 3 : i32
        %add3A_943 = arith.addi %mul3A_941, %add3A_942 : i32
        %get3A_944 = arith.index_cast %add3A_943 : i32 to index
        %get3A_945 = arith.constant 0 : index
        %get3A_946 = tpu.vector_load %arg25[%get3A_944, %get3A_945] {strides = array<i32>} : memref<128x128xf32, #tpu.memory_space<vmem>>, vector<16xf32>,
        %mul3A_947 = vector.broadcast %squeeze3A_939 : f32 to vector<16xf32>
        %mul3A_948 = arith.mulf %get3A_946, %mul3A_947 : vector<16xf32>
        %swap3A_949 = arith.index_cast %add3A_943 : i32 to index
        %swap3A_950 = arith.constant 0 : index
        %swap3A_951 = tpu.vector_load %arg25[%swap3A_949, %swap3A_950] {strides = array<i32>} : memref<128x128xf32, #tpu.memory_space<vmem>>, vector<16xf32>,
        tpu.vector_store %arg25[%swap3A_949, %swap3A_950], %mul3A_948 {strides = array<i32>} : memref<128x128xf32, #tpu.memory_space<vmem>>, vector<16xf32>,
        %get3A_952 = arith.index_cast %add3A_943 : i32 to index
        %get3A_953 = arith.constant 16 : index
        %get3A_954 = tpu.vector_load %arg25[%get3A_952, %get3A_953] {strides = array<i32>} : memref<128x128xf32, #tpu.memory_space<vmem>>, vector<16xf32>,
        %mul3A_955 = vector.broadcast %squeeze3A_939 : f32 to vector<16xf32>
        %mul3A_956 = arith.mulf %get3A_954, %mul3A_955 : vector<16xf32>
        %swap3A_957 = arith.index_cast %add3A_943 : i32 to index
        %swap3A_958 = arith.constant 16 : index
        %swap3A_959 = tpu.vector_load %arg25[%swap3A_957, %swap3A_958] {strides = array<i32>} : memref<128x128xf32, #tpu.memory_space<vmem>>, vector<16xf32>,
        tpu.vector_store %arg25[%swap3A_957, %swap3A_958], %mul3A_956 {strides = array<i32>} : memref<128x128xf32, #tpu.memory_space<vmem>>, vector<16xf32>,
        %get3A_960 = arith.index_cast %add3A_943 : i32 to index
        %get3A_961 = arith.constant 32 : index
        %get3A_962 = tpu.vector_load %arg25[%get3A_960, %get3A_961] {strides = array<i32>} : memref<128x128xf32, #tpu.memory_space<vmem>>, vector<16xf32>,
        %mul3A_963 = vector.broadcast %squeeze3A_939 : f32 to vector<16xf32>
        %mul3A_964 = arith.mulf %get3A_962, %mul3A_963 : vector<16xf32>
        %swap3A_965 = arith.index_cast %add3A_943 : i32 to index
        %swap3A_966 = arith.constant 32 : index
        %swap3A_967 = tpu.vector_load %arg25[%swap3A_965, %swap3A_966] {strides = array<i32>} : memref<128x128xf32, #tpu.memory_space<vmem>>, vector<16xf32>,
        tpu.vector_store %arg25[%swap3A_965, %swap3A_966], %mul3A_964 {strides = array<i32>} : memref<128x128xf32, #tpu.memory_space<vmem>>, vector<16xf32>,
        %get3A_968 = arith.index_cast %add3A_943 : i32 to index
        %get3A_969 = arith.constant 48 : index
        %get3A_970 = tpu.vector_load %arg25[%get3A_968, %get3A_969] {strides = array<i32>} : memref<128x128xf32, #tpu.memory_space<vmem>>, vector<16xf32>,
        %mul3A_971 = vector.broadcast %squeeze3A_939 : f32 to vector<16xf32>
        %mul3A_972 = arith.mulf %get3A_970, %mul3A_971 : vector<16xf32>
        %swap3A_973 = arith.index_cast %add3A_943 : i32 to index
        %swap3A_974 = arith.constant 48 : index
        %swap3A_975 = tpu.vector_load %arg25[%swap3A_973, %swap3A_974] {strides = array<i32>} : memref<128x128xf32, #tpu.memory_space<vmem>>, vector<16xf32>,
        tpu.vector_store %arg25[%swap3A_973, %swap3A_974], %mul3A_972 {strides = array<i32>} : memref<128x128xf32, #tpu.memory_space<vmem>>, vector<16xf32>,
        %get3A_976 = arith.index_cast %add3A_943 : i32 to index
        %get3A_977 = arith.constant 64 : index
        %get3A_978 = tpu.vector_load %arg25[%get3A_976, %get3A_977] {strides = array<i32>} : memref<128x128xf32, #tpu.memory_space<vmem>>, vector<16xf32>,
        %mul3A_979 = vector.broadcast %squeeze3A_939 : f32 to vector<16xf32>
        %mul3A_980 = arith.mulf %get3A_978, %mul3A_979 : vector<16xf32>
        %swap3A_981 = arith.index_cast %add3A_943 : i32 to index
        %swap3A_982 = arith.constant 64 : index
        %swap3A_983 = tpu.vector_load %arg25[%swap3A_981, %swap3A_982] {strides = array<i32>} : memref<128x128xf32, #tpu.memory_space<vmem>>, vector<16xf32>,
        tpu.vector_store %arg25[%swap3A_981, %swap3A_982], %mul3A_980 {strides = array<i32>} : memref<128x128xf32, #tpu.memory_space<vmem>>, vector<16xf32>,
        %get3A_984 = arith.index_cast %add3A_943 : i32 to index
        %get3A_985 = arith.constant 80 : index
        %get3A_986 = tpu.vector_load %arg25[%get3A_984, %get3A_985] {strides = array<i32>} : memref<128x128xf32, #tpu.memory_space<vmem>>, vector<16xf32>,
        %mul3A_987 = vector.broadcast %squeeze3A_939 : f32 to vector<16xf32>
        %mul3A_988 = arith.mulf %get3A_986, %mul3A_987 : vector<16xf32>
        %swap3A_989 = arith.index_cast %add3A_943 : i32 to index
        %swap3A_990 = arith.constant 80 : index
        %swap3A_991 = tpu.vector_load %arg25[%swap3A_989, %swap3A_990] {strides = array<i32>} : memref<128x128xf32, #tpu.memory_space<vmem>>, vector<16xf32>,
        tpu.vector_store %arg25[%swap3A_989, %swap3A_990], %mul3A_988 {strides = array<i32>} : memref<128x128xf32, #tpu.memory_space<vmem>>, vector<16xf32>,
        %get3A_992 = arith.index_cast %add3A_943 : i32 to index
        %get3A_993 = arith.constant 96 : index
        %get3A_994 = tpu.vector_load %arg25[%get3A_992, %get3A_993] {strides = array<i32>} : memref<128x128xf32, #tpu.memory_space<vmem>>, vector<16xf32>,
        %mul3A_995 = vector.broadcast %squeeze3A_939 : f32 to vector<16xf32>
        %mul3A_996 = arith.mulf %get3A_994, %mul3A_995 : vector<16xf32>
        %swap3A_997 = arith.index_cast %add3A_943 : i32 to index
        %swap3A_998 = arith.constant 96 : index
        %swap3A_999 = tpu.vector_load %arg25[%swap3A_997, %swap3A_998] {strides = array<i32>} : memref<128x128xf32, #tpu.memory_space<vmem>>, vector<16xf32>,
        tpu.vector_store %arg25[%swap3A_997, %swap3A_998], %mul3A_996 {strides = array<i32>} : memref<128x128xf32, #tpu.memory_space<vmem>>, vector<16xf32>,
        %get3A_1000 = arith.index_cast %add3A_943 : i32 to index
        %get3A_1001 = arith.constant 112 : index
        %get3A_1002 = tpu.vector_load %arg25[%get3A_1000, %get3A_1001] {strides = array<i32>} : memref<128x128xf32, #tpu.memory_space<vmem>>, vector<16xf32>,
        %mul3A_1003 = vector.broadcast %squeeze3A_939 : f32 to vector<16xf32>
        %mul3A_1004 = arith.mulf %get3A_1002, %mul3A_1003 : vector<16xf32>
        %swap3A_1005 = arith.index_cast %add3A_943 : i32 to index
        %swap3A_1006 = arith.constant 112 : index
        %swap3A_1007 = tpu.vector_load %arg25[%swap3A_1005, %swap3A_1006] {strides = array<i32>} : memref<128x128xf32, #tpu.memory_space<vmem>>, vector<16xf32>,
        tpu.vector_store %arg25[%swap3A_1005, %swap3A_1006], %mul3A_1004 {strides = array<i32>} : memref<128x128xf32, #tpu.memory_space<vmem>>, vector<16xf32>,
        %slice3A_1008 = vector.extract_strided_slice %get3A_729 {offsets = [4], sizes = [1], strides = [1]} : vector<16xf32> to vector<1xf32>
        %squeeze3A_1009 = vector.extract %slice3A_1008[0] : f32 from vector<1xf32>
        %mul3A_1010 = arith.constant 16 : i32
        %mul3A_1011 = arith.muli %scan3A_725, %mul3A_1010 : i32
        %add3A_1012 = arith.constant 4 : i32
        %add3A_1013 = arith.addi %mul3A_1011, %add3A_1012 : i32
        %get3A_1014 = arith.index_cast %add3A_1013 : i32 to index
        %get3A_1015 = arith.constant 0 : index
        %get3A_1016 = tpu.vector_load %arg25[%get3A_1014, %get3A_1015] {strides = array<i32>} : memref<128x128xf32, #tpu.memory_space<vmem>>, vector<16xf32>,
        %mul3A_1017 = vector.broadcast %squeeze3A_1009 : f32 to vector<16xf32>
        %mul3A_1018 = arith.mulf %get3A_1016, %mul3A_1017 : vector<16xf32>
        %swap3A_1019 = arith.index_cast %add3A_1013 : i32 to index
        %swap3A_1020 = arith.constant 0 : index
        %swap3A_1021 = tpu.vector_load %arg25[%swap3A_1019, %swap3A_1020] {strides = array<i32>} : memref<128x128xf32, #tpu.memory_space<vmem>>, vector<16xf32>,
        tpu.vector_store %arg25[%swap3A_1019, %swap3A_1020], %mul3A_1018 {strides = array<i32>} : memref<128x128xf32, #tpu.memory_space<vmem>>, vector<16xf32>,
        %get3A_1022 = arith.index_cast %add3A_1013 : i32 to index
        %get3A_1023 = arith.constant 16 : index
        %get3A_1024 = tpu.vector_load %arg25[%get3A_1022, %get3A_1023] {strides = array<i32>} : memref<128x128xf32, #tpu.memory_space<vmem>>, vector<16xf32>,
        %mul3A_1025 = vector.broadcast %squeeze3A_1009 : f32 to vector<16xf32>
        %mul3A_1026 = arith.mulf %get3A_1024, %mul3A_1025 : vector<16xf32>
        %swap3A_1027 = arith.index_cast %add3A_1013 : i32 to index
        %swap3A_1028 = arith.constant 16 : index
        %swap3A_1029 = tpu.vector_load %arg25[%swap3A_1027, %swap3A_1028] {strides = array<i32>} : memref<128x128xf32, #tpu.memory_space<vmem>>, vector<16xf32>,
        tpu.vector_store %arg25[%swap3A_1027, %swap3A_1028], %mul3A_1026 {strides = array<i32>} : memref<128x128xf32, #tpu.memory_space<vmem>>, vector<16xf32>,
        %get3A_1030 = arith.index_cast %add3A_1013 : i32 to index
        %get3A_1031 = arith.constant 32 : index
        %get3A_1032 = tpu.vector_load %arg25[%get3A_1030, %get3A_1031] {strides = array<i32>} : memref<128x128xf32, #tpu.memory_space<vmem>>, vector<16xf32>,
        %mul3A_1033 = vector.broadcast %squeeze3A_1009 : f32 to vector<16xf32>
        %mul3A_1034 = arith.mulf %get3A_1032, %mul3A_1033 : vector<16xf32>
        %swap3A_1035 = arith.index_cast %add3A_1013 : i32 to index
        %swap3A_1036 = arith.constant 32 : index
        %swap3A_1037 = tpu.vector_load %arg25[%swap3A_1035, %swap3A_1036] {strides = array<i32>} : memref<128x128xf32, #tpu.memory_space<vmem>>, vector<16xf32>,
        tpu.vector_store %arg25[%swap3A_1035, %swap3A_1036], %mul3A_1034 {strides = array<i32>} : memref<128x128xf32, #tpu.memory_space<vmem>>, vector<16xf32>,
        %get3A_1038 = arith.index_cast %add3A_1013 : i32 to index
        %get3A_1039 = arith.constant 48 : index
        %get3A_1040 = tpu.vector_load %arg25[%get3A_1038, %get3A_1039] {strides = array<i32>} : memref<128x128xf32, #tpu.memory_space<vmem>>, vector<16xf32>,
        %mul3A_1041 = vector.broadcast %squeeze3A_1009 : f32 to vector<16xf32>
        %mul3A_1042 = arith.mulf %get3A_1040, %mul3A_1041 : vector<16xf32>
        %swap3A_1043 = arith.index_cast %add3A_1013 : i32 to index
        %swap3A_1044 = arith.constant 48 : index
        %swap3A_1045 = tpu.vector_load %arg25[%swap3A_1043, %swap3A_1044] {strides = array<i32>} : memref<128x128xf32, #tpu.memory_space<vmem>>, vector<16xf32>,
        tpu.vector_store %arg25[%swap3A_1043, %swap3A_1044], %mul3A_1042 {strides = array<i32>} : memref<128x128xf32, #tpu.memory_space<vmem>>, vector<16xf32>,
        %get3A_1046 = arith.index_cast %add3A_1013 : i32 to index
        %get3A_1047 = arith.constant 64 : index
        %get3A_1048 = tpu.vector_load %arg25[%get3A_1046, %get3A_1047] {strides = array<i32>} : memref<128x128xf32, #tpu.memory_space<vmem>>, vector<16xf32>,
        %mul3A_1049 = vector.broadcast %squeeze3A_1009 : f32 to vector<16xf32>
        %mul3A_1050 = arith.mulf %get3A_1048, %mul3A_1049 : vector<16xf32>
        %swap3A_1051 = arith.index_cast %add3A_1013 : i32 to index
        %swap3A_1052 = arith.constant 64 : index
        %swap3A_1053 = tpu.vector_load %arg25[%swap3A_1051, %swap3A_1052] {strides = array<i32>} : memref<128x128xf32, #tpu.memory_space<vmem>>, vector<16xf32>,
        tpu.vector_store %arg25[%swap3A_1051, %swap3A_1052], %mul3A_1050 {strides = array<i32>} : memref<128x128xf32, #tpu.memory_space<vmem>>, vector<16xf32>,
        %get3A_1054 = arith.index_cast %add3A_1013 : i32 to index
        %get3A_1055 = arith.constant 80 : index
        %get3A_1056 = tpu.vector_load %arg25[%get3A_1054, %get3A_1055] {strides = array<i32>} : memref<128x128xf32, #tpu.memory_space<vmem>>, vector<16xf32>,
        %mul3A_1057 = vector.broadcast %squeeze3A_1009 : f32 to vector<16xf32>
        %mul3A_1058 = arith.mulf %get3A_1056, %mul3A_1057 : vector<16xf32>
        %swap3A_1059 = arith.index_cast %add3A_1013 : i32 to index
        %swap3A_1060 = arith.constant 80 : index
        %swap3A_1061 = tpu.vector_load %arg25[%swap3A_1059, %swap3A_1060] {strides = array<i32>} : memref<128x128xf32, #tpu.memory_space<vmem>>, vector<16xf32>,
        tpu.vector_store %arg25[%swap3A_1059, %swap3A_1060], %mul3A_1058 {strides = array<i32>} : memref<128x128xf32, #tpu.memory_space<vmem>>, vector<16xf32>,
        %get3A_1062 = arith.index_cast %add3A_1013 : i32 to index
        %get3A_1063 = arith.constant 96 : index
        %get3A_1064 = tpu.vector_load %arg25[%get3A_1062, %get3A_1063] {strides = array<i32>} : memref<128x128xf32, #tpu.memory_space<vmem>>, vector<16xf32>,
        %mul3A_1065 = vector.broadcast %squeeze3A_1009 : f32 to vector<16xf32>
        %mul3A_1066 = arith.mulf %get3A_1064, %mul3A_1065 : vector<16xf32>
        %swap3A_1067 = arith.index_cast %add3A_1013 : i32 to index
        %swap3A_1068 = arith.constant 96 : index
        %swap3A_1069 = tpu.vector_load %arg25[%swap3A_1067, %swap3A_1068] {strides = array<i32>} : memref<128x128xf32, #tpu.memory_space<vmem>>, vector<16xf32>,
        tpu.vector_store %arg25[%swap3A_1067, %swap3A_1068], %mul3A_1066 {strides = array<i32>} : memref<128x128xf32, #tpu.memory_space<vmem>>, vector<16xf32>,
        %get3A_1070 = arith.index_cast %add3A_1013 : i32 to index
        %get3A_1071 = arith.constant 112 : index
        %get3A_1072 = tpu.vector_load %arg25[%get3A_1070, %get3A_1071] {strides = array<i32>} : memref<128x128xf32, #tpu.memory_space<vmem>>, vector<16xf32>,
        %mul3A_1073 = vector.broadcast %squeeze3A_1009 : f32 to vector<16xf32>
        %mul3A_1074 = arith.mulf %get3A_1072, %mul3A_1073 : vector<16xf32>
        %swap3A_1075 = arith.index_cast %add3A_1013 : i32 to index
        %swap3A_1076 = arith.constant 112 : index
        %swap3A_1077 = tpu.vector_load %arg25[%swap3A_1075, %swap3A_1076] {strides = array<i32>} : memref<128x128xf32, #tpu.memory_space<vmem>>, vector<16xf32>,
        tpu.vector_store %arg25[%swap3A_1075, %swap3A_1076], %mul3A_1074 {strides = array<i32>} : memref<128x128xf32, #tpu.memory_space<vmem>>, vector<16xf32>,
        %slice3A_1078 = vector.extract_strided_slice %get3A_729 {offsets = [5], sizes = [1], strides = [1]} : vector<16xf32> to vector<1xf32>
        %squeeze3A_1079 = vector.extract %slice3A_1078[0] : f32 from vector<1xf32>
        %mul3A_1080 = arith.constant 16 : i32
        %mul3A_1081 = arith.muli %scan3A_725, %mul3A_1080 : i32
        %add3A_1082 = arith.constant 5 : i32
        %add3A_1083 = arith.addi %mul3A_1081, %add3A_1082 : i32
        %get3A_1084 = arith.index_cast %add3A_1083 : i32 to index
        %get3A_1085 = arith.constant 0 : index
        %get3A_1086 = tpu.vector_load %arg25[%get3A_1084, %get3A_1085] {strides = array<i32>} : memref<128x128xf32, #tpu.memory_space<vmem>>, vector<16xf32>,
        %mul3A_1087 = vector.broadcast %squeeze3A_1079 : f32 to vector<16xf32>
        %mul3A_1088 = arith.mulf %get3A_1086, %mul3A_1087 : vector<16xf32>
        %swap3A_1089 = arith.index_cast %add3A_1083 : i32 to index
        %swap3A_1090 = arith.constant 0 : index
        %swap3A_1091 = tpu.vector_load %arg25[%swap3A_1089, %swap3A_1090] {strides = array<i32>} : memref<128x128xf32, #tpu.memory_space<vmem>>, vector<16xf32>,
        tpu.vector_store %arg25[%swap3A_1089, %swap3A_1090], %mul3A_1088 {strides = array<i32>} : memref<128x128xf32, #tpu.memory_space<vmem>>, vector<16xf32>,
        %get3A_1092 = arith.index_cast %add3A_1083 : i32 to index
        %get3A_1093 = arith.constant 16 : index
        %get3A_1094 = tpu.vector_load %arg25[%get3A_1092, %get3A_1093] {strides = array<i32>} : memref<128x128xf32, #tpu.memory_space<vmem>>, vector<16xf32>,
        %mul3A_1095 = vector.broadcast %squeeze3A_1079 : f32 to vector<16xf32>
        %mul3A_1096 = arith.mulf %get3A_1094, %mul3A_1095 : vector<16xf32>
        %swap3A_1097 = arith.index_cast %add3A_1083 : i32 to index
        %swap3A_1098 = arith.constant 16 : index
        %swap3A_1099 = tpu.vector_load %arg25[%swap3A_1097, %swap3A_1098] {strides = array<i32>} : memref<128x128xf32, #tpu.memory_space<vmem>>, vector<16xf32>,
        tpu.vector_store %arg25[%swap3A_1097, %swap3A_1098], %mul3A_1096 {strides = array<i32>} : memref<128x128xf32, #tpu.memory_space<vmem>>, vector<16xf32>,
        %get3A_1100 = arith.index_cast %add3A_1083 : i32 to index
        %get3A_1101 = arith.constant 32 : index
        %get3A_1102 = tpu.vector_load %arg25[%get3A_1100, %get3A_1101] {strides = array<i32>} : memref<128x128xf32, #tpu.memory_space<vmem>>, vector<16xf32>,
        %mul3A_1103 = vector.broadcast %squeeze3A_1079 : f32 to vector<16xf32>
        %mul3A_1104 = arith.mulf %get3A_1102, %mul3A_1103 : vector<16xf32>
        %swap3A_1105 = arith.index_cast %add3A_1083 : i32 to index
        %swap3A_1106 = arith.constant 32 : index
        %swap3A_1107 = tpu.vector_load %arg25[%swap3A_1105, %swap3A_1106] {strides = array<i32>} : memref<128x128xf32, #tpu.memory_space<vmem>>, vector<16xf32>,
        tpu.vector_store %arg25[%swap3A_1105, %swap3A_1106], %mul3A_1104 {strides = array<i32>} : memref<128x128xf32, #tpu.memory_space<vmem>>, vector<16xf32>,
        %get3A_1108 = arith.index_cast %add3A_1083 : i32 to index
        %get3A_1109 = arith.constant 48 : index
        %get3A_1110 = tpu.vector_load %arg25[%get3A_1108, %get3A_1109] {strides = array<i32>} : memref<128x128xf32, #tpu.memory_space<vmem>>, vector<16xf32>,
        %mul3A_1111 = vector.broadcast %squeeze3A_1079 : f32 to vector<16xf32>
        %mul3A_1112 = arith.mulf %get3A_1110, %mul3A_1111 : vector<16xf32>
        %swap3A_1113 = arith.index_cast %add3A_1083 : i32 to index
        %swap3A_1114 = arith.constant 48 : index
        %swap3A_1115 = tpu.vector_load %arg25[%swap3A_1113, %swap3A_1114] {strides = array<i32>} : memref<128x128xf32, #tpu.memory_space<vmem>>, vector<16xf32>,
        tpu.vector_store %arg25[%swap3A_1113, %swap3A_1114], %mul3A_1112 {strides = array<i32>} : memref<128x128xf32, #tpu.memory_space<vmem>>, vector<16xf32>,
        %get3A_1116 = arith.index_cast %add3A_1083 : i32 to index
        %get3A_1117 = arith.constant 64 : index
        %get3A_1118 = tpu.vector_load %arg25[%get3A_1116, %get3A_1117] {strides = array<i32>} : memref<128x128xf32, #tpu.memory_space<vmem>>, vector<16xf32>,
        %mul3A_1119 = vector.broadcast %squeeze3A_1079 : f32 to vector<16xf32>
        %mul3A_1120 = arith.mulf %get3A_1118, %mul3A_1119 : vector<16xf32>
        %swap3A_1121 = arith.index_cast %add3A_1083 : i32 to index
        %swap3A_1122 = arith.constant 64 : index
        %swap3A_1123 = tpu.vector_load %arg25[%swap3A_1121, %swap3A_1122] {strides = array<i32>} : memref<128x128xf32, #tpu.memory_space<vmem>>, vector<16xf32>,
        tpu.vector_store %arg25[%swap3A_1121, %swap3A_1122], %mul3A_1120 {strides = array<i32>} : memref<128x128xf32, #tpu.memory_space<vmem>>, vector<16xf32>,
        %get3A_1124 = arith.index_cast %add3A_1083 : i32 to index
        %get3A_1125 = arith.constant 80 : index
        %get3A_1126 = tpu.vector_load %arg25[%get3A_1124, %get3A_1125] {strides = array<i32>} : memref<128x128xf32, #tpu.memory_space<vmem>>, vector<16xf32>,
        %mul3A_1127 = vector.broadcast %squeeze3A_1079 : f32 to vector<16xf32>
        %mul3A_1128 = arith.mulf %get3A_1126, %mul3A_1127 : vector<16xf32>
        %swap3A_1129 = arith.index_cast %add3A_1083 : i32 to index
        %swap3A_1130 = arith.constant 80 : index
        %swap3A_1131 = tpu.vector_load %arg25[%swap3A_1129, %swap3A_1130] {strides = array<i32>} : memref<128x128xf32, #tpu.memory_space<vmem>>, vector<16xf32>,
        tpu.vector_store %arg25[%swap3A_1129, %swap3A_1130], %mul3A_1128 {strides = array<i32>} : memref<128x128xf32, #tpu.memory_space<vmem>>, vector<16xf32>,
        %get3A_1132 = arith.index_cast %add3A_1083 : i32 to index
        %get3A_1133 = arith.constant 96 : index
        %get3A_1134 = tpu.vector_load %arg25[%get3A_1132, %get3A_1133] {strides = array<i32>} : memref<128x128xf32, #tpu.memory_space<vmem>>, vector<16xf32>,
        %mul3A_1135 = vector.broadcast %squeeze3A_1079 : f32 to vector<16xf32>
        %mul3A_1136 = arith.mulf %get3A_1134, %mul3A_1135 : vector<16xf32>
        %swap3A_1137 = arith.index_cast %add3A_1083 : i32 to index
        %swap3A_1138 = arith.constant 96 : index
        %swap3A_1139 = tpu.vector_load %arg25[%swap3A_1137, %swap3A_1138] {strides = array<i32>} : memref<128x128xf32, #tpu.memory_space<vmem>>, vector<16xf32>,
        tpu.vector_store %arg25[%swap3A_1137, %swap3A_1138], %mul3A_1136 {strides = array<i32>} : memref<128x128xf32, #tpu.memory_space<vmem>>, vector<16xf32>,
        %get3A_1140 = arith.index_cast %add3A_1083 : i32 to index
        %get3A_1141 = arith.constant 112 : index
        %get3A_1142 = tpu.vector_load %arg25[%get3A_1140, %get3A_1141] {strides = array<i32>} : memref<128x128xf32, #tpu.memory_space<vmem>>, vector<16xf32>,
        %mul3A_1143 = vector.broadcast %squeeze3A_1079 : f32 to vector<16xf32>
        %mul3A_1144 = arith.mulf %get3A_1142, %mul3A_1143 : vector<16xf32>
        %swap3A_1145 = arith.index_cast %add3A_1083 : i32 to index
        %swap3A_1146 = arith.constant 112 : index
        %swap3A_1147 = tpu.vector_load %arg25[%swap3A_1145, %swap3A_1146] {strides = array<i32>} : memref<128x128xf32, #tpu.memory_space<vmem>>, vector<16xf32>,
        tpu.vector_store %arg25[%swap3A_1145, %swap3A_1146], %mul3A_1144 {strides = array<i32>} : memref<128x128xf32, #tpu.memory_space<vmem>>, vector<16xf32>,
        %slice3A_1148 = vector.extract_strided_slice %get3A_729 {offsets = [6], sizes = [1], strides = [1]} : vector<16xf32> to vector<1xf32>
        %squeeze3A_1149 = vector.extract %slice3A_1148[0] : f32 from vector<1xf32>
        %mul3A_1150 = arith.constant 16 : i32
        %mul3A_1151 = arith.muli %scan3A_725, %mul3A_1150 : i32
        %add3A_1152 = arith.constant 6 : i32
        %add3A_1153 = arith.addi %mul3A_1151, %add3A_1152 : i32
        %get3A_1154 = arith.index_cast %add3A_1153 : i32 to index
        %get3A_1155 = arith.constant 0 : index
        %get3A_1156 = tpu.vector_load %arg25[%get3A_1154, %get3A_1155] {strides = array<i32>} : memref<128x128xf32, #tpu.memory_space<vmem>>, vector<16xf32>,
        %mul3A_1157 = vector.broadcast %squeeze3A_1149 : f32 to vector<16xf32>
        %mul3A_1158 = arith.mulf %get3A_1156, %mul3A_1157 : vector<16xf32>
        %swap3A_1159 = arith.index_cast %add3A_1153 : i32 to index
        %swap3A_1160 = arith.constant 0 : index
        %swap3A_1161 = tpu.vector_load %arg25[%swap3A_1159, %swap3A_1160] {strides = array<i32>} : memref<128x128xf32, #tpu.memory_space<vmem>>, vector<16xf32>,
        tpu.vector_store %arg25[%swap3A_1159, %swap3A_1160], %mul3A_1158 {strides = array<i32>} : memref<128x128xf32, #tpu.memory_space<vmem>>, vector<16xf32>,
        %get3A_1162 = arith.index_cast %add3A_1153 : i32 to index
        %get3A_1163 = arith.constant 16 : index
        %get3A_1164 = tpu.vector_load %arg25[%get3A_1162, %get3A_1163] {strides = array<i32>} : memref<128x128xf32, #tpu.memory_space<vmem>>, vector<16xf32>,
        %mul3A_1165 = vector.broadcast %squeeze3A_1149 : f32 to vector<16xf32>
        %mul3A_1166 = arith.mulf %get3A_1164, %mul3A_1165 : vector<16xf32>
        %swap3A_1167 = arith.index_cast %add3A_1153 : i32 to index
        %swap3A_1168 = arith.constant 16 : index
        %swap3A_1169 = tpu.vector_load %arg25[%swap3A_1167, %swap3A_1168] {strides = array<i32>} : memref<128x128xf32, #tpu.memory_space<vmem>>, vector<16xf32>,
        tpu.vector_store %arg25[%swap3A_1167, %swap3A_1168], %mul3A_1166 {strides = array<i32>} : memref<128x128xf32, #tpu.memory_space<vmem>>, vector<16xf32>,
        %get3A_1170 = arith.index_cast %add3A_1153 : i32 to index
        %get3A_1171 = arith.constant 32 : index
        %get3A_1172 = tpu.vector_load %arg25[%get3A_1170, %get3A_1171] {strides = array<i32>} : memref<128x128xf32, #tpu.memory_space<vmem>>, vector<16xf32>,
        %mul3A_1173 = vector.broadcast %squeeze3A_1149 : f32 to vector<16xf32>
        %mul3A_1174 = arith.mulf %get3A_1172, %mul3A_1173 : vector<16xf32>
        %swap3A_1175 = arith.index_cast %add3A_1153 : i32 to index
        %swap3A_1176 = arith.constant 32 : index
        %swap3A_1177 = tpu.vector_load %arg25[%swap3A_1175, %swap3A_1176] {strides = array<i32>} : memref<128x128xf32, #tpu.memory_space<vmem>>, vector<16xf32>,
        tpu.vector_store %arg25[%swap3A_1175, %swap3A_1176], %mul3A_1174 {strides = array<i32>} : memref<128x128xf32, #tpu.memory_space<vmem>>, vector<16xf32>,
        %get3A_1178 = arith.index_cast %add3A_1153 : i32 to index
        %get3A_1179 = arith.constant 48 : index
        %get3A_1180 = tpu.vector_load %arg25[%get3A_1178, %get3A_1179] {strides = array<i32>} : memref<128x128xf32, #tpu.memory_space<vmem>>, vector<16xf32>,
        %mul3A_1181 = vector.broadcast %squeeze3A_1149 : f32 to vector<16xf32>
        %mul3A_1182 = arith.mulf %get3A_1180, %mul3A_1181 : vector<16xf32>
        %swap3A_1183 = arith.index_cast %add3A_1153 : i32 to index
        %swap3A_1184 = arith.constant 48 : index
        %swap3A_1185 = tpu.vector_load %arg25[%swap3A_1183, %swap3A_1184] {strides = array<i32>} : memref<128x128xf32, #tpu.memory_space<vmem>>, vector<16xf32>,
        tpu.vector_store %arg25[%swap3A_1183, %swap3A_1184], %mul3A_1182 {strides = array<i32>} : memref<128x128xf32, #tpu.memory_space<vmem>>, vector<16xf32>,
        %get3A_1186 = arith.index_cast %add3A_1153 : i32 to index
        %get3A_1187 = arith.constant 64 : index
        %get3A_1188 = tpu.vector_load %arg25[%get3A_1186, %get3A_1187] {strides = array<i32>} : memref<128x128xf32, #tpu.memory_space<vmem>>, vector<16xf32>,
        %mul3A_1189 = vector.broadcast %squeeze3A_1149 : f32 to vector<16xf32>
        %mul3A_1190 = arith.mulf %get3A_1188, %mul3A_1189 : vector<16xf32>
        %swap3A_1191 = arith.index_cast %add3A_1153 : i32 to index
        %swap3A_1192 = arith.constant 64 : index
        %swap3A_1193 = tpu.vector_load %arg25[%swap3A_1191, %swap3A_1192] {strides = array<i32>} : memref<128x128xf32, #tpu.memory_space<vmem>>, vector<16xf32>,
        tpu.vector_store %arg25[%swap3A_1191, %swap3A_1192], %mul3A_1190 {strides = array<i32>} : memref<128x128xf32, #tpu.memory_space<vmem>>, vector<16xf32>,
        %get3A_1194 = arith.index_cast %add3A_1153 : i32 to index
        %get3A_1195 = arith.constant 80 : index
        %get3A_1196 = tpu.vector_load %arg25[%get3A_1194, %get3A_1195] {strides = array<i32>} : memref<128x128xf32, #tpu.memory_space<vmem>>, vector<16xf32>,
        %mul3A_1197 = vector.broadcast %squeeze3A_1149 : f32 to vector<16xf32>
        %mul3A_1198 = arith.mulf %get3A_1196, %mul3A_1197 : vector<16xf32>
        %swap3A_1199 = arith.index_cast %add3A_1153 : i32 to index
        %swap3A_1200 = arith.constant 80 : index
        %swap3A_1201 = tpu.vector_load %arg25[%swap3A_1199, %swap3A_1200] {strides = array<i32>} : memref<128x128xf32, #tpu.memory_space<vmem>>, vector<16xf32>,
        tpu.vector_store %arg25[%swap3A_1199, %swap3A_1200], %mul3A_1198 {strides = array<i32>} : memref<128x128xf32, #tpu.memory_space<vmem>>, vector<16xf32>,
        %get3A_1202 = arith.index_cast %add3A_1153 : i32 to index
        %get3A_1203 = arith.constant 96 : index
        %get3A_1204 = tpu.vector_load %arg25[%get3A_1202, %get3A_1203] {strides = array<i32>} : memref<128x128xf32, #tpu.memory_space<vmem>>, vector<16xf32>,
        %mul3A_1205 = vector.broadcast %squeeze3A_1149 : f32 to vector<16xf32>
        %mul3A_1206 = arith.mulf %get3A_1204, %mul3A_1205 : vector<16xf32>
        %swap3A_1207 = arith.index_cast %add3A_1153 : i32 to index
        %swap3A_1208 = arith.constant 96 : index
        %swap3A_1209 = tpu.vector_load %arg25[%swap3A_1207, %swap3A_1208] {strides = array<i32>} : memref<128x128xf32, #tpu.memory_space<vmem>>, vector<16xf32>,
        tpu.vector_store %arg25[%swap3A_1207, %swap3A_1208], %mul3A_1206 {strides = array<i32>} : memref<128x128xf32, #tpu.memory_space<vmem>>, vector<16xf32>,
        %get3A_1210 = arith.index_cast %add3A_1153 : i32 to index
        %get3A_1211 = arith.constant 112 : index
        %get3A_1212 = tpu.vector_load %arg25[%get3A_1210, %get3A_1211] {strides = array<i32>} : memref<128x128xf32, #tpu.memory_space<vmem>>, vector<16xf32>,
        %mul3A_1213 = vector.broadcast %squeeze3A_1149 : f32 to vector<16xf32>
        %mul3A_1214 = arith.mulf %get3A_1212, %mul3A_1213 : vector<16xf32>
        %swap3A_1215 = arith.index_cast %add3A_1153 : i32 to index
        %swap3A_1216 = arith.constant 112 : index
        %swap3A_1217 = tpu.vector_load %arg25[%swap3A_1215, %swap3A_1216] {strides = array<i32>} : memref<128x128xf32, #tpu.memory_space<vmem>>, vector<16xf32>,
        tpu.vector_store %arg25[%swap3A_1215, %swap3A_1216], %mul3A_1214 {strides = array<i32>} : memref<128x128xf32, #tpu.memory_space<vmem>>, vector<16xf32>,
        %slice3A_1218 = vector.extract_strided_slice %get3A_729 {offsets = [7], sizes = [1], strides = [1]} : vector<16xf32> to vector<1xf32>
        %squeeze3A_1219 = vector.extract %slice3A_1218[0] : f32 from vector<1xf32>
        %mul3A_1220 = arith.constant 16 : i32
        %mul3A_1221 = arith.muli %scan3A_725, %mul3A_1220 : i32
        %add3A_1222 = arith.constant 7 : i32
        %add3A_1223 = arith.addi %mul3A_1221, %add3A_1222 : i32
        %get3A_1224 = arith.index_cast %add3A_1223 : i32 to index
        %get3A_1225 = arith.constant 0 : index
        %get3A_1226 = tpu.vector_load %arg25[%get3A_1224, %get3A_1225] {strides = array<i32>} : memref<128x128xf32, #tpu.memory_space<vmem>>, vector<16xf32>,
        %mul3A_1227 = vector.broadcast %squeeze3A_1219 : f32 to vector<16xf32>
        %mul3A_1228 = arith.mulf %get3A_1226, %mul3A_1227 : vector<16xf32>
        %swap3A_1229 = arith.index_cast %add3A_1223 : i32 to index
        %swap3A_1230 = arith.constant 0 : index
        %swap3A_1231 = tpu.vector_load %arg25[%swap3A_1229, %swap3A_1230] {strides = array<i32>} : memref<128x128xf32, #tpu.memory_space<vmem>>, vector<16xf32>,
        tpu.vector_store %arg25[%swap3A_1229, %swap3A_1230], %mul3A_1228 {strides = array<i32>} : memref<128x128xf32, #tpu.memory_space<vmem>>, vector<16xf32>,
        %get3A_1232 = arith.index_cast %add3A_1223 : i32 to index
        %get3A_1233 = arith.constant 16 : index
        %get3A_1234 = tpu.vector_load %arg25[%get3A_1232, %get3A_1233] {strides = array<i32>} : memref<128x128xf32, #tpu.memory_space<vmem>>, vector<16xf32>,
        %mul3A_1235 = vector.broadcast %squeeze3A_1219 : f32 to vector<16xf32>
        %mul3A_1236 = arith.mulf %get3A_1234, %mul3A_1235 : vector<16xf32>
        %swap3A_1237 = arith.index_cast %add3A_1223 : i32 to index
        %swap3A_1238 = arith.constant 16 : index
        %swap3A_1239 = tpu.vector_load %arg25[%swap3A_1237, %swap3A_1238] {strides = array<i32>} : memref<128x128xf32, #tpu.memory_space<vmem>>, vector<16xf32>,
        tpu.vector_store %arg25[%swap3A_1237, %swap3A_1238], %mul3A_1236 {strides = array<i32>} : memref<128x128xf32, #tpu.memory_space<vmem>>, vector<16xf32>,
        %get3A_1240 = arith.index_cast %add3A_1223 : i32 to index
        %get3A_1241 = arith.constant 32 : index
        %get3A_1242 = tpu.vector_load %arg25[%get3A_1240, %get3A_1241] {strides = array<i32>} : memref<128x128xf32, #tpu.memory_space<vmem>>, vector<16xf32>,
        %mul3A_1243 = vector.broadcast %squeeze3A_1219 : f32 to vector<16xf32>
        %mul3A_1244 = arith.mulf %get3A_1242, %mul3A_1243 : vector<16xf32>
        %swap3A_1245 = arith.index_cast %add3A_1223 : i32 to index
        %swap3A_1246 = arith.constant 32 : index
        %swap3A_1247 = tpu.vector_load %arg25[%swap3A_1245, %swap3A_1246] {strides = array<i32>} : memref<128x128xf32, #tpu.memory_space<vmem>>, vector<16xf32>,
        tpu.vector_store %arg25[%swap3A_1245, %swap3A_1246], %mul3A_1244 {strides = array<i32>} : memref<128x128xf32, #tpu.memory_space<vmem>>, vector<16xf32>,
        %get3A_1248 = arith.index_cast %add3A_1223 : i32 to index
        %get3A_1249 = arith.constant 48 : index
        %get3A_1250 = tpu.vector_load %arg25[%get3A_1248, %get3A_1249] {strides = array<i32>} : memref<128x128xf32, #tpu.memory_space<vmem>>, vector<16xf32>,
        %mul3A_1251 = vector.broadcast %squeeze3A_1219 : f32 to vector<16xf32>
        %mul3A_1252 = arith.mulf %get3A_1250, %mul3A_1251 : vector<16xf32>
        %swap3A_1253 = arith.index_cast %add3A_1223 : i32 to index
        %swap3A_1254 = arith.constant 48 : index
        %swap3A_1255 = tpu.vector_load %arg25[%swap3A_1253, %swap3A_1254] {strides = array<i32>} : memref<128x128xf32, #tpu.memory_space<vmem>>, vector<16xf32>,
        tpu.vector_store %arg25[%swap3A_1253, %swap3A_1254], %mul3A_1252 {strides = array<i32>} : memref<128x128xf32, #tpu.memory_space<vmem>>, vector<16xf32>,
        %get3A_1256 = arith.index_cast %add3A_1223 : i32 to index
        %get3A_1257 = arith.constant 64 : index
        %get3A_1258 = tpu.vector_load %arg25[%get3A_1256, %get3A_1257] {strides = array<i32>} : memref<128x128xf32, #tpu.memory_space<vmem>>, vector<16xf32>,
        %mul3A_1259 = vector.broadcast %squeeze3A_1219 : f32 to vector<16xf32>
        %mul3A_1260 = arith.mulf %get3A_1258, %mul3A_1259 : vector<16xf32>
        %swap3A_1261 = arith.index_cast %add3A_1223 : i32 to index
        %swap3A_1262 = arith.constant 64 : index
        %swap3A_1263 = tpu.vector_load %arg25[%swap3A_1261, %swap3A_1262] {strides = array<i32>} : memref<128x128xf32, #tpu.memory_space<vmem>>, vector<16xf32>,
        tpu.vector_store %arg25[%swap3A_1261, %swap3A_1262], %mul3A_1260 {strides = array<i32>} : memref<128x128xf32, #tpu.memory_space<vmem>>, vector<16xf32>,
        %get3A_1264 = arith.index_cast %add3A_1223 : i32 to index
        %get3A_1265 = arith.constant 80 : index
        %get3A_1266 = tpu.vector_load %arg25[%get3A_1264, %get3A_1265] {strides = array<i32>} : memref<128x128xf32, #tpu.memory_space<vmem>>, vector<16xf32>,
        %mul3A_1267 = vector.broadcast %squeeze3A_1219 : f32 to vector<16xf32>
        %mul3A_1268 = arith.mulf %get3A_1266, %mul3A_1267 : vector<16xf32>
        %swap3A_1269 = arith.index_cast %add3A_1223 : i32 to index
        %swap3A_1270 = arith.constant 80 : index
        %swap3A_1271 = tpu.vector_load %arg25[%swap3A_1269, %swap3A_1270] {strides = array<i32>} : memref<128x128xf32, #tpu.memory_space<vmem>>, vector<16xf32>,
        tpu.vector_store %arg25[%swap3A_1269, %swap3A_1270], %mul3A_1268 {strides = array<i32>} : memref<128x128xf32, #tpu.memory_space<vmem>>, vector<16xf32>,
        %get3A_1272 = arith.index_cast %add3A_1223 : i32 to index
        %get3A_1273 = arith.constant 96 : index
        %get3A_1274 = tpu.vector_load %arg25[%get3A_1272, %get3A_1273] {strides = array<i32>} : memref<128x128xf32, #tpu.memory_space<vmem>>, vector<16xf32>,
        %mul3A_1275 = vector.broadcast %squeeze3A_1219 : f32 to vector<16xf32>
        %mul3A_1276 = arith.mulf %get3A_1274, %mul3A_1275 : vector<16xf32>
        %swap3A_1277 = arith.index_cast %add3A_1223 : i32 to index
        %swap3A_1278 = arith.constant 96 : index
        %swap3A_1279 = tpu.vector_load %arg25[%swap3A_1277, %swap3A_1278] {strides = array<i32>} : memref<128x128xf32, #tpu.memory_space<vmem>>, vector<16xf32>,
        tpu.vector_store %arg25[%swap3A_1277, %swap3A_1278], %mul3A_1276 {strides = array<i32>} : memref<128x128xf32, #tpu.memory_space<vmem>>, vector<16xf32>,
        %get3A_1280 = arith.index_cast %add3A_1223 : i32 to index
        %get3A_1281 = arith.constant 112 : index
        %get3A_1282 = tpu.vector_load %arg25[%get3A_1280, %get3A_1281] {strides = array<i32>} : memref<128x128xf32, #tpu.memory_space<vmem>>, vector<16xf32>,
        %mul3A_1283 = vector.broadcast %squeeze3A_1219 : f32 to vector<16xf32>
        %mul3A_1284 = arith.mulf %get3A_1282, %mul3A_1283 : vector<16xf32>
        %swap3A_1285 = arith.index_cast %add3A_1223 : i32 to index
        %swap3A_1286 = arith.constant 112 : index
        %swap3A_1287 = tpu.vector_load %arg25[%swap3A_1285, %swap3A_1286] {strides = array<i32>} : memref<128x128xf32, #tpu.memory_space<vmem>>, vector<16xf32>,
        tpu.vector_store %arg25[%swap3A_1285, %swap3A_1286], %mul3A_1284 {strides = array<i32>} : memref<128x128xf32, #tpu.memory_space<vmem>>, vector<16xf32>,
        %slice3A_1288 = vector.extract_strided_slice %get3A_729 {offsets = [8], sizes = [1], strides = [1]} : vector<16xf32> to vector<1xf32>
        %squeeze3A_1289 = vector.extract %slice3A_1288[0] : f32 from vector<1xf32>
        %mul3A_1290 = arith.constant 16 : i32
        %mul3A_1291 = arith.muli %scan3A_725, %mul3A_1290 : i32
        %add3A_1292 = arith.constant 8 : i32
        %add3A_1293 = arith.addi %mul3A_1291, %add3A_1292 : i32
        %get3A_1294 = arith.index_cast %add3A_1293 : i32 to index
        %get3A_1295 = arith.constant 0 : index
        %get3A_1296 = tpu.vector_load %arg25[%get3A_1294, %get3A_1295] {strides = array<i32>} : memref<128x128xf32, #tpu.memory_space<vmem>>, vector<16xf32>,
        %mul3A_1297 = vector.broadcast %squeeze3A_1289 : f32 to vector<16xf32>
        %mul3A_1298 = arith.mulf %get3A_1296, %mul3A_1297 : vector<16xf32>
        %swap3A_1299 = arith.index_cast %add3A_1293 : i32 to index
        %swap3A_1300 = arith.constant 0 : index
        %swap3A_1301 = tpu.vector_load %arg25[%swap3A_1299, %swap3A_1300] {strides = array<i32>} : memref<128x128xf32, #tpu.memory_space<vmem>>, vector<16xf32>,
        tpu.vector_store %arg25[%swap3A_1299, %swap3A_1300], %mul3A_1298 {strides = array<i32>} : memref<128x128xf32, #tpu.memory_space<vmem>>, vector<16xf32>,
        %get3A_1302 = arith.index_cast %add3A_1293 : i32 to index
        %get3A_1303 = arith.constant 16 : index
        %get3A_1304 = tpu.vector_load %arg25[%get3A_1302, %get3A_1303] {strides = array<i32>} : memref<128x128xf32, #tpu.memory_space<vmem>>, vector<16xf32>,
        %mul3A_1305 = vector.broadcast %squeeze3A_1289 : f32 to vector<16xf32>
        %mul3A_1306 = arith.mulf %get3A_1304, %mul3A_1305 : vector<16xf32>
        %swap3A_1307 = arith.index_cast %add3A_1293 : i32 to index
        %swap3A_1308 = arith.constant 16 : index
        %swap3A_1309 = tpu.vector_load %arg25[%swap3A_1307, %swap3A_1308] {strides = array<i32>} : memref<128x128xf32, #tpu.memory_space<vmem>>, vector<16xf32>,
        tpu.vector_store %arg25[%swap3A_1307, %swap3A_1308], %mul3A_1306 {strides = array<i32>} : memref<128x128xf32, #tpu.memory_space<vmem>>, vector<16xf32>,
        %get3A_1310 = arith.index_cast %add3A_1293 : i32 to index
        %get3A_1311 = arith.constant 32 : index
        %get3A_1312 = tpu.vector_load %arg25[%get3A_1310, %get3A_1311] {strides = array<i32>} : memref<128x128xf32, #tpu.memory_space<vmem>>, vector<16xf32>,
        %mul3A_1313 = vector.broadcast %squeeze3A_1289 : f32 to vector<16xf32>
        %mul3A_1314 = arith.mulf %get3A_1312, %mul3A_1313 : vector<16xf32>
        %swap3A_1315 = arith.index_cast %add3A_1293 : i32 to index
        %swap3A_1316 = arith.constant 32 : index
        %swap3A_1317 = tpu.vector_load %arg25[%swap3A_1315, %swap3A_1316] {strides = array<i32>} : memref<128x128xf32, #tpu.memory_space<vmem>>, vector<16xf32>,
        tpu.vector_store %arg25[%swap3A_1315, %swap3A_1316], %mul3A_1314 {strides = array<i32>} : memref<128x128xf32, #tpu.memory_space<vmem>>, vector<16xf32>,
        %get3A_1318 = arith.index_cast %add3A_1293 : i32 to index
        %get3A_1319 = arith.constant 48 : index
        %get3A_1320 = tpu.vector_load %arg25[%get3A_1318, %get3A_1319] {strides = array<i32>} : memref<128x128xf32, #tpu.memory_space<vmem>>, vector<16xf32>,
        %mul3A_1321 = vector.broadcast %squeeze3A_1289 : f32 to vector<16xf32>
        %mul3A_1322 = arith.mulf %get3A_1320, %mul3A_1321 : vector<16xf32>
        %swap3A_1323 = arith.index_cast %add3A_1293 : i32 to index
        %swap3A_1324 = arith.constant 48 : index
        %swap3A_1325 = tpu.vector_load %arg25[%swap3A_1323, %swap3A_1324] {strides = array<i32>} : memref<128x128xf32, #tpu.memory_space<vmem>>, vector<16xf32>,
        tpu.vector_store %arg25[%swap3A_1323, %swap3A_1324], %mul3A_1322 {strides = array<i32>} : memref<128x128xf32, #tpu.memory_space<vmem>>, vector<16xf32>,
        %get3A_1326 = arith.index_cast %add3A_1293 : i32 to index
        %get3A_1327 = arith.constant 64 : index
        %get3A_1328 = tpu.vector_load %arg25[%get3A_1326, %get3A_1327] {strides = array<i32>} : memref<128x128xf32, #tpu.memory_space<vmem>>, vector<16xf32>,
        %mul3A_1329 = vector.broadcast %squeeze3A_1289 : f32 to vector<16xf32>
        %mul3A_1330 = arith.mulf %get3A_1328, %mul3A_1329 : vector<16xf32>
        %swap3A_1331 = arith.index_cast %add3A_1293 : i32 to index
        %swap3A_1332 = arith.constant 64 : index
        %swap3A_1333 = tpu.vector_load %arg25[%swap3A_1331, %swap3A_1332] {strides = array<i32>} : memref<128x128xf32, #tpu.memory_space<vmem>>, vector<16xf32>,
        tpu.vector_store %arg25[%swap3A_1331, %swap3A_1332], %mul3A_1330 {strides = array<i32>} : memref<128x128xf32, #tpu.memory_space<vmem>>, vector<16xf32>,
        %get3A_1334 = arith.index_cast %add3A_1293 : i32 to index
        %get3A_1335 = arith.constant 80 : index
        %get3A_1336 = tpu.vector_load %arg25[%get3A_1334, %get3A_1335] {strides = array<i32>} : memref<128x128xf32, #tpu.memory_space<vmem>>, vector<16xf32>,
        %mul3A_1337 = vector.broadcast %squeeze3A_1289 : f32 to vector<16xf32>
        %mul3A_1338 = arith.mulf %get3A_1336, %mul3A_1337 : vector<16xf32>
        %swap3A_1339 = arith.index_cast %add3A_1293 : i32 to index
        %swap3A_1340 = arith.constant 80 : index
        %swap3A_1341 = tpu.vector_load %arg25[%swap3A_1339, %swap3A_1340] {strides = array<i32>} : memref<128x128xf32, #tpu.memory_space<vmem>>, vector<16xf32>,
        tpu.vector_store %arg25[%swap3A_1339, %swap3A_1340], %mul3A_1338 {strides = array<i32>} : memref<128x128xf32, #tpu.memory_space<vmem>>, vector<16xf32>,
        %get3A_1342 = arith.index_cast %add3A_1293 : i32 to index
        %get3A_1343 = arith.constant 96 : index
        %get3A_1344 = tpu.vector_load %arg25[%get3A_1342, %get3A_1343] {strides = array<i32>} : memref<128x128xf32, #tpu.memory_space<vmem>>, vector<16xf32>,
        %mul3A_1345 = vector.broadcast %squeeze3A_1289 : f32 to vector<16xf32>
        %mul3A_1346 = arith.mulf %get3A_1344, %mul3A_1345 : vector<16xf32>
        %swap3A_1347 = arith.index_cast %add3A_1293 : i32 to index
        %swap3A_1348 = arith.constant 96 : index
        %swap3A_1349 = tpu.vector_load %arg25[%swap3A_1347, %swap3A_1348] {strides = array<i32>} : memref<128x128xf32, #tpu.memory_space<vmem>>, vector<16xf32>,
        tpu.vector_store %arg25[%swap3A_1347, %swap3A_1348], %mul3A_1346 {strides = array<i32>} : memref<128x128xf32, #tpu.memory_space<vmem>>, vector<16xf32>,
        %get3A_1350 = arith.index_cast %add3A_1293 : i32 to index
        %get3A_1351 = arith.constant 112 : index
        %get3A_1352 = tpu.vector_load %arg25[%get3A_1350, %get3A_1351] {strides = array<i32>} : memref<128x128xf32, #tpu.memory_space<vmem>>, vector<16xf32>,
        %mul3A_1353 = vector.broadcast %squeeze3A_1289 : f32 to vector<16xf32>
        %mul3A_1354 = arith.mulf %get3A_1352, %mul3A_1353 : vector<16xf32>
        %swap3A_1355 = arith.index_cast %add3A_1293 : i32 to index
        %swap3A_1356 = arith.constant 112 : index
        %swap3A_1357 = tpu.vector_load %arg25[%swap3A_1355, %swap3A_1356] {strides = array<i32>} : memref<128x128xf32, #tpu.memory_space<vmem>>, vector<16xf32>,
        tpu.vector_store %arg25[%swap3A_1355, %swap3A_1356], %mul3A_1354 {strides = array<i32>} : memref<128x128xf32, #tpu.memory_space<vmem>>, vector<16xf32>,
        %slice3A_1358 = vector.extract_strided_slice %get3A_729 {offsets = [9], sizes = [1], strides = [1]} : vector<16xf32> to vector<1xf32>
        %squeeze3A_1359 = vector.extract %slice3A_1358[0] : f32 from vector<1xf32>
        %mul3A_1360 = arith.constant 16 : i32
        %mul3A_1361 = arith.muli %scan3A_725, %mul3A_1360 : i32
        %add3A_1362 = arith.constant 9 : i32
        %add3A_1363 = arith.addi %mul3A_1361, %add3A_1362 : i32
        %get3A_1364 = arith.index_cast %add3A_1363 : i32 to index
        %get3A_1365 = arith.constant 0 : index
        %get3A_1366 = tpu.vector_load %arg25[%get3A_1364, %get3A_1365] {strides = array<i32>} : memref<128x128xf32, #tpu.memory_space<vmem>>, vector<16xf32>,
        %mul3A_1367 = vector.broadcast %squeeze3A_1359 : f32 to vector<16xf32>
        %mul3A_1368 = arith.mulf %get3A_1366, %mul3A_1367 : vector<16xf32>
        %swap3A_1369 = arith.index_cast %add3A_1363 : i32 to index
        %swap3A_1370 = arith.constant 0 : index
        %swap3A_1371 = tpu.vector_load %arg25[%swap3A_1369, %swap3A_1370] {strides = array<i32>} : memref<128x128xf32, #tpu.memory_space<vmem>>, vector<16xf32>,
        tpu.vector_store %arg25[%swap3A_1369, %swap3A_1370], %mul3A_1368 {strides = array<i32>} : memref<128x128xf32, #tpu.memory_space<vmem>>, vector<16xf32>,
        %get3A_1372 = arith.index_cast %add3A_1363 : i32 to index
        %get3A_1373 = arith.constant 16 : index
        %get3A_1374 = tpu.vector_load %arg25[%get3A_1372, %get3A_1373] {strides = array<i32>} : memref<128x128xf32, #tpu.memory_space<vmem>>, vector<16xf32>,
        %mul3A_1375 = vector.broadcast %squeeze3A_1359 : f32 to vector<16xf32>
        %mul3A_1376 = arith.mulf %get3A_1374, %mul3A_1375 : vector<16xf32>
        %swap3A_1377 = arith.index_cast %add3A_1363 : i32 to index
        %swap3A_1378 = arith.constant 16 : index
        %swap3A_1379 = tpu.vector_load %arg25[%swap3A_1377, %swap3A_1378] {strides = array<i32>} : memref<128x128xf32, #tpu.memory_space<vmem>>, vector<16xf32>,
        tpu.vector_store %arg25[%swap3A_1377, %swap3A_1378], %mul3A_1376 {strides = array<i32>} : memref<128x128xf32, #tpu.memory_space<vmem>>, vector<16xf32>,
        %get3A_1380 = arith.index_cast %add3A_1363 : i32 to index
        %get3A_1381 = arith.constant 32 : index
        %get3A_1382 = tpu.vector_load %arg25[%get3A_1380, %get3A_1381] {strides = array<i32>} : memref<128x128xf32, #tpu.memory_space<vmem>>, vector<16xf32>,
        %mul3A_1383 = vector.broadcast %squeeze3A_1359 : f32 to vector<16xf32>
        %mul3A_1384 = arith.mulf %get3A_1382, %mul3A_1383 : vector<16xf32>
        %swap3A_1385 = arith.index_cast %add3A_1363 : i32 to index
        %swap3A_1386 = arith.constant 32 : index
        %swap3A_1387 = tpu.vector_load %arg25[%swap3A_1385, %swap3A_1386] {strides = array<i32>} : memref<128x128xf32, #tpu.memory_space<vmem>>, vector<16xf32>,
        tpu.vector_store %arg25[%swap3A_1385, %swap3A_1386], %mul3A_1384 {strides = array<i32>} : memref<128x128xf32, #tpu.memory_space<vmem>>, vector<16xf32>,
        %get3A_1388 = arith.index_cast %add3A_1363 : i32 to index
        %get3A_1389 = arith.constant 48 : index
        %get3A_1390 = tpu.vector_load %arg25[%get3A_1388, %get3A_1389] {strides = array<i32>} : memref<128x128xf32, #tpu.memory_space<vmem>>, vector<16xf32>,
        %mul3A_1391 = vector.broadcast %squeeze3A_1359 : f32 to vector<16xf32>
        %mul3A_1392 = arith.mulf %get3A_1390, %mul3A_1391 : vector<16xf32>
        %swap3A_1393 = arith.index_cast %add3A_1363 : i32 to index
        %swap3A_1394 = arith.constant 48 : index
        %swap3A_1395 = tpu.vector_load %arg25[%swap3A_1393, %swap3A_1394] {strides = array<i32>} : memref<128x128xf32, #tpu.memory_space<vmem>>, vector<16xf32>,
        tpu.vector_store %arg25[%swap3A_1393, %swap3A_1394], %mul3A_1392 {strides = array<i32>} : memref<128x128xf32, #tpu.memory_space<vmem>>, vector<16xf32>,
        %get3A_1396 = arith.index_cast %add3A_1363 : i32 to index
        %get3A_1397 = arith.constant 64 : index
        %get3A_1398 = tpu.vector_load %arg25[%get3A_1396, %get3A_1397] {strides = array<i32>} : memref<128x128xf32, #tpu.memory_space<vmem>>, vector<16xf32>,
        %mul3A_1399 = vector.broadcast %squeeze3A_1359 : f32 to vector<16xf32>
        %mul3A_1400 = arith.mulf %get3A_1398, %mul3A_1399 : vector<16xf32>
        %swap3A_1401 = arith.index_cast %add3A_1363 : i32 to index
        %swap3A_1402 = arith.constant 64 : index
        %swap3A_1403 = tpu.vector_load %arg25[%swap3A_1401, %swap3A_1402] {strides = array<i32>} : memref<128x128xf32, #tpu.memory_space<vmem>>, vector<16xf32>,
        tpu.vector_store %arg25[%swap3A_1401, %swap3A_1402], %mul3A_1400 {strides = array<i32>} : memref<128x128xf32, #tpu.memory_space<vmem>>, vector<16xf32>,
        %get3A_1404 = arith.index_cast %add3A_1363 : i32 to index
        %get3A_1405 = arith.constant 80 : index
        %get3A_1406 = tpu.vector_load %arg25[%get3A_1404, %get3A_1405] {strides = array<i32>} : memref<128x128xf32, #tpu.memory_space<vmem>>, vector<16xf32>,
        %mul3A_1407 = vector.broadcast %squeeze3A_1359 : f32 to vector<16xf32>
        %mul3A_1408 = arith.mulf %get3A_1406, %mul3A_1407 : vector<16xf32>
        %swap3A_1409 = arith.index_cast %add3A_1363 : i32 to index
        %swap3A_1410 = arith.constant 80 : index
        %swap3A_1411 = tpu.vector_load %arg25[%swap3A_1409, %swap3A_1410] {strides = array<i32>} : memref<128x128xf32, #tpu.memory_space<vmem>>, vector<16xf32>,
        tpu.vector_store %arg25[%swap3A_1409, %swap3A_1410], %mul3A_1408 {strides = array<i32>} : memref<128x128xf32, #tpu.memory_space<vmem>>, vector<16xf32>,
        %get3A_1412 = arith.index_cast %add3A_1363 : i32 to index
        %get3A_1413 = arith.constant 96 : index
        %get3A_1414 = tpu.vector_load %arg25[%get3A_1412, %get3A_1413] {strides = array<i32>} : memref<128x128xf32, #tpu.memory_space<vmem>>, vector<16xf32>,
        %mul3A_1415 = vector.broadcast %squeeze3A_1359 : f32 to vector<16xf32>
        %mul3A_1416 = arith.mulf %get3A_1414, %mul3A_1415 : vector<16xf32>
        %swap3A_1417 = arith.index_cast %add3A_1363 : i32 to index
        %swap3A_1418 = arith.constant 96 : index
        %swap3A_1419 = tpu.vector_load %arg25[%swap3A_1417, %swap3A_1418] {strides = array<i32>} : memref<128x128xf32, #tpu.memory_space<vmem>>, vector<16xf32>,
        tpu.vector_store %arg25[%swap3A_1417, %swap3A_1418], %mul3A_1416 {strides = array<i32>} : memref<128x128xf32, #tpu.memory_space<vmem>>, vector<16xf32>,
        %get3A_1420 = arith.index_cast %add3A_1363 : i32 to index
        %get3A_1421 = arith.constant 112 : index
        %get3A_1422 = tpu.vector_load %arg25[%get3A_1420, %get3A_1421] {strides = array<i32>} : memref<128x128xf32, #tpu.memory_space<vmem>>, vector<16xf32>,
        %mul3A_1423 = vector.broadcast %squeeze3A_1359 : f32 to vector<16xf32>
        %mul3A_1424 = arith.mulf %get3A_1422, %mul3A_1423 : vector<16xf32>
        %swap3A_1425 = arith.index_cast %add3A_1363 : i32 to index
        %swap3A_1426 = arith.constant 112 : index
        %swap3A_1427 = tpu.vector_load %arg25[%swap3A_1425, %swap3A_1426] {strides = array<i32>} : memref<128x128xf32, #tpu.memory_space<vmem>>, vector<16xf32>,
        tpu.vector_store %arg25[%swap3A_1425, %swap3A_1426], %mul3A_1424 {strides = array<i32>} : memref<128x128xf32, #tpu.memory_space<vmem>>, vector<16xf32>,
        %slice3A_1428 = vector.extract_strided_slice %get3A_729 {offsets = [10], sizes = [1], strides = [1]} : vector<16xf32> to vector<1xf32>
        %squeeze3A_1429 = vector.extract %slice3A_1428[0] : f32 from vector<1xf32>
        %mul3A_1430 = arith.constant 16 : i32
        %mul3A_1431 = arith.muli %scan3A_725, %mul3A_1430 : i32
        %add3A_1432 = arith.constant 10 : i32
        %add3A_1433 = arith.addi %mul3A_1431, %add3A_1432 : i32
        %get3A_1434 = arith.index_cast %add3A_1433 : i32 to index
        %get3A_1435 = arith.constant 0 : index
        %get3A_1436 = tpu.vector_load %arg25[%get3A_1434, %get3A_1435] {strides = array<i32>} : memref<128x128xf32, #tpu.memory_space<vmem>>, vector<16xf32>,
        %mul3A_1437 = vector.broadcast %squeeze3A_1429 : f32 to vector<16xf32>
        %mul3A_1438 = arith.mulf %get3A_1436, %mul3A_1437 : vector<16xf32>
        %swap3A_1439 = arith.index_cast %add3A_1433 : i32 to index
        %swap3A_1440 = arith.constant 0 : index
        %swap3A_1441 = tpu.vector_load %arg25[%swap3A_1439, %swap3A_1440] {strides = array<i32>} : memref<128x128xf32, #tpu.memory_space<vmem>>, vector<16xf32>,
        tpu.vector_store %arg25[%swap3A_1439, %swap3A_1440], %mul3A_1438 {strides = array<i32>} : memref<128x128xf32, #tpu.memory_space<vmem>>, vector<16xf32>,
        %get3A_1442 = arith.index_cast %add3A_1433 : i32 to index
        %get3A_1443 = arith.constant 16 : index
        %get3A_1444 = tpu.vector_load %arg25[%get3A_1442, %get3A_1443] {strides = array<i32>} : memref<128x128xf32, #tpu.memory_space<vmem>>, vector<16xf32>,
        %mul3A_1445 = vector.broadcast %squeeze3A_1429 : f32 to vector<16xf32>
        %mul3A_1446 = arith.mulf %get3A_1444, %mul3A_1445 : vector<16xf32>
        %swap3A_1447 = arith.index_cast %add3A_1433 : i32 to index
        %swap3A_1448 = arith.constant 16 : index
        %swap3A_1449 = tpu.vector_load %arg25[%swap3A_1447, %swap3A_1448] {strides = array<i32>} : memref<128x128xf32, #tpu.memory_space<vmem>>, vector<16xf32>,
        tpu.vector_store %arg25[%swap3A_1447, %swap3A_1448], %mul3A_1446 {strides = array<i32>} : memref<128x128xf32, #tpu.memory_space<vmem>>, vector<16xf32>,
        %get3A_1450 = arith.index_cast %add3A_1433 : i32 to index
        %get3A_1451 = arith.constant 32 : index
        %get3A_1452 = tpu.vector_load %arg25[%get3A_1450, %get3A_1451] {strides = array<i32>} : memref<128x128xf32, #tpu.memory_space<vmem>>, vector<16xf32>,
        %mul3A_1453 = vector.broadcast %squeeze3A_1429 : f32 to vector<16xf32>
        %mul3A_1454 = arith.mulf %get3A_1452, %mul3A_1453 : vector<16xf32>
        %swap3A_1455 = arith.index_cast %add3A_1433 : i32 to index
        %swap3A_1456 = arith.constant 32 : index
        %swap3A_1457 = tpu.vector_load %arg25[%swap3A_1455, %swap3A_1456] {strides = array<i32>} : memref<128x128xf32, #tpu.memory_space<vmem>>, vector<16xf32>,
        tpu.vector_store %arg25[%swap3A_1455, %swap3A_1456], %mul3A_1454 {strides = array<i32>} : memref<128x128xf32, #tpu.memory_space<vmem>>, vector<16xf32>,
        %get3A_1458 = arith.index_cast %add3A_1433 : i32 to index
        %get3A_1459 = arith.constant 48 : index
        %get3A_1460 = tpu.vector_load %arg25[%get3A_1458, %get3A_1459] {strides = array<i32>} : memref<128x128xf32, #tpu.memory_space<vmem>>, vector<16xf32>,
        %mul3A_1461 = vector.broadcast %squeeze3A_1429 : f32 to vector<16xf32>
        %mul3A_1462 = arith.mulf %get3A_1460, %mul3A_1461 : vector<16xf32>
        %swap3A_1463 = arith.index_cast %add3A_1433 : i32 to index
        %swap3A_1464 = arith.constant 48 : index
        %swap3A_1465 = tpu.vector_load %arg25[%swap3A_1463, %swap3A_1464] {strides = array<i32>} : memref<128x128xf32, #tpu.memory_space<vmem>>, vector<16xf32>,
        tpu.vector_store %arg25[%swap3A_1463, %swap3A_1464], %mul3A_1462 {strides = array<i32>} : memref<128x128xf32, #tpu.memory_space<vmem>>, vector<16xf32>,
        %get3A_1466 = arith.index_cast %add3A_1433 : i32 to index
        %get3A_1467 = arith.constant 64 : index
        %get3A_1468 = tpu.vector_load %arg25[%get3A_1466, %get3A_1467] {strides = array<i32>} : memref<128x128xf32, #tpu.memory_space<vmem>>, vector<16xf32>,
        %mul3A_1469 = vector.broadcast %squeeze3A_1429 : f32 to vector<16xf32>
        %mul3A_1470 = arith.mulf %get3A_1468, %mul3A_1469 : vector<16xf32>
        %swap3A_1471 = arith.index_cast %add3A_1433 : i32 to index
        %swap3A_1472 = arith.constant 64 : index
        %swap3A_1473 = tpu.vector_load %arg25[%swap3A_1471, %swap3A_1472] {strides = array<i32>} : memref<128x128xf32, #tpu.memory_space<vmem>>, vector<16xf32>,
        tpu.vector_store %arg25[%swap3A_1471, %swap3A_1472], %mul3A_1470 {strides = array<i32>} : memref<128x128xf32, #tpu.memory_space<vmem>>, vector<16xf32>,
        %get3A_1474 = arith.index_cast %add3A_1433 : i32 to index
        %get3A_1475 = arith.constant 80 : index
        %get3A_1476 = tpu.vector_load %arg25[%get3A_1474, %get3A_1475] {strides = array<i32>} : memref<128x128xf32, #tpu.memory_space<vmem>>, vector<16xf32>,
        %mul3A_1477 = vector.broadcast %squeeze3A_1429 : f32 to vector<16xf32>
        %mul3A_1478 = arith.mulf %get3A_1476, %mul3A_1477 : vector<16xf32>
        %swap3A_1479 = arith.index_cast %add3A_1433 : i32 to index
        %swap3A_1480 = arith.constant 80 : index
        %swap3A_1481 = tpu.vector_load %arg25[%swap3A_1479, %swap3A_1480] {strides = array<i32>} : memref<128x128xf32, #tpu.memory_space<vmem>>, vector<16xf32>,
        tpu.vector_store %arg25[%swap3A_1479, %swap3A_1480], %mul3A_1478 {strides = array<i32>} : memref<128x128xf32, #tpu.memory_space<vmem>>, vector<16xf32>,
        %get3A_1482 = arith.index_cast %add3A_1433 : i32 to index
        %get3A_1483 = arith.constant 96 : index
        %get3A_1484 = tpu.vector_load %arg25[%get3A_1482, %get3A_1483] {strides = array<i32>} : memref<128x128xf32, #tpu.memory_space<vmem>>, vector<16xf32>,
        %mul3A_1485 = vector.broadcast %squeeze3A_1429 : f32 to vector<16xf32>
        %mul3A_1486 = arith.mulf %get3A_1484, %mul3A_1485 : vector<16xf32>
        %swap3A_1487 = arith.index_cast %add3A_1433 : i32 to index
        %swap3A_1488 = arith.constant 96 : index
        %swap3A_1489 = tpu.vector_load %arg25[%swap3A_1487, %swap3A_1488] {strides = array<i32>} : memref<128x128xf32, #tpu.memory_space<vmem>>, vector<16xf32>,
        tpu.vector_store %arg25[%swap3A_1487, %swap3A_1488], %mul3A_1486 {strides = array<i32>} : memref<128x128xf32, #tpu.memory_space<vmem>>, vector<16xf32>,
        %get3A_1490 = arith.index_cast %add3A_1433 : i32 to index
        %get3A_1491 = arith.constant 112 : index
        %get3A_1492 = tpu.vector_load %arg25[%get3A_1490, %get3A_1491] {strides = array<i32>} : memref<128x128xf32, #tpu.memory_space<vmem>>, vector<16xf32>,
        %mul3A_1493 = vector.broadcast %squeeze3A_1429 : f32 to vector<16xf32>
        %mul3A_1494 = arith.mulf %get3A_1492, %mul3A_1493 : vector<16xf32>
        %swap3A_1495 = arith.index_cast %add3A_1433 : i32 to index
        %swap3A_1496 = arith.constant 112 : index
        %swap3A_1497 = tpu.vector_load %arg25[%swap3A_1495, %swap3A_1496] {strides = array<i32>} : memref<128x128xf32, #tpu.memory_space<vmem>>, vector<16xf32>,
        tpu.vector_store %arg25[%swap3A_1495, %swap3A_1496], %mul3A_1494 {strides = array<i32>} : memref<128x128xf32, #tpu.memory_space<vmem>>, vector<16xf32>,
        %slice3A_1498 = vector.extract_strided_slice %get3A_729 {offsets = [11], sizes = [1], strides = [1]} : vector<16xf32> to vector<1xf32>
        %squeeze3A_1499 = vector.extract %slice3A_1498[0] : f32 from vector<1xf32>
        %mul3A_1500 = arith.constant 16 : i32
        %mul3A_1501 = arith.muli %scan3A_725, %mul3A_1500 : i32
        %add3A_1502 = arith.constant 11 : i32
        %add3A_1503 = arith.addi %mul3A_1501, %add3A_1502 : i32
        %get3A_1504 = arith.index_cast %add3A_1503 : i32 to index
        %get3A_1505 = arith.constant 0 : index
        %get3A_1506 = tpu.vector_load %arg25[%get3A_1504, %get3A_1505] {strides = array<i32>} : memref<128x128xf32, #tpu.memory_space<vmem>>, vector<16xf32>,
        %mul3A_1507 = vector.broadcast %squeeze3A_1499 : f32 to vector<16xf32>
        %mul3A_1508 = arith.mulf %get3A_1506, %mul3A_1507 : vector<16xf32>
        %swap3A_1509 = arith.index_cast %add3A_1503 : i32 to index
        %swap3A_1510 = arith.constant 0 : index
        %swap3A_1511 = tpu.vector_load %arg25[%swap3A_1509, %swap3A_1510] {strides = array<i32>} : memref<128x128xf32, #tpu.memory_space<vmem>>, vector<16xf32>,
        tpu.vector_store %arg25[%swap3A_1509, %swap3A_1510], %mul3A_1508 {strides = array<i32>} : memref<128x128xf32, #tpu.memory_space<vmem>>, vector<16xf32>,
        %get3A_1512 = arith.index_cast %add3A_1503 : i32 to index
        %get3A_1513 = arith.constant 16 : index
        %get3A_1514 = tpu.vector_load %arg25[%get3A_1512, %get3A_1513] {strides = array<i32>} : memref<128x128xf32, #tpu.memory_space<vmem>>, vector<16xf32>,
        %mul3A_1515 = vector.broadcast %squeeze3A_1499 : f32 to vector<16xf32>
        %mul3A_1516 = arith.mulf %get3A_1514, %mul3A_1515 : vector<16xf32>
        %swap3A_1517 = arith.index_cast %add3A_1503 : i32 to index
        %swap3A_1518 = arith.constant 16 : index
        %swap3A_1519 = tpu.vector_load %arg25[%swap3A_1517, %swap3A_1518] {strides = array<i32>} : memref<128x128xf32, #tpu.memory_space<vmem>>, vector<16xf32>,
        tpu.vector_store %arg25[%swap3A_1517, %swap3A_1518], %mul3A_1516 {strides = array<i32>} : memref<128x128xf32, #tpu.memory_space<vmem>>, vector<16xf32>,
        %get3A_1520 = arith.index_cast %add3A_1503 : i32 to index
        %get3A_1521 = arith.constant 32 : index
        %get3A_1522 = tpu.vector_load %arg25[%get3A_1520, %get3A_1521] {strides = array<i32>} : memref<128x128xf32, #tpu.memory_space<vmem>>, vector<16xf32>,
        %mul3A_1523 = vector.broadcast %squeeze3A_1499 : f32 to vector<16xf32>
        %mul3A_1524 = arith.mulf %get3A_1522, %mul3A_1523 : vector<16xf32>
        %swap3A_1525 = arith.index_cast %add3A_1503 : i32 to index
        %swap3A_1526 = arith.constant 32 : index
        %swap3A_1527 = tpu.vector_load %arg25[%swap3A_1525, %swap3A_1526] {strides = array<i32>} : memref<128x128xf32, #tpu.memory_space<vmem>>, vector<16xf32>,
        tpu.vector_store %arg25[%swap3A_1525, %swap3A_1526], %mul3A_1524 {strides = array<i32>} : memref<128x128xf32, #tpu.memory_space<vmem>>, vector<16xf32>,
        %get3A_1528 = arith.index_cast %add3A_1503 : i32 to index
        %get3A_1529 = arith.constant 48 : index
        %get3A_1530 = tpu.vector_load %arg25[%get3A_1528, %get3A_1529] {strides = array<i32>} : memref<128x128xf32, #tpu.memory_space<vmem>>, vector<16xf32>,
        %mul3A_1531 = vector.broadcast %squeeze3A_1499 : f32 to vector<16xf32>
        %mul3A_1532 = arith.mulf %get3A_1530, %mul3A_1531 : vector<16xf32>
        %swap3A_1533 = arith.index_cast %add3A_1503 : i32 to index
        %swap3A_1534 = arith.constant 48 : index
        %swap3A_1535 = tpu.vector_load %arg25[%swap3A_1533, %swap3A_1534] {strides = array<i32>} : memref<128x128xf32, #tpu.memory_space<vmem>>, vector<16xf32>,
        tpu.vector_store %arg25[%swap3A_1533, %swap3A_1534], %mul3A_1532 {strides = array<i32>} : memref<128x128xf32, #tpu.memory_space<vmem>>, vector<16xf32>,
        %get3A_1536 = arith.index_cast %add3A_1503 : i32 to index
        %get3A_1537 = arith.constant 64 : index
        %get3A_1538 = tpu.vector_load %arg25[%get3A_1536, %get3A_1537] {strides = array<i32>} : memref<128x128xf32, #tpu.memory_space<vmem>>, vector<16xf32>,
        %mul3A_1539 = vector.broadcast %squeeze3A_1499 : f32 to vector<16xf32>
        %mul3A_1540 = arith.mulf %get3A_1538, %mul3A_1539 : vector<16xf32>
        %swap3A_1541 = arith.index_cast %add3A_1503 : i32 to index
        %swap3A_1542 = arith.constant 64 : index
        %swap3A_1543 = tpu.vector_load %arg25[%swap3A_1541, %swap3A_1542] {strides = array<i32>} : memref<128x128xf32, #tpu.memory_space<vmem>>, vector<16xf32>,
        tpu.vector_store %arg25[%swap3A_1541, %swap3A_1542], %mul3A_1540 {strides = array<i32>} : memref<128x128xf32, #tpu.memory_space<vmem>>, vector<16xf32>,
        %get3A_1544 = arith.index_cast %add3A_1503 : i32 to index
        %get3A_1545 = arith.constant 80 : index
        %get3A_1546 = tpu.vector_load %arg25[%get3A_1544, %get3A_1545] {strides = array<i32>} : memref<128x128xf32, #tpu.memory_space<vmem>>, vector<16xf32>,
        %mul3A_1547 = vector.broadcast %squeeze3A_1499 : f32 to vector<16xf32>
        %mul3A_1548 = arith.mulf %get3A_1546, %mul3A_1547 : vector<16xf32>
        %swap3A_1549 = arith.index_cast %add3A_1503 : i32 to index
        %swap3A_1550 = arith.constant 80 : index
        %swap3A_1551 = tpu.vector_load %arg25[%swap3A_1549, %swap3A_1550] {strides = array<i32>} : memref<128x128xf32, #tpu.memory_space<vmem>>, vector<16xf32>,
        tpu.vector_store %arg25[%swap3A_1549, %swap3A_1550], %mul3A_1548 {strides = array<i32>} : memref<128x128xf32, #tpu.memory_space<vmem>>, vector<16xf32>,
        %get3A_1552 = arith.index_cast %add3A_1503 : i32 to index
        %get3A_1553 = arith.constant 96 : index
        %get3A_1554 = tpu.vector_load %arg25[%get3A_1552, %get3A_1553] {strides = array<i32>} : memref<128x128xf32, #tpu.memory_space<vmem>>, vector<16xf32>,
        %mul3A_1555 = vector.broadcast %squeeze3A_1499 : f32 to vector<16xf32>
        %mul3A_1556 = arith.mulf %get3A_1554, %mul3A_1555 : vector<16xf32>
        %swap3A_1557 = arith.index_cast %add3A_1503 : i32 to index
        %swap3A_1558 = arith.constant 96 : index
        %swap3A_1559 = tpu.vector_load %arg25[%swap3A_1557, %swap3A_1558] {strides = array<i32>} : memref<128x128xf32, #tpu.memory_space<vmem>>, vector<16xf32>,
        tpu.vector_store %arg25[%swap3A_1557, %swap3A_1558], %mul3A_1556 {strides = array<i32>} : memref<128x128xf32, #tpu.memory_space<vmem>>, vector<16xf32>,
        %get3A_1560 = arith.index_cast %add3A_1503 : i32 to index
        %get3A_1561 = arith.constant 112 : index
        %get3A_1562 = tpu.vector_load %arg25[%get3A_1560, %get3A_1561] {strides = array<i32>} : memref<128x128xf32, #tpu.memory_space<vmem>>, vector<16xf32>,
        %mul3A_1563 = vector.broadcast %squeeze3A_1499 : f32 to vector<16xf32>
        %mul3A_1564 = arith.mulf %get3A_1562, %mul3A_1563 : vector<16xf32>
        %swap3A_1565 = arith.index_cast %add3A_1503 : i32 to index
        %swap3A_1566 = arith.constant 112 : index
        %swap3A_1567 = tpu.vector_load %arg25[%swap3A_1565, %swap3A_1566] {strides = array<i32>} : memref<128x128xf32, #tpu.memory_space<vmem>>, vector<16xf32>,
        tpu.vector_store %arg25[%swap3A_1565, %swap3A_1566], %mul3A_1564 {strides = array<i32>} : memref<128x128xf32, #tpu.memory_space<vmem>>, vector<16xf32>,
        %slice3A_1568 = vector.extract_strided_slice %get3A_729 {offsets = [12], sizes = [1], strides = [1]} : vector<16xf32> to vector<1xf32>
        %squeeze3A_1569 = vector.extract %slice3A_1568[0] : f32 from vector<1xf32>
        %mul3A_1570 = arith.constant 16 : i32
        %mul3A_1571 = arith.muli %scan3A_725, %mul3A_1570 : i32
        %add3A_1572 = arith.constant 12 : i32
        %add3A_1573 = arith.addi %mul3A_1571, %add3A_1572 : i32
        %get3A_1574 = arith.index_cast %add3A_1573 : i32 to index
        %get3A_1575 = arith.constant 0 : index
        %get3A_1576 = tpu.vector_load %arg25[%get3A_1574, %get3A_1575] {strides = array<i32>} : memref<128x128xf32, #tpu.memory_space<vmem>>, vector<16xf32>,
        %mul3A_1577 = vector.broadcast %squeeze3A_1569 : f32 to vector<16xf32>
        %mul3A_1578 = arith.mulf %get3A_1576, %mul3A_1577 : vector<16xf32>
        %swap3A_1579 = arith.index_cast %add3A_1573 : i32 to index
        %swap3A_1580 = arith.constant 0 : index
        %swap3A_1581 = tpu.vector_load %arg25[%swap3A_1579, %swap3A_1580] {strides = array<i32>} : memref<128x128xf32, #tpu.memory_space<vmem>>, vector<16xf32>,
        tpu.vector_store %arg25[%swap3A_1579, %swap3A_1580], %mul3A_1578 {strides = array<i32>} : memref<128x128xf32, #tpu.memory_space<vmem>>, vector<16xf32>,
        %get3A_1582 = arith.index_cast %add3A_1573 : i32 to index
        %get3A_1583 = arith.constant 16 : index
        %get3A_1584 = tpu.vector_load %arg25[%get3A_1582, %get3A_1583] {strides = array<i32>} : memref<128x128xf32, #tpu.memory_space<vmem>>, vector<16xf32>,
        %mul3A_1585 = vector.broadcast %squeeze3A_1569 : f32 to vector<16xf32>
        %mul3A_1586 = arith.mulf %get3A_1584, %mul3A_1585 : vector<16xf32>
        %swap3A_1587 = arith.index_cast %add3A_1573 : i32 to index
        %swap3A_1588 = arith.constant 16 : index
        %swap3A_1589 = tpu.vector_load %arg25[%swap3A_1587, %swap3A_1588] {strides = array<i32>} : memref<128x128xf32, #tpu.memory_space<vmem>>, vector<16xf32>,
        tpu.vector_store %arg25[%swap3A_1587, %swap3A_1588], %mul3A_1586 {strides = array<i32>} : memref<128x128xf32, #tpu.memory_space<vmem>>, vector<16xf32>,
        %get3A_1590 = arith.index_cast %add3A_1573 : i32 to index
        %get3A_1591 = arith.constant 32 : index
        %get3A_1592 = tpu.vector_load %arg25[%get3A_1590, %get3A_1591] {strides = array<i32>} : memref<128x128xf32, #tpu.memory_space<vmem>>, vector<16xf32>,
        %mul3A_1593 = vector.broadcast %squeeze3A_1569 : f32 to vector<16xf32>
        %mul3A_1594 = arith.mulf %get3A_1592, %mul3A_1593 : vector<16xf32>
        %swap3A_1595 = arith.index_cast %add3A_1573 : i32 to index
        %swap3A_1596 = arith.constant 32 : index
        %swap3A_1597 = tpu.vector_load %arg25[%swap3A_1595, %swap3A_1596] {strides = array<i32>} : memref<128x128xf32, #tpu.memory_space<vmem>>, vector<16xf32>,
        tpu.vector_store %arg25[%swap3A_1595, %swap3A_1596], %mul3A_1594 {strides = array<i32>} : memref<128x128xf32, #tpu.memory_space<vmem>>, vector<16xf32>,
        %get3A_1598 = arith.index_cast %add3A_1573 : i32 to index
        %get3A_1599 = arith.constant 48 : index
        %get3A_1600 = tpu.vector_load %arg25[%get3A_1598, %get3A_1599] {strides = array<i32>} : memref<128x128xf32, #tpu.memory_space<vmem>>, vector<16xf32>,
        %mul3A_1601 = vector.broadcast %squeeze3A_1569 : f32 to vector<16xf32>
        %mul3A_1602 = arith.mulf %get3A_1600, %mul3A_1601 : vector<16xf32>
        %swap3A_1603 = arith.index_cast %add3A_1573 : i32 to index
        %swap3A_1604 = arith.constant 48 : index
        %swap3A_1605 = tpu.vector_load %arg25[%swap3A_1603, %swap3A_1604] {strides = array<i32>} : memref<128x128xf32, #tpu.memory_space<vmem>>, vector<16xf32>,
        tpu.vector_store %arg25[%swap3A_1603, %swap3A_1604], %mul3A_1602 {strides = array<i32>} : memref<128x128xf32, #tpu.memory_space<vmem>>, vector<16xf32>,
        %get3A_1606 = arith.index_cast %add3A_1573 : i32 to index
        %get3A_1607 = arith.constant 64 : index
        %get3A_1608 = tpu.vector_load %arg25[%get3A_1606, %get3A_1607] {strides = array<i32>} : memref<128x128xf32, #tpu.memory_space<vmem>>, vector<16xf32>,
        %mul3A_1609 = vector.broadcast %squeeze3A_1569 : f32 to vector<16xf32>
        %mul3A_1610 = arith.mulf %get3A_1608, %mul3A_1609 : vector<16xf32>
        %swap3A_1611 = arith.index_cast %add3A_1573 : i32 to index
        %swap3A_1612 = arith.constant 64 : index
        %swap3A_1613 = tpu.vector_load %arg25[%swap3A_1611, %swap3A_1612] {strides = array<i32>} : memref<128x128xf32, #tpu.memory_space<vmem>>, vector<16xf32>,
        tpu.vector_store %arg25[%swap3A_1611, %swap3A_1612], %mul3A_1610 {strides = array<i32>} : memref<128x128xf32, #tpu.memory_space<vmem>>, vector<16xf32>,
        %get3A_1614 = arith.index_cast %add3A_1573 : i32 to index
        %get3A_1615 = arith.constant 80 : index
        %get3A_1616 = tpu.vector_load %arg25[%get3A_1614, %get3A_1615] {strides = array<i32>} : memref<128x128xf32, #tpu.memory_space<vmem>>, vector<16xf32>,
        %mul3A_1617 = vector.broadcast %squeeze3A_1569 : f32 to vector<16xf32>
        %mul3A_1618 = arith.mulf %get3A_1616, %mul3A_1617 : vector<16xf32>
        %swap3A_1619 = arith.index_cast %add3A_1573 : i32 to index
        %swap3A_1620 = arith.constant 80 : index
        %swap3A_1621 = tpu.vector_load %arg25[%swap3A_1619, %swap3A_1620] {strides = array<i32>} : memref<128x128xf32, #tpu.memory_space<vmem>>, vector<16xf32>,
        tpu.vector_store %arg25[%swap3A_1619, %swap3A_1620], %mul3A_1618 {strides = array<i32>} : memref<128x128xf32, #tpu.memory_space<vmem>>, vector<16xf32>,
        %get3A_1622 = arith.index_cast %add3A_1573 : i32 to index
        %get3A_1623 = arith.constant 96 : index
        %get3A_1624 = tpu.vector_load %arg25[%get3A_1622, %get3A_1623] {strides = array<i32>} : memref<128x128xf32, #tpu.memory_space<vmem>>, vector<16xf32>,
        %mul3A_1625 = vector.broadcast %squeeze3A_1569 : f32 to vector<16xf32>
        %mul3A_1626 = arith.mulf %get3A_1624, %mul3A_1625 : vector<16xf32>
        %swap3A_1627 = arith.index_cast %add3A_1573 : i32 to index
        %swap3A_1628 = arith.constant 96 : index
        %swap3A_1629 = tpu.vector_load %arg25[%swap3A_1627, %swap3A_1628] {strides = array<i32>} : memref<128x128xf32, #tpu.memory_space<vmem>>, vector<16xf32>,
        tpu.vector_store %arg25[%swap3A_1627, %swap3A_1628], %mul3A_1626 {strides = array<i32>} : memref<128x128xf32, #tpu.memory_space<vmem>>, vector<16xf32>,
        %get3A_1630 = arith.index_cast %add3A_1573 : i32 to index
        %get3A_1631 = arith.constant 112 : index
        %get3A_1632 = tpu.vector_load %arg25[%get3A_1630, %get3A_1631] {strides = array<i32>} : memref<128x128xf32, #tpu.memory_space<vmem>>, vector<16xf32>,
        %mul3A_1633 = vector.broadcast %squeeze3A_1569 : f32 to vector<16xf32>
        %mul3A_1634 = arith.mulf %get3A_1632, %mul3A_1633 : vector<16xf32>
        %swap3A_1635 = arith.index_cast %add3A_1573 : i32 to index
        %swap3A_1636 = arith.constant 112 : index
        %swap3A_1637 = tpu.vector_load %arg25[%swap3A_1635, %swap3A_1636] {strides = array<i32>} : memref<128x128xf32, #tpu.memory_space<vmem>>, vector<16xf32>,
        tpu.vector_store %arg25[%swap3A_1635, %swap3A_1636], %mul3A_1634 {strides = array<i32>} : memref<128x128xf32, #tpu.memory_space<vmem>>, vector<16xf32>,
        %slice3A_1638 = vector.extract_strided_slice %get3A_729 {offsets = [13], sizes = [1], strides = [1]} : vector<16xf32> to vector<1xf32>
        %squeeze3A_1639 = vector.extract %slice3A_1638[0] : f32 from vector<1xf32>
        %mul3A_1640 = arith.constant 16 : i32
        %mul3A_1641 = arith.muli %scan3A_725, %mul3A_1640 : i32
        %add3A_1642 = arith.constant 13 : i32
        %add3A_1643 = arith.addi %mul3A_1641, %add3A_1642 : i32
        %get3A_1644 = arith.index_cast %add3A_1643 : i32 to index
        %get3A_1645 = arith.constant 0 : index
        %get3A_1646 = tpu.vector_load %arg25[%get3A_1644, %get3A_1645] {strides = array<i32>} : memref<128x128xf32, #tpu.memory_space<vmem>>, vector<16xf32>,
        %mul3A_1647 = vector.broadcast %squeeze3A_1639 : f32 to vector<16xf32>
        %mul3A_1648 = arith.mulf %get3A_1646, %mul3A_1647 : vector<16xf32>
        %swap3A_1649 = arith.index_cast %add3A_1643 : i32 to index
        %swap3A_1650 = arith.constant 0 : index
        %swap3A_1651 = tpu.vector_load %arg25[%swap3A_1649, %swap3A_1650] {strides = array<i32>} : memref<128x128xf32, #tpu.memory_space<vmem>>, vector<16xf32>,
        tpu.vector_store %arg25[%swap3A_1649, %swap3A_1650], %mul3A_1648 {strides = array<i32>} : memref<128x128xf32, #tpu.memory_space<vmem>>, vector<16xf32>,
        %get3A_1652 = arith.index_cast %add3A_1643 : i32 to index
        %get3A_1653 = arith.constant 16 : index
        %get3A_1654 = tpu.vector_load %arg25[%get3A_1652, %get3A_1653] {strides = array<i32>} : memref<128x128xf32, #tpu.memory_space<vmem>>, vector<16xf32>,
        %mul3A_1655 = vector.broadcast %squeeze3A_1639 : f32 to vector<16xf32>
        %mul3A_1656 = arith.mulf %get3A_1654, %mul3A_1655 : vector<16xf32>
        %swap3A_1657 = arith.index_cast %add3A_1643 : i32 to index
        %swap3A_1658 = arith.constant 16 : index
        %swap3A_1659 = tpu.vector_load %arg25[%swap3A_1657, %swap3A_1658] {strides = array<i32>} : memref<128x128xf32, #tpu.memory_space<vmem>>, vector<16xf32>,
        tpu.vector_store %arg25[%swap3A_1657, %swap3A_1658], %mul3A_1656 {strides = array<i32>} : memref<128x128xf32, #tpu.memory_space<vmem>>, vector<16xf32>,
        %get3A_1660 = arith.index_cast %add3A_1643 : i32 to index
        %get3A_1661 = arith.constant 32 : index
        %get3A_1662 = tpu.vector_load %arg25[%get3A_1660, %get3A_1661] {strides = array<i32>} : memref<128x128xf32, #tpu.memory_space<vmem>>, vector<16xf32>,
        %mul3A_1663 = vector.broadcast %squeeze3A_1639 : f32 to vector<16xf32>
        %mul3A_1664 = arith.mulf %get3A_1662, %mul3A_1663 : vector<16xf32>
        %swap3A_1665 = arith.index_cast %add3A_1643 : i32 to index
        %swap3A_1666 = arith.constant 32 : index
        %swap3A_1667 = tpu.vector_load %arg25[%swap3A_1665, %swap3A_1666] {strides = array<i32>} : memref<128x128xf32, #tpu.memory_space<vmem>>, vector<16xf32>,
        tpu.vector_store %arg25[%swap3A_1665, %swap3A_1666], %mul3A_1664 {strides = array<i32>} : memref<128x128xf32, #tpu.memory_space<vmem>>, vector<16xf32>,
        %get3A_1668 = arith.index_cast %add3A_1643 : i32 to index
        %get3A_1669 = arith.constant 48 : index
        %get3A_1670 = tpu.vector_load %arg25[%get3A_1668, %get3A_1669] {strides = array<i32>} : memref<128x128xf32, #tpu.memory_space<vmem>>, vector<16xf32>,
        %mul3A_1671 = vector.broadcast %squeeze3A_1639 : f32 to vector<16xf32>
        %mul3A_1672 = arith.mulf %get3A_1670, %mul3A_1671 : vector<16xf32>
        %swap3A_1673 = arith.index_cast %add3A_1643 : i32 to index
        %swap3A_1674 = arith.constant 48 : index
        %swap3A_1675 = tpu.vector_load %arg25[%swap3A_1673, %swap3A_1674] {strides = array<i32>} : memref<128x128xf32, #tpu.memory_space<vmem>>, vector<16xf32>,
        tpu.vector_store %arg25[%swap3A_1673, %swap3A_1674], %mul3A_1672 {strides = array<i32>} : memref<128x128xf32, #tpu.memory_space<vmem>>, vector<16xf32>,
        %get3A_1676 = arith.index_cast %add3A_1643 : i32 to index
        %get3A_1677 = arith.constant 64 : index
        %get3A_1678 = tpu.vector_load %arg25[%get3A_1676, %get3A_1677] {strides = array<i32>} : memref<128x128xf32, #tpu.memory_space<vmem>>, vector<16xf32>,
        %mul3A_1679 = vector.broadcast %squeeze3A_1639 : f32 to vector<16xf32>
        %mul3A_1680 = arith.mulf %get3A_1678, %mul3A_1679 : vector<16xf32>
        %swap3A_1681 = arith.index_cast %add3A_1643 : i32 to index
        %swap3A_1682 = arith.constant 64 : index
        %swap3A_1683 = tpu.vector_load %arg25[%swap3A_1681, %swap3A_1682] {strides = array<i32>} : memref<128x128xf32, #tpu.memory_space<vmem>>, vector<16xf32>,
        tpu.vector_store %arg25[%swap3A_1681, %swap3A_1682], %mul3A_1680 {strides = array<i32>} : memref<128x128xf32, #tpu.memory_space<vmem>>, vector<16xf32>,
        %get3A_1684 = arith.index_cast %add3A_1643 : i32 to index
        %get3A_1685 = arith.constant 80 : index
        %get3A_1686 = tpu.vector_load %arg25[%get3A_1684, %get3A_1685] {strides = array<i32>} : memref<128x128xf32, #tpu.memory_space<vmem>>, vector<16xf32>,
        %mul3A_1687 = vector.broadcast %squeeze3A_1639 : f32 to vector<16xf32>
        %mul3A_1688 = arith.mulf %get3A_1686, %mul3A_1687 : vector<16xf32>
        %swap3A_1689 = arith.index_cast %add3A_1643 : i32 to index
        %swap3A_1690 = arith.constant 80 : index
        %swap3A_1691 = tpu.vector_load %arg25[%swap3A_1689, %swap3A_1690] {strides = array<i32>} : memref<128x128xf32, #tpu.memory_space<vmem>>, vector<16xf32>,
        tpu.vector_store %arg25[%swap3A_1689, %swap3A_1690], %mul3A_1688 {strides = array<i32>} : memref<128x128xf32, #tpu.memory_space<vmem>>, vector<16xf32>,
        %get3A_1692 = arith.index_cast %add3A_1643 : i32 to index
        %get3A_1693 = arith.constant 96 : index
        %get3A_1694 = tpu.vector_load %arg25[%get3A_1692, %get3A_1693] {strides = array<i32>} : memref<128x128xf32, #tpu.memory_space<vmem>>, vector<16xf32>,
        %mul3A_1695 = vector.broadcast %squeeze3A_1639 : f32 to vector<16xf32>
        %mul3A_1696 = arith.mulf %get3A_1694, %mul3A_1695 : vector<16xf32>
        %swap3A_1697 = arith.index_cast %add3A_1643 : i32 to index
        %swap3A_1698 = arith.constant 96 : index
        %swap3A_1699 = tpu.vector_load %arg25[%swap3A_1697, %swap3A_1698] {strides = array<i32>} : memref<128x128xf32, #tpu.memory_space<vmem>>, vector<16xf32>,
        tpu.vector_store %arg25[%swap3A_1697, %swap3A_1698], %mul3A_1696 {strides = array<i32>} : memref<128x128xf32, #tpu.memory_space<vmem>>, vector<16xf32>,
        %get3A_1700 = arith.index_cast %add3A_1643 : i32 to index
        %get3A_1701 = arith.constant 112 : index
        %get3A_1702 = tpu.vector_load %arg25[%get3A_1700, %get3A_1701] {strides = array<i32>} : memref<128x128xf32, #tpu.memory_space<vmem>>, vector<16xf32>,
        %mul3A_1703 = vector.broadcast %squeeze3A_1639 : f32 to vector<16xf32>
        %mul3A_1704 = arith.mulf %get3A_1702, %mul3A_1703 : vector<16xf32>
        %swap3A_1705 = arith.index_cast %add3A_1643 : i32 to index
        %swap3A_1706 = arith.constant 112 : index
        %swap3A_1707 = tpu.vector_load %arg25[%swap3A_1705, %swap3A_1706] {strides = array<i32>} : memref<128x128xf32, #tpu.memory_space<vmem>>, vector<16xf32>,
        tpu.vector_store %arg25[%swap3A_1705, %swap3A_1706], %mul3A_1704 {strides = array<i32>} : memref<128x128xf32, #tpu.memory_space<vmem>>, vector<16xf32>,
        %slice3A_1708 = vector.extract_strided_slice %get3A_729 {offsets = [14], sizes = [1], strides = [1]} : vector<16xf32> to vector<1xf32>
        %squeeze3A_1709 = vector.extract %slice3A_1708[0] : f32 from vector<1xf32>
        %mul3A_1710 = arith.constant 16 : i32
        %mul3A_1711 = arith.muli %scan3A_725, %mul3A_1710 : i32
        %add3A_1712 = arith.constant 14 : i32
        %add3A_1713 = arith.addi %mul3A_1711, %add3A_1712 : i32
        %get3A_1714 = arith.index_cast %add3A_1713 : i32 to index
        %get3A_1715 = arith.constant 0 : index
        %get3A_1716 = tpu.vector_load %arg25[%get3A_1714, %get3A_1715] {strides = array<i32>} : memref<128x128xf32, #tpu.memory_space<vmem>>, vector<16xf32>,
        %mul3A_1717 = vector.broadcast %squeeze3A_1709 : f32 to vector<16xf32>
        %mul3A_1718 = arith.mulf %get3A_1716, %mul3A_1717 : vector<16xf32>
        %swap3A_1719 = arith.index_cast %add3A_1713 : i32 to index
        %swap3A_1720 = arith.constant 0 : index
        %swap3A_1721 = tpu.vector_load %arg25[%swap3A_1719, %swap3A_1720] {strides = array<i32>} : memref<128x128xf32, #tpu.memory_space<vmem>>, vector<16xf32>,
        tpu.vector_store %arg25[%swap3A_1719, %swap3A_1720], %mul3A_1718 {strides = array<i32>} : memref<128x128xf32, #tpu.memory_space<vmem>>, vector<16xf32>,
        %get3A_1722 = arith.index_cast %add3A_1713 : i32 to index
        %get3A_1723 = arith.constant 16 : index
        %get3A_1724 = tpu.vector_load %arg25[%get3A_1722, %get3A_1723] {strides = array<i32>} : memref<128x128xf32, #tpu.memory_space<vmem>>, vector<16xf32>,
        %mul3A_1725 = vector.broadcast %squeeze3A_1709 : f32 to vector<16xf32>
        %mul3A_1726 = arith.mulf %get3A_1724, %mul3A_1725 : vector<16xf32>
        %swap3A_1727 = arith.index_cast %add3A_1713 : i32 to index
        %swap3A_1728 = arith.constant 16 : index
        %swap3A_1729 = tpu.vector_load %arg25[%swap3A_1727, %swap3A_1728] {strides = array<i32>} : memref<128x128xf32, #tpu.memory_space<vmem>>, vector<16xf32>,
        tpu.vector_store %arg25[%swap3A_1727, %swap3A_1728], %mul3A_1726 {strides = array<i32>} : memref<128x128xf32, #tpu.memory_space<vmem>>, vector<16xf32>,
        %get3A_1730 = arith.index_cast %add3A_1713 : i32 to index
        %get3A_1731 = arith.constant 32 : index
        %get3A_1732 = tpu.vector_load %arg25[%get3A_1730, %get3A_1731] {strides = array<i32>} : memref<128x128xf32, #tpu.memory_space<vmem>>, vector<16xf32>,
        %mul3A_1733 = vector.broadcast %squeeze3A_1709 : f32 to vector<16xf32>
        %mul3A_1734 = arith.mulf %get3A_1732, %mul3A_1733 : vector<16xf32>
        %swap3A_1735 = arith.index_cast %add3A_1713 : i32 to index
        %swap3A_1736 = arith.constant 32 : index
        %swap3A_1737 = tpu.vector_load %arg25[%swap3A_1735, %swap3A_1736] {strides = array<i32>} : memref<128x128xf32, #tpu.memory_space<vmem>>, vector<16xf32>,
        tpu.vector_store %arg25[%swap3A_1735, %swap3A_1736], %mul3A_1734 {strides = array<i32>} : memref<128x128xf32, #tpu.memory_space<vmem>>, vector<16xf32>,
        %get3A_1738 = arith.index_cast %add3A_1713 : i32 to index
        %get3A_1739 = arith.constant 48 : index
        %get3A_1740 = tpu.vector_load %arg25[%get3A_1738, %get3A_1739] {strides = array<i32>} : memref<128x128xf32, #tpu.memory_space<vmem>>, vector<16xf32>,
        %mul3A_1741 = vector.broadcast %squeeze3A_1709 : f32 to vector<16xf32>
        %mul3A_1742 = arith.mulf %get3A_1740, %mul3A_1741 : vector<16xf32>
        %swap3A_1743 = arith.index_cast %add3A_1713 : i32 to index
        %swap3A_1744 = arith.constant 48 : index
        %swap3A_1745 = tpu.vector_load %arg25[%swap3A_1743, %swap3A_1744] {strides = array<i32>} : memref<128x128xf32, #tpu.memory_space<vmem>>, vector<16xf32>,
        tpu.vector_store %arg25[%swap3A_1743, %swap3A_1744], %mul3A_1742 {strides = array<i32>} : memref<128x128xf32, #tpu.memory_space<vmem>>, vector<16xf32>,
        %get3A_1746 = arith.index_cast %add3A_1713 : i32 to index
        %get3A_1747 = arith.constant 64 : index
        %get3A_1748 = tpu.vector_load %arg25[%get3A_1746, %get3A_1747] {strides = array<i32>} : memref<128x128xf32, #tpu.memory_space<vmem>>, vector<16xf32>,
        %mul3A_1749 = vector.broadcast %squeeze3A_1709 : f32 to vector<16xf32>
        %mul3A_1750 = arith.mulf %get3A_1748, %mul3A_1749 : vector<16xf32>
        %swap3A_1751 = arith.index_cast %add3A_1713 : i32 to index
        %swap3A_1752 = arith.constant 64 : index
        %swap3A_1753 = tpu.vector_load %arg25[%swap3A_1751, %swap3A_1752] {strides = array<i32>} : memref<128x128xf32, #tpu.memory_space<vmem>>, vector<16xf32>,
        tpu.vector_store %arg25[%swap3A_1751, %swap3A_1752], %mul3A_1750 {strides = array<i32>} : memref<128x128xf32, #tpu.memory_space<vmem>>, vector<16xf32>,
        %get3A_1754 = arith.index_cast %add3A_1713 : i32 to index
        %get3A_1755 = arith.constant 80 : index
        %get3A_1756 = tpu.vector_load %arg25[%get3A_1754, %get3A_1755] {strides = array<i32>} : memref<128x128xf32, #tpu.memory_space<vmem>>, vector<16xf32>,
        %mul3A_1757 = vector.broadcast %squeeze3A_1709 : f32 to vector<16xf32>
        %mul3A_1758 = arith.mulf %get3A_1756, %mul3A_1757 : vector<16xf32>
        %swap3A_1759 = arith.index_cast %add3A_1713 : i32 to index
        %swap3A_1760 = arith.constant 80 : index
        %swap3A_1761 = tpu.vector_load %arg25[%swap3A_1759, %swap3A_1760] {strides = array<i32>} : memref<128x128xf32, #tpu.memory_space<vmem>>, vector<16xf32>,
        tpu.vector_store %arg25[%swap3A_1759, %swap3A_1760], %mul3A_1758 {strides = array<i32>} : memref<128x128xf32, #tpu.memory_space<vmem>>, vector<16xf32>,
        %get3A_1762 = arith.index_cast %add3A_1713 : i32 to index
        %get3A_1763 = arith.constant 96 : index
        %get3A_1764 = tpu.vector_load %arg25[%get3A_1762, %get3A_1763] {strides = array<i32>} : memref<128x128xf32, #tpu.memory_space<vmem>>, vector<16xf32>,
        %mul3A_1765 = vector.broadcast %squeeze3A_1709 : f32 to vector<16xf32>
        %mul3A_1766 = arith.mulf %get3A_1764, %mul3A_1765 : vector<16xf32>
        %swap3A_1767 = arith.index_cast %add3A_1713 : i32 to index
        %swap3A_1768 = arith.constant 96 : index
        %swap3A_1769 = tpu.vector_load %arg25[%swap3A_1767, %swap3A_1768] {strides = array<i32>} : memref<128x128xf32, #tpu.memory_space<vmem>>, vector<16xf32>,
        tpu.vector_store %arg25[%swap3A_1767, %swap3A_1768], %mul3A_1766 {strides = array<i32>} : memref<128x128xf32, #tpu.memory_space<vmem>>, vector<16xf32>,
        %get3A_1770 = arith.index_cast %add3A_1713 : i32 to index
        %get3A_1771 = arith.constant 112 : index
        %get3A_1772 = tpu.vector_load %arg25[%get3A_1770, %get3A_1771] {strides = array<i32>} : memref<128x128xf32, #tpu.memory_space<vmem>>, vector<16xf32>,
        %mul3A_1773 = vector.broadcast %squeeze3A_1709 : f32 to vector<16xf32>
        %mul3A_1774 = arith.mulf %get3A_1772, %mul3A_1773 : vector<16xf32>
        %swap3A_1775 = arith.index_cast %add3A_1713 : i32 to index
        %swap3A_1776 = arith.constant 112 : index
        %swap3A_1777 = tpu.vector_load %arg25[%swap3A_1775, %swap3A_1776] {strides = array<i32>} : memref<128x128xf32, #tpu.memory_space<vmem>>, vector<16xf32>,
        tpu.vector_store %arg25[%swap3A_1775, %swap3A_1776], %mul3A_1774 {strides = array<i32>} : memref<128x128xf32, #tpu.memory_space<vmem>>, vector<16xf32>,
        %slice3A_1778 = vector.extract_strided_slice %get3A_729 {offsets = [15], sizes = [1], strides = [1]} : vector<16xf32> to vector<1xf32>
        %squeeze3A_1779 = vector.extract %slice3A_1778[0] : f32 from vector<1xf32>
        %mul3A_1780 = arith.constant 16 : i32
        %mul3A_1781 = arith.muli %scan3A_725, %mul3A_1780 : i32
        %add3A_1782 = arith.constant 15 : i32
        %add3A_1783 = arith.addi %mul3A_1781, %add3A_1782 : i32
        %get3A_1784 = arith.index_cast %add3A_1783 : i32 to index
        %get3A_1785 = arith.constant 0 : index
        %get3A_1786 = tpu.vector_load %arg25[%get3A_1784, %get3A_1785] {strides = array<i32>} : memref<128x128xf32, #tpu.memory_space<vmem>>, vector<16xf32>,
        %mul3A_1787 = vector.broadcast %squeeze3A_1779 : f32 to vector<16xf32>
        %mul3A_1788 = arith.mulf %get3A_1786, %mul3A_1787 : vector<16xf32>
        %swap3A_1789 = arith.index_cast %add3A_1783 : i32 to index
        %swap3A_1790 = arith.constant 0 : index
        %swap3A_1791 = tpu.vector_load %arg25[%swap3A_1789, %swap3A_1790] {strides = array<i32>} : memref<128x128xf32, #tpu.memory_space<vmem>>, vector<16xf32>,
        tpu.vector_store %arg25[%swap3A_1789, %swap3A_1790], %mul3A_1788 {strides = array<i32>} : memref<128x128xf32, #tpu.memory_space<vmem>>, vector<16xf32>,
        %get3A_1792 = arith.index_cast %add3A_1783 : i32 to index
        %get3A_1793 = arith.constant 16 : index
        %get3A_1794 = tpu.vector_load %arg25[%get3A_1792, %get3A_1793] {strides = array<i32>} : memref<128x128xf32, #tpu.memory_space<vmem>>, vector<16xf32>,
        %mul3A_1795 = vector.broadcast %squeeze3A_1779 : f32 to vector<16xf32>
        %mul3A_1796 = arith.mulf %get3A_1794, %mul3A_1795 : vector<16xf32>
        %swap3A_1797 = arith.index_cast %add3A_1783 : i32 to index
        %swap3A_1798 = arith.constant 16 : index
        %swap3A_1799 = tpu.vector_load %arg25[%swap3A_1797, %swap3A_1798] {strides = array<i32>} : memref<128x128xf32, #tpu.memory_space<vmem>>, vector<16xf32>,
        tpu.vector_store %arg25[%swap3A_1797, %swap3A_1798], %mul3A_1796 {strides = array<i32>} : memref<128x128xf32, #tpu.memory_space<vmem>>, vector<16xf32>,
        %get3A_1800 = arith.index_cast %add3A_1783 : i32 to index
        %get3A_1801 = arith.constant 32 : index
        %get3A_1802 = tpu.vector_load %arg25[%get3A_1800, %get3A_1801] {strides = array<i32>} : memref<128x128xf32, #tpu.memory_space<vmem>>, vector<16xf32>,
        %mul3A_1803 = vector.broadcast %squeeze3A_1779 : f32 to vector<16xf32>
        %mul3A_1804 = arith.mulf %get3A_1802, %mul3A_1803 : vector<16xf32>
        %swap3A_1805 = arith.index_cast %add3A_1783 : i32 to index
        %swap3A_1806 = arith.constant 32 : index
        %swap3A_1807 = tpu.vector_load %arg25[%swap3A_1805, %swap3A_1806] {strides = array<i32>} : memref<128x128xf32, #tpu.memory_space<vmem>>, vector<16xf32>,
        tpu.vector_store %arg25[%swap3A_1805, %swap3A_1806], %mul3A_1804 {strides = array<i32>} : memref<128x128xf32, #tpu.memory_space<vmem>>, vector<16xf32>,
        %get3A_1808 = arith.index_cast %add3A_1783 : i32 to index
        %get3A_1809 = arith.constant 48 : index
        %get3A_1810 = tpu.vector_load %arg25[%get3A_1808, %get3A_1809] {strides = array<i32>} : memref<128x128xf32, #tpu.memory_space<vmem>>, vector<16xf32>,
        %mul3A_1811 = vector.broadcast %squeeze3A_1779 : f32 to vector<16xf32>
        %mul3A_1812 = arith.mulf %get3A_1810, %mul3A_1811 : vector<16xf32>
        %swap3A_1813 = arith.index_cast %add3A_1783 : i32 to index
        %swap3A_1814 = arith.constant 48 : index
        %swap3A_1815 = tpu.vector_load %arg25[%swap3A_1813, %swap3A_1814] {strides = array<i32>} : memref<128x128xf32, #tpu.memory_space<vmem>>, vector<16xf32>,
        tpu.vector_store %arg25[%swap3A_1813, %swap3A_1814], %mul3A_1812 {strides = array<i32>} : memref<128x128xf32, #tpu.memory_space<vmem>>, vector<16xf32>,
        %get3A_1816 = arith.index_cast %add3A_1783 : i32 to index
        %get3A_1817 = arith.constant 64 : index
        %get3A_1818 = tpu.vector_load %arg25[%get3A_1816, %get3A_1817] {strides = array<i32>} : memref<128x128xf32, #tpu.memory_space<vmem>>, vector<16xf32>,
        %mul3A_1819 = vector.broadcast %squeeze3A_1779 : f32 to vector<16xf32>
        %mul3A_1820 = arith.mulf %get3A_1818, %mul3A_1819 : vector<16xf32>
        %swap3A_1821 = arith.index_cast %add3A_1783 : i32 to index
        %swap3A_1822 = arith.constant 64 : index
        %swap3A_1823 = tpu.vector_load %arg25[%swap3A_1821, %swap3A_1822] {strides = array<i32>} : memref<128x128xf32, #tpu.memory_space<vmem>>, vector<16xf32>,
        tpu.vector_store %arg25[%swap3A_1821, %swap3A_1822], %mul3A_1820 {strides = array<i32>} : memref<128x128xf32, #tpu.memory_space<vmem>>, vector<16xf32>,
        %get3A_1824 = arith.index_cast %add3A_1783 : i32 to index
        %get3A_1825 = arith.constant 80 : index
        %get3A_1826 = tpu.vector_load %arg25[%get3A_1824, %get3A_1825] {strides = array<i32>} : memref<128x128xf32, #tpu.memory_space<vmem>>, vector<16xf32>,
        %mul3A_1827 = vector.broadcast %squeeze3A_1779 : f32 to vector<16xf32>
        %mul3A_1828 = arith.mulf %get3A_1826, %mul3A_1827 : vector<16xf32>
        %swap3A_1829 = arith.index_cast %add3A_1783 : i32 to index
        %swap3A_1830 = arith.constant 80 : index
        %swap3A_1831 = tpu.vector_load %arg25[%swap3A_1829, %swap3A_1830] {strides = array<i32>} : memref<128x128xf32, #tpu.memory_space<vmem>>, vector<16xf32>,
        tpu.vector_store %arg25[%swap3A_1829, %swap3A_1830], %mul3A_1828 {strides = array<i32>} : memref<128x128xf32, #tpu.memory_space<vmem>>, vector<16xf32>,
        %get3A_1832 = arith.index_cast %add3A_1783 : i32 to index
        %get3A_1833 = arith.constant 96 : index
        %get3A_1834 = tpu.vector_load %arg25[%get3A_1832, %get3A_1833] {strides = array<i32>} : memref<128x128xf32, #tpu.memory_space<vmem>>, vector<16xf32>,
        %mul3A_1835 = vector.broadcast %squeeze3A_1779 : f32 to vector<16xf32>
        %mul3A_1836 = arith.mulf %get3A_1834, %mul3A_1835 : vector<16xf32>
        %swap3A_1837 = arith.index_cast %add3A_1783 : i32 to index
        %swap3A_1838 = arith.constant 96 : index
        %swap3A_1839 = tpu.vector_load %arg25[%swap3A_1837, %swap3A_1838] {strides = array<i32>} : memref<128x128xf32, #tpu.memory_space<vmem>>, vector<16xf32>,
        tpu.vector_store %arg25[%swap3A_1837, %swap3A_1838], %mul3A_1836 {strides = array<i32>} : memref<128x128xf32, #tpu.memory_space<vmem>>, vector<16xf32>,
        %get3A_1840 = arith.index_cast %add3A_1783 : i32 to index
        %get3A_1841 = arith.constant 112 : index
        %get3A_1842 = tpu.vector_load %arg25[%get3A_1840, %get3A_1841] {strides = array<i32>} : memref<128x128xf32, #tpu.memory_space<vmem>>, vector<16xf32>,
        %mul3A_1843 = vector.broadcast %squeeze3A_1779 : f32 to vector<16xf32>
        %mul3A_1844 = arith.mulf %get3A_1842, %mul3A_1843 : vector<16xf32>
        %swap3A_1845 = arith.index_cast %add3A_1783 : i32 to index
        %swap3A_1846 = arith.constant 112 : index
        %swap3A_1847 = tpu.vector_load %arg25[%swap3A_1845, %swap3A_1846] {strides = array<i32>} : memref<128x128xf32, #tpu.memory_space<vmem>>, vector<16xf32>,
        tpu.vector_store %arg25[%swap3A_1845, %swap3A_1846], %mul3A_1844 {strides = array<i32>} : memref<128x128xf32, #tpu.memory_space<vmem>>, vector<16xf32>,
      }
      %scan3A_470 = arith.constant 8 : i32
      %dma_start3A_471 = arith.constant 0 : i32
      %dma_start3A_472 = arith.constant 0 : i32
      %dma_start3A_473 = tpu.memref_slice %arg8[%dma_start3A_471, %dma_start3A_472] : memref<10240x128xf32, #tpu.memory_space<vmem_shared>> -> memref<10240x128xf32, #tpu.memory_space<vmem_shared>>
      tpu.enqueue_indirect_dma source(%arg25 : memref<128x128xf32, #tpu.memory_space<vmem>>) target(%dma_start3A_473 : memref<10240x128xf32, #tpu.memory_space<vmem_shared>>) offsets(%arg17 : memref<128xi32, #tpu.memory_space<vmem>>) semaphore(%arg33 : memref<!tpu.dma_semaphore, #tpu.memory_space<semaphore_mem>>) {add = true}
      %dma_start3A_474 = arith.constant 0 : i32
      %dma_start3A_475 = tpu.memref_slice %arg9[%dma_start3A_474] : memref<10240xf32, #tpu.memory_space<vmem_shared>> -> memref<10240xf32, #tpu.memory_space<vmem_shared>>
      tpu.enqueue_indirect_dma source(%arg19 : memref<128xf32, #tpu.memory_space<vmem>>) target(%dma_start3A_475 : memref<10240xf32, #tpu.memory_space<vmem_shared>>) offsets(%arg17 : memref<128xi32, #tpu.memory_space<vmem>>) semaphore(%arg33 : memref<!tpu.dma_semaphore, #tpu.memory_space<semaphore_mem>>) {add = true}
      %lt3A = arith.constant 39 : i32
      %lt3A_476 = arith.cmpi slt, %scan3A_169, %lt3A : i32
      %convert_element_type3A_477 = arith.extui %lt3A_476 : i1 to i32
      %cond3A_478 = arith.constant 0 : i32
      %cond3A_479 = arith.cmpi ne, %convert_element_type3A_477, %cond3A_478 : i32
      scf.if %cond3A_479 {
        %add3A_725 = arith.constant 2 : i32
        %add3A_726 = arith.addi %add3A_173, %add3A_725 : i32
        %add3A_727 = arith.addi %mul3A_3, %add3A_726 : i32
        %dma_start3A_728 = arith.constant 0 : i32
        %dma_start3A_729 = tpu.memref_slice %arg5[%add3A_727, %dma_start3A_728] : memref<2560x512xi32, #tpu.memory_space<hbm>> -> memref<1x512xi32, #tpu.memory_space<hbm>>
        %dma_start3A_730 = tpu.memref_squeeze %dma_start3A_729 : memref<1x512xi32, #tpu.memory_space<hbm>> -> memref<512xi32, #tpu.memory_space<hbm>>
        %dma_start3A_731 = arith.constant 0 : i32
        %dma_start3A_732 = tpu.memref_slice %arg5[%add3A_727, %dma_start3A_731] : memref<2560x512xi32, #tpu.memory_space<hbm>> -> memref<1x512xi32, #tpu.memory_space<hbm>>
        %dma_start3A_733 = tpu.memref_squeeze %dma_start3A_732 : memref<1x512xi32, #tpu.memory_space<hbm>> -> memref<512xi32, #tpu.memory_space<hbm>>
        tpu.enqueue_dma source(%dma_start3A_733 : memref<512xi32, #tpu.memory_space<hbm>>) target(%arg13 : memref<512xi32, #tpu.memory_space<vmem>>) target_semaphore(%arg27 : memref<!tpu.dma_semaphore, #tpu.memory_space<semaphore_mem>>)
      } else {
      }
      %mul3A_480 = arith.constant 2 : i32
      %mul3A_481 = arith.muli %scan3A_169, %mul3A_480 : i32
      %add3A_482 = arith.constant 1 : i32
      %add3A_483 = arith.addi %mul3A_481, %add3A_482 : i32
      %dma_wait3A_484 = arith.constant 0 : i32
      %dma_wait3A_485 = tpu.memref_slice %arg10[%dma_wait3A_484] : memref<10000xf32, #tpu.memory_space<vmem_shared>> -> memref<10000xf32, #tpu.memory_space<vmem_shared>>
      tpu.wait_indirect_dma semaphore(%arg32 : memref<!tpu.dma_semaphore, #tpu.memory_space<semaphore_mem>>) src(%dma_wait3A_485 : memref<10000xf32, #tpu.memory_space<vmem_shared>>) dst(%arg22 : memref<128xf32, #tpu.memory_space<vmem>>)
      %dma_wait3A_486 = arith.constant 0 : i32
      %dma_wait3A_487 = tpu.memref_slice %arg11[%dma_wait3A_486] : memref<10000xf32, #tpu.memory_space<vmem_shared>> -> memref<10000xf32, #tpu.memory_space<vmem_shared>>
      tpu.wait_indirect_dma semaphore(%arg32 : memref<!tpu.dma_semaphore, #tpu.memory_space<semaphore_mem>>) src(%dma_wait3A_487 : memref<10000xf32, #tpu.memory_space<vmem_shared>>) dst(%arg24 : memref<128xf32, #tpu.memory_space<vmem>>)
      %get3A_488 = arith.constant 256 : index
      %get3A_489 = tpu.vector_load %arg14[%get3A_488] {strides = array<i32>} : memref<512xi32, #tpu.memory_space<vmem>>, vector<16xi32>,
      %jit3A_490 = arith.constant 0 : i32
      %jit3A_491 = arith.constant 15 : i32
      %max3A_492 = vector.broadcast %jit3A_490 : i32 to vector<16xi32>
      %max3A_493 = arith.maxsi %max3A_492, %get3A_489 : vector<16xi32>
      %min3A_494 = vector.broadcast %jit3A_491 : i32 to vector<16xi32>
      %min3A_495 = arith.minsi %min3A_494, %max3A_493 : vector<16xi32>
      %get3A_496 = arith.constant 384 : index
      %get3A_497 = tpu.vector_load %arg14[%get3A_496] {strides = array<i32>} : memref<512xi32, #tpu.memory_space<vmem>>, vector<16xi32>,
      %bitcast3A_498 = vector.bitcast %get3A_497 : vector<16xi32> to vector<16xf32>
      %gather3A_499 = tpu.vector_load_idx %arg12[%min3A_495] : memref<16xf32, #tpu.memory_space<vmem>>[vector<16xi32>], vector<16xf32>,
      %get3A_500 = arith.constant 0 : index
      %get3A_501 = tpu.vector_load %arg22[%get3A_500] {strides = array<i32>} : memref<128xf32, #tpu.memory_space<vmem>>, vector<16xf32>,
      %get3A_502 = arith.constant 0 : index
      %get3A_503 = tpu.vector_load %arg24[%get3A_502] {strides = array<i32>} : memref<128xf32, #tpu.memory_space<vmem>>, vector<16xf32>,
      %add3A_504 = arith.addf %get3A_501, %get3A_503 : vector<16xf32>
      %add3A_505 = arith.addf %add3A_504, %gather3A_499 : vector<16xf32>
      %mul3A_506 = arith.constant 2.000000e-01 : f32
      %mul3A_507 = vector.broadcast %mul3A_506 : f32 to vector<16xf32>
      %mul3A_508 = arith.mulf %mul3A_507, %add3A_505 : vector<16xf32>
      %max3A_509 = arith.maximumf %add3A_505, %mul3A_508 : vector<16xf32>
      %exp3A_510 = math.exp %max3A_509 : vector<16xf32>
      %mul3A_511 = arith.mulf %exp3A_510, %bitcast3A_498 : vector<16xf32>
      %swap3A_512 = arith.constant 0 : index
      %swap3A_513 = tpu.vector_load %arg20[%swap3A_512] {strides = array<i32>} : memref<128xf32, #tpu.memory_space<vmem>>, vector<16xf32>,
      tpu.vector_store %arg20[%swap3A_512], %mul3A_511 {strides = array<i32>} : memref<128xf32, #tpu.memory_space<vmem>>, vector<16xf32>,
      %get3A_514 = arith.constant 272 : index
      %get3A_515 = tpu.vector_load %arg14[%get3A_514] {strides = array<i32>} : memref<512xi32, #tpu.memory_space<vmem>>, vector<16xi32>,
      %jit3A_516 = arith.constant 0 : i32
      %jit3A_517 = arith.constant 15 : i32
      %max3A_518 = vector.broadcast %jit3A_516 : i32 to vector<16xi32>
      %max3A_519 = arith.maxsi %max3A_518, %get3A_515 : vector<16xi32>
      %min3A_520 = vector.broadcast %jit3A_517 : i32 to vector<16xi32>
      %min3A_521 = arith.minsi %min3A_520, %max3A_519 : vector<16xi32>
      %get3A_522 = arith.constant 400 : index
      %get3A_523 = tpu.vector_load %arg14[%get3A_522] {strides = array<i32>} : memref<512xi32, #tpu.memory_space<vmem>>, vector<16xi32>,
      %bitcast3A_524 = vector.bitcast %get3A_523 : vector<16xi32> to vector<16xf32>
      %gather3A_525 = tpu.vector_load_idx %arg12[%min3A_521] : memref<16xf32, #tpu.memory_space<vmem>>[vector<16xi32>], vector<16xf32>,
      %get3A_526 = arith.constant 16 : index
      %get3A_527 = tpu.vector_load %arg22[%get3A_526] {strides = array<i32>} : memref<128xf32, #tpu.memory_space<vmem>>, vector<16xf32>,
      %get3A_528 = arith.constant 16 : index
      %get3A_529 = tpu.vector_load %arg24[%get3A_528] {strides = array<i32>} : memref<128xf32, #tpu.memory_space<vmem>>, vector<16xf32>,
      %add3A_530 = arith.addf %get3A_527, %get3A_529 : vector<16xf32>
      %add3A_531 = arith.addf %add3A_530, %gather3A_525 : vector<16xf32>
      %mul3A_532 = arith.constant 2.000000e-01 : f32
      %mul3A_533 = vector.broadcast %mul3A_532 : f32 to vector<16xf32>
      %mul3A_534 = arith.mulf %mul3A_533, %add3A_531 : vector<16xf32>
      %max3A_535 = arith.maximumf %add3A_531, %mul3A_534 : vector<16xf32>
      %exp3A_536 = math.exp %max3A_535 : vector<16xf32>
      %mul3A_537 = arith.mulf %exp3A_536, %bitcast3A_524 : vector<16xf32>
      %swap3A_538 = arith.constant 16 : index
      %swap3A_539 = tpu.vector_load %arg20[%swap3A_538] {strides = array<i32>} : memref<128xf32, #tpu.memory_space<vmem>>, vector<16xf32>,
      tpu.vector_store %arg20[%swap3A_538], %mul3A_537 {strides = array<i32>} : memref<128xf32, #tpu.memory_space<vmem>>, vector<16xf32>,
      %get3A_540 = arith.constant 288 : index
      %get3A_541 = tpu.vector_load %arg14[%get3A_540] {strides = array<i32>} : memref<512xi32, #tpu.memory_space<vmem>>, vector<16xi32>,
      %jit3A_542 = arith.constant 0 : i32
      %jit3A_543 = arith.constant 15 : i32
      %max3A_544 = vector.broadcast %jit3A_542 : i32 to vector<16xi32>
      %max3A_545 = arith.maxsi %max3A_544, %get3A_541 : vector<16xi32>
      %min3A_546 = vector.broadcast %jit3A_543 : i32 to vector<16xi32>
      %min3A_547 = arith.minsi %min3A_546, %max3A_545 : vector<16xi32>
      %get3A_548 = arith.constant 416 : index
      %get3A_549 = tpu.vector_load %arg14[%get3A_548] {strides = array<i32>} : memref<512xi32, #tpu.memory_space<vmem>>, vector<16xi32>,
      %bitcast3A_550 = vector.bitcast %get3A_549 : vector<16xi32> to vector<16xf32>
      %gather3A_551 = tpu.vector_load_idx %arg12[%min3A_547] : memref<16xf32, #tpu.memory_space<vmem>>[vector<16xi32>], vector<16xf32>,
      %get3A_552 = arith.constant 32 : index
      %get3A_553 = tpu.vector_load %arg22[%get3A_552] {strides = array<i32>} : memref<128xf32, #tpu.memory_space<vmem>>, vector<16xf32>,
      %get3A_554 = arith.constant 32 : index
      %get3A_555 = tpu.vector_load %arg24[%get3A_554] {strides = array<i32>} : memref<128xf32, #tpu.memory_space<vmem>>, vector<16xf32>,
      %add3A_556 = arith.addf %get3A_553, %get3A_555 : vector<16xf32>
      %add3A_557 = arith.addf %add3A_556, %gather3A_551 : vector<16xf32>
      %mul3A_558 = arith.constant 2.000000e-01 : f32
      %mul3A_559 = vector.broadcast %mul3A_558 : f32 to vector<16xf32>
      %mul3A_560 = arith.mulf %mul3A_559, %add3A_557 : vector<16xf32>
      %max3A_561 = arith.maximumf %add3A_557, %mul3A_560 : vector<16xf32>
      %exp3A_562 = math.exp %max3A_561 : vector<16xf32>
      %mul3A_563 = arith.mulf %exp3A_562, %bitcast3A_550 : vector<16xf32>
      %swap3A_564 = arith.constant 32 : index
      %swap3A_565 = tpu.vector_load %arg20[%swap3A_564] {strides = array<i32>} : memref<128xf32, #tpu.memory_space<vmem>>, vector<16xf32>,
      tpu.vector_store %arg20[%swap3A_564], %mul3A_563 {strides = array<i32>} : memref<128xf32, #tpu.memory_space<vmem>>, vector<16xf32>,
      %get3A_566 = arith.constant 304 : index
      %get3A_567 = tpu.vector_load %arg14[%get3A_566] {strides = array<i32>} : memref<512xi32, #tpu.memory_space<vmem>>, vector<16xi32>,
      %jit3A_568 = arith.constant 0 : i32
      %jit3A_569 = arith.constant 15 : i32
      %max3A_570 = vector.broadcast %jit3A_568 : i32 to vector<16xi32>
      %max3A_571 = arith.maxsi %max3A_570, %get3A_567 : vector<16xi32>
      %min3A_572 = vector.broadcast %jit3A_569 : i32 to vector<16xi32>
      %min3A_573 = arith.minsi %min3A_572, %max3A_571 : vector<16xi32>
      %get3A_574 = arith.constant 432 : index
      %get3A_575 = tpu.vector_load %arg14[%get3A_574] {strides = array<i32>} : memref<512xi32, #tpu.memory_space<vmem>>, vector<16xi32>,
      %bitcast3A_576 = vector.bitcast %get3A_575 : vector<16xi32> to vector<16xf32>
      %gather3A_577 = tpu.vector_load_idx %arg12[%min3A_573] : memref<16xf32, #tpu.memory_space<vmem>>[vector<16xi32>], vector<16xf32>,
      %get3A_578 = arith.constant 48 : index
      %get3A_579 = tpu.vector_load %arg22[%get3A_578] {strides = array<i32>} : memref<128xf32, #tpu.memory_space<vmem>>, vector<16xf32>,
      %get3A_580 = arith.constant 48 : index
      %get3A_581 = tpu.vector_load %arg24[%get3A_580] {strides = array<i32>} : memref<128xf32, #tpu.memory_space<vmem>>, vector<16xf32>,
      %add3A_582 = arith.addf %get3A_579, %get3A_581 : vector<16xf32>
      %add3A_583 = arith.addf %add3A_582, %gather3A_577 : vector<16xf32>
      %mul3A_584 = arith.constant 2.000000e-01 : f32
      %mul3A_585 = vector.broadcast %mul3A_584 : f32 to vector<16xf32>
      %mul3A_586 = arith.mulf %mul3A_585, %add3A_583 : vector<16xf32>
      %max3A_587 = arith.maximumf %add3A_583, %mul3A_586 : vector<16xf32>
      %exp3A_588 = math.exp %max3A_587 : vector<16xf32>
      %mul3A_589 = arith.mulf %exp3A_588, %bitcast3A_576 : vector<16xf32>
      %swap3A_590 = arith.constant 48 : index
      %swap3A_591 = tpu.vector_load %arg20[%swap3A_590] {strides = array<i32>} : memref<128xf32, #tpu.memory_space<vmem>>, vector<16xf32>,
      tpu.vector_store %arg20[%swap3A_590], %mul3A_589 {strides = array<i32>} : memref<128xf32, #tpu.memory_space<vmem>>, vector<16xf32>,
      %get3A_592 = arith.constant 320 : index
      %get3A_593 = tpu.vector_load %arg14[%get3A_592] {strides = array<i32>} : memref<512xi32, #tpu.memory_space<vmem>>, vector<16xi32>,
      %jit3A_594 = arith.constant 0 : i32
      %jit3A_595 = arith.constant 15 : i32
      %max3A_596 = vector.broadcast %jit3A_594 : i32 to vector<16xi32>
      %max3A_597 = arith.maxsi %max3A_596, %get3A_593 : vector<16xi32>
      %min3A_598 = vector.broadcast %jit3A_595 : i32 to vector<16xi32>
      %min3A_599 = arith.minsi %min3A_598, %max3A_597 : vector<16xi32>
      %get3A_600 = arith.constant 448 : index
      %get3A_601 = tpu.vector_load %arg14[%get3A_600] {strides = array<i32>} : memref<512xi32, #tpu.memory_space<vmem>>, vector<16xi32>,
      %bitcast3A_602 = vector.bitcast %get3A_601 : vector<16xi32> to vector<16xf32>
      %gather3A_603 = tpu.vector_load_idx %arg12[%min3A_599] : memref<16xf32, #tpu.memory_space<vmem>>[vector<16xi32>], vector<16xf32>,
      %get3A_604 = arith.constant 64 : index
      %get3A_605 = tpu.vector_load %arg22[%get3A_604] {strides = array<i32>} : memref<128xf32, #tpu.memory_space<vmem>>, vector<16xf32>,
      %get3A_606 = arith.constant 64 : index
      %get3A_607 = tpu.vector_load %arg24[%get3A_606] {strides = array<i32>} : memref<128xf32, #tpu.memory_space<vmem>>, vector<16xf32>,
      %add3A_608 = arith.addf %get3A_605, %get3A_607 : vector<16xf32>
      %add3A_609 = arith.addf %add3A_608, %gather3A_603 : vector<16xf32>
      %mul3A_610 = arith.constant 2.000000e-01 : f32
      %mul3A_611 = vector.broadcast %mul3A_610 : f32 to vector<16xf32>
      %mul3A_612 = arith.mulf %mul3A_611, %add3A_609 : vector<16xf32>
      %max3A_613 = arith.maximumf %add3A_609, %mul3A_612 : vector<16xf32>
      %exp3A_614 = math.exp %max3A_613 : vector<16xf32>
      %mul3A_615 = arith.mulf %exp3A_614, %bitcast3A_602 : vector<16xf32>
      %swap3A_616 = arith.constant 64 : index
      %swap3A_617 = tpu.vector_load %arg20[%swap3A_616] {strides = array<i32>} : memref<128xf32, #tpu.memory_space<vmem>>, vector<16xf32>,
      tpu.vector_store %arg20[%swap3A_616], %mul3A_615 {strides = array<i32>} : memref<128xf32, #tpu.memory_space<vmem>>, vector<16xf32>,
      %get3A_618 = arith.constant 336 : index
      %get3A_619 = tpu.vector_load %arg14[%get3A_618] {strides = array<i32>} : memref<512xi32, #tpu.memory_space<vmem>>, vector<16xi32>,
      %jit3A_620 = arith.constant 0 : i32
      %jit3A_621 = arith.constant 15 : i32
      %max3A_622 = vector.broadcast %jit3A_620 : i32 to vector<16xi32>
      %max3A_623 = arith.maxsi %max3A_622, %get3A_619 : vector<16xi32>
      %min3A_624 = vector.broadcast %jit3A_621 : i32 to vector<16xi32>
      %min3A_625 = arith.minsi %min3A_624, %max3A_623 : vector<16xi32>
      %get3A_626 = arith.constant 464 : index
      %get3A_627 = tpu.vector_load %arg14[%get3A_626] {strides = array<i32>} : memref<512xi32, #tpu.memory_space<vmem>>, vector<16xi32>,
      %bitcast3A_628 = vector.bitcast %get3A_627 : vector<16xi32> to vector<16xf32>
      %gather3A_629 = tpu.vector_load_idx %arg12[%min3A_625] : memref<16xf32, #tpu.memory_space<vmem>>[vector<16xi32>], vector<16xf32>,
      %get3A_630 = arith.constant 80 : index
      %get3A_631 = tpu.vector_load %arg22[%get3A_630] {strides = array<i32>} : memref<128xf32, #tpu.memory_space<vmem>>, vector<16xf32>,
      %get3A_632 = arith.constant 80 : index
      %get3A_633 = tpu.vector_load %arg24[%get3A_632] {strides = array<i32>} : memref<128xf32, #tpu.memory_space<vmem>>, vector<16xf32>,
      %add3A_634 = arith.addf %get3A_631, %get3A_633 : vector<16xf32>
      %add3A_635 = arith.addf %add3A_634, %gather3A_629 : vector<16xf32>
      %mul3A_636 = arith.constant 2.000000e-01 : f32
      %mul3A_637 = vector.broadcast %mul3A_636 : f32 to vector<16xf32>
      %mul3A_638 = arith.mulf %mul3A_637, %add3A_635 : vector<16xf32>
      %max3A_639 = arith.maximumf %add3A_635, %mul3A_638 : vector<16xf32>
      %exp3A_640 = math.exp %max3A_639 : vector<16xf32>
      %mul3A_641 = arith.mulf %exp3A_640, %bitcast3A_628 : vector<16xf32>
      %swap3A_642 = arith.constant 80 : index
      %swap3A_643 = tpu.vector_load %arg20[%swap3A_642] {strides = array<i32>} : memref<128xf32, #tpu.memory_space<vmem>>, vector<16xf32>,
      tpu.vector_store %arg20[%swap3A_642], %mul3A_641 {strides = array<i32>} : memref<128xf32, #tpu.memory_space<vmem>>, vector<16xf32>,
      %get3A_644 = arith.constant 352 : index
      %get3A_645 = tpu.vector_load %arg14[%get3A_644] {strides = array<i32>} : memref<512xi32, #tpu.memory_space<vmem>>, vector<16xi32>,
      %jit3A_646 = arith.constant 0 : i32
      %jit3A_647 = arith.constant 15 : i32
      %max3A_648 = vector.broadcast %jit3A_646 : i32 to vector<16xi32>
      %max3A_649 = arith.maxsi %max3A_648, %get3A_645 : vector<16xi32>
      %min3A_650 = vector.broadcast %jit3A_647 : i32 to vector<16xi32>
      %min3A_651 = arith.minsi %min3A_650, %max3A_649 : vector<16xi32>
      %get3A_652 = arith.constant 480 : index
      %get3A_653 = tpu.vector_load %arg14[%get3A_652] {strides = array<i32>} : memref<512xi32, #tpu.memory_space<vmem>>, vector<16xi32>,
      %bitcast3A_654 = vector.bitcast %get3A_653 : vector<16xi32> to vector<16xf32>
      %gather3A_655 = tpu.vector_load_idx %arg12[%min3A_651] : memref<16xf32, #tpu.memory_space<vmem>>[vector<16xi32>], vector<16xf32>,
      %get3A_656 = arith.constant 96 : index
      %get3A_657 = tpu.vector_load %arg22[%get3A_656] {strides = array<i32>} : memref<128xf32, #tpu.memory_space<vmem>>, vector<16xf32>,
      %get3A_658 = arith.constant 96 : index
      %get3A_659 = tpu.vector_load %arg24[%get3A_658] {strides = array<i32>} : memref<128xf32, #tpu.memory_space<vmem>>, vector<16xf32>,
      %add3A_660 = arith.addf %get3A_657, %get3A_659 : vector<16xf32>
      %add3A_661 = arith.addf %add3A_660, %gather3A_655 : vector<16xf32>
      %mul3A_662 = arith.constant 2.000000e-01 : f32
      %mul3A_663 = vector.broadcast %mul3A_662 : f32 to vector<16xf32>
      %mul3A_664 = arith.mulf %mul3A_663, %add3A_661 : vector<16xf32>
      %max3A_665 = arith.maximumf %add3A_661, %mul3A_664 : vector<16xf32>
      %exp3A_666 = math.exp %max3A_665 : vector<16xf32>
      %mul3A_667 = arith.mulf %exp3A_666, %bitcast3A_654 : vector<16xf32>
      %swap3A_668 = arith.constant 96 : index
      %swap3A_669 = tpu.vector_load %arg20[%swap3A_668] {strides = array<i32>} : memref<128xf32, #tpu.memory_space<vmem>>, vector<16xf32>,
      tpu.vector_store %arg20[%swap3A_668], %mul3A_667 {strides = array<i32>} : memref<128xf32, #tpu.memory_space<vmem>>, vector<16xf32>,
      %get3A_670 = arith.constant 368 : index
      %get3A_671 = tpu.vector_load %arg14[%get3A_670] {strides = array<i32>} : memref<512xi32, #tpu.memory_space<vmem>>, vector<16xi32>,
      %jit3A_672 = arith.constant 0 : i32
      %jit3A_673 = arith.constant 15 : i32
      %max3A_674 = vector.broadcast %jit3A_672 : i32 to vector<16xi32>
      %max3A_675 = arith.maxsi %max3A_674, %get3A_671 : vector<16xi32>
      %min3A_676 = vector.broadcast %jit3A_673 : i32 to vector<16xi32>
      %min3A_677 = arith.minsi %min3A_676, %max3A_675 : vector<16xi32>
      %get3A_678 = arith.constant 496 : index
      %get3A_679 = tpu.vector_load %arg14[%get3A_678] {strides = array<i32>} : memref<512xi32, #tpu.memory_space<vmem>>, vector<16xi32>,
      %bitcast3A_680 = vector.bitcast %get3A_679 : vector<16xi32> to vector<16xf32>
      %gather3A_681 = tpu.vector_load_idx %arg12[%min3A_677] : memref<16xf32, #tpu.memory_space<vmem>>[vector<16xi32>], vector<16xf32>,
      %get3A_682 = arith.constant 112 : index
      %get3A_683 = tpu.vector_load %arg22[%get3A_682] {strides = array<i32>} : memref<128xf32, #tpu.memory_space<vmem>>, vector<16xf32>,
      %get3A_684 = arith.constant 112 : index
      %get3A_685 = tpu.vector_load %arg24[%get3A_684] {strides = array<i32>} : memref<128xf32, #tpu.memory_space<vmem>>, vector<16xf32>,
      %add3A_686 = arith.addf %get3A_683, %get3A_685 : vector<16xf32>
      %add3A_687 = arith.addf %add3A_686, %gather3A_681 : vector<16xf32>
      %mul3A_688 = arith.constant 2.000000e-01 : f32
      %mul3A_689 = vector.broadcast %mul3A_688 : f32 to vector<16xf32>
      %mul3A_690 = arith.mulf %mul3A_689, %add3A_687 : vector<16xf32>
      %max3A_691 = arith.maximumf %add3A_687, %mul3A_690 : vector<16xf32>
      %exp3A_692 = math.exp %max3A_691 : vector<16xf32>
      %mul3A_693 = arith.mulf %exp3A_692, %bitcast3A_680 : vector<16xf32>
      %swap3A_694 = arith.constant 112 : index
      %swap3A_695 = tpu.vector_load %arg20[%swap3A_694] {strides = array<i32>} : memref<128xf32, #tpu.memory_space<vmem>>, vector<16xf32>,
      tpu.vector_store %arg20[%swap3A_694], %mul3A_693 {strides = array<i32>} : memref<128xf32, #tpu.memory_space<vmem>>, vector<16xf32>,
      %dma_wait3A_696 = arith.constant 0 : i32
      %dma_wait3A_697 = arith.constant 0 : i32
      %dma_wait3A_698 = tpu.memref_slice %arg8[%dma_wait3A_696, %dma_wait3A_697] : memref<10240x128xf32, #tpu.memory_space<vmem_shared>> -> memref<10240x128xf32, #tpu.memory_space<vmem_shared>>
      tpu.wait_indirect_dma semaphore(%arg33 : memref<!tpu.dma_semaphore, #tpu.memory_space<semaphore_mem>>) src(%arg25 : memref<128x128xf32, #tpu.memory_space<vmem>>) dst(%dma_wait3A_698 : memref<10240x128xf32, #tpu.memory_space<vmem_shared>>)
      %dma_wait3A_699 = arith.constant 0 : i32
      %dma_wait3A_700 = tpu.memref_slice %arg9[%dma_wait3A_699] : memref<10240xf32, #tpu.memory_space<vmem_shared>> -> memref<10240xf32, #tpu.memory_space<vmem_shared>>
      tpu.wait_indirect_dma semaphore(%arg33 : memref<!tpu.dma_semaphore, #tpu.memory_space<semaphore_mem>>) src(%arg19 : memref<128xf32, #tpu.memory_space<vmem>>) dst(%dma_wait3A_700 : memref<10240xf32, #tpu.memory_space<vmem_shared>>)
      %lt3A_701 = arith.constant 39 : i32
      %lt3A_702 = arith.cmpi slt, %scan3A_169, %lt3A_701 : i32
      %convert_element_type3A_703 = arith.extui %lt3A_702 : i1 to i32
      %cond3A_704 = arith.constant 0 : i32
      %cond3A_705 = arith.cmpi ne, %convert_element_type3A_703, %cond3A_704 : i32
      scf.if %cond3A_705 {
        %dma_wait3A_725 = arith.constant 0 : i32
        %dma_wait3A_726 = arith.constant 0 : i32
        %dma_wait3A_727 = tpu.memref_slice %arg5[%dma_wait3A_725, %dma_wait3A_726] : memref<2560x512xi32, #tpu.memory_space<hbm>> -> memref<1x512xi32, #tpu.memory_space<hbm>>
        %dma_wait3A_728 = tpu.memref_squeeze %dma_wait3A_727 : memref<1x512xi32, #tpu.memory_space<hbm>> -> memref<512xi32, #tpu.memory_space<hbm>>
        %dma_wait3A_729 = arith.constant 0 : i32
        %dma_wait3A_730 = tpu.memref_slice %arg5[%dma_wait3A_725, %dma_wait3A_729] : memref<2560x512xi32, #tpu.memory_space<hbm>> -> memref<1x512xi32, #tpu.memory_space<hbm>>
        %dma_wait3A_731 = tpu.memref_squeeze %dma_wait3A_730 : memref<1x512xi32, #tpu.memory_space<hbm>> -> memref<512xi32, #tpu.memory_space<hbm>>
        tpu.wait_dma2 semaphore(%arg27 : memref<!tpu.dma_semaphore, #tpu.memory_space<semaphore_mem>>) src(%dma_wait3A_731 : memref<512xi32, #tpu.memory_space<hbm>>) dst(%arg13 : memref<512xi32, #tpu.memory_space<vmem>>)
        %get3A_732 = arith.constant 0 : index
        %get3A_733 = tpu.vector_load %arg13[%get3A_732] {strides = array<i32>} : memref<512xi32, #tpu.memory_space<vmem>>, vector<16xi32>,
        %swap3A_734 = arith.constant 0 : index
        %swap3A_735 = tpu.vector_load %arg15[%swap3A_734] {strides = array<i32>} : memref<128xi32, #tpu.memory_space<vmem>>, vector<16xi32>,
        tpu.vector_store %arg15[%swap3A_734], %get3A_733 {strides = array<i32>} : memref<128xi32, #tpu.memory_space<vmem>>, vector<16xi32>,
        %get3A_736 = arith.constant 128 : index
        %get3A_737 = tpu.vector_load %arg13[%get3A_736] {strides = array<i32>} : memref<512xi32, #tpu.memory_space<vmem>>, vector<16xi32>,
        %swap3A_738 = arith.constant 0 : index
        %swap3A_739 = tpu.vector_load %arg17[%swap3A_738] {strides = array<i32>} : memref<128xi32, #tpu.memory_space<vmem>>, vector<16xi32>,
        tpu.vector_store %arg17[%swap3A_738], %get3A_737 {strides = array<i32>} : memref<128xi32, #tpu.memory_space<vmem>>, vector<16xi32>,
        %get3A_740 = arith.constant 16 : index
        %get3A_741 = tpu.vector_load %arg13[%get3A_740] {strides = array<i32>} : memref<512xi32, #tpu.memory_space<vmem>>, vector<16xi32>,
        %swap3A_742 = arith.constant 16 : index
        %swap3A_743 = tpu.vector_load %arg15[%swap3A_742] {strides = array<i32>} : memref<128xi32, #tpu.memory_space<vmem>>, vector<16xi32>,
        tpu.vector_store %arg15[%swap3A_742], %get3A_741 {strides = array<i32>} : memref<128xi32, #tpu.memory_space<vmem>>, vector<16xi32>,
        %get3A_744 = arith.constant 144 : index
        %get3A_745 = tpu.vector_load %arg13[%get3A_744] {strides = array<i32>} : memref<512xi32, #tpu.memory_space<vmem>>, vector<16xi32>,
        %swap3A_746 = arith.constant 16 : index
        %swap3A_747 = tpu.vector_load %arg17[%swap3A_746] {strides = array<i32>} : memref<128xi32, #tpu.memory_space<vmem>>, vector<16xi32>,
        tpu.vector_store %arg17[%swap3A_746], %get3A_745 {strides = array<i32>} : memref<128xi32, #tpu.memory_space<vmem>>, vector<16xi32>,
        %get3A_748 = arith.constant 32 : index
        %get3A_749 = tpu.vector_load %arg13[%get3A_748] {strides = array<i32>} : memref<512xi32, #tpu.memory_space<vmem>>, vector<16xi32>,
        %swap3A_750 = arith.constant 32 : index
        %swap3A_751 = tpu.vector_load %arg15[%swap3A_750] {strides = array<i32>} : memref<128xi32, #tpu.memory_space<vmem>>, vector<16xi32>,
        tpu.vector_store %arg15[%swap3A_750], %get3A_749 {strides = array<i32>} : memref<128xi32, #tpu.memory_space<vmem>>, vector<16xi32>,
        %get3A_752 = arith.constant 160 : index
        %get3A_753 = tpu.vector_load %arg13[%get3A_752] {strides = array<i32>} : memref<512xi32, #tpu.memory_space<vmem>>, vector<16xi32>,
        %swap3A_754 = arith.constant 32 : index
        %swap3A_755 = tpu.vector_load %arg17[%swap3A_754] {strides = array<i32>} : memref<128xi32, #tpu.memory_space<vmem>>, vector<16xi32>,
        tpu.vector_store %arg17[%swap3A_754], %get3A_753 {strides = array<i32>} : memref<128xi32, #tpu.memory_space<vmem>>, vector<16xi32>,
        %get3A_756 = arith.constant 48 : index
        %get3A_757 = tpu.vector_load %arg13[%get3A_756] {strides = array<i32>} : memref<512xi32, #tpu.memory_space<vmem>>, vector<16xi32>,
        %swap3A_758 = arith.constant 48 : index
        %swap3A_759 = tpu.vector_load %arg15[%swap3A_758] {strides = array<i32>} : memref<128xi32, #tpu.memory_space<vmem>>, vector<16xi32>,
        tpu.vector_store %arg15[%swap3A_758], %get3A_757 {strides = array<i32>} : memref<128xi32, #tpu.memory_space<vmem>>, vector<16xi32>,
        %get3A_760 = arith.constant 176 : index
        %get3A_761 = tpu.vector_load %arg13[%get3A_760] {strides = array<i32>} : memref<512xi32, #tpu.memory_space<vmem>>, vector<16xi32>,
        %swap3A_762 = arith.constant 48 : index
        %swap3A_763 = tpu.vector_load %arg17[%swap3A_762] {strides = array<i32>} : memref<128xi32, #tpu.memory_space<vmem>>, vector<16xi32>,
        tpu.vector_store %arg17[%swap3A_762], %get3A_761 {strides = array<i32>} : memref<128xi32, #tpu.memory_space<vmem>>, vector<16xi32>,
        %get3A_764 = arith.constant 64 : index
        %get3A_765 = tpu.vector_load %arg13[%get3A_764] {strides = array<i32>} : memref<512xi32, #tpu.memory_space<vmem>>, vector<16xi32>,
        %swap3A_766 = arith.constant 64 : index
        %swap3A_767 = tpu.vector_load %arg15[%swap3A_766] {strides = array<i32>} : memref<128xi32, #tpu.memory_space<vmem>>, vector<16xi32>,
        tpu.vector_store %arg15[%swap3A_766], %get3A_765 {strides = array<i32>} : memref<128xi32, #tpu.memory_space<vmem>>, vector<16xi32>,
        %get3A_768 = arith.constant 192 : index
        %get3A_769 = tpu.vector_load %arg13[%get3A_768] {strides = array<i32>} : memref<512xi32, #tpu.memory_space<vmem>>, vector<16xi32>,
        %swap3A_770 = arith.constant 64 : index
        %swap3A_771 = tpu.vector_load %arg17[%swap3A_770] {strides = array<i32>} : memref<128xi32, #tpu.memory_space<vmem>>, vector<16xi32>,
        tpu.vector_store %arg17[%swap3A_770], %get3A_769 {strides = array<i32>} : memref<128xi32, #tpu.memory_space<vmem>>, vector<16xi32>,
        %get3A_772 = arith.constant 80 : index
        %get3A_773 = tpu.vector_load %arg13[%get3A_772] {strides = array<i32>} : memref<512xi32, #tpu.memory_space<vmem>>, vector<16xi32>,
        %swap3A_774 = arith.constant 80 : index
        %swap3A_775 = tpu.vector_load %arg15[%swap3A_774] {strides = array<i32>} : memref<128xi32, #tpu.memory_space<vmem>>, vector<16xi32>,
        tpu.vector_store %arg15[%swap3A_774], %get3A_773 {strides = array<i32>} : memref<128xi32, #tpu.memory_space<vmem>>, vector<16xi32>,
        %get3A_776 = arith.constant 208 : index
        %get3A_777 = tpu.vector_load %arg13[%get3A_776] {strides = array<i32>} : memref<512xi32, #tpu.memory_space<vmem>>, vector<16xi32>,
        %swap3A_778 = arith.constant 80 : index
        %swap3A_779 = tpu.vector_load %arg17[%swap3A_778] {strides = array<i32>} : memref<128xi32, #tpu.memory_space<vmem>>, vector<16xi32>,
        tpu.vector_store %arg17[%swap3A_778], %get3A_777 {strides = array<i32>} : memref<128xi32, #tpu.memory_space<vmem>>, vector<16xi32>,
        %get3A_780 = arith.constant 96 : index
        %get3A_781 = tpu.vector_load %arg13[%get3A_780] {strides = array<i32>} : memref<512xi32, #tpu.memory_space<vmem>>, vector<16xi32>,
        %swap3A_782 = arith.constant 96 : index
        %swap3A_783 = tpu.vector_load %arg15[%swap3A_782] {strides = array<i32>} : memref<128xi32, #tpu.memory_space<vmem>>, vector<16xi32>,
        tpu.vector_store %arg15[%swap3A_782], %get3A_781 {strides = array<i32>} : memref<128xi32, #tpu.memory_space<vmem>>, vector<16xi32>,
        %get3A_784 = arith.constant 224 : index
        %get3A_785 = tpu.vector_load %arg13[%get3A_784] {strides = array<i32>} : memref<512xi32, #tpu.memory_space<vmem>>, vector<16xi32>,
        %swap3A_786 = arith.constant 96 : index
        %swap3A_787 = tpu.vector_load %arg17[%swap3A_786] {strides = array<i32>} : memref<128xi32, #tpu.memory_space<vmem>>, vector<16xi32>,
        tpu.vector_store %arg17[%swap3A_786], %get3A_785 {strides = array<i32>} : memref<128xi32, #tpu.memory_space<vmem>>, vector<16xi32>,
        %get3A_788 = arith.constant 112 : index
        %get3A_789 = tpu.vector_load %arg13[%get3A_788] {strides = array<i32>} : memref<512xi32, #tpu.memory_space<vmem>>, vector<16xi32>,
        %swap3A_790 = arith.constant 112 : index
        %swap3A_791 = tpu.vector_load %arg15[%swap3A_790] {strides = array<i32>} : memref<128xi32, #tpu.memory_space<vmem>>, vector<16xi32>,
        tpu.vector_store %arg15[%swap3A_790], %get3A_789 {strides = array<i32>} : memref<128xi32, #tpu.memory_space<vmem>>, vector<16xi32>,
        %get3A_792 = arith.constant 240 : index
        %get3A_793 = tpu.vector_load %arg13[%get3A_792] {strides = array<i32>} : memref<512xi32, #tpu.memory_space<vmem>>, vector<16xi32>,
        %swap3A_794 = arith.constant 112 : index
        %swap3A_795 = tpu.vector_load %arg17[%swap3A_794] {strides = array<i32>} : memref<128xi32, #tpu.memory_space<vmem>>, vector<16xi32>,
        tpu.vector_store %arg17[%swap3A_794], %get3A_793 {strides = array<i32>} : memref<128xi32, #tpu.memory_space<vmem>>, vector<16xi32>,
        %dma_start3A_796 = arith.constant 0 : i32
        %dma_start3A_797 = arith.constant 0 : i32
        %dma_start3A_798 = tpu.memref_slice %arg2[%dma_start3A_796, %dma_start3A_797] : memref<10000x128xf32, #tpu.memory_space<hbm>> -> memref<10000x128xf32, #tpu.memory_space<hbm>>
        tpu.enqueue_indirect_dma source(%dma_start3A_798 : memref<10000x128xf32, #tpu.memory_space<hbm>>) target(%arg25 : memref<128x128xf32, #tpu.memory_space<vmem>>) offsets(%arg15 : memref<128xi32, #tpu.memory_space<vmem>>) semaphore(%arg29 : memref<!tpu.dma_semaphore, #tpu.memory_space<semaphore_mem>>)
        %dma_start3A_799 = arith.constant 0 : i32
        %dma_start3A_800 = tpu.memref_slice %arg10[%dma_start3A_799] : memref<10000xf32, #tpu.memory_space<vmem_shared>> -> memref<10000xf32, #tpu.memory_space<vmem_shared>>
        tpu.enqueue_indirect_dma source(%dma_start3A_800 : memref<10000xf32, #tpu.memory_space<vmem_shared>>) target(%arg21 : memref<128xf32, #tpu.memory_space<vmem>>) offsets(%arg17 : memref<128xi32, #tpu.memory_space<vmem>>) semaphore(%arg31 : memref<!tpu.dma_semaphore, #tpu.memory_space<semaphore_mem>>)
        %dma_start3A_801 = arith.constant 0 : i32
        %dma_start3A_802 = tpu.memref_slice %arg11[%dma_start3A_801] : memref<10000xf32, #tpu.memory_space<vmem_shared>> -> memref<10000xf32, #tpu.memory_space<vmem_shared>>
        tpu.enqueue_indirect_dma source(%dma_start3A_802 : memref<10000xf32, #tpu.memory_space<vmem_shared>>) target(%arg23 : memref<128xf32, #tpu.memory_space<vmem>>) offsets(%arg15 : memref<128xi32, #tpu.memory_space<vmem>>) semaphore(%arg31 : memref<!tpu.dma_semaphore, #tpu.memory_space<semaphore_mem>>)
      } else {
      }
      %dma_wait3A_706 = arith.constant 0 : i32
      %dma_wait3A_707 = arith.constant 0 : i32
      %dma_wait3A_708 = tpu.memref_slice %arg2[%dma_wait3A_706, %dma_wait3A_707] : memref<10000x128xf32, #tpu.memory_space<hbm>> -> memref<10000x128xf32, #tpu.memory_space<hbm>>
      tpu.wait_indirect_dma semaphore(%arg30 : memref<!tpu.dma_semaphore, #tpu.memory_space<semaphore_mem>>) src(%dma_wait3A_708 : memref<10000x128xf32, #tpu.memory_space<hbm>>) dst(%arg26 : memref<128x128xf32, #tpu.memory_space<vmem>>)
      %scan3A_709 = arith.constant 0 : i32
      %scan3A_710 = arith.constant 0 : i32
      %scan3A_711 = arith.constant 8 : i32
      %scan3A_712 = arith.addi %scan3A_710, %scan3A_711 : i32
      %scan3A_713 = arith.constant 1 : i32
      scf.for %scan3A_725 = %scan3A_710 to %scan3A_712 step %scan3A_713  : i32 {
        %mul3A_726 = arith.constant 16 : i32
        %mul3A_727 = arith.muli %scan3A_725, %mul3A_726 : i32
        %get3A_728 = arith.index_cast %mul3A_727 : i32 to index
        %get3A_729 = tpu.vector_load %arg20[%get3A_728] {strides = array<i32>} : memref<128xf32, #tpu.memory_space<vmem>>, vector<16xf32>,
        %slice3A = vector.extract_strided_slice %get3A_729 {offsets = [0], sizes = [1], strides = [1]} : vector<16xf32> to vector<1xf32>
        %squeeze3A = vector.extract %slice3A[0] : f32 from vector<1xf32>
        %mul3A_730 = arith.constant 16 : i32
        %mul3A_731 = arith.muli %scan3A_725, %mul3A_730 : i32
        %add3A_732 = arith.constant 0 : i32
        %add3A_733 = arith.addi %mul3A_731, %add3A_732 : i32
        %get3A_734 = arith.index_cast %add3A_733 : i32 to index
        %get3A_735 = arith.constant 0 : index
        %get3A_736 = tpu.vector_load %arg26[%get3A_734, %get3A_735] {strides = array<i32>} : memref<128x128xf32, #tpu.memory_space<vmem>>, vector<16xf32>,
        %mul3A_737 = vector.broadcast %squeeze3A : f32 to vector<16xf32>
        %mul3A_738 = arith.mulf %get3A_736, %mul3A_737 : vector<16xf32>
        %swap3A_739 = arith.index_cast %add3A_733 : i32 to index
        %swap3A_740 = arith.constant 0 : index
        %swap3A_741 = tpu.vector_load %arg26[%swap3A_739, %swap3A_740] {strides = array<i32>} : memref<128x128xf32, #tpu.memory_space<vmem>>, vector<16xf32>,
        tpu.vector_store %arg26[%swap3A_739, %swap3A_740], %mul3A_738 {strides = array<i32>} : memref<128x128xf32, #tpu.memory_space<vmem>>, vector<16xf32>,
        %get3A_742 = arith.index_cast %add3A_733 : i32 to index
        %get3A_743 = arith.constant 16 : index
        %get3A_744 = tpu.vector_load %arg26[%get3A_742, %get3A_743] {strides = array<i32>} : memref<128x128xf32, #tpu.memory_space<vmem>>, vector<16xf32>,
        %mul3A_745 = vector.broadcast %squeeze3A : f32 to vector<16xf32>
        %mul3A_746 = arith.mulf %get3A_744, %mul3A_745 : vector<16xf32>
        %swap3A_747 = arith.index_cast %add3A_733 : i32 to index
        %swap3A_748 = arith.constant 16 : index
        %swap3A_749 = tpu.vector_load %arg26[%swap3A_747, %swap3A_748] {strides = array<i32>} : memref<128x128xf32, #tpu.memory_space<vmem>>, vector<16xf32>,
        tpu.vector_store %arg26[%swap3A_747, %swap3A_748], %mul3A_746 {strides = array<i32>} : memref<128x128xf32, #tpu.memory_space<vmem>>, vector<16xf32>,
        %get3A_750 = arith.index_cast %add3A_733 : i32 to index
        %get3A_751 = arith.constant 32 : index
        %get3A_752 = tpu.vector_load %arg26[%get3A_750, %get3A_751] {strides = array<i32>} : memref<128x128xf32, #tpu.memory_space<vmem>>, vector<16xf32>,
        %mul3A_753 = vector.broadcast %squeeze3A : f32 to vector<16xf32>
        %mul3A_754 = arith.mulf %get3A_752, %mul3A_753 : vector<16xf32>
        %swap3A_755 = arith.index_cast %add3A_733 : i32 to index
        %swap3A_756 = arith.constant 32 : index
        %swap3A_757 = tpu.vector_load %arg26[%swap3A_755, %swap3A_756] {strides = array<i32>} : memref<128x128xf32, #tpu.memory_space<vmem>>, vector<16xf32>,
        tpu.vector_store %arg26[%swap3A_755, %swap3A_756], %mul3A_754 {strides = array<i32>} : memref<128x128xf32, #tpu.memory_space<vmem>>, vector<16xf32>,
        %get3A_758 = arith.index_cast %add3A_733 : i32 to index
        %get3A_759 = arith.constant 48 : index
        %get3A_760 = tpu.vector_load %arg26[%get3A_758, %get3A_759] {strides = array<i32>} : memref<128x128xf32, #tpu.memory_space<vmem>>, vector<16xf32>,
        %mul3A_761 = vector.broadcast %squeeze3A : f32 to vector<16xf32>
        %mul3A_762 = arith.mulf %get3A_760, %mul3A_761 : vector<16xf32>
        %swap3A_763 = arith.index_cast %add3A_733 : i32 to index
        %swap3A_764 = arith.constant 48 : index
        %swap3A_765 = tpu.vector_load %arg26[%swap3A_763, %swap3A_764] {strides = array<i32>} : memref<128x128xf32, #tpu.memory_space<vmem>>, vector<16xf32>,
        tpu.vector_store %arg26[%swap3A_763, %swap3A_764], %mul3A_762 {strides = array<i32>} : memref<128x128xf32, #tpu.memory_space<vmem>>, vector<16xf32>,
        %get3A_766 = arith.index_cast %add3A_733 : i32 to index
        %get3A_767 = arith.constant 64 : index
        %get3A_768 = tpu.vector_load %arg26[%get3A_766, %get3A_767] {strides = array<i32>} : memref<128x128xf32, #tpu.memory_space<vmem>>, vector<16xf32>,
        %mul3A_769 = vector.broadcast %squeeze3A : f32 to vector<16xf32>
        %mul3A_770 = arith.mulf %get3A_768, %mul3A_769 : vector<16xf32>
        %swap3A_771 = arith.index_cast %add3A_733 : i32 to index
        %swap3A_772 = arith.constant 64 : index
        %swap3A_773 = tpu.vector_load %arg26[%swap3A_771, %swap3A_772] {strides = array<i32>} : memref<128x128xf32, #tpu.memory_space<vmem>>, vector<16xf32>,
        tpu.vector_store %arg26[%swap3A_771, %swap3A_772], %mul3A_770 {strides = array<i32>} : memref<128x128xf32, #tpu.memory_space<vmem>>, vector<16xf32>,
        %get3A_774 = arith.index_cast %add3A_733 : i32 to index
        %get3A_775 = arith.constant 80 : index
        %get3A_776 = tpu.vector_load %arg26[%get3A_774, %get3A_775] {strides = array<i32>} : memref<128x128xf32, #tpu.memory_space<vmem>>, vector<16xf32>,
        %mul3A_777 = vector.broadcast %squeeze3A : f32 to vector<16xf32>
        %mul3A_778 = arith.mulf %get3A_776, %mul3A_777 : vector<16xf32>
        %swap3A_779 = arith.index_cast %add3A_733 : i32 to index
        %swap3A_780 = arith.constant 80 : index
        %swap3A_781 = tpu.vector_load %arg26[%swap3A_779, %swap3A_780] {strides = array<i32>} : memref<128x128xf32, #tpu.memory_space<vmem>>, vector<16xf32>,
        tpu.vector_store %arg26[%swap3A_779, %swap3A_780], %mul3A_778 {strides = array<i32>} : memref<128x128xf32, #tpu.memory_space<vmem>>, vector<16xf32>,
        %get3A_782 = arith.index_cast %add3A_733 : i32 to index
        %get3A_783 = arith.constant 96 : index
        %get3A_784 = tpu.vector_load %arg26[%get3A_782, %get3A_783] {strides = array<i32>} : memref<128x128xf32, #tpu.memory_space<vmem>>, vector<16xf32>,
        %mul3A_785 = vector.broadcast %squeeze3A : f32 to vector<16xf32>
        %mul3A_786 = arith.mulf %get3A_784, %mul3A_785 : vector<16xf32>
        %swap3A_787 = arith.index_cast %add3A_733 : i32 to index
        %swap3A_788 = arith.constant 96 : index
        %swap3A_789 = tpu.vector_load %arg26[%swap3A_787, %swap3A_788] {strides = array<i32>} : memref<128x128xf32, #tpu.memory_space<vmem>>, vector<16xf32>,
        tpu.vector_store %arg26[%swap3A_787, %swap3A_788], %mul3A_786 {strides = array<i32>} : memref<128x128xf32, #tpu.memory_space<vmem>>, vector<16xf32>,
        %get3A_790 = arith.index_cast %add3A_733 : i32 to index
        %get3A_791 = arith.constant 112 : index
        %get3A_792 = tpu.vector_load %arg26[%get3A_790, %get3A_791] {strides = array<i32>} : memref<128x128xf32, #tpu.memory_space<vmem>>, vector<16xf32>,
        %mul3A_793 = vector.broadcast %squeeze3A : f32 to vector<16xf32>
        %mul3A_794 = arith.mulf %get3A_792, %mul3A_793 : vector<16xf32>
        %swap3A_795 = arith.index_cast %add3A_733 : i32 to index
        %swap3A_796 = arith.constant 112 : index
        %swap3A_797 = tpu.vector_load %arg26[%swap3A_795, %swap3A_796] {strides = array<i32>} : memref<128x128xf32, #tpu.memory_space<vmem>>, vector<16xf32>,
        tpu.vector_store %arg26[%swap3A_795, %swap3A_796], %mul3A_794 {strides = array<i32>} : memref<128x128xf32, #tpu.memory_space<vmem>>, vector<16xf32>,
        %slice3A_798 = vector.extract_strided_slice %get3A_729 {offsets = [1], sizes = [1], strides = [1]} : vector<16xf32> to vector<1xf32>
        %squeeze3A_799 = vector.extract %slice3A_798[0] : f32 from vector<1xf32>
        %mul3A_800 = arith.constant 16 : i32
        %mul3A_801 = arith.muli %scan3A_725, %mul3A_800 : i32
        %add3A_802 = arith.constant 1 : i32
        %add3A_803 = arith.addi %mul3A_801, %add3A_802 : i32
        %get3A_804 = arith.index_cast %add3A_803 : i32 to index
        %get3A_805 = arith.constant 0 : index
        %get3A_806 = tpu.vector_load %arg26[%get3A_804, %get3A_805] {strides = array<i32>} : memref<128x128xf32, #tpu.memory_space<vmem>>, vector<16xf32>,
        %mul3A_807 = vector.broadcast %squeeze3A_799 : f32 to vector<16xf32>
        %mul3A_808 = arith.mulf %get3A_806, %mul3A_807 : vector<16xf32>
        %swap3A_809 = arith.index_cast %add3A_803 : i32 to index
        %swap3A_810 = arith.constant 0 : index
        %swap3A_811 = tpu.vector_load %arg26[%swap3A_809, %swap3A_810] {strides = array<i32>} : memref<128x128xf32, #tpu.memory_space<vmem>>, vector<16xf32>,
        tpu.vector_store %arg26[%swap3A_809, %swap3A_810], %mul3A_808 {strides = array<i32>} : memref<128x128xf32, #tpu.memory_space<vmem>>, vector<16xf32>,
        %get3A_812 = arith.index_cast %add3A_803 : i32 to index
        %get3A_813 = arith.constant 16 : index
        %get3A_814 = tpu.vector_load %arg26[%get3A_812, %get3A_813] {strides = array<i32>} : memref<128x128xf32, #tpu.memory_space<vmem>>, vector<16xf32>,
        %mul3A_815 = vector.broadcast %squeeze3A_799 : f32 to vector<16xf32>
        %mul3A_816 = arith.mulf %get3A_814, %mul3A_815 : vector<16xf32>
        %swap3A_817 = arith.index_cast %add3A_803 : i32 to index
        %swap3A_818 = arith.constant 16 : index
        %swap3A_819 = tpu.vector_load %arg26[%swap3A_817, %swap3A_818] {strides = array<i32>} : memref<128x128xf32, #tpu.memory_space<vmem>>, vector<16xf32>,
        tpu.vector_store %arg26[%swap3A_817, %swap3A_818], %mul3A_816 {strides = array<i32>} : memref<128x128xf32, #tpu.memory_space<vmem>>, vector<16xf32>,
        %get3A_820 = arith.index_cast %add3A_803 : i32 to index
        %get3A_821 = arith.constant 32 : index
        %get3A_822 = tpu.vector_load %arg26[%get3A_820, %get3A_821] {strides = array<i32>} : memref<128x128xf32, #tpu.memory_space<vmem>>, vector<16xf32>,
        %mul3A_823 = vector.broadcast %squeeze3A_799 : f32 to vector<16xf32>
        %mul3A_824 = arith.mulf %get3A_822, %mul3A_823 : vector<16xf32>
        %swap3A_825 = arith.index_cast %add3A_803 : i32 to index
        %swap3A_826 = arith.constant 32 : index
        %swap3A_827 = tpu.vector_load %arg26[%swap3A_825, %swap3A_826] {strides = array<i32>} : memref<128x128xf32, #tpu.memory_space<vmem>>, vector<16xf32>,
        tpu.vector_store %arg26[%swap3A_825, %swap3A_826], %mul3A_824 {strides = array<i32>} : memref<128x128xf32, #tpu.memory_space<vmem>>, vector<16xf32>,
        %get3A_828 = arith.index_cast %add3A_803 : i32 to index
        %get3A_829 = arith.constant 48 : index
        %get3A_830 = tpu.vector_load %arg26[%get3A_828, %get3A_829] {strides = array<i32>} : memref<128x128xf32, #tpu.memory_space<vmem>>, vector<16xf32>,
        %mul3A_831 = vector.broadcast %squeeze3A_799 : f32 to vector<16xf32>
        %mul3A_832 = arith.mulf %get3A_830, %mul3A_831 : vector<16xf32>
        %swap3A_833 = arith.index_cast %add3A_803 : i32 to index
        %swap3A_834 = arith.constant 48 : index
        %swap3A_835 = tpu.vector_load %arg26[%swap3A_833, %swap3A_834] {strides = array<i32>} : memref<128x128xf32, #tpu.memory_space<vmem>>, vector<16xf32>,
        tpu.vector_store %arg26[%swap3A_833, %swap3A_834], %mul3A_832 {strides = array<i32>} : memref<128x128xf32, #tpu.memory_space<vmem>>, vector<16xf32>,
        %get3A_836 = arith.index_cast %add3A_803 : i32 to index
        %get3A_837 = arith.constant 64 : index
        %get3A_838 = tpu.vector_load %arg26[%get3A_836, %get3A_837] {strides = array<i32>} : memref<128x128xf32, #tpu.memory_space<vmem>>, vector<16xf32>,
        %mul3A_839 = vector.broadcast %squeeze3A_799 : f32 to vector<16xf32>
        %mul3A_840 = arith.mulf %get3A_838, %mul3A_839 : vector<16xf32>
        %swap3A_841 = arith.index_cast %add3A_803 : i32 to index
        %swap3A_842 = arith.constant 64 : index
        %swap3A_843 = tpu.vector_load %arg26[%swap3A_841, %swap3A_842] {strides = array<i32>} : memref<128x128xf32, #tpu.memory_space<vmem>>, vector<16xf32>,
        tpu.vector_store %arg26[%swap3A_841, %swap3A_842], %mul3A_840 {strides = array<i32>} : memref<128x128xf32, #tpu.memory_space<vmem>>, vector<16xf32>,
        %get3A_844 = arith.index_cast %add3A_803 : i32 to index
        %get3A_845 = arith.constant 80 : index
        %get3A_846 = tpu.vector_load %arg26[%get3A_844, %get3A_845] {strides = array<i32>} : memref<128x128xf32, #tpu.memory_space<vmem>>, vector<16xf32>,
        %mul3A_847 = vector.broadcast %squeeze3A_799 : f32 to vector<16xf32>
        %mul3A_848 = arith.mulf %get3A_846, %mul3A_847 : vector<16xf32>
        %swap3A_849 = arith.index_cast %add3A_803 : i32 to index
        %swap3A_850 = arith.constant 80 : index
        %swap3A_851 = tpu.vector_load %arg26[%swap3A_849, %swap3A_850] {strides = array<i32>} : memref<128x128xf32, #tpu.memory_space<vmem>>, vector<16xf32>,
        tpu.vector_store %arg26[%swap3A_849, %swap3A_850], %mul3A_848 {strides = array<i32>} : memref<128x128xf32, #tpu.memory_space<vmem>>, vector<16xf32>,
        %get3A_852 = arith.index_cast %add3A_803 : i32 to index
        %get3A_853 = arith.constant 96 : index
        %get3A_854 = tpu.vector_load %arg26[%get3A_852, %get3A_853] {strides = array<i32>} : memref<128x128xf32, #tpu.memory_space<vmem>>, vector<16xf32>,
        %mul3A_855 = vector.broadcast %squeeze3A_799 : f32 to vector<16xf32>
        %mul3A_856 = arith.mulf %get3A_854, %mul3A_855 : vector<16xf32>
        %swap3A_857 = arith.index_cast %add3A_803 : i32 to index
        %swap3A_858 = arith.constant 96 : index
        %swap3A_859 = tpu.vector_load %arg26[%swap3A_857, %swap3A_858] {strides = array<i32>} : memref<128x128xf32, #tpu.memory_space<vmem>>, vector<16xf32>,
        tpu.vector_store %arg26[%swap3A_857, %swap3A_858], %mul3A_856 {strides = array<i32>} : memref<128x128xf32, #tpu.memory_space<vmem>>, vector<16xf32>,
        %get3A_860 = arith.index_cast %add3A_803 : i32 to index
        %get3A_861 = arith.constant 112 : index
        %get3A_862 = tpu.vector_load %arg26[%get3A_860, %get3A_861] {strides = array<i32>} : memref<128x128xf32, #tpu.memory_space<vmem>>, vector<16xf32>,
        %mul3A_863 = vector.broadcast %squeeze3A_799 : f32 to vector<16xf32>
        %mul3A_864 = arith.mulf %get3A_862, %mul3A_863 : vector<16xf32>
        %swap3A_865 = arith.index_cast %add3A_803 : i32 to index
        %swap3A_866 = arith.constant 112 : index
        %swap3A_867 = tpu.vector_load %arg26[%swap3A_865, %swap3A_866] {strides = array<i32>} : memref<128x128xf32, #tpu.memory_space<vmem>>, vector<16xf32>,
        tpu.vector_store %arg26[%swap3A_865, %swap3A_866], %mul3A_864 {strides = array<i32>} : memref<128x128xf32, #tpu.memory_space<vmem>>, vector<16xf32>,
        %slice3A_868 = vector.extract_strided_slice %get3A_729 {offsets = [2], sizes = [1], strides = [1]} : vector<16xf32> to vector<1xf32>
        %squeeze3A_869 = vector.extract %slice3A_868[0] : f32 from vector<1xf32>
        %mul3A_870 = arith.constant 16 : i32
        %mul3A_871 = arith.muli %scan3A_725, %mul3A_870 : i32
        %add3A_872 = arith.constant 2 : i32
        %add3A_873 = arith.addi %mul3A_871, %add3A_872 : i32
        %get3A_874 = arith.index_cast %add3A_873 : i32 to index
        %get3A_875 = arith.constant 0 : index
        %get3A_876 = tpu.vector_load %arg26[%get3A_874, %get3A_875] {strides = array<i32>} : memref<128x128xf32, #tpu.memory_space<vmem>>, vector<16xf32>,
        %mul3A_877 = vector.broadcast %squeeze3A_869 : f32 to vector<16xf32>
        %mul3A_878 = arith.mulf %get3A_876, %mul3A_877 : vector<16xf32>
        %swap3A_879 = arith.index_cast %add3A_873 : i32 to index
        %swap3A_880 = arith.constant 0 : index
        %swap3A_881 = tpu.vector_load %arg26[%swap3A_879, %swap3A_880] {strides = array<i32>} : memref<128x128xf32, #tpu.memory_space<vmem>>, vector<16xf32>,
        tpu.vector_store %arg26[%swap3A_879, %swap3A_880], %mul3A_878 {strides = array<i32>} : memref<128x128xf32, #tpu.memory_space<vmem>>, vector<16xf32>,
        %get3A_882 = arith.index_cast %add3A_873 : i32 to index
        %get3A_883 = arith.constant 16 : index
        %get3A_884 = tpu.vector_load %arg26[%get3A_882, %get3A_883] {strides = array<i32>} : memref<128x128xf32, #tpu.memory_space<vmem>>, vector<16xf32>,
        %mul3A_885 = vector.broadcast %squeeze3A_869 : f32 to vector<16xf32>
        %mul3A_886 = arith.mulf %get3A_884, %mul3A_885 : vector<16xf32>
        %swap3A_887 = arith.index_cast %add3A_873 : i32 to index
        %swap3A_888 = arith.constant 16 : index
        %swap3A_889 = tpu.vector_load %arg26[%swap3A_887, %swap3A_888] {strides = array<i32>} : memref<128x128xf32, #tpu.memory_space<vmem>>, vector<16xf32>,
        tpu.vector_store %arg26[%swap3A_887, %swap3A_888], %mul3A_886 {strides = array<i32>} : memref<128x128xf32, #tpu.memory_space<vmem>>, vector<16xf32>,
        %get3A_890 = arith.index_cast %add3A_873 : i32 to index
        %get3A_891 = arith.constant 32 : index
        %get3A_892 = tpu.vector_load %arg26[%get3A_890, %get3A_891] {strides = array<i32>} : memref<128x128xf32, #tpu.memory_space<vmem>>, vector<16xf32>,
        %mul3A_893 = vector.broadcast %squeeze3A_869 : f32 to vector<16xf32>
        %mul3A_894 = arith.mulf %get3A_892, %mul3A_893 : vector<16xf32>
        %swap3A_895 = arith.index_cast %add3A_873 : i32 to index
        %swap3A_896 = arith.constant 32 : index
        %swap3A_897 = tpu.vector_load %arg26[%swap3A_895, %swap3A_896] {strides = array<i32>} : memref<128x128xf32, #tpu.memory_space<vmem>>, vector<16xf32>,
        tpu.vector_store %arg26[%swap3A_895, %swap3A_896], %mul3A_894 {strides = array<i32>} : memref<128x128xf32, #tpu.memory_space<vmem>>, vector<16xf32>,
        %get3A_898 = arith.index_cast %add3A_873 : i32 to index
        %get3A_899 = arith.constant 48 : index
        %get3A_900 = tpu.vector_load %arg26[%get3A_898, %get3A_899] {strides = array<i32>} : memref<128x128xf32, #tpu.memory_space<vmem>>, vector<16xf32>,
        %mul3A_901 = vector.broadcast %squeeze3A_869 : f32 to vector<16xf32>
        %mul3A_902 = arith.mulf %get3A_900, %mul3A_901 : vector<16xf32>
        %swap3A_903 = arith.index_cast %add3A_873 : i32 to index
        %swap3A_904 = arith.constant 48 : index
        %swap3A_905 = tpu.vector_load %arg26[%swap3A_903, %swap3A_904] {strides = array<i32>} : memref<128x128xf32, #tpu.memory_space<vmem>>, vector<16xf32>,
        tpu.vector_store %arg26[%swap3A_903, %swap3A_904], %mul3A_902 {strides = array<i32>} : memref<128x128xf32, #tpu.memory_space<vmem>>, vector<16xf32>,
        %get3A_906 = arith.index_cast %add3A_873 : i32 to index
        %get3A_907 = arith.constant 64 : index
        %get3A_908 = tpu.vector_load %arg26[%get3A_906, %get3A_907] {strides = array<i32>} : memref<128x128xf32, #tpu.memory_space<vmem>>, vector<16xf32>,
        %mul3A_909 = vector.broadcast %squeeze3A_869 : f32 to vector<16xf32>
        %mul3A_910 = arith.mulf %get3A_908, %mul3A_909 : vector<16xf32>
        %swap3A_911 = arith.index_cast %add3A_873 : i32 to index
        %swap3A_912 = arith.constant 64 : index
        %swap3A_913 = tpu.vector_load %arg26[%swap3A_911, %swap3A_912] {strides = array<i32>} : memref<128x128xf32, #tpu.memory_space<vmem>>, vector<16xf32>,
        tpu.vector_store %arg26[%swap3A_911, %swap3A_912], %mul3A_910 {strides = array<i32>} : memref<128x128xf32, #tpu.memory_space<vmem>>, vector<16xf32>,
        %get3A_914 = arith.index_cast %add3A_873 : i32 to index
        %get3A_915 = arith.constant 80 : index
        %get3A_916 = tpu.vector_load %arg26[%get3A_914, %get3A_915] {strides = array<i32>} : memref<128x128xf32, #tpu.memory_space<vmem>>, vector<16xf32>,
        %mul3A_917 = vector.broadcast %squeeze3A_869 : f32 to vector<16xf32>
        %mul3A_918 = arith.mulf %get3A_916, %mul3A_917 : vector<16xf32>
        %swap3A_919 = arith.index_cast %add3A_873 : i32 to index
        %swap3A_920 = arith.constant 80 : index
        %swap3A_921 = tpu.vector_load %arg26[%swap3A_919, %swap3A_920] {strides = array<i32>} : memref<128x128xf32, #tpu.memory_space<vmem>>, vector<16xf32>,
        tpu.vector_store %arg26[%swap3A_919, %swap3A_920], %mul3A_918 {strides = array<i32>} : memref<128x128xf32, #tpu.memory_space<vmem>>, vector<16xf32>,
        %get3A_922 = arith.index_cast %add3A_873 : i32 to index
        %get3A_923 = arith.constant 96 : index
        %get3A_924 = tpu.vector_load %arg26[%get3A_922, %get3A_923] {strides = array<i32>} : memref<128x128xf32, #tpu.memory_space<vmem>>, vector<16xf32>,
        %mul3A_925 = vector.broadcast %squeeze3A_869 : f32 to vector<16xf32>
        %mul3A_926 = arith.mulf %get3A_924, %mul3A_925 : vector<16xf32>
        %swap3A_927 = arith.index_cast %add3A_873 : i32 to index
        %swap3A_928 = arith.constant 96 : index
        %swap3A_929 = tpu.vector_load %arg26[%swap3A_927, %swap3A_928] {strides = array<i32>} : memref<128x128xf32, #tpu.memory_space<vmem>>, vector<16xf32>,
        tpu.vector_store %arg26[%swap3A_927, %swap3A_928], %mul3A_926 {strides = array<i32>} : memref<128x128xf32, #tpu.memory_space<vmem>>, vector<16xf32>,
        %get3A_930 = arith.index_cast %add3A_873 : i32 to index
        %get3A_931 = arith.constant 112 : index
        %get3A_932 = tpu.vector_load %arg26[%get3A_930, %get3A_931] {strides = array<i32>} : memref<128x128xf32, #tpu.memory_space<vmem>>, vector<16xf32>,
        %mul3A_933 = vector.broadcast %squeeze3A_869 : f32 to vector<16xf32>
        %mul3A_934 = arith.mulf %get3A_932, %mul3A_933 : vector<16xf32>
        %swap3A_935 = arith.index_cast %add3A_873 : i32 to index
        %swap3A_936 = arith.constant 112 : index
        %swap3A_937 = tpu.vector_load %arg26[%swap3A_935, %swap3A_936] {strides = array<i32>} : memref<128x128xf32, #tpu.memory_space<vmem>>, vector<16xf32>,
        tpu.vector_store %arg26[%swap3A_935, %swap3A_936], %mul3A_934 {strides = array<i32>} : memref<128x128xf32, #tpu.memory_space<vmem>>, vector<16xf32>,
        %slice3A_938 = vector.extract_strided_slice %get3A_729 {offsets = [3], sizes = [1], strides = [1]} : vector<16xf32> to vector<1xf32>
        %squeeze3A_939 = vector.extract %slice3A_938[0] : f32 from vector<1xf32>
        %mul3A_940 = arith.constant 16 : i32
        %mul3A_941 = arith.muli %scan3A_725, %mul3A_940 : i32
        %add3A_942 = arith.constant 3 : i32
        %add3A_943 = arith.addi %mul3A_941, %add3A_942 : i32
        %get3A_944 = arith.index_cast %add3A_943 : i32 to index
        %get3A_945 = arith.constant 0 : index
        %get3A_946 = tpu.vector_load %arg26[%get3A_944, %get3A_945] {strides = array<i32>} : memref<128x128xf32, #tpu.memory_space<vmem>>, vector<16xf32>,
        %mul3A_947 = vector.broadcast %squeeze3A_939 : f32 to vector<16xf32>
        %mul3A_948 = arith.mulf %get3A_946, %mul3A_947 : vector<16xf32>
        %swap3A_949 = arith.index_cast %add3A_943 : i32 to index
        %swap3A_950 = arith.constant 0 : index
        %swap3A_951 = tpu.vector_load %arg26[%swap3A_949, %swap3A_950] {strides = array<i32>} : memref<128x128xf32, #tpu.memory_space<vmem>>, vector<16xf32>,
        tpu.vector_store %arg26[%swap3A_949, %swap3A_950], %mul3A_948 {strides = array<i32>} : memref<128x128xf32, #tpu.memory_space<vmem>>, vector<16xf32>,
        %get3A_952 = arith.index_cast %add3A_943 : i32 to index
        %get3A_953 = arith.constant 16 : index
        %get3A_954 = tpu.vector_load %arg26[%get3A_952, %get3A_953] {strides = array<i32>} : memref<128x128xf32, #tpu.memory_space<vmem>>, vector<16xf32>,
        %mul3A_955 = vector.broadcast %squeeze3A_939 : f32 to vector<16xf32>
        %mul3A_956 = arith.mulf %get3A_954, %mul3A_955 : vector<16xf32>
        %swap3A_957 = arith.index_cast %add3A_943 : i32 to index
        %swap3A_958 = arith.constant 16 : index
        %swap3A_959 = tpu.vector_load %arg26[%swap3A_957, %swap3A_958] {strides = array<i32>} : memref<128x128xf32, #tpu.memory_space<vmem>>, vector<16xf32>,
        tpu.vector_store %arg26[%swap3A_957, %swap3A_958], %mul3A_956 {strides = array<i32>} : memref<128x128xf32, #tpu.memory_space<vmem>>, vector<16xf32>,
        %get3A_960 = arith.index_cast %add3A_943 : i32 to index
        %get3A_961 = arith.constant 32 : index
        %get3A_962 = tpu.vector_load %arg26[%get3A_960, %get3A_961] {strides = array<i32>} : memref<128x128xf32, #tpu.memory_space<vmem>>, vector<16xf32>,
        %mul3A_963 = vector.broadcast %squeeze3A_939 : f32 to vector<16xf32>
        %mul3A_964 = arith.mulf %get3A_962, %mul3A_963 : vector<16xf32>
        %swap3A_965 = arith.index_cast %add3A_943 : i32 to index
        %swap3A_966 = arith.constant 32 : index
        %swap3A_967 = tpu.vector_load %arg26[%swap3A_965, %swap3A_966] {strides = array<i32>} : memref<128x128xf32, #tpu.memory_space<vmem>>, vector<16xf32>,
        tpu.vector_store %arg26[%swap3A_965, %swap3A_966], %mul3A_964 {strides = array<i32>} : memref<128x128xf32, #tpu.memory_space<vmem>>, vector<16xf32>,
        %get3A_968 = arith.index_cast %add3A_943 : i32 to index
        %get3A_969 = arith.constant 48 : index
        %get3A_970 = tpu.vector_load %arg26[%get3A_968, %get3A_969] {strides = array<i32>} : memref<128x128xf32, #tpu.memory_space<vmem>>, vector<16xf32>,
        %mul3A_971 = vector.broadcast %squeeze3A_939 : f32 to vector<16xf32>
        %mul3A_972 = arith.mulf %get3A_970, %mul3A_971 : vector<16xf32>
        %swap3A_973 = arith.index_cast %add3A_943 : i32 to index
        %swap3A_974 = arith.constant 48 : index
        %swap3A_975 = tpu.vector_load %arg26[%swap3A_973, %swap3A_974] {strides = array<i32>} : memref<128x128xf32, #tpu.memory_space<vmem>>, vector<16xf32>,
        tpu.vector_store %arg26[%swap3A_973, %swap3A_974], %mul3A_972 {strides = array<i32>} : memref<128x128xf32, #tpu.memory_space<vmem>>, vector<16xf32>,
        %get3A_976 = arith.index_cast %add3A_943 : i32 to index
        %get3A_977 = arith.constant 64 : index
        %get3A_978 = tpu.vector_load %arg26[%get3A_976, %get3A_977] {strides = array<i32>} : memref<128x128xf32, #tpu.memory_space<vmem>>, vector<16xf32>,
        %mul3A_979 = vector.broadcast %squeeze3A_939 : f32 to vector<16xf32>
        %mul3A_980 = arith.mulf %get3A_978, %mul3A_979 : vector<16xf32>
        %swap3A_981 = arith.index_cast %add3A_943 : i32 to index
        %swap3A_982 = arith.constant 64 : index
        %swap3A_983 = tpu.vector_load %arg26[%swap3A_981, %swap3A_982] {strides = array<i32>} : memref<128x128xf32, #tpu.memory_space<vmem>>, vector<16xf32>,
        tpu.vector_store %arg26[%swap3A_981, %swap3A_982], %mul3A_980 {strides = array<i32>} : memref<128x128xf32, #tpu.memory_space<vmem>>, vector<16xf32>,
        %get3A_984 = arith.index_cast %add3A_943 : i32 to index
        %get3A_985 = arith.constant 80 : index
        %get3A_986 = tpu.vector_load %arg26[%get3A_984, %get3A_985] {strides = array<i32>} : memref<128x128xf32, #tpu.memory_space<vmem>>, vector<16xf32>,
        %mul3A_987 = vector.broadcast %squeeze3A_939 : f32 to vector<16xf32>
        %mul3A_988 = arith.mulf %get3A_986, %mul3A_987 : vector<16xf32>
        %swap3A_989 = arith.index_cast %add3A_943 : i32 to index
        %swap3A_990 = arith.constant 80 : index
        %swap3A_991 = tpu.vector_load %arg26[%swap3A_989, %swap3A_990] {strides = array<i32>} : memref<128x128xf32, #tpu.memory_space<vmem>>, vector<16xf32>,
        tpu.vector_store %arg26[%swap3A_989, %swap3A_990], %mul3A_988 {strides = array<i32>} : memref<128x128xf32, #tpu.memory_space<vmem>>, vector<16xf32>,
        %get3A_992 = arith.index_cast %add3A_943 : i32 to index
        %get3A_993 = arith.constant 96 : index
        %get3A_994 = tpu.vector_load %arg26[%get3A_992, %get3A_993] {strides = array<i32>} : memref<128x128xf32, #tpu.memory_space<vmem>>, vector<16xf32>,
        %mul3A_995 = vector.broadcast %squeeze3A_939 : f32 to vector<16xf32>
        %mul3A_996 = arith.mulf %get3A_994, %mul3A_995 : vector<16xf32>
        %swap3A_997 = arith.index_cast %add3A_943 : i32 to index
        %swap3A_998 = arith.constant 96 : index
        %swap3A_999 = tpu.vector_load %arg26[%swap3A_997, %swap3A_998] {strides = array<i32>} : memref<128x128xf32, #tpu.memory_space<vmem>>, vector<16xf32>,
        tpu.vector_store %arg26[%swap3A_997, %swap3A_998], %mul3A_996 {strides = array<i32>} : memref<128x128xf32, #tpu.memory_space<vmem>>, vector<16xf32>,
        %get3A_1000 = arith.index_cast %add3A_943 : i32 to index
        %get3A_1001 = arith.constant 112 : index
        %get3A_1002 = tpu.vector_load %arg26[%get3A_1000, %get3A_1001] {strides = array<i32>} : memref<128x128xf32, #tpu.memory_space<vmem>>, vector<16xf32>,
        %mul3A_1003 = vector.broadcast %squeeze3A_939 : f32 to vector<16xf32>
        %mul3A_1004 = arith.mulf %get3A_1002, %mul3A_1003 : vector<16xf32>
        %swap3A_1005 = arith.index_cast %add3A_943 : i32 to index
        %swap3A_1006 = arith.constant 112 : index
        %swap3A_1007 = tpu.vector_load %arg26[%swap3A_1005, %swap3A_1006] {strides = array<i32>} : memref<128x128xf32, #tpu.memory_space<vmem>>, vector<16xf32>,
        tpu.vector_store %arg26[%swap3A_1005, %swap3A_1006], %mul3A_1004 {strides = array<i32>} : memref<128x128xf32, #tpu.memory_space<vmem>>, vector<16xf32>,
        %slice3A_1008 = vector.extract_strided_slice %get3A_729 {offsets = [4], sizes = [1], strides = [1]} : vector<16xf32> to vector<1xf32>
        %squeeze3A_1009 = vector.extract %slice3A_1008[0] : f32 from vector<1xf32>
        %mul3A_1010 = arith.constant 16 : i32
        %mul3A_1011 = arith.muli %scan3A_725, %mul3A_1010 : i32
        %add3A_1012 = arith.constant 4 : i32
        %add3A_1013 = arith.addi %mul3A_1011, %add3A_1012 : i32
        %get3A_1014 = arith.index_cast %add3A_1013 : i32 to index
        %get3A_1015 = arith.constant 0 : index
        %get3A_1016 = tpu.vector_load %arg26[%get3A_1014, %get3A_1015] {strides = array<i32>} : memref<128x128xf32, #tpu.memory_space<vmem>>, vector<16xf32>,
        %mul3A_1017 = vector.broadcast %squeeze3A_1009 : f32 to vector<16xf32>
        %mul3A_1018 = arith.mulf %get3A_1016, %mul3A_1017 : vector<16xf32>
        %swap3A_1019 = arith.index_cast %add3A_1013 : i32 to index
        %swap3A_1020 = arith.constant 0 : index
        %swap3A_1021 = tpu.vector_load %arg26[%swap3A_1019, %swap3A_1020] {strides = array<i32>} : memref<128x128xf32, #tpu.memory_space<vmem>>, vector<16xf32>,
        tpu.vector_store %arg26[%swap3A_1019, %swap3A_1020], %mul3A_1018 {strides = array<i32>} : memref<128x128xf32, #tpu.memory_space<vmem>>, vector<16xf32>,
        %get3A_1022 = arith.index_cast %add3A_1013 : i32 to index
        %get3A_1023 = arith.constant 16 : index
        %get3A_1024 = tpu.vector_load %arg26[%get3A_1022, %get3A_1023] {strides = array<i32>} : memref<128x128xf32, #tpu.memory_space<vmem>>, vector<16xf32>,
        %mul3A_1025 = vector.broadcast %squeeze3A_1009 : f32 to vector<16xf32>
        %mul3A_1026 = arith.mulf %get3A_1024, %mul3A_1025 : vector<16xf32>
        %swap3A_1027 = arith.index_cast %add3A_1013 : i32 to index
        %swap3A_1028 = arith.constant 16 : index
        %swap3A_1029 = tpu.vector_load %arg26[%swap3A_1027, %swap3A_1028] {strides = array<i32>} : memref<128x128xf32, #tpu.memory_space<vmem>>, vector<16xf32>,
        tpu.vector_store %arg26[%swap3A_1027, %swap3A_1028], %mul3A_1026 {strides = array<i32>} : memref<128x128xf32, #tpu.memory_space<vmem>>, vector<16xf32>,
        %get3A_1030 = arith.index_cast %add3A_1013 : i32 to index
        %get3A_1031 = arith.constant 32 : index
        %get3A_1032 = tpu.vector_load %arg26[%get3A_1030, %get3A_1031] {strides = array<i32>} : memref<128x128xf32, #tpu.memory_space<vmem>>, vector<16xf32>,
        %mul3A_1033 = vector.broadcast %squeeze3A_1009 : f32 to vector<16xf32>
        %mul3A_1034 = arith.mulf %get3A_1032, %mul3A_1033 : vector<16xf32>
        %swap3A_1035 = arith.index_cast %add3A_1013 : i32 to index
        %swap3A_1036 = arith.constant 32 : index
        %swap3A_1037 = tpu.vector_load %arg26[%swap3A_1035, %swap3A_1036] {strides = array<i32>} : memref<128x128xf32, #tpu.memory_space<vmem>>, vector<16xf32>,
        tpu.vector_store %arg26[%swap3A_1035, %swap3A_1036], %mul3A_1034 {strides = array<i32>} : memref<128x128xf32, #tpu.memory_space<vmem>>, vector<16xf32>,
        %get3A_1038 = arith.index_cast %add3A_1013 : i32 to index
        %get3A_1039 = arith.constant 48 : index
        %get3A_1040 = tpu.vector_load %arg26[%get3A_1038, %get3A_1039] {strides = array<i32>} : memref<128x128xf32, #tpu.memory_space<vmem>>, vector<16xf32>,
        %mul3A_1041 = vector.broadcast %squeeze3A_1009 : f32 to vector<16xf32>
        %mul3A_1042 = arith.mulf %get3A_1040, %mul3A_1041 : vector<16xf32>
        %swap3A_1043 = arith.index_cast %add3A_1013 : i32 to index
        %swap3A_1044 = arith.constant 48 : index
        %swap3A_1045 = tpu.vector_load %arg26[%swap3A_1043, %swap3A_1044] {strides = array<i32>} : memref<128x128xf32, #tpu.memory_space<vmem>>, vector<16xf32>,
        tpu.vector_store %arg26[%swap3A_1043, %swap3A_1044], %mul3A_1042 {strides = array<i32>} : memref<128x128xf32, #tpu.memory_space<vmem>>, vector<16xf32>,
        %get3A_1046 = arith.index_cast %add3A_1013 : i32 to index
        %get3A_1047 = arith.constant 64 : index
        %get3A_1048 = tpu.vector_load %arg26[%get3A_1046, %get3A_1047] {strides = array<i32>} : memref<128x128xf32, #tpu.memory_space<vmem>>, vector<16xf32>,
        %mul3A_1049 = vector.broadcast %squeeze3A_1009 : f32 to vector<16xf32>
        %mul3A_1050 = arith.mulf %get3A_1048, %mul3A_1049 : vector<16xf32>
        %swap3A_1051 = arith.index_cast %add3A_1013 : i32 to index
        %swap3A_1052 = arith.constant 64 : index
        %swap3A_1053 = tpu.vector_load %arg26[%swap3A_1051, %swap3A_1052] {strides = array<i32>} : memref<128x128xf32, #tpu.memory_space<vmem>>, vector<16xf32>,
        tpu.vector_store %arg26[%swap3A_1051, %swap3A_1052], %mul3A_1050 {strides = array<i32>} : memref<128x128xf32, #tpu.memory_space<vmem>>, vector<16xf32>,
        %get3A_1054 = arith.index_cast %add3A_1013 : i32 to index
        %get3A_1055 = arith.constant 80 : index
        %get3A_1056 = tpu.vector_load %arg26[%get3A_1054, %get3A_1055] {strides = array<i32>} : memref<128x128xf32, #tpu.memory_space<vmem>>, vector<16xf32>,
        %mul3A_1057 = vector.broadcast %squeeze3A_1009 : f32 to vector<16xf32>
        %mul3A_1058 = arith.mulf %get3A_1056, %mul3A_1057 : vector<16xf32>
        %swap3A_1059 = arith.index_cast %add3A_1013 : i32 to index
        %swap3A_1060 = arith.constant 80 : index
        %swap3A_1061 = tpu.vector_load %arg26[%swap3A_1059, %swap3A_1060] {strides = array<i32>} : memref<128x128xf32, #tpu.memory_space<vmem>>, vector<16xf32>,
        tpu.vector_store %arg26[%swap3A_1059, %swap3A_1060], %mul3A_1058 {strides = array<i32>} : memref<128x128xf32, #tpu.memory_space<vmem>>, vector<16xf32>,
        %get3A_1062 = arith.index_cast %add3A_1013 : i32 to index
        %get3A_1063 = arith.constant 96 : index
        %get3A_1064 = tpu.vector_load %arg26[%get3A_1062, %get3A_1063] {strides = array<i32>} : memref<128x128xf32, #tpu.memory_space<vmem>>, vector<16xf32>,
        %mul3A_1065 = vector.broadcast %squeeze3A_1009 : f32 to vector<16xf32>
        %mul3A_1066 = arith.mulf %get3A_1064, %mul3A_1065 : vector<16xf32>
        %swap3A_1067 = arith.index_cast %add3A_1013 : i32 to index
        %swap3A_1068 = arith.constant 96 : index
        %swap3A_1069 = tpu.vector_load %arg26[%swap3A_1067, %swap3A_1068] {strides = array<i32>} : memref<128x128xf32, #tpu.memory_space<vmem>>, vector<16xf32>,
        tpu.vector_store %arg26[%swap3A_1067, %swap3A_1068], %mul3A_1066 {strides = array<i32>} : memref<128x128xf32, #tpu.memory_space<vmem>>, vector<16xf32>,
        %get3A_1070 = arith.index_cast %add3A_1013 : i32 to index
        %get3A_1071 = arith.constant 112 : index
        %get3A_1072 = tpu.vector_load %arg26[%get3A_1070, %get3A_1071] {strides = array<i32>} : memref<128x128xf32, #tpu.memory_space<vmem>>, vector<16xf32>,
        %mul3A_1073 = vector.broadcast %squeeze3A_1009 : f32 to vector<16xf32>
        %mul3A_1074 = arith.mulf %get3A_1072, %mul3A_1073 : vector<16xf32>
        %swap3A_1075 = arith.index_cast %add3A_1013 : i32 to index
        %swap3A_1076 = arith.constant 112 : index
        %swap3A_1077 = tpu.vector_load %arg26[%swap3A_1075, %swap3A_1076] {strides = array<i32>} : memref<128x128xf32, #tpu.memory_space<vmem>>, vector<16xf32>,
        tpu.vector_store %arg26[%swap3A_1075, %swap3A_1076], %mul3A_1074 {strides = array<i32>} : memref<128x128xf32, #tpu.memory_space<vmem>>, vector<16xf32>,
        %slice3A_1078 = vector.extract_strided_slice %get3A_729 {offsets = [5], sizes = [1], strides = [1]} : vector<16xf32> to vector<1xf32>
        %squeeze3A_1079 = vector.extract %slice3A_1078[0] : f32 from vector<1xf32>
        %mul3A_1080 = arith.constant 16 : i32
        %mul3A_1081 = arith.muli %scan3A_725, %mul3A_1080 : i32
        %add3A_1082 = arith.constant 5 : i32
        %add3A_1083 = arith.addi %mul3A_1081, %add3A_1082 : i32
        %get3A_1084 = arith.index_cast %add3A_1083 : i32 to index
        %get3A_1085 = arith.constant 0 : index
        %get3A_1086 = tpu.vector_load %arg26[%get3A_1084, %get3A_1085] {strides = array<i32>} : memref<128x128xf32, #tpu.memory_space<vmem>>, vector<16xf32>,
        %mul3A_1087 = vector.broadcast %squeeze3A_1079 : f32 to vector<16xf32>
        %mul3A_1088 = arith.mulf %get3A_1086, %mul3A_1087 : vector<16xf32>
        %swap3A_1089 = arith.index_cast %add3A_1083 : i32 to index
        %swap3A_1090 = arith.constant 0 : index
        %swap3A_1091 = tpu.vector_load %arg26[%swap3A_1089, %swap3A_1090] {strides = array<i32>} : memref<128x128xf32, #tpu.memory_space<vmem>>, vector<16xf32>,
        tpu.vector_store %arg26[%swap3A_1089, %swap3A_1090], %mul3A_1088 {strides = array<i32>} : memref<128x128xf32, #tpu.memory_space<vmem>>, vector<16xf32>,
        %get3A_1092 = arith.index_cast %add3A_1083 : i32 to index
        %get3A_1093 = arith.constant 16 : index
        %get3A_1094 = tpu.vector_load %arg26[%get3A_1092, %get3A_1093] {strides = array<i32>} : memref<128x128xf32, #tpu.memory_space<vmem>>, vector<16xf32>,
        %mul3A_1095 = vector.broadcast %squeeze3A_1079 : f32 to vector<16xf32>
        %mul3A_1096 = arith.mulf %get3A_1094, %mul3A_1095 : vector<16xf32>
        %swap3A_1097 = arith.index_cast %add3A_1083 : i32 to index
        %swap3A_1098 = arith.constant 16 : index
        %swap3A_1099 = tpu.vector_load %arg26[%swap3A_1097, %swap3A_1098] {strides = array<i32>} : memref<128x128xf32, #tpu.memory_space<vmem>>, vector<16xf32>,
        tpu.vector_store %arg26[%swap3A_1097, %swap3A_1098], %mul3A_1096 {strides = array<i32>} : memref<128x128xf32, #tpu.memory_space<vmem>>, vector<16xf32>,
        %get3A_1100 = arith.index_cast %add3A_1083 : i32 to index
        %get3A_1101 = arith.constant 32 : index
        %get3A_1102 = tpu.vector_load %arg26[%get3A_1100, %get3A_1101] {strides = array<i32>} : memref<128x128xf32, #tpu.memory_space<vmem>>, vector<16xf32>,
        %mul3A_1103 = vector.broadcast %squeeze3A_1079 : f32 to vector<16xf32>
        %mul3A_1104 = arith.mulf %get3A_1102, %mul3A_1103 : vector<16xf32>
        %swap3A_1105 = arith.index_cast %add3A_1083 : i32 to index
        %swap3A_1106 = arith.constant 32 : index
        %swap3A_1107 = tpu.vector_load %arg26[%swap3A_1105, %swap3A_1106] {strides = array<i32>} : memref<128x128xf32, #tpu.memory_space<vmem>>, vector<16xf32>,
        tpu.vector_store %arg26[%swap3A_1105, %swap3A_1106], %mul3A_1104 {strides = array<i32>} : memref<128x128xf32, #tpu.memory_space<vmem>>, vector<16xf32>,
        %get3A_1108 = arith.index_cast %add3A_1083 : i32 to index
        %get3A_1109 = arith.constant 48 : index
        %get3A_1110 = tpu.vector_load %arg26[%get3A_1108, %get3A_1109] {strides = array<i32>} : memref<128x128xf32, #tpu.memory_space<vmem>>, vector<16xf32>,
        %mul3A_1111 = vector.broadcast %squeeze3A_1079 : f32 to vector<16xf32>
        %mul3A_1112 = arith.mulf %get3A_1110, %mul3A_1111 : vector<16xf32>
        %swap3A_1113 = arith.index_cast %add3A_1083 : i32 to index
        %swap3A_1114 = arith.constant 48 : index
        %swap3A_1115 = tpu.vector_load %arg26[%swap3A_1113, %swap3A_1114] {strides = array<i32>} : memref<128x128xf32, #tpu.memory_space<vmem>>, vector<16xf32>,
        tpu.vector_store %arg26[%swap3A_1113, %swap3A_1114], %mul3A_1112 {strides = array<i32>} : memref<128x128xf32, #tpu.memory_space<vmem>>, vector<16xf32>,
        %get3A_1116 = arith.index_cast %add3A_1083 : i32 to index
        %get3A_1117 = arith.constant 64 : index
        %get3A_1118 = tpu.vector_load %arg26[%get3A_1116, %get3A_1117] {strides = array<i32>} : memref<128x128xf32, #tpu.memory_space<vmem>>, vector<16xf32>,
        %mul3A_1119 = vector.broadcast %squeeze3A_1079 : f32 to vector<16xf32>
        %mul3A_1120 = arith.mulf %get3A_1118, %mul3A_1119 : vector<16xf32>
        %swap3A_1121 = arith.index_cast %add3A_1083 : i32 to index
        %swap3A_1122 = arith.constant 64 : index
        %swap3A_1123 = tpu.vector_load %arg26[%swap3A_1121, %swap3A_1122] {strides = array<i32>} : memref<128x128xf32, #tpu.memory_space<vmem>>, vector<16xf32>,
        tpu.vector_store %arg26[%swap3A_1121, %swap3A_1122], %mul3A_1120 {strides = array<i32>} : memref<128x128xf32, #tpu.memory_space<vmem>>, vector<16xf32>,
        %get3A_1124 = arith.index_cast %add3A_1083 : i32 to index
        %get3A_1125 = arith.constant 80 : index
        %get3A_1126 = tpu.vector_load %arg26[%get3A_1124, %get3A_1125] {strides = array<i32>} : memref<128x128xf32, #tpu.memory_space<vmem>>, vector<16xf32>,
        %mul3A_1127 = vector.broadcast %squeeze3A_1079 : f32 to vector<16xf32>
        %mul3A_1128 = arith.mulf %get3A_1126, %mul3A_1127 : vector<16xf32>
        %swap3A_1129 = arith.index_cast %add3A_1083 : i32 to index
        %swap3A_1130 = arith.constant 80 : index
        %swap3A_1131 = tpu.vector_load %arg26[%swap3A_1129, %swap3A_1130] {strides = array<i32>} : memref<128x128xf32, #tpu.memory_space<vmem>>, vector<16xf32>,
        tpu.vector_store %arg26[%swap3A_1129, %swap3A_1130], %mul3A_1128 {strides = array<i32>} : memref<128x128xf32, #tpu.memory_space<vmem>>, vector<16xf32>,
        %get3A_1132 = arith.index_cast %add3A_1083 : i32 to index
        %get3A_1133 = arith.constant 96 : index
        %get3A_1134 = tpu.vector_load %arg26[%get3A_1132, %get3A_1133] {strides = array<i32>} : memref<128x128xf32, #tpu.memory_space<vmem>>, vector<16xf32>,
        %mul3A_1135 = vector.broadcast %squeeze3A_1079 : f32 to vector<16xf32>
        %mul3A_1136 = arith.mulf %get3A_1134, %mul3A_1135 : vector<16xf32>
        %swap3A_1137 = arith.index_cast %add3A_1083 : i32 to index
        %swap3A_1138 = arith.constant 96 : index
        %swap3A_1139 = tpu.vector_load %arg26[%swap3A_1137, %swap3A_1138] {strides = array<i32>} : memref<128x128xf32, #tpu.memory_space<vmem>>, vector<16xf32>,
        tpu.vector_store %arg26[%swap3A_1137, %swap3A_1138], %mul3A_1136 {strides = array<i32>} : memref<128x128xf32, #tpu.memory_space<vmem>>, vector<16xf32>,
        %get3A_1140 = arith.index_cast %add3A_1083 : i32 to index
        %get3A_1141 = arith.constant 112 : index
        %get3A_1142 = tpu.vector_load %arg26[%get3A_1140, %get3A_1141] {strides = array<i32>} : memref<128x128xf32, #tpu.memory_space<vmem>>, vector<16xf32>,
        %mul3A_1143 = vector.broadcast %squeeze3A_1079 : f32 to vector<16xf32>
        %mul3A_1144 = arith.mulf %get3A_1142, %mul3A_1143 : vector<16xf32>
        %swap3A_1145 = arith.index_cast %add3A_1083 : i32 to index
        %swap3A_1146 = arith.constant 112 : index
        %swap3A_1147 = tpu.vector_load %arg26[%swap3A_1145, %swap3A_1146] {strides = array<i32>} : memref<128x128xf32, #tpu.memory_space<vmem>>, vector<16xf32>,
        tpu.vector_store %arg26[%swap3A_1145, %swap3A_1146], %mul3A_1144 {strides = array<i32>} : memref<128x128xf32, #tpu.memory_space<vmem>>, vector<16xf32>,
        %slice3A_1148 = vector.extract_strided_slice %get3A_729 {offsets = [6], sizes = [1], strides = [1]} : vector<16xf32> to vector<1xf32>
        %squeeze3A_1149 = vector.extract %slice3A_1148[0] : f32 from vector<1xf32>
        %mul3A_1150 = arith.constant 16 : i32
        %mul3A_1151 = arith.muli %scan3A_725, %mul3A_1150 : i32
        %add3A_1152 = arith.constant 6 : i32
        %add3A_1153 = arith.addi %mul3A_1151, %add3A_1152 : i32
        %get3A_1154 = arith.index_cast %add3A_1153 : i32 to index
        %get3A_1155 = arith.constant 0 : index
        %get3A_1156 = tpu.vector_load %arg26[%get3A_1154, %get3A_1155] {strides = array<i32>} : memref<128x128xf32, #tpu.memory_space<vmem>>, vector<16xf32>,
        %mul3A_1157 = vector.broadcast %squeeze3A_1149 : f32 to vector<16xf32>
        %mul3A_1158 = arith.mulf %get3A_1156, %mul3A_1157 : vector<16xf32>
        %swap3A_1159 = arith.index_cast %add3A_1153 : i32 to index
        %swap3A_1160 = arith.constant 0 : index
        %swap3A_1161 = tpu.vector_load %arg26[%swap3A_1159, %swap3A_1160] {strides = array<i32>} : memref<128x128xf32, #tpu.memory_space<vmem>>, vector<16xf32>,
        tpu.vector_store %arg26[%swap3A_1159, %swap3A_1160], %mul3A_1158 {strides = array<i32>} : memref<128x128xf32, #tpu.memory_space<vmem>>, vector<16xf32>,
        %get3A_1162 = arith.index_cast %add3A_1153 : i32 to index
        %get3A_1163 = arith.constant 16 : index
        %get3A_1164 = tpu.vector_load %arg26[%get3A_1162, %get3A_1163] {strides = array<i32>} : memref<128x128xf32, #tpu.memory_space<vmem>>, vector<16xf32>,
        %mul3A_1165 = vector.broadcast %squeeze3A_1149 : f32 to vector<16xf32>
        %mul3A_1166 = arith.mulf %get3A_1164, %mul3A_1165 : vector<16xf32>
        %swap3A_1167 = arith.index_cast %add3A_1153 : i32 to index
        %swap3A_1168 = arith.constant 16 : index
        %swap3A_1169 = tpu.vector_load %arg26[%swap3A_1167, %swap3A_1168] {strides = array<i32>} : memref<128x128xf32, #tpu.memory_space<vmem>>, vector<16xf32>,
        tpu.vector_store %arg26[%swap3A_1167, %swap3A_1168], %mul3A_1166 {strides = array<i32>} : memref<128x128xf32, #tpu.memory_space<vmem>>, vector<16xf32>,
        %get3A_1170 = arith.index_cast %add3A_1153 : i32 to index
        %get3A_1171 = arith.constant 32 : index
        %get3A_1172 = tpu.vector_load %arg26[%get3A_1170, %get3A_1171] {strides = array<i32>} : memref<128x128xf32, #tpu.memory_space<vmem>>, vector<16xf32>,
        %mul3A_1173 = vector.broadcast %squeeze3A_1149 : f32 to vector<16xf32>
        %mul3A_1174 = arith.mulf %get3A_1172, %mul3A_1173 : vector<16xf32>
        %swap3A_1175 = arith.index_cast %add3A_1153 : i32 to index
        %swap3A_1176 = arith.constant 32 : index
        %swap3A_1177 = tpu.vector_load %arg26[%swap3A_1175, %swap3A_1176] {strides = array<i32>} : memref<128x128xf32, #tpu.memory_space<vmem>>, vector<16xf32>,
        tpu.vector_store %arg26[%swap3A_1175, %swap3A_1176], %mul3A_1174 {strides = array<i32>} : memref<128x128xf32, #tpu.memory_space<vmem>>, vector<16xf32>,
        %get3A_1178 = arith.index_cast %add3A_1153 : i32 to index
        %get3A_1179 = arith.constant 48 : index
        %get3A_1180 = tpu.vector_load %arg26[%get3A_1178, %get3A_1179] {strides = array<i32>} : memref<128x128xf32, #tpu.memory_space<vmem>>, vector<16xf32>,
        %mul3A_1181 = vector.broadcast %squeeze3A_1149 : f32 to vector<16xf32>
        %mul3A_1182 = arith.mulf %get3A_1180, %mul3A_1181 : vector<16xf32>
        %swap3A_1183 = arith.index_cast %add3A_1153 : i32 to index
        %swap3A_1184 = arith.constant 48 : index
        %swap3A_1185 = tpu.vector_load %arg26[%swap3A_1183, %swap3A_1184] {strides = array<i32>} : memref<128x128xf32, #tpu.memory_space<vmem>>, vector<16xf32>,
        tpu.vector_store %arg26[%swap3A_1183, %swap3A_1184], %mul3A_1182 {strides = array<i32>} : memref<128x128xf32, #tpu.memory_space<vmem>>, vector<16xf32>,
        %get3A_1186 = arith.index_cast %add3A_1153 : i32 to index
        %get3A_1187 = arith.constant 64 : index
        %get3A_1188 = tpu.vector_load %arg26[%get3A_1186, %get3A_1187] {strides = array<i32>} : memref<128x128xf32, #tpu.memory_space<vmem>>, vector<16xf32>,
        %mul3A_1189 = vector.broadcast %squeeze3A_1149 : f32 to vector<16xf32>
        %mul3A_1190 = arith.mulf %get3A_1188, %mul3A_1189 : vector<16xf32>
        %swap3A_1191 = arith.index_cast %add3A_1153 : i32 to index
        %swap3A_1192 = arith.constant 64 : index
        %swap3A_1193 = tpu.vector_load %arg26[%swap3A_1191, %swap3A_1192] {strides = array<i32>} : memref<128x128xf32, #tpu.memory_space<vmem>>, vector<16xf32>,
        tpu.vector_store %arg26[%swap3A_1191, %swap3A_1192], %mul3A_1190 {strides = array<i32>} : memref<128x128xf32, #tpu.memory_space<vmem>>, vector<16xf32>,
        %get3A_1194 = arith.index_cast %add3A_1153 : i32 to index
        %get3A_1195 = arith.constant 80 : index
        %get3A_1196 = tpu.vector_load %arg26[%get3A_1194, %get3A_1195] {strides = array<i32>} : memref<128x128xf32, #tpu.memory_space<vmem>>, vector<16xf32>,
        %mul3A_1197 = vector.broadcast %squeeze3A_1149 : f32 to vector<16xf32>
        %mul3A_1198 = arith.mulf %get3A_1196, %mul3A_1197 : vector<16xf32>
        %swap3A_1199 = arith.index_cast %add3A_1153 : i32 to index
        %swap3A_1200 = arith.constant 80 : index
        %swap3A_1201 = tpu.vector_load %arg26[%swap3A_1199, %swap3A_1200] {strides = array<i32>} : memref<128x128xf32, #tpu.memory_space<vmem>>, vector<16xf32>,
        tpu.vector_store %arg26[%swap3A_1199, %swap3A_1200], %mul3A_1198 {strides = array<i32>} : memref<128x128xf32, #tpu.memory_space<vmem>>, vector<16xf32>,
        %get3A_1202 = arith.index_cast %add3A_1153 : i32 to index
        %get3A_1203 = arith.constant 96 : index
        %get3A_1204 = tpu.vector_load %arg26[%get3A_1202, %get3A_1203] {strides = array<i32>} : memref<128x128xf32, #tpu.memory_space<vmem>>, vector<16xf32>,
        %mul3A_1205 = vector.broadcast %squeeze3A_1149 : f32 to vector<16xf32>
        %mul3A_1206 = arith.mulf %get3A_1204, %mul3A_1205 : vector<16xf32>
        %swap3A_1207 = arith.index_cast %add3A_1153 : i32 to index
        %swap3A_1208 = arith.constant 96 : index
        %swap3A_1209 = tpu.vector_load %arg26[%swap3A_1207, %swap3A_1208] {strides = array<i32>} : memref<128x128xf32, #tpu.memory_space<vmem>>, vector<16xf32>,
        tpu.vector_store %arg26[%swap3A_1207, %swap3A_1208], %mul3A_1206 {strides = array<i32>} : memref<128x128xf32, #tpu.memory_space<vmem>>, vector<16xf32>,
        %get3A_1210 = arith.index_cast %add3A_1153 : i32 to index
        %get3A_1211 = arith.constant 112 : index
        %get3A_1212 = tpu.vector_load %arg26[%get3A_1210, %get3A_1211] {strides = array<i32>} : memref<128x128xf32, #tpu.memory_space<vmem>>, vector<16xf32>,
        %mul3A_1213 = vector.broadcast %squeeze3A_1149 : f32 to vector<16xf32>
        %mul3A_1214 = arith.mulf %get3A_1212, %mul3A_1213 : vector<16xf32>
        %swap3A_1215 = arith.index_cast %add3A_1153 : i32 to index
        %swap3A_1216 = arith.constant 112 : index
        %swap3A_1217 = tpu.vector_load %arg26[%swap3A_1215, %swap3A_1216] {strides = array<i32>} : memref<128x128xf32, #tpu.memory_space<vmem>>, vector<16xf32>,
        tpu.vector_store %arg26[%swap3A_1215, %swap3A_1216], %mul3A_1214 {strides = array<i32>} : memref<128x128xf32, #tpu.memory_space<vmem>>, vector<16xf32>,
        %slice3A_1218 = vector.extract_strided_slice %get3A_729 {offsets = [7], sizes = [1], strides = [1]} : vector<16xf32> to vector<1xf32>
        %squeeze3A_1219 = vector.extract %slice3A_1218[0] : f32 from vector<1xf32>
        %mul3A_1220 = arith.constant 16 : i32
        %mul3A_1221 = arith.muli %scan3A_725, %mul3A_1220 : i32
        %add3A_1222 = arith.constant 7 : i32
        %add3A_1223 = arith.addi %mul3A_1221, %add3A_1222 : i32
        %get3A_1224 = arith.index_cast %add3A_1223 : i32 to index
        %get3A_1225 = arith.constant 0 : index
        %get3A_1226 = tpu.vector_load %arg26[%get3A_1224, %get3A_1225] {strides = array<i32>} : memref<128x128xf32, #tpu.memory_space<vmem>>, vector<16xf32>,
        %mul3A_1227 = vector.broadcast %squeeze3A_1219 : f32 to vector<16xf32>
        %mul3A_1228 = arith.mulf %get3A_1226, %mul3A_1227 : vector<16xf32>
        %swap3A_1229 = arith.index_cast %add3A_1223 : i32 to index
        %swap3A_1230 = arith.constant 0 : index
        %swap3A_1231 = tpu.vector_load %arg26[%swap3A_1229, %swap3A_1230] {strides = array<i32>} : memref<128x128xf32, #tpu.memory_space<vmem>>, vector<16xf32>,
        tpu.vector_store %arg26[%swap3A_1229, %swap3A_1230], %mul3A_1228 {strides = array<i32>} : memref<128x128xf32, #tpu.memory_space<vmem>>, vector<16xf32>,
        %get3A_1232 = arith.index_cast %add3A_1223 : i32 to index
        %get3A_1233 = arith.constant 16 : index
        %get3A_1234 = tpu.vector_load %arg26[%get3A_1232, %get3A_1233] {strides = array<i32>} : memref<128x128xf32, #tpu.memory_space<vmem>>, vector<16xf32>,
        %mul3A_1235 = vector.broadcast %squeeze3A_1219 : f32 to vector<16xf32>
        %mul3A_1236 = arith.mulf %get3A_1234, %mul3A_1235 : vector<16xf32>
        %swap3A_1237 = arith.index_cast %add3A_1223 : i32 to index
        %swap3A_1238 = arith.constant 16 : index
        %swap3A_1239 = tpu.vector_load %arg26[%swap3A_1237, %swap3A_1238] {strides = array<i32>} : memref<128x128xf32, #tpu.memory_space<vmem>>, vector<16xf32>,
        tpu.vector_store %arg26[%swap3A_1237, %swap3A_1238], %mul3A_1236 {strides = array<i32>} : memref<128x128xf32, #tpu.memory_space<vmem>>, vector<16xf32>,
        %get3A_1240 = arith.index_cast %add3A_1223 : i32 to index
        %get3A_1241 = arith.constant 32 : index
        %get3A_1242 = tpu.vector_load %arg26[%get3A_1240, %get3A_1241] {strides = array<i32>} : memref<128x128xf32, #tpu.memory_space<vmem>>, vector<16xf32>,
        %mul3A_1243 = vector.broadcast %squeeze3A_1219 : f32 to vector<16xf32>
        %mul3A_1244 = arith.mulf %get3A_1242, %mul3A_1243 : vector<16xf32>
        %swap3A_1245 = arith.index_cast %add3A_1223 : i32 to index
        %swap3A_1246 = arith.constant 32 : index
        %swap3A_1247 = tpu.vector_load %arg26[%swap3A_1245, %swap3A_1246] {strides = array<i32>} : memref<128x128xf32, #tpu.memory_space<vmem>>, vector<16xf32>,
        tpu.vector_store %arg26[%swap3A_1245, %swap3A_1246], %mul3A_1244 {strides = array<i32>} : memref<128x128xf32, #tpu.memory_space<vmem>>, vector<16xf32>,
        %get3A_1248 = arith.index_cast %add3A_1223 : i32 to index
        %get3A_1249 = arith.constant 48 : index
        %get3A_1250 = tpu.vector_load %arg26[%get3A_1248, %get3A_1249] {strides = array<i32>} : memref<128x128xf32, #tpu.memory_space<vmem>>, vector<16xf32>,
        %mul3A_1251 = vector.broadcast %squeeze3A_1219 : f32 to vector<16xf32>
        %mul3A_1252 = arith.mulf %get3A_1250, %mul3A_1251 : vector<16xf32>
        %swap3A_1253 = arith.index_cast %add3A_1223 : i32 to index
        %swap3A_1254 = arith.constant 48 : index
        %swap3A_1255 = tpu.vector_load %arg26[%swap3A_1253, %swap3A_1254] {strides = array<i32>} : memref<128x128xf32, #tpu.memory_space<vmem>>, vector<16xf32>,
        tpu.vector_store %arg26[%swap3A_1253, %swap3A_1254], %mul3A_1252 {strides = array<i32>} : memref<128x128xf32, #tpu.memory_space<vmem>>, vector<16xf32>,
        %get3A_1256 = arith.index_cast %add3A_1223 : i32 to index
        %get3A_1257 = arith.constant 64 : index
        %get3A_1258 = tpu.vector_load %arg26[%get3A_1256, %get3A_1257] {strides = array<i32>} : memref<128x128xf32, #tpu.memory_space<vmem>>, vector<16xf32>,
        %mul3A_1259 = vector.broadcast %squeeze3A_1219 : f32 to vector<16xf32>
        %mul3A_1260 = arith.mulf %get3A_1258, %mul3A_1259 : vector<16xf32>
        %swap3A_1261 = arith.index_cast %add3A_1223 : i32 to index
        %swap3A_1262 = arith.constant 64 : index
        %swap3A_1263 = tpu.vector_load %arg26[%swap3A_1261, %swap3A_1262] {strides = array<i32>} : memref<128x128xf32, #tpu.memory_space<vmem>>, vector<16xf32>,
        tpu.vector_store %arg26[%swap3A_1261, %swap3A_1262], %mul3A_1260 {strides = array<i32>} : memref<128x128xf32, #tpu.memory_space<vmem>>, vector<16xf32>,
        %get3A_1264 = arith.index_cast %add3A_1223 : i32 to index
        %get3A_1265 = arith.constant 80 : index
        %get3A_1266 = tpu.vector_load %arg26[%get3A_1264, %get3A_1265] {strides = array<i32>} : memref<128x128xf32, #tpu.memory_space<vmem>>, vector<16xf32>,
        %mul3A_1267 = vector.broadcast %squeeze3A_1219 : f32 to vector<16xf32>
        %mul3A_1268 = arith.mulf %get3A_1266, %mul3A_1267 : vector<16xf32>
        %swap3A_1269 = arith.index_cast %add3A_1223 : i32 to index
        %swap3A_1270 = arith.constant 80 : index
        %swap3A_1271 = tpu.vector_load %arg26[%swap3A_1269, %swap3A_1270] {strides = array<i32>} : memref<128x128xf32, #tpu.memory_space<vmem>>, vector<16xf32>,
        tpu.vector_store %arg26[%swap3A_1269, %swap3A_1270], %mul3A_1268 {strides = array<i32>} : memref<128x128xf32, #tpu.memory_space<vmem>>, vector<16xf32>,
        %get3A_1272 = arith.index_cast %add3A_1223 : i32 to index
        %get3A_1273 = arith.constant 96 : index
        %get3A_1274 = tpu.vector_load %arg26[%get3A_1272, %get3A_1273] {strides = array<i32>} : memref<128x128xf32, #tpu.memory_space<vmem>>, vector<16xf32>,
        %mul3A_1275 = vector.broadcast %squeeze3A_1219 : f32 to vector<16xf32>
        %mul3A_1276 = arith.mulf %get3A_1274, %mul3A_1275 : vector<16xf32>
        %swap3A_1277 = arith.index_cast %add3A_1223 : i32 to index
        %swap3A_1278 = arith.constant 96 : index
        %swap3A_1279 = tpu.vector_load %arg26[%swap3A_1277, %swap3A_1278] {strides = array<i32>} : memref<128x128xf32, #tpu.memory_space<vmem>>, vector<16xf32>,
        tpu.vector_store %arg26[%swap3A_1277, %swap3A_1278], %mul3A_1276 {strides = array<i32>} : memref<128x128xf32, #tpu.memory_space<vmem>>, vector<16xf32>,
        %get3A_1280 = arith.index_cast %add3A_1223 : i32 to index
        %get3A_1281 = arith.constant 112 : index
        %get3A_1282 = tpu.vector_load %arg26[%get3A_1280, %get3A_1281] {strides = array<i32>} : memref<128x128xf32, #tpu.memory_space<vmem>>, vector<16xf32>,
        %mul3A_1283 = vector.broadcast %squeeze3A_1219 : f32 to vector<16xf32>
        %mul3A_1284 = arith.mulf %get3A_1282, %mul3A_1283 : vector<16xf32>
        %swap3A_1285 = arith.index_cast %add3A_1223 : i32 to index
        %swap3A_1286 = arith.constant 112 : index
        %swap3A_1287 = tpu.vector_load %arg26[%swap3A_1285, %swap3A_1286] {strides = array<i32>} : memref<128x128xf32, #tpu.memory_space<vmem>>, vector<16xf32>,
        tpu.vector_store %arg26[%swap3A_1285, %swap3A_1286], %mul3A_1284 {strides = array<i32>} : memref<128x128xf32, #tpu.memory_space<vmem>>, vector<16xf32>,
        %slice3A_1288 = vector.extract_strided_slice %get3A_729 {offsets = [8], sizes = [1], strides = [1]} : vector<16xf32> to vector<1xf32>
        %squeeze3A_1289 = vector.extract %slice3A_1288[0] : f32 from vector<1xf32>
        %mul3A_1290 = arith.constant 16 : i32
        %mul3A_1291 = arith.muli %scan3A_725, %mul3A_1290 : i32
        %add3A_1292 = arith.constant 8 : i32
        %add3A_1293 = arith.addi %mul3A_1291, %add3A_1292 : i32
        %get3A_1294 = arith.index_cast %add3A_1293 : i32 to index
        %get3A_1295 = arith.constant 0 : index
        %get3A_1296 = tpu.vector_load %arg26[%get3A_1294, %get3A_1295] {strides = array<i32>} : memref<128x128xf32, #tpu.memory_space<vmem>>, vector<16xf32>,
        %mul3A_1297 = vector.broadcast %squeeze3A_1289 : f32 to vector<16xf32>
        %mul3A_1298 = arith.mulf %get3A_1296, %mul3A_1297 : vector<16xf32>
        %swap3A_1299 = arith.index_cast %add3A_1293 : i32 to index
        %swap3A_1300 = arith.constant 0 : index
        %swap3A_1301 = tpu.vector_load %arg26[%swap3A_1299, %swap3A_1300] {strides = array<i32>} : memref<128x128xf32, #tpu.memory_space<vmem>>, vector<16xf32>,
        tpu.vector_store %arg26[%swap3A_1299, %swap3A_1300], %mul3A_1298 {strides = array<i32>} : memref<128x128xf32, #tpu.memory_space<vmem>>, vector<16xf32>,
        %get3A_1302 = arith.index_cast %add3A_1293 : i32 to index
        %get3A_1303 = arith.constant 16 : index
        %get3A_1304 = tpu.vector_load %arg26[%get3A_1302, %get3A_1303] {strides = array<i32>} : memref<128x128xf32, #tpu.memory_space<vmem>>, vector<16xf32>,
        %mul3A_1305 = vector.broadcast %squeeze3A_1289 : f32 to vector<16xf32>
        %mul3A_1306 = arith.mulf %get3A_1304, %mul3A_1305 : vector<16xf32>
        %swap3A_1307 = arith.index_cast %add3A_1293 : i32 to index
        %swap3A_1308 = arith.constant 16 : index
        %swap3A_1309 = tpu.vector_load %arg26[%swap3A_1307, %swap3A_1308] {strides = array<i32>} : memref<128x128xf32, #tpu.memory_space<vmem>>, vector<16xf32>,
        tpu.vector_store %arg26[%swap3A_1307, %swap3A_1308], %mul3A_1306 {strides = array<i32>} : memref<128x128xf32, #tpu.memory_space<vmem>>, vector<16xf32>,
        %get3A_1310 = arith.index_cast %add3A_1293 : i32 to index
        %get3A_1311 = arith.constant 32 : index
        %get3A_1312 = tpu.vector_load %arg26[%get3A_1310, %get3A_1311] {strides = array<i32>} : memref<128x128xf32, #tpu.memory_space<vmem>>, vector<16xf32>,
        %mul3A_1313 = vector.broadcast %squeeze3A_1289 : f32 to vector<16xf32>
        %mul3A_1314 = arith.mulf %get3A_1312, %mul3A_1313 : vector<16xf32>
        %swap3A_1315 = arith.index_cast %add3A_1293 : i32 to index
        %swap3A_1316 = arith.constant 32 : index
        %swap3A_1317 = tpu.vector_load %arg26[%swap3A_1315, %swap3A_1316] {strides = array<i32>} : memref<128x128xf32, #tpu.memory_space<vmem>>, vector<16xf32>,
        tpu.vector_store %arg26[%swap3A_1315, %swap3A_1316], %mul3A_1314 {strides = array<i32>} : memref<128x128xf32, #tpu.memory_space<vmem>>, vector<16xf32>,
        %get3A_1318 = arith.index_cast %add3A_1293 : i32 to index
        %get3A_1319 = arith.constant 48 : index
        %get3A_1320 = tpu.vector_load %arg26[%get3A_1318, %get3A_1319] {strides = array<i32>} : memref<128x128xf32, #tpu.memory_space<vmem>>, vector<16xf32>,
        %mul3A_1321 = vector.broadcast %squeeze3A_1289 : f32 to vector<16xf32>
        %mul3A_1322 = arith.mulf %get3A_1320, %mul3A_1321 : vector<16xf32>
        %swap3A_1323 = arith.index_cast %add3A_1293 : i32 to index
        %swap3A_1324 = arith.constant 48 : index
        %swap3A_1325 = tpu.vector_load %arg26[%swap3A_1323, %swap3A_1324] {strides = array<i32>} : memref<128x128xf32, #tpu.memory_space<vmem>>, vector<16xf32>,
        tpu.vector_store %arg26[%swap3A_1323, %swap3A_1324], %mul3A_1322 {strides = array<i32>} : memref<128x128xf32, #tpu.memory_space<vmem>>, vector<16xf32>,
        %get3A_1326 = arith.index_cast %add3A_1293 : i32 to index
        %get3A_1327 = arith.constant 64 : index
        %get3A_1328 = tpu.vector_load %arg26[%get3A_1326, %get3A_1327] {strides = array<i32>} : memref<128x128xf32, #tpu.memory_space<vmem>>, vector<16xf32>,
        %mul3A_1329 = vector.broadcast %squeeze3A_1289 : f32 to vector<16xf32>
        %mul3A_1330 = arith.mulf %get3A_1328, %mul3A_1329 : vector<16xf32>
        %swap3A_1331 = arith.index_cast %add3A_1293 : i32 to index
        %swap3A_1332 = arith.constant 64 : index
        %swap3A_1333 = tpu.vector_load %arg26[%swap3A_1331, %swap3A_1332] {strides = array<i32>} : memref<128x128xf32, #tpu.memory_space<vmem>>, vector<16xf32>,
        tpu.vector_store %arg26[%swap3A_1331, %swap3A_1332], %mul3A_1330 {strides = array<i32>} : memref<128x128xf32, #tpu.memory_space<vmem>>, vector<16xf32>,
        %get3A_1334 = arith.index_cast %add3A_1293 : i32 to index
        %get3A_1335 = arith.constant 80 : index
        %get3A_1336 = tpu.vector_load %arg26[%get3A_1334, %get3A_1335] {strides = array<i32>} : memref<128x128xf32, #tpu.memory_space<vmem>>, vector<16xf32>,
        %mul3A_1337 = vector.broadcast %squeeze3A_1289 : f32 to vector<16xf32>
        %mul3A_1338 = arith.mulf %get3A_1336, %mul3A_1337 : vector<16xf32>
        %swap3A_1339 = arith.index_cast %add3A_1293 : i32 to index
        %swap3A_1340 = arith.constant 80 : index
        %swap3A_1341 = tpu.vector_load %arg26[%swap3A_1339, %swap3A_1340] {strides = array<i32>} : memref<128x128xf32, #tpu.memory_space<vmem>>, vector<16xf32>,
        tpu.vector_store %arg26[%swap3A_1339, %swap3A_1340], %mul3A_1338 {strides = array<i32>} : memref<128x128xf32, #tpu.memory_space<vmem>>, vector<16xf32>,
        %get3A_1342 = arith.index_cast %add3A_1293 : i32 to index
        %get3A_1343 = arith.constant 96 : index
        %get3A_1344 = tpu.vector_load %arg26[%get3A_1342, %get3A_1343] {strides = array<i32>} : memref<128x128xf32, #tpu.memory_space<vmem>>, vector<16xf32>,
        %mul3A_1345 = vector.broadcast %squeeze3A_1289 : f32 to vector<16xf32>
        %mul3A_1346 = arith.mulf %get3A_1344, %mul3A_1345 : vector<16xf32>
        %swap3A_1347 = arith.index_cast %add3A_1293 : i32 to index
        %swap3A_1348 = arith.constant 96 : index
        %swap3A_1349 = tpu.vector_load %arg26[%swap3A_1347, %swap3A_1348] {strides = array<i32>} : memref<128x128xf32, #tpu.memory_space<vmem>>, vector<16xf32>,
        tpu.vector_store %arg26[%swap3A_1347, %swap3A_1348], %mul3A_1346 {strides = array<i32>} : memref<128x128xf32, #tpu.memory_space<vmem>>, vector<16xf32>,
        %get3A_1350 = arith.index_cast %add3A_1293 : i32 to index
        %get3A_1351 = arith.constant 112 : index
        %get3A_1352 = tpu.vector_load %arg26[%get3A_1350, %get3A_1351] {strides = array<i32>} : memref<128x128xf32, #tpu.memory_space<vmem>>, vector<16xf32>,
        %mul3A_1353 = vector.broadcast %squeeze3A_1289 : f32 to vector<16xf32>
        %mul3A_1354 = arith.mulf %get3A_1352, %mul3A_1353 : vector<16xf32>
        %swap3A_1355 = arith.index_cast %add3A_1293 : i32 to index
        %swap3A_1356 = arith.constant 112 : index
        %swap3A_1357 = tpu.vector_load %arg26[%swap3A_1355, %swap3A_1356] {strides = array<i32>} : memref<128x128xf32, #tpu.memory_space<vmem>>, vector<16xf32>,
        tpu.vector_store %arg26[%swap3A_1355, %swap3A_1356], %mul3A_1354 {strides = array<i32>} : memref<128x128xf32, #tpu.memory_space<vmem>>, vector<16xf32>,
        %slice3A_1358 = vector.extract_strided_slice %get3A_729 {offsets = [9], sizes = [1], strides = [1]} : vector<16xf32> to vector<1xf32>
        %squeeze3A_1359 = vector.extract %slice3A_1358[0] : f32 from vector<1xf32>
        %mul3A_1360 = arith.constant 16 : i32
        %mul3A_1361 = arith.muli %scan3A_725, %mul3A_1360 : i32
        %add3A_1362 = arith.constant 9 : i32
        %add3A_1363 = arith.addi %mul3A_1361, %add3A_1362 : i32
        %get3A_1364 = arith.index_cast %add3A_1363 : i32 to index
        %get3A_1365 = arith.constant 0 : index
        %get3A_1366 = tpu.vector_load %arg26[%get3A_1364, %get3A_1365] {strides = array<i32>} : memref<128x128xf32, #tpu.memory_space<vmem>>, vector<16xf32>,
        %mul3A_1367 = vector.broadcast %squeeze3A_1359 : f32 to vector<16xf32>
        %mul3A_1368 = arith.mulf %get3A_1366, %mul3A_1367 : vector<16xf32>
        %swap3A_1369 = arith.index_cast %add3A_1363 : i32 to index
        %swap3A_1370 = arith.constant 0 : index
        %swap3A_1371 = tpu.vector_load %arg26[%swap3A_1369, %swap3A_1370] {strides = array<i32>} : memref<128x128xf32, #tpu.memory_space<vmem>>, vector<16xf32>,
        tpu.vector_store %arg26[%swap3A_1369, %swap3A_1370], %mul3A_1368 {strides = array<i32>} : memref<128x128xf32, #tpu.memory_space<vmem>>, vector<16xf32>,
        %get3A_1372 = arith.index_cast %add3A_1363 : i32 to index
        %get3A_1373 = arith.constant 16 : index
        %get3A_1374 = tpu.vector_load %arg26[%get3A_1372, %get3A_1373] {strides = array<i32>} : memref<128x128xf32, #tpu.memory_space<vmem>>, vector<16xf32>,
        %mul3A_1375 = vector.broadcast %squeeze3A_1359 : f32 to vector<16xf32>
        %mul3A_1376 = arith.mulf %get3A_1374, %mul3A_1375 : vector<16xf32>
        %swap3A_1377 = arith.index_cast %add3A_1363 : i32 to index
        %swap3A_1378 = arith.constant 16 : index
        %swap3A_1379 = tpu.vector_load %arg26[%swap3A_1377, %swap3A_1378] {strides = array<i32>} : memref<128x128xf32, #tpu.memory_space<vmem>>, vector<16xf32>,
        tpu.vector_store %arg26[%swap3A_1377, %swap3A_1378], %mul3A_1376 {strides = array<i32>} : memref<128x128xf32, #tpu.memory_space<vmem>>, vector<16xf32>,
        %get3A_1380 = arith.index_cast %add3A_1363 : i32 to index
        %get3A_1381 = arith.constant 32 : index
        %get3A_1382 = tpu.vector_load %arg26[%get3A_1380, %get3A_1381] {strides = array<i32>} : memref<128x128xf32, #tpu.memory_space<vmem>>, vector<16xf32>,
        %mul3A_1383 = vector.broadcast %squeeze3A_1359 : f32 to vector<16xf32>
        %mul3A_1384 = arith.mulf %get3A_1382, %mul3A_1383 : vector<16xf32>
        %swap3A_1385 = arith.index_cast %add3A_1363 : i32 to index
        %swap3A_1386 = arith.constant 32 : index
        %swap3A_1387 = tpu.vector_load %arg26[%swap3A_1385, %swap3A_1386] {strides = array<i32>} : memref<128x128xf32, #tpu.memory_space<vmem>>, vector<16xf32>,
        tpu.vector_store %arg26[%swap3A_1385, %swap3A_1386], %mul3A_1384 {strides = array<i32>} : memref<128x128xf32, #tpu.memory_space<vmem>>, vector<16xf32>,
        %get3A_1388 = arith.index_cast %add3A_1363 : i32 to index
        %get3A_1389 = arith.constant 48 : index
        %get3A_1390 = tpu.vector_load %arg26[%get3A_1388, %get3A_1389] {strides = array<i32>} : memref<128x128xf32, #tpu.memory_space<vmem>>, vector<16xf32>,
        %mul3A_1391 = vector.broadcast %squeeze3A_1359 : f32 to vector<16xf32>
        %mul3A_1392 = arith.mulf %get3A_1390, %mul3A_1391 : vector<16xf32>
        %swap3A_1393 = arith.index_cast %add3A_1363 : i32 to index
        %swap3A_1394 = arith.constant 48 : index
        %swap3A_1395 = tpu.vector_load %arg26[%swap3A_1393, %swap3A_1394] {strides = array<i32>} : memref<128x128xf32, #tpu.memory_space<vmem>>, vector<16xf32>,
        tpu.vector_store %arg26[%swap3A_1393, %swap3A_1394], %mul3A_1392 {strides = array<i32>} : memref<128x128xf32, #tpu.memory_space<vmem>>, vector<16xf32>,
        %get3A_1396 = arith.index_cast %add3A_1363 : i32 to index
        %get3A_1397 = arith.constant 64 : index
        %get3A_1398 = tpu.vector_load %arg26[%get3A_1396, %get3A_1397] {strides = array<i32>} : memref<128x128xf32, #tpu.memory_space<vmem>>, vector<16xf32>,
        %mul3A_1399 = vector.broadcast %squeeze3A_1359 : f32 to vector<16xf32>
        %mul3A_1400 = arith.mulf %get3A_1398, %mul3A_1399 : vector<16xf32>
        %swap3A_1401 = arith.index_cast %add3A_1363 : i32 to index
        %swap3A_1402 = arith.constant 64 : index
        %swap3A_1403 = tpu.vector_load %arg26[%swap3A_1401, %swap3A_1402] {strides = array<i32>} : memref<128x128xf32, #tpu.memory_space<vmem>>, vector<16xf32>,
        tpu.vector_store %arg26[%swap3A_1401, %swap3A_1402], %mul3A_1400 {strides = array<i32>} : memref<128x128xf32, #tpu.memory_space<vmem>>, vector<16xf32>,
        %get3A_1404 = arith.index_cast %add3A_1363 : i32 to index
        %get3A_1405 = arith.constant 80 : index
        %get3A_1406 = tpu.vector_load %arg26[%get3A_1404, %get3A_1405] {strides = array<i32>} : memref<128x128xf32, #tpu.memory_space<vmem>>, vector<16xf32>,
        %mul3A_1407 = vector.broadcast %squeeze3A_1359 : f32 to vector<16xf32>
        %mul3A_1408 = arith.mulf %get3A_1406, %mul3A_1407 : vector<16xf32>
        %swap3A_1409 = arith.index_cast %add3A_1363 : i32 to index
        %swap3A_1410 = arith.constant 80 : index
        %swap3A_1411 = tpu.vector_load %arg26[%swap3A_1409, %swap3A_1410] {strides = array<i32>} : memref<128x128xf32, #tpu.memory_space<vmem>>, vector<16xf32>,
        tpu.vector_store %arg26[%swap3A_1409, %swap3A_1410], %mul3A_1408 {strides = array<i32>} : memref<128x128xf32, #tpu.memory_space<vmem>>, vector<16xf32>,
        %get3A_1412 = arith.index_cast %add3A_1363 : i32 to index
        %get3A_1413 = arith.constant 96 : index
        %get3A_1414 = tpu.vector_load %arg26[%get3A_1412, %get3A_1413] {strides = array<i32>} : memref<128x128xf32, #tpu.memory_space<vmem>>, vector<16xf32>,
        %mul3A_1415 = vector.broadcast %squeeze3A_1359 : f32 to vector<16xf32>
        %mul3A_1416 = arith.mulf %get3A_1414, %mul3A_1415 : vector<16xf32>
        %swap3A_1417 = arith.index_cast %add3A_1363 : i32 to index
        %swap3A_1418 = arith.constant 96 : index
        %swap3A_1419 = tpu.vector_load %arg26[%swap3A_1417, %swap3A_1418] {strides = array<i32>} : memref<128x128xf32, #tpu.memory_space<vmem>>, vector<16xf32>,
        tpu.vector_store %arg26[%swap3A_1417, %swap3A_1418], %mul3A_1416 {strides = array<i32>} : memref<128x128xf32, #tpu.memory_space<vmem>>, vector<16xf32>,
        %get3A_1420 = arith.index_cast %add3A_1363 : i32 to index
        %get3A_1421 = arith.constant 112 : index
        %get3A_1422 = tpu.vector_load %arg26[%get3A_1420, %get3A_1421] {strides = array<i32>} : memref<128x128xf32, #tpu.memory_space<vmem>>, vector<16xf32>,
        %mul3A_1423 = vector.broadcast %squeeze3A_1359 : f32 to vector<16xf32>
        %mul3A_1424 = arith.mulf %get3A_1422, %mul3A_1423 : vector<16xf32>
        %swap3A_1425 = arith.index_cast %add3A_1363 : i32 to index
        %swap3A_1426 = arith.constant 112 : index
        %swap3A_1427 = tpu.vector_load %arg26[%swap3A_1425, %swap3A_1426] {strides = array<i32>} : memref<128x128xf32, #tpu.memory_space<vmem>>, vector<16xf32>,
        tpu.vector_store %arg26[%swap3A_1425, %swap3A_1426], %mul3A_1424 {strides = array<i32>} : memref<128x128xf32, #tpu.memory_space<vmem>>, vector<16xf32>,
        %slice3A_1428 = vector.extract_strided_slice %get3A_729 {offsets = [10], sizes = [1], strides = [1]} : vector<16xf32> to vector<1xf32>
        %squeeze3A_1429 = vector.extract %slice3A_1428[0] : f32 from vector<1xf32>
        %mul3A_1430 = arith.constant 16 : i32
        %mul3A_1431 = arith.muli %scan3A_725, %mul3A_1430 : i32
        %add3A_1432 = arith.constant 10 : i32
        %add3A_1433 = arith.addi %mul3A_1431, %add3A_1432 : i32
        %get3A_1434 = arith.index_cast %add3A_1433 : i32 to index
        %get3A_1435 = arith.constant 0 : index
        %get3A_1436 = tpu.vector_load %arg26[%get3A_1434, %get3A_1435] {strides = array<i32>} : memref<128x128xf32, #tpu.memory_space<vmem>>, vector<16xf32>,
        %mul3A_1437 = vector.broadcast %squeeze3A_1429 : f32 to vector<16xf32>
        %mul3A_1438 = arith.mulf %get3A_1436, %mul3A_1437 : vector<16xf32>
        %swap3A_1439 = arith.index_cast %add3A_1433 : i32 to index
        %swap3A_1440 = arith.constant 0 : index
        %swap3A_1441 = tpu.vector_load %arg26[%swap3A_1439, %swap3A_1440] {strides = array<i32>} : memref<128x128xf32, #tpu.memory_space<vmem>>, vector<16xf32>,
        tpu.vector_store %arg26[%swap3A_1439, %swap3A_1440], %mul3A_1438 {strides = array<i32>} : memref<128x128xf32, #tpu.memory_space<vmem>>, vector<16xf32>,
        %get3A_1442 = arith.index_cast %add3A_1433 : i32 to index
        %get3A_1443 = arith.constant 16 : index
        %get3A_1444 = tpu.vector_load %arg26[%get3A_1442, %get3A_1443] {strides = array<i32>} : memref<128x128xf32, #tpu.memory_space<vmem>>, vector<16xf32>,
        %mul3A_1445 = vector.broadcast %squeeze3A_1429 : f32 to vector<16xf32>
        %mul3A_1446 = arith.mulf %get3A_1444, %mul3A_1445 : vector<16xf32>
        %swap3A_1447 = arith.index_cast %add3A_1433 : i32 to index
        %swap3A_1448 = arith.constant 16 : index
        %swap3A_1449 = tpu.vector_load %arg26[%swap3A_1447, %swap3A_1448] {strides = array<i32>} : memref<128x128xf32, #tpu.memory_space<vmem>>, vector<16xf32>,
        tpu.vector_store %arg26[%swap3A_1447, %swap3A_1448], %mul3A_1446 {strides = array<i32>} : memref<128x128xf32, #tpu.memory_space<vmem>>, vector<16xf32>,
        %get3A_1450 = arith.index_cast %add3A_1433 : i32 to index
        %get3A_1451 = arith.constant 32 : index
        %get3A_1452 = tpu.vector_load %arg26[%get3A_1450, %get3A_1451] {strides = array<i32>} : memref<128x128xf32, #tpu.memory_space<vmem>>, vector<16xf32>,
        %mul3A_1453 = vector.broadcast %squeeze3A_1429 : f32 to vector<16xf32>
        %mul3A_1454 = arith.mulf %get3A_1452, %mul3A_1453 : vector<16xf32>
        %swap3A_1455 = arith.index_cast %add3A_1433 : i32 to index
        %swap3A_1456 = arith.constant 32 : index
        %swap3A_1457 = tpu.vector_load %arg26[%swap3A_1455, %swap3A_1456] {strides = array<i32>} : memref<128x128xf32, #tpu.memory_space<vmem>>, vector<16xf32>,
        tpu.vector_store %arg26[%swap3A_1455, %swap3A_1456], %mul3A_1454 {strides = array<i32>} : memref<128x128xf32, #tpu.memory_space<vmem>>, vector<16xf32>,
        %get3A_1458 = arith.index_cast %add3A_1433 : i32 to index
        %get3A_1459 = arith.constant 48 : index
        %get3A_1460 = tpu.vector_load %arg26[%get3A_1458, %get3A_1459] {strides = array<i32>} : memref<128x128xf32, #tpu.memory_space<vmem>>, vector<16xf32>,
        %mul3A_1461 = vector.broadcast %squeeze3A_1429 : f32 to vector<16xf32>
        %mul3A_1462 = arith.mulf %get3A_1460, %mul3A_1461 : vector<16xf32>
        %swap3A_1463 = arith.index_cast %add3A_1433 : i32 to index
        %swap3A_1464 = arith.constant 48 : index
        %swap3A_1465 = tpu.vector_load %arg26[%swap3A_1463, %swap3A_1464] {strides = array<i32>} : memref<128x128xf32, #tpu.memory_space<vmem>>, vector<16xf32>,
        tpu.vector_store %arg26[%swap3A_1463, %swap3A_1464], %mul3A_1462 {strides = array<i32>} : memref<128x128xf32, #tpu.memory_space<vmem>>, vector<16xf32>,
        %get3A_1466 = arith.index_cast %add3A_1433 : i32 to index
        %get3A_1467 = arith.constant 64 : index
        %get3A_1468 = tpu.vector_load %arg26[%get3A_1466, %get3A_1467] {strides = array<i32>} : memref<128x128xf32, #tpu.memory_space<vmem>>, vector<16xf32>,
        %mul3A_1469 = vector.broadcast %squeeze3A_1429 : f32 to vector<16xf32>
        %mul3A_1470 = arith.mulf %get3A_1468, %mul3A_1469 : vector<16xf32>
        %swap3A_1471 = arith.index_cast %add3A_1433 : i32 to index
        %swap3A_1472 = arith.constant 64 : index
        %swap3A_1473 = tpu.vector_load %arg26[%swap3A_1471, %swap3A_1472] {strides = array<i32>} : memref<128x128xf32, #tpu.memory_space<vmem>>, vector<16xf32>,
        tpu.vector_store %arg26[%swap3A_1471, %swap3A_1472], %mul3A_1470 {strides = array<i32>} : memref<128x128xf32, #tpu.memory_space<vmem>>, vector<16xf32>,
        %get3A_1474 = arith.index_cast %add3A_1433 : i32 to index
        %get3A_1475 = arith.constant 80 : index
        %get3A_1476 = tpu.vector_load %arg26[%get3A_1474, %get3A_1475] {strides = array<i32>} : memref<128x128xf32, #tpu.memory_space<vmem>>, vector<16xf32>,
        %mul3A_1477 = vector.broadcast %squeeze3A_1429 : f32 to vector<16xf32>
        %mul3A_1478 = arith.mulf %get3A_1476, %mul3A_1477 : vector<16xf32>
        %swap3A_1479 = arith.index_cast %add3A_1433 : i32 to index
        %swap3A_1480 = arith.constant 80 : index
        %swap3A_1481 = tpu.vector_load %arg26[%swap3A_1479, %swap3A_1480] {strides = array<i32>} : memref<128x128xf32, #tpu.memory_space<vmem>>, vector<16xf32>,
        tpu.vector_store %arg26[%swap3A_1479, %swap3A_1480], %mul3A_1478 {strides = array<i32>} : memref<128x128xf32, #tpu.memory_space<vmem>>, vector<16xf32>,
        %get3A_1482 = arith.index_cast %add3A_1433 : i32 to index
        %get3A_1483 = arith.constant 96 : index
        %get3A_1484 = tpu.vector_load %arg26[%get3A_1482, %get3A_1483] {strides = array<i32>} : memref<128x128xf32, #tpu.memory_space<vmem>>, vector<16xf32>,
        %mul3A_1485 = vector.broadcast %squeeze3A_1429 : f32 to vector<16xf32>
        %mul3A_1486 = arith.mulf %get3A_1484, %mul3A_1485 : vector<16xf32>
        %swap3A_1487 = arith.index_cast %add3A_1433 : i32 to index
        %swap3A_1488 = arith.constant 96 : index
        %swap3A_1489 = tpu.vector_load %arg26[%swap3A_1487, %swap3A_1488] {strides = array<i32>} : memref<128x128xf32, #tpu.memory_space<vmem>>, vector<16xf32>,
        tpu.vector_store %arg26[%swap3A_1487, %swap3A_1488], %mul3A_1486 {strides = array<i32>} : memref<128x128xf32, #tpu.memory_space<vmem>>, vector<16xf32>,
        %get3A_1490 = arith.index_cast %add3A_1433 : i32 to index
        %get3A_1491 = arith.constant 112 : index
        %get3A_1492 = tpu.vector_load %arg26[%get3A_1490, %get3A_1491] {strides = array<i32>} : memref<128x128xf32, #tpu.memory_space<vmem>>, vector<16xf32>,
        %mul3A_1493 = vector.broadcast %squeeze3A_1429 : f32 to vector<16xf32>
        %mul3A_1494 = arith.mulf %get3A_1492, %mul3A_1493 : vector<16xf32>
        %swap3A_1495 = arith.index_cast %add3A_1433 : i32 to index
        %swap3A_1496 = arith.constant 112 : index
        %swap3A_1497 = tpu.vector_load %arg26[%swap3A_1495, %swap3A_1496] {strides = array<i32>} : memref<128x128xf32, #tpu.memory_space<vmem>>, vector<16xf32>,
        tpu.vector_store %arg26[%swap3A_1495, %swap3A_1496], %mul3A_1494 {strides = array<i32>} : memref<128x128xf32, #tpu.memory_space<vmem>>, vector<16xf32>,
        %slice3A_1498 = vector.extract_strided_slice %get3A_729 {offsets = [11], sizes = [1], strides = [1]} : vector<16xf32> to vector<1xf32>
        %squeeze3A_1499 = vector.extract %slice3A_1498[0] : f32 from vector<1xf32>
        %mul3A_1500 = arith.constant 16 : i32
        %mul3A_1501 = arith.muli %scan3A_725, %mul3A_1500 : i32
        %add3A_1502 = arith.constant 11 : i32
        %add3A_1503 = arith.addi %mul3A_1501, %add3A_1502 : i32
        %get3A_1504 = arith.index_cast %add3A_1503 : i32 to index
        %get3A_1505 = arith.constant 0 : index
        %get3A_1506 = tpu.vector_load %arg26[%get3A_1504, %get3A_1505] {strides = array<i32>} : memref<128x128xf32, #tpu.memory_space<vmem>>, vector<16xf32>,
        %mul3A_1507 = vector.broadcast %squeeze3A_1499 : f32 to vector<16xf32>
        %mul3A_1508 = arith.mulf %get3A_1506, %mul3A_1507 : vector<16xf32>
        %swap3A_1509 = arith.index_cast %add3A_1503 : i32 to index
        %swap3A_1510 = arith.constant 0 : index
        %swap3A_1511 = tpu.vector_load %arg26[%swap3A_1509, %swap3A_1510] {strides = array<i32>} : memref<128x128xf32, #tpu.memory_space<vmem>>, vector<16xf32>,
        tpu.vector_store %arg26[%swap3A_1509, %swap3A_1510], %mul3A_1508 {strides = array<i32>} : memref<128x128xf32, #tpu.memory_space<vmem>>, vector<16xf32>,
        %get3A_1512 = arith.index_cast %add3A_1503 : i32 to index
        %get3A_1513 = arith.constant 16 : index
        %get3A_1514 = tpu.vector_load %arg26[%get3A_1512, %get3A_1513] {strides = array<i32>} : memref<128x128xf32, #tpu.memory_space<vmem>>, vector<16xf32>,
        %mul3A_1515 = vector.broadcast %squeeze3A_1499 : f32 to vector<16xf32>
        %mul3A_1516 = arith.mulf %get3A_1514, %mul3A_1515 : vector<16xf32>
        %swap3A_1517 = arith.index_cast %add3A_1503 : i32 to index
        %swap3A_1518 = arith.constant 16 : index
        %swap3A_1519 = tpu.vector_load %arg26[%swap3A_1517, %swap3A_1518] {strides = array<i32>} : memref<128x128xf32, #tpu.memory_space<vmem>>, vector<16xf32>,
        tpu.vector_store %arg26[%swap3A_1517, %swap3A_1518], %mul3A_1516 {strides = array<i32>} : memref<128x128xf32, #tpu.memory_space<vmem>>, vector<16xf32>,
        %get3A_1520 = arith.index_cast %add3A_1503 : i32 to index
        %get3A_1521 = arith.constant 32 : index
        %get3A_1522 = tpu.vector_load %arg26[%get3A_1520, %get3A_1521] {strides = array<i32>} : memref<128x128xf32, #tpu.memory_space<vmem>>, vector<16xf32>,
        %mul3A_1523 = vector.broadcast %squeeze3A_1499 : f32 to vector<16xf32>
        %mul3A_1524 = arith.mulf %get3A_1522, %mul3A_1523 : vector<16xf32>
        %swap3A_1525 = arith.index_cast %add3A_1503 : i32 to index
        %swap3A_1526 = arith.constant 32 : index
        %swap3A_1527 = tpu.vector_load %arg26[%swap3A_1525, %swap3A_1526] {strides = array<i32>} : memref<128x128xf32, #tpu.memory_space<vmem>>, vector<16xf32>,
        tpu.vector_store %arg26[%swap3A_1525, %swap3A_1526], %mul3A_1524 {strides = array<i32>} : memref<128x128xf32, #tpu.memory_space<vmem>>, vector<16xf32>,
        %get3A_1528 = arith.index_cast %add3A_1503 : i32 to index
        %get3A_1529 = arith.constant 48 : index
        %get3A_1530 = tpu.vector_load %arg26[%get3A_1528, %get3A_1529] {strides = array<i32>} : memref<128x128xf32, #tpu.memory_space<vmem>>, vector<16xf32>,
        %mul3A_1531 = vector.broadcast %squeeze3A_1499 : f32 to vector<16xf32>
        %mul3A_1532 = arith.mulf %get3A_1530, %mul3A_1531 : vector<16xf32>
        %swap3A_1533 = arith.index_cast %add3A_1503 : i32 to index
        %swap3A_1534 = arith.constant 48 : index
        %swap3A_1535 = tpu.vector_load %arg26[%swap3A_1533, %swap3A_1534] {strides = array<i32>} : memref<128x128xf32, #tpu.memory_space<vmem>>, vector<16xf32>,
        tpu.vector_store %arg26[%swap3A_1533, %swap3A_1534], %mul3A_1532 {strides = array<i32>} : memref<128x128xf32, #tpu.memory_space<vmem>>, vector<16xf32>,
        %get3A_1536 = arith.index_cast %add3A_1503 : i32 to index
        %get3A_1537 = arith.constant 64 : index
        %get3A_1538 = tpu.vector_load %arg26[%get3A_1536, %get3A_1537] {strides = array<i32>} : memref<128x128xf32, #tpu.memory_space<vmem>>, vector<16xf32>,
        %mul3A_1539 = vector.broadcast %squeeze3A_1499 : f32 to vector<16xf32>
        %mul3A_1540 = arith.mulf %get3A_1538, %mul3A_1539 : vector<16xf32>
        %swap3A_1541 = arith.index_cast %add3A_1503 : i32 to index
        %swap3A_1542 = arith.constant 64 : index
        %swap3A_1543 = tpu.vector_load %arg26[%swap3A_1541, %swap3A_1542] {strides = array<i32>} : memref<128x128xf32, #tpu.memory_space<vmem>>, vector<16xf32>,
        tpu.vector_store %arg26[%swap3A_1541, %swap3A_1542], %mul3A_1540 {strides = array<i32>} : memref<128x128xf32, #tpu.memory_space<vmem>>, vector<16xf32>,
        %get3A_1544 = arith.index_cast %add3A_1503 : i32 to index
        %get3A_1545 = arith.constant 80 : index
        %get3A_1546 = tpu.vector_load %arg26[%get3A_1544, %get3A_1545] {strides = array<i32>} : memref<128x128xf32, #tpu.memory_space<vmem>>, vector<16xf32>,
        %mul3A_1547 = vector.broadcast %squeeze3A_1499 : f32 to vector<16xf32>
        %mul3A_1548 = arith.mulf %get3A_1546, %mul3A_1547 : vector<16xf32>
        %swap3A_1549 = arith.index_cast %add3A_1503 : i32 to index
        %swap3A_1550 = arith.constant 80 : index
        %swap3A_1551 = tpu.vector_load %arg26[%swap3A_1549, %swap3A_1550] {strides = array<i32>} : memref<128x128xf32, #tpu.memory_space<vmem>>, vector<16xf32>,
        tpu.vector_store %arg26[%swap3A_1549, %swap3A_1550], %mul3A_1548 {strides = array<i32>} : memref<128x128xf32, #tpu.memory_space<vmem>>, vector<16xf32>,
        %get3A_1552 = arith.index_cast %add3A_1503 : i32 to index
        %get3A_1553 = arith.constant 96 : index
        %get3A_1554 = tpu.vector_load %arg26[%get3A_1552, %get3A_1553] {strides = array<i32>} : memref<128x128xf32, #tpu.memory_space<vmem>>, vector<16xf32>,
        %mul3A_1555 = vector.broadcast %squeeze3A_1499 : f32 to vector<16xf32>
        %mul3A_1556 = arith.mulf %get3A_1554, %mul3A_1555 : vector<16xf32>
        %swap3A_1557 = arith.index_cast %add3A_1503 : i32 to index
        %swap3A_1558 = arith.constant 96 : index
        %swap3A_1559 = tpu.vector_load %arg26[%swap3A_1557, %swap3A_1558] {strides = array<i32>} : memref<128x128xf32, #tpu.memory_space<vmem>>, vector<16xf32>,
        tpu.vector_store %arg26[%swap3A_1557, %swap3A_1558], %mul3A_1556 {strides = array<i32>} : memref<128x128xf32, #tpu.memory_space<vmem>>, vector<16xf32>,
        %get3A_1560 = arith.index_cast %add3A_1503 : i32 to index
        %get3A_1561 = arith.constant 112 : index
        %get3A_1562 = tpu.vector_load %arg26[%get3A_1560, %get3A_1561] {strides = array<i32>} : memref<128x128xf32, #tpu.memory_space<vmem>>, vector<16xf32>,
        %mul3A_1563 = vector.broadcast %squeeze3A_1499 : f32 to vector<16xf32>
        %mul3A_1564 = arith.mulf %get3A_1562, %mul3A_1563 : vector<16xf32>
        %swap3A_1565 = arith.index_cast %add3A_1503 : i32 to index
        %swap3A_1566 = arith.constant 112 : index
        %swap3A_1567 = tpu.vector_load %arg26[%swap3A_1565, %swap3A_1566] {strides = array<i32>} : memref<128x128xf32, #tpu.memory_space<vmem>>, vector<16xf32>,
        tpu.vector_store %arg26[%swap3A_1565, %swap3A_1566], %mul3A_1564 {strides = array<i32>} : memref<128x128xf32, #tpu.memory_space<vmem>>, vector<16xf32>,
        %slice3A_1568 = vector.extract_strided_slice %get3A_729 {offsets = [12], sizes = [1], strides = [1]} : vector<16xf32> to vector<1xf32>
        %squeeze3A_1569 = vector.extract %slice3A_1568[0] : f32 from vector<1xf32>
        %mul3A_1570 = arith.constant 16 : i32
        %mul3A_1571 = arith.muli %scan3A_725, %mul3A_1570 : i32
        %add3A_1572 = arith.constant 12 : i32
        %add3A_1573 = arith.addi %mul3A_1571, %add3A_1572 : i32
        %get3A_1574 = arith.index_cast %add3A_1573 : i32 to index
        %get3A_1575 = arith.constant 0 : index
        %get3A_1576 = tpu.vector_load %arg26[%get3A_1574, %get3A_1575] {strides = array<i32>} : memref<128x128xf32, #tpu.memory_space<vmem>>, vector<16xf32>,
        %mul3A_1577 = vector.broadcast %squeeze3A_1569 : f32 to vector<16xf32>
        %mul3A_1578 = arith.mulf %get3A_1576, %mul3A_1577 : vector<16xf32>
        %swap3A_1579 = arith.index_cast %add3A_1573 : i32 to index
        %swap3A_1580 = arith.constant 0 : index
        %swap3A_1581 = tpu.vector_load %arg26[%swap3A_1579, %swap3A_1580] {strides = array<i32>} : memref<128x128xf32, #tpu.memory_space<vmem>>, vector<16xf32>,
        tpu.vector_store %arg26[%swap3A_1579, %swap3A_1580], %mul3A_1578 {strides = array<i32>} : memref<128x128xf32, #tpu.memory_space<vmem>>, vector<16xf32>,
        %get3A_1582 = arith.index_cast %add3A_1573 : i32 to index
        %get3A_1583 = arith.constant 16 : index
        %get3A_1584 = tpu.vector_load %arg26[%get3A_1582, %get3A_1583] {strides = array<i32>} : memref<128x128xf32, #tpu.memory_space<vmem>>, vector<16xf32>,
        %mul3A_1585 = vector.broadcast %squeeze3A_1569 : f32 to vector<16xf32>
        %mul3A_1586 = arith.mulf %get3A_1584, %mul3A_1585 : vector<16xf32>
        %swap3A_1587 = arith.index_cast %add3A_1573 : i32 to index
        %swap3A_1588 = arith.constant 16 : index
        %swap3A_1589 = tpu.vector_load %arg26[%swap3A_1587, %swap3A_1588] {strides = array<i32>} : memref<128x128xf32, #tpu.memory_space<vmem>>, vector<16xf32>,
        tpu.vector_store %arg26[%swap3A_1587, %swap3A_1588], %mul3A_1586 {strides = array<i32>} : memref<128x128xf32, #tpu.memory_space<vmem>>, vector<16xf32>,
        %get3A_1590 = arith.index_cast %add3A_1573 : i32 to index
        %get3A_1591 = arith.constant 32 : index
        %get3A_1592 = tpu.vector_load %arg26[%get3A_1590, %get3A_1591] {strides = array<i32>} : memref<128x128xf32, #tpu.memory_space<vmem>>, vector<16xf32>,
        %mul3A_1593 = vector.broadcast %squeeze3A_1569 : f32 to vector<16xf32>
        %mul3A_1594 = arith.mulf %get3A_1592, %mul3A_1593 : vector<16xf32>
        %swap3A_1595 = arith.index_cast %add3A_1573 : i32 to index
        %swap3A_1596 = arith.constant 32 : index
        %swap3A_1597 = tpu.vector_load %arg26[%swap3A_1595, %swap3A_1596] {strides = array<i32>} : memref<128x128xf32, #tpu.memory_space<vmem>>, vector<16xf32>,
        tpu.vector_store %arg26[%swap3A_1595, %swap3A_1596], %mul3A_1594 {strides = array<i32>} : memref<128x128xf32, #tpu.memory_space<vmem>>, vector<16xf32>,
        %get3A_1598 = arith.index_cast %add3A_1573 : i32 to index
        %get3A_1599 = arith.constant 48 : index
        %get3A_1600 = tpu.vector_load %arg26[%get3A_1598, %get3A_1599] {strides = array<i32>} : memref<128x128xf32, #tpu.memory_space<vmem>>, vector<16xf32>,
        %mul3A_1601 = vector.broadcast %squeeze3A_1569 : f32 to vector<16xf32>
        %mul3A_1602 = arith.mulf %get3A_1600, %mul3A_1601 : vector<16xf32>
        %swap3A_1603 = arith.index_cast %add3A_1573 : i32 to index
        %swap3A_1604 = arith.constant 48 : index
        %swap3A_1605 = tpu.vector_load %arg26[%swap3A_1603, %swap3A_1604] {strides = array<i32>} : memref<128x128xf32, #tpu.memory_space<vmem>>, vector<16xf32>,
        tpu.vector_store %arg26[%swap3A_1603, %swap3A_1604], %mul3A_1602 {strides = array<i32>} : memref<128x128xf32, #tpu.memory_space<vmem>>, vector<16xf32>,
        %get3A_1606 = arith.index_cast %add3A_1573 : i32 to index
        %get3A_1607 = arith.constant 64 : index
        %get3A_1608 = tpu.vector_load %arg26[%get3A_1606, %get3A_1607] {strides = array<i32>} : memref<128x128xf32, #tpu.memory_space<vmem>>, vector<16xf32>,
        %mul3A_1609 = vector.broadcast %squeeze3A_1569 : f32 to vector<16xf32>
        %mul3A_1610 = arith.mulf %get3A_1608, %mul3A_1609 : vector<16xf32>
        %swap3A_1611 = arith.index_cast %add3A_1573 : i32 to index
        %swap3A_1612 = arith.constant 64 : index
        %swap3A_1613 = tpu.vector_load %arg26[%swap3A_1611, %swap3A_1612] {strides = array<i32>} : memref<128x128xf32, #tpu.memory_space<vmem>>, vector<16xf32>,
        tpu.vector_store %arg26[%swap3A_1611, %swap3A_1612], %mul3A_1610 {strides = array<i32>} : memref<128x128xf32, #tpu.memory_space<vmem>>, vector<16xf32>,
        %get3A_1614 = arith.index_cast %add3A_1573 : i32 to index
        %get3A_1615 = arith.constant 80 : index
        %get3A_1616 = tpu.vector_load %arg26[%get3A_1614, %get3A_1615] {strides = array<i32>} : memref<128x128xf32, #tpu.memory_space<vmem>>, vector<16xf32>,
        %mul3A_1617 = vector.broadcast %squeeze3A_1569 : f32 to vector<16xf32>
        %mul3A_1618 = arith.mulf %get3A_1616, %mul3A_1617 : vector<16xf32>
        %swap3A_1619 = arith.index_cast %add3A_1573 : i32 to index
        %swap3A_1620 = arith.constant 80 : index
        %swap3A_1621 = tpu.vector_load %arg26[%swap3A_1619, %swap3A_1620] {strides = array<i32>} : memref<128x128xf32, #tpu.memory_space<vmem>>, vector<16xf32>,
        tpu.vector_store %arg26[%swap3A_1619, %swap3A_1620], %mul3A_1618 {strides = array<i32>} : memref<128x128xf32, #tpu.memory_space<vmem>>, vector<16xf32>,
        %get3A_1622 = arith.index_cast %add3A_1573 : i32 to index
        %get3A_1623 = arith.constant 96 : index
        %get3A_1624 = tpu.vector_load %arg26[%get3A_1622, %get3A_1623] {strides = array<i32>} : memref<128x128xf32, #tpu.memory_space<vmem>>, vector<16xf32>,
        %mul3A_1625 = vector.broadcast %squeeze3A_1569 : f32 to vector<16xf32>
        %mul3A_1626 = arith.mulf %get3A_1624, %mul3A_1625 : vector<16xf32>
        %swap3A_1627 = arith.index_cast %add3A_1573 : i32 to index
        %swap3A_1628 = arith.constant 96 : index
        %swap3A_1629 = tpu.vector_load %arg26[%swap3A_1627, %swap3A_1628] {strides = array<i32>} : memref<128x128xf32, #tpu.memory_space<vmem>>, vector<16xf32>,
        tpu.vector_store %arg26[%swap3A_1627, %swap3A_1628], %mul3A_1626 {strides = array<i32>} : memref<128x128xf32, #tpu.memory_space<vmem>>, vector<16xf32>,
        %get3A_1630 = arith.index_cast %add3A_1573 : i32 to index
        %get3A_1631 = arith.constant 112 : index
        %get3A_1632 = tpu.vector_load %arg26[%get3A_1630, %get3A_1631] {strides = array<i32>} : memref<128x128xf32, #tpu.memory_space<vmem>>, vector<16xf32>,
        %mul3A_1633 = vector.broadcast %squeeze3A_1569 : f32 to vector<16xf32>
        %mul3A_1634 = arith.mulf %get3A_1632, %mul3A_1633 : vector<16xf32>
        %swap3A_1635 = arith.index_cast %add3A_1573 : i32 to index
        %swap3A_1636 = arith.constant 112 : index
        %swap3A_1637 = tpu.vector_load %arg26[%swap3A_1635, %swap3A_1636] {strides = array<i32>} : memref<128x128xf32, #tpu.memory_space<vmem>>, vector<16xf32>,
        tpu.vector_store %arg26[%swap3A_1635, %swap3A_1636], %mul3A_1634 {strides = array<i32>} : memref<128x128xf32, #tpu.memory_space<vmem>>, vector<16xf32>,
        %slice3A_1638 = vector.extract_strided_slice %get3A_729 {offsets = [13], sizes = [1], strides = [1]} : vector<16xf32> to vector<1xf32>
        %squeeze3A_1639 = vector.extract %slice3A_1638[0] : f32 from vector<1xf32>
        %mul3A_1640 = arith.constant 16 : i32
        %mul3A_1641 = arith.muli %scan3A_725, %mul3A_1640 : i32
        %add3A_1642 = arith.constant 13 : i32
        %add3A_1643 = arith.addi %mul3A_1641, %add3A_1642 : i32
        %get3A_1644 = arith.index_cast %add3A_1643 : i32 to index
        %get3A_1645 = arith.constant 0 : index
        %get3A_1646 = tpu.vector_load %arg26[%get3A_1644, %get3A_1645] {strides = array<i32>} : memref<128x128xf32, #tpu.memory_space<vmem>>, vector<16xf32>,
        %mul3A_1647 = vector.broadcast %squeeze3A_1639 : f32 to vector<16xf32>
        %mul3A_1648 = arith.mulf %get3A_1646, %mul3A_1647 : vector<16xf32>
        %swap3A_1649 = arith.index_cast %add3A_1643 : i32 to index
        %swap3A_1650 = arith.constant 0 : index
        %swap3A_1651 = tpu.vector_load %arg26[%swap3A_1649, %swap3A_1650] {strides = array<i32>} : memref<128x128xf32, #tpu.memory_space<vmem>>, vector<16xf32>,
        tpu.vector_store %arg26[%swap3A_1649, %swap3A_1650], %mul3A_1648 {strides = array<i32>} : memref<128x128xf32, #tpu.memory_space<vmem>>, vector<16xf32>,
        %get3A_1652 = arith.index_cast %add3A_1643 : i32 to index
        %get3A_1653 = arith.constant 16 : index
        %get3A_1654 = tpu.vector_load %arg26[%get3A_1652, %get3A_1653] {strides = array<i32>} : memref<128x128xf32, #tpu.memory_space<vmem>>, vector<16xf32>,
        %mul3A_1655 = vector.broadcast %squeeze3A_1639 : f32 to vector<16xf32>
        %mul3A_1656 = arith.mulf %get3A_1654, %mul3A_1655 : vector<16xf32>
        %swap3A_1657 = arith.index_cast %add3A_1643 : i32 to index
        %swap3A_1658 = arith.constant 16 : index
        %swap3A_1659 = tpu.vector_load %arg26[%swap3A_1657, %swap3A_1658] {strides = array<i32>} : memref<128x128xf32, #tpu.memory_space<vmem>>, vector<16xf32>,
        tpu.vector_store %arg26[%swap3A_1657, %swap3A_1658], %mul3A_1656 {strides = array<i32>} : memref<128x128xf32, #tpu.memory_space<vmem>>, vector<16xf32>,
        %get3A_1660 = arith.index_cast %add3A_1643 : i32 to index
        %get3A_1661 = arith.constant 32 : index
        %get3A_1662 = tpu.vector_load %arg26[%get3A_1660, %get3A_1661] {strides = array<i32>} : memref<128x128xf32, #tpu.memory_space<vmem>>, vector<16xf32>,
        %mul3A_1663 = vector.broadcast %squeeze3A_1639 : f32 to vector<16xf32>
        %mul3A_1664 = arith.mulf %get3A_1662, %mul3A_1663 : vector<16xf32>
        %swap3A_1665 = arith.index_cast %add3A_1643 : i32 to index
        %swap3A_1666 = arith.constant 32 : index
        %swap3A_1667 = tpu.vector_load %arg26[%swap3A_1665, %swap3A_1666] {strides = array<i32>} : memref<128x128xf32, #tpu.memory_space<vmem>>, vector<16xf32>,
        tpu.vector_store %arg26[%swap3A_1665, %swap3A_1666], %mul3A_1664 {strides = array<i32>} : memref<128x128xf32, #tpu.memory_space<vmem>>, vector<16xf32>,
        %get3A_1668 = arith.index_cast %add3A_1643 : i32 to index
        %get3A_1669 = arith.constant 48 : index
        %get3A_1670 = tpu.vector_load %arg26[%get3A_1668, %get3A_1669] {strides = array<i32>} : memref<128x128xf32, #tpu.memory_space<vmem>>, vector<16xf32>,
        %mul3A_1671 = vector.broadcast %squeeze3A_1639 : f32 to vector<16xf32>
        %mul3A_1672 = arith.mulf %get3A_1670, %mul3A_1671 : vector<16xf32>
        %swap3A_1673 = arith.index_cast %add3A_1643 : i32 to index
        %swap3A_1674 = arith.constant 48 : index
        %swap3A_1675 = tpu.vector_load %arg26[%swap3A_1673, %swap3A_1674] {strides = array<i32>} : memref<128x128xf32, #tpu.memory_space<vmem>>, vector<16xf32>,
        tpu.vector_store %arg26[%swap3A_1673, %swap3A_1674], %mul3A_1672 {strides = array<i32>} : memref<128x128xf32, #tpu.memory_space<vmem>>, vector<16xf32>,
        %get3A_1676 = arith.index_cast %add3A_1643 : i32 to index
        %get3A_1677 = arith.constant 64 : index
        %get3A_1678 = tpu.vector_load %arg26[%get3A_1676, %get3A_1677] {strides = array<i32>} : memref<128x128xf32, #tpu.memory_space<vmem>>, vector<16xf32>,
        %mul3A_1679 = vector.broadcast %squeeze3A_1639 : f32 to vector<16xf32>
        %mul3A_1680 = arith.mulf %get3A_1678, %mul3A_1679 : vector<16xf32>
        %swap3A_1681 = arith.index_cast %add3A_1643 : i32 to index
        %swap3A_1682 = arith.constant 64 : index
        %swap3A_1683 = tpu.vector_load %arg26[%swap3A_1681, %swap3A_1682] {strides = array<i32>} : memref<128x128xf32, #tpu.memory_space<vmem>>, vector<16xf32>,
        tpu.vector_store %arg26[%swap3A_1681, %swap3A_1682], %mul3A_1680 {strides = array<i32>} : memref<128x128xf32, #tpu.memory_space<vmem>>, vector<16xf32>,
        %get3A_1684 = arith.index_cast %add3A_1643 : i32 to index
        %get3A_1685 = arith.constant 80 : index
        %get3A_1686 = tpu.vector_load %arg26[%get3A_1684, %get3A_1685] {strides = array<i32>} : memref<128x128xf32, #tpu.memory_space<vmem>>, vector<16xf32>,
        %mul3A_1687 = vector.broadcast %squeeze3A_1639 : f32 to vector<16xf32>
        %mul3A_1688 = arith.mulf %get3A_1686, %mul3A_1687 : vector<16xf32>
        %swap3A_1689 = arith.index_cast %add3A_1643 : i32 to index
        %swap3A_1690 = arith.constant 80 : index
        %swap3A_1691 = tpu.vector_load %arg26[%swap3A_1689, %swap3A_1690] {strides = array<i32>} : memref<128x128xf32, #tpu.memory_space<vmem>>, vector<16xf32>,
        tpu.vector_store %arg26[%swap3A_1689, %swap3A_1690], %mul3A_1688 {strides = array<i32>} : memref<128x128xf32, #tpu.memory_space<vmem>>, vector<16xf32>,
        %get3A_1692 = arith.index_cast %add3A_1643 : i32 to index
        %get3A_1693 = arith.constant 96 : index
        %get3A_1694 = tpu.vector_load %arg26[%get3A_1692, %get3A_1693] {strides = array<i32>} : memref<128x128xf32, #tpu.memory_space<vmem>>, vector<16xf32>,
        %mul3A_1695 = vector.broadcast %squeeze3A_1639 : f32 to vector<16xf32>
        %mul3A_1696 = arith.mulf %get3A_1694, %mul3A_1695 : vector<16xf32>
        %swap3A_1697 = arith.index_cast %add3A_1643 : i32 to index
        %swap3A_1698 = arith.constant 96 : index
        %swap3A_1699 = tpu.vector_load %arg26[%swap3A_1697, %swap3A_1698] {strides = array<i32>} : memref<128x128xf32, #tpu.memory_space<vmem>>, vector<16xf32>,
        tpu.vector_store %arg26[%swap3A_1697, %swap3A_1698], %mul3A_1696 {strides = array<i32>} : memref<128x128xf32, #tpu.memory_space<vmem>>, vector<16xf32>,
        %get3A_1700 = arith.index_cast %add3A_1643 : i32 to index
        %get3A_1701 = arith.constant 112 : index
        %get3A_1702 = tpu.vector_load %arg26[%get3A_1700, %get3A_1701] {strides = array<i32>} : memref<128x128xf32, #tpu.memory_space<vmem>>, vector<16xf32>,
        %mul3A_1703 = vector.broadcast %squeeze3A_1639 : f32 to vector<16xf32>
        %mul3A_1704 = arith.mulf %get3A_1702, %mul3A_1703 : vector<16xf32>
        %swap3A_1705 = arith.index_cast %add3A_1643 : i32 to index
        %swap3A_1706 = arith.constant 112 : index
        %swap3A_1707 = tpu.vector_load %arg26[%swap3A_1705, %swap3A_1706] {strides = array<i32>} : memref<128x128xf32, #tpu.memory_space<vmem>>, vector<16xf32>,
        tpu.vector_store %arg26[%swap3A_1705, %swap3A_1706], %mul3A_1704 {strides = array<i32>} : memref<128x128xf32, #tpu.memory_space<vmem>>, vector<16xf32>,
        %slice3A_1708 = vector.extract_strided_slice %get3A_729 {offsets = [14], sizes = [1], strides = [1]} : vector<16xf32> to vector<1xf32>
        %squeeze3A_1709 = vector.extract %slice3A_1708[0] : f32 from vector<1xf32>
        %mul3A_1710 = arith.constant 16 : i32
        %mul3A_1711 = arith.muli %scan3A_725, %mul3A_1710 : i32
        %add3A_1712 = arith.constant 14 : i32
        %add3A_1713 = arith.addi %mul3A_1711, %add3A_1712 : i32
        %get3A_1714 = arith.index_cast %add3A_1713 : i32 to index
        %get3A_1715 = arith.constant 0 : index
        %get3A_1716 = tpu.vector_load %arg26[%get3A_1714, %get3A_1715] {strides = array<i32>} : memref<128x128xf32, #tpu.memory_space<vmem>>, vector<16xf32>,
        %mul3A_1717 = vector.broadcast %squeeze3A_1709 : f32 to vector<16xf32>
        %mul3A_1718 = arith.mulf %get3A_1716, %mul3A_1717 : vector<16xf32>
        %swap3A_1719 = arith.index_cast %add3A_1713 : i32 to index
        %swap3A_1720 = arith.constant 0 : index
        %swap3A_1721 = tpu.vector_load %arg26[%swap3A_1719, %swap3A_1720] {strides = array<i32>} : memref<128x128xf32, #tpu.memory_space<vmem>>, vector<16xf32>,
        tpu.vector_store %arg26[%swap3A_1719, %swap3A_1720], %mul3A_1718 {strides = array<i32>} : memref<128x128xf32, #tpu.memory_space<vmem>>, vector<16xf32>,
        %get3A_1722 = arith.index_cast %add3A_1713 : i32 to index
        %get3A_1723 = arith.constant 16 : index
        %get3A_1724 = tpu.vector_load %arg26[%get3A_1722, %get3A_1723] {strides = array<i32>} : memref<128x128xf32, #tpu.memory_space<vmem>>, vector<16xf32>,
        %mul3A_1725 = vector.broadcast %squeeze3A_1709 : f32 to vector<16xf32>
        %mul3A_1726 = arith.mulf %get3A_1724, %mul3A_1725 : vector<16xf32>
        %swap3A_1727 = arith.index_cast %add3A_1713 : i32 to index
        %swap3A_1728 = arith.constant 16 : index
        %swap3A_1729 = tpu.vector_load %arg26[%swap3A_1727, %swap3A_1728] {strides = array<i32>} : memref<128x128xf32, #tpu.memory_space<vmem>>, vector<16xf32>,
        tpu.vector_store %arg26[%swap3A_1727, %swap3A_1728], %mul3A_1726 {strides = array<i32>} : memref<128x128xf32, #tpu.memory_space<vmem>>, vector<16xf32>,
        %get3A_1730 = arith.index_cast %add3A_1713 : i32 to index
        %get3A_1731 = arith.constant 32 : index
        %get3A_1732 = tpu.vector_load %arg26[%get3A_1730, %get3A_1731] {strides = array<i32>} : memref<128x128xf32, #tpu.memory_space<vmem>>, vector<16xf32>,
        %mul3A_1733 = vector.broadcast %squeeze3A_1709 : f32 to vector<16xf32>
        %mul3A_1734 = arith.mulf %get3A_1732, %mul3A_1733 : vector<16xf32>
        %swap3A_1735 = arith.index_cast %add3A_1713 : i32 to index
        %swap3A_1736 = arith.constant 32 : index
        %swap3A_1737 = tpu.vector_load %arg26[%swap3A_1735, %swap3A_1736] {strides = array<i32>} : memref<128x128xf32, #tpu.memory_space<vmem>>, vector<16xf32>,
        tpu.vector_store %arg26[%swap3A_1735, %swap3A_1736], %mul3A_1734 {strides = array<i32>} : memref<128x128xf32, #tpu.memory_space<vmem>>, vector<16xf32>,
        %get3A_1738 = arith.index_cast %add3A_1713 : i32 to index
        %get3A_1739 = arith.constant 48 : index
        %get3A_1740 = tpu.vector_load %arg26[%get3A_1738, %get3A_1739] {strides = array<i32>} : memref<128x128xf32, #tpu.memory_space<vmem>>, vector<16xf32>,
        %mul3A_1741 = vector.broadcast %squeeze3A_1709 : f32 to vector<16xf32>
        %mul3A_1742 = arith.mulf %get3A_1740, %mul3A_1741 : vector<16xf32>
        %swap3A_1743 = arith.index_cast %add3A_1713 : i32 to index
        %swap3A_1744 = arith.constant 48 : index
        %swap3A_1745 = tpu.vector_load %arg26[%swap3A_1743, %swap3A_1744] {strides = array<i32>} : memref<128x128xf32, #tpu.memory_space<vmem>>, vector<16xf32>,
        tpu.vector_store %arg26[%swap3A_1743, %swap3A_1744], %mul3A_1742 {strides = array<i32>} : memref<128x128xf32, #tpu.memory_space<vmem>>, vector<16xf32>,
        %get3A_1746 = arith.index_cast %add3A_1713 : i32 to index
        %get3A_1747 = arith.constant 64 : index
        %get3A_1748 = tpu.vector_load %arg26[%get3A_1746, %get3A_1747] {strides = array<i32>} : memref<128x128xf32, #tpu.memory_space<vmem>>, vector<16xf32>,
        %mul3A_1749 = vector.broadcast %squeeze3A_1709 : f32 to vector<16xf32>
        %mul3A_1750 = arith.mulf %get3A_1748, %mul3A_1749 : vector<16xf32>
        %swap3A_1751 = arith.index_cast %add3A_1713 : i32 to index
        %swap3A_1752 = arith.constant 64 : index
        %swap3A_1753 = tpu.vector_load %arg26[%swap3A_1751, %swap3A_1752] {strides = array<i32>} : memref<128x128xf32, #tpu.memory_space<vmem>>, vector<16xf32>,
        tpu.vector_store %arg26[%swap3A_1751, %swap3A_1752], %mul3A_1750 {strides = array<i32>} : memref<128x128xf32, #tpu.memory_space<vmem>>, vector<16xf32>,
        %get3A_1754 = arith.index_cast %add3A_1713 : i32 to index
        %get3A_1755 = arith.constant 80 : index
        %get3A_1756 = tpu.vector_load %arg26[%get3A_1754, %get3A_1755] {strides = array<i32>} : memref<128x128xf32, #tpu.memory_space<vmem>>, vector<16xf32>,
        %mul3A_1757 = vector.broadcast %squeeze3A_1709 : f32 to vector<16xf32>
        %mul3A_1758 = arith.mulf %get3A_1756, %mul3A_1757 : vector<16xf32>
        %swap3A_1759 = arith.index_cast %add3A_1713 : i32 to index
        %swap3A_1760 = arith.constant 80 : index
        %swap3A_1761 = tpu.vector_load %arg26[%swap3A_1759, %swap3A_1760] {strides = array<i32>} : memref<128x128xf32, #tpu.memory_space<vmem>>, vector<16xf32>,
        tpu.vector_store %arg26[%swap3A_1759, %swap3A_1760], %mul3A_1758 {strides = array<i32>} : memref<128x128xf32, #tpu.memory_space<vmem>>, vector<16xf32>,
        %get3A_1762 = arith.index_cast %add3A_1713 : i32 to index
        %get3A_1763 = arith.constant 96 : index
        %get3A_1764 = tpu.vector_load %arg26[%get3A_1762, %get3A_1763] {strides = array<i32>} : memref<128x128xf32, #tpu.memory_space<vmem>>, vector<16xf32>,
        %mul3A_1765 = vector.broadcast %squeeze3A_1709 : f32 to vector<16xf32>
        %mul3A_1766 = arith.mulf %get3A_1764, %mul3A_1765 : vector<16xf32>
        %swap3A_1767 = arith.index_cast %add3A_1713 : i32 to index
        %swap3A_1768 = arith.constant 96 : index
        %swap3A_1769 = tpu.vector_load %arg26[%swap3A_1767, %swap3A_1768] {strides = array<i32>} : memref<128x128xf32, #tpu.memory_space<vmem>>, vector<16xf32>,
        tpu.vector_store %arg26[%swap3A_1767, %swap3A_1768], %mul3A_1766 {strides = array<i32>} : memref<128x128xf32, #tpu.memory_space<vmem>>, vector<16xf32>,
        %get3A_1770 = arith.index_cast %add3A_1713 : i32 to index
        %get3A_1771 = arith.constant 112 : index
        %get3A_1772 = tpu.vector_load %arg26[%get3A_1770, %get3A_1771] {strides = array<i32>} : memref<128x128xf32, #tpu.memory_space<vmem>>, vector<16xf32>,
        %mul3A_1773 = vector.broadcast %squeeze3A_1709 : f32 to vector<16xf32>
        %mul3A_1774 = arith.mulf %get3A_1772, %mul3A_1773 : vector<16xf32>
        %swap3A_1775 = arith.index_cast %add3A_1713 : i32 to index
        %swap3A_1776 = arith.constant 112 : index
        %swap3A_1777 = tpu.vector_load %arg26[%swap3A_1775, %swap3A_1776] {strides = array<i32>} : memref<128x128xf32, #tpu.memory_space<vmem>>, vector<16xf32>,
        tpu.vector_store %arg26[%swap3A_1775, %swap3A_1776], %mul3A_1774 {strides = array<i32>} : memref<128x128xf32, #tpu.memory_space<vmem>>, vector<16xf32>,
        %slice3A_1778 = vector.extract_strided_slice %get3A_729 {offsets = [15], sizes = [1], strides = [1]} : vector<16xf32> to vector<1xf32>
        %squeeze3A_1779 = vector.extract %slice3A_1778[0] : f32 from vector<1xf32>
        %mul3A_1780 = arith.constant 16 : i32
        %mul3A_1781 = arith.muli %scan3A_725, %mul3A_1780 : i32
        %add3A_1782 = arith.constant 15 : i32
        %add3A_1783 = arith.addi %mul3A_1781, %add3A_1782 : i32
        %get3A_1784 = arith.index_cast %add3A_1783 : i32 to index
        %get3A_1785 = arith.constant 0 : index
        %get3A_1786 = tpu.vector_load %arg26[%get3A_1784, %get3A_1785] {strides = array<i32>} : memref<128x128xf32, #tpu.memory_space<vmem>>, vector<16xf32>,
        %mul3A_1787 = vector.broadcast %squeeze3A_1779 : f32 to vector<16xf32>
        %mul3A_1788 = arith.mulf %get3A_1786, %mul3A_1787 : vector<16xf32>
        %swap3A_1789 = arith.index_cast %add3A_1783 : i32 to index
        %swap3A_1790 = arith.constant 0 : index
        %swap3A_1791 = tpu.vector_load %arg26[%swap3A_1789, %swap3A_1790] {strides = array<i32>} : memref<128x128xf32, #tpu.memory_space<vmem>>, vector<16xf32>,
        tpu.vector_store %arg26[%swap3A_1789, %swap3A_1790], %mul3A_1788 {strides = array<i32>} : memref<128x128xf32, #tpu.memory_space<vmem>>, vector<16xf32>,
        %get3A_1792 = arith.index_cast %add3A_1783 : i32 to index
        %get3A_1793 = arith.constant 16 : index
        %get3A_1794 = tpu.vector_load %arg26[%get3A_1792, %get3A_1793] {strides = array<i32>} : memref<128x128xf32, #tpu.memory_space<vmem>>, vector<16xf32>,
        %mul3A_1795 = vector.broadcast %squeeze3A_1779 : f32 to vector<16xf32>
        %mul3A_1796 = arith.mulf %get3A_1794, %mul3A_1795 : vector<16xf32>
        %swap3A_1797 = arith.index_cast %add3A_1783 : i32 to index
        %swap3A_1798 = arith.constant 16 : index
        %swap3A_1799 = tpu.vector_load %arg26[%swap3A_1797, %swap3A_1798] {strides = array<i32>} : memref<128x128xf32, #tpu.memory_space<vmem>>, vector<16xf32>,
        tpu.vector_store %arg26[%swap3A_1797, %swap3A_1798], %mul3A_1796 {strides = array<i32>} : memref<128x128xf32, #tpu.memory_space<vmem>>, vector<16xf32>,
        %get3A_1800 = arith.index_cast %add3A_1783 : i32 to index
        %get3A_1801 = arith.constant 32 : index
        %get3A_1802 = tpu.vector_load %arg26[%get3A_1800, %get3A_1801] {strides = array<i32>} : memref<128x128xf32, #tpu.memory_space<vmem>>, vector<16xf32>,
        %mul3A_1803 = vector.broadcast %squeeze3A_1779 : f32 to vector<16xf32>
        %mul3A_1804 = arith.mulf %get3A_1802, %mul3A_1803 : vector<16xf32>
        %swap3A_1805 = arith.index_cast %add3A_1783 : i32 to index
        %swap3A_1806 = arith.constant 32 : index
        %swap3A_1807 = tpu.vector_load %arg26[%swap3A_1805, %swap3A_1806] {strides = array<i32>} : memref<128x128xf32, #tpu.memory_space<vmem>>, vector<16xf32>,
        tpu.vector_store %arg26[%swap3A_1805, %swap3A_1806], %mul3A_1804 {strides = array<i32>} : memref<128x128xf32, #tpu.memory_space<vmem>>, vector<16xf32>,
        %get3A_1808 = arith.index_cast %add3A_1783 : i32 to index
        %get3A_1809 = arith.constant 48 : index
        %get3A_1810 = tpu.vector_load %arg26[%get3A_1808, %get3A_1809] {strides = array<i32>} : memref<128x128xf32, #tpu.memory_space<vmem>>, vector<16xf32>,
        %mul3A_1811 = vector.broadcast %squeeze3A_1779 : f32 to vector<16xf32>
        %mul3A_1812 = arith.mulf %get3A_1810, %mul3A_1811 : vector<16xf32>
        %swap3A_1813 = arith.index_cast %add3A_1783 : i32 to index
        %swap3A_1814 = arith.constant 48 : index
        %swap3A_1815 = tpu.vector_load %arg26[%swap3A_1813, %swap3A_1814] {strides = array<i32>} : memref<128x128xf32, #tpu.memory_space<vmem>>, vector<16xf32>,
        tpu.vector_store %arg26[%swap3A_1813, %swap3A_1814], %mul3A_1812 {strides = array<i32>} : memref<128x128xf32, #tpu.memory_space<vmem>>, vector<16xf32>,
        %get3A_1816 = arith.index_cast %add3A_1783 : i32 to index
        %get3A_1817 = arith.constant 64 : index
        %get3A_1818 = tpu.vector_load %arg26[%get3A_1816, %get3A_1817] {strides = array<i32>} : memref<128x128xf32, #tpu.memory_space<vmem>>, vector<16xf32>,
        %mul3A_1819 = vector.broadcast %squeeze3A_1779 : f32 to vector<16xf32>
        %mul3A_1820 = arith.mulf %get3A_1818, %mul3A_1819 : vector<16xf32>
        %swap3A_1821 = arith.index_cast %add3A_1783 : i32 to index
        %swap3A_1822 = arith.constant 64 : index
        %swap3A_1823 = tpu.vector_load %arg26[%swap3A_1821, %swap3A_1822] {strides = array<i32>} : memref<128x128xf32, #tpu.memory_space<vmem>>, vector<16xf32>,
        tpu.vector_store %arg26[%swap3A_1821, %swap3A_1822], %mul3A_1820 {strides = array<i32>} : memref<128x128xf32, #tpu.memory_space<vmem>>, vector<16xf32>,
        %get3A_1824 = arith.index_cast %add3A_1783 : i32 to index
        %get3A_1825 = arith.constant 80 : index
        %get3A_1826 = tpu.vector_load %arg26[%get3A_1824, %get3A_1825] {strides = array<i32>} : memref<128x128xf32, #tpu.memory_space<vmem>>, vector<16xf32>,
        %mul3A_1827 = vector.broadcast %squeeze3A_1779 : f32 to vector<16xf32>
        %mul3A_1828 = arith.mulf %get3A_1826, %mul3A_1827 : vector<16xf32>
        %swap3A_1829 = arith.index_cast %add3A_1783 : i32 to index
        %swap3A_1830 = arith.constant 80 : index
        %swap3A_1831 = tpu.vector_load %arg26[%swap3A_1829, %swap3A_1830] {strides = array<i32>} : memref<128x128xf32, #tpu.memory_space<vmem>>, vector<16xf32>,
        tpu.vector_store %arg26[%swap3A_1829, %swap3A_1830], %mul3A_1828 {strides = array<i32>} : memref<128x128xf32, #tpu.memory_space<vmem>>, vector<16xf32>,
        %get3A_1832 = arith.index_cast %add3A_1783 : i32 to index
        %get3A_1833 = arith.constant 96 : index
        %get3A_1834 = tpu.vector_load %arg26[%get3A_1832, %get3A_1833] {strides = array<i32>} : memref<128x128xf32, #tpu.memory_space<vmem>>, vector<16xf32>,
        %mul3A_1835 = vector.broadcast %squeeze3A_1779 : f32 to vector<16xf32>
        %mul3A_1836 = arith.mulf %get3A_1834, %mul3A_1835 : vector<16xf32>
        %swap3A_1837 = arith.index_cast %add3A_1783 : i32 to index
        %swap3A_1838 = arith.constant 96 : index
        %swap3A_1839 = tpu.vector_load %arg26[%swap3A_1837, %swap3A_1838] {strides = array<i32>} : memref<128x128xf32, #tpu.memory_space<vmem>>, vector<16xf32>,
        tpu.vector_store %arg26[%swap3A_1837, %swap3A_1838], %mul3A_1836 {strides = array<i32>} : memref<128x128xf32, #tpu.memory_space<vmem>>, vector<16xf32>,
        %get3A_1840 = arith.index_cast %add3A_1783 : i32 to index
        %get3A_1841 = arith.constant 112 : index
        %get3A_1842 = tpu.vector_load %arg26[%get3A_1840, %get3A_1841] {strides = array<i32>} : memref<128x128xf32, #tpu.memory_space<vmem>>, vector<16xf32>,
        %mul3A_1843 = vector.broadcast %squeeze3A_1779 : f32 to vector<16xf32>
        %mul3A_1844 = arith.mulf %get3A_1842, %mul3A_1843 : vector<16xf32>
        %swap3A_1845 = arith.index_cast %add3A_1783 : i32 to index
        %swap3A_1846 = arith.constant 112 : index
        %swap3A_1847 = tpu.vector_load %arg26[%swap3A_1845, %swap3A_1846] {strides = array<i32>} : memref<128x128xf32, #tpu.memory_space<vmem>>, vector<16xf32>,
        tpu.vector_store %arg26[%swap3A_1845, %swap3A_1846], %mul3A_1844 {strides = array<i32>} : memref<128x128xf32, #tpu.memory_space<vmem>>, vector<16xf32>,
      }
      %scan3A_714 = arith.constant 8 : i32
      %dma_start3A_715 = arith.constant 0 : i32
      %dma_start3A_716 = arith.constant 0 : i32
      %dma_start3A_717 = tpu.memref_slice %arg8[%dma_start3A_715, %dma_start3A_716] : memref<10240x128xf32, #tpu.memory_space<vmem_shared>> -> memref<10240x128xf32, #tpu.memory_space<vmem_shared>>
      tpu.enqueue_indirect_dma source(%arg26 : memref<128x128xf32, #tpu.memory_space<vmem>>) target(%dma_start3A_717 : memref<10240x128xf32, #tpu.memory_space<vmem_shared>>) offsets(%arg18 : memref<128xi32, #tpu.memory_space<vmem>>) semaphore(%arg34 : memref<!tpu.dma_semaphore, #tpu.memory_space<semaphore_mem>>) {add = true}
      %dma_start3A_718 = arith.constant 0 : i32
      %dma_start3A_719 = tpu.memref_slice %arg9[%dma_start3A_718] : memref<10240xf32, #tpu.memory_space<vmem_shared>> -> memref<10240xf32, #tpu.memory_space<vmem_shared>>
      tpu.enqueue_indirect_dma source(%arg20 : memref<128xf32, #tpu.memory_space<vmem>>) target(%dma_start3A_719 : memref<10240xf32, #tpu.memory_space<vmem_shared>>) offsets(%arg18 : memref<128xi32, #tpu.memory_space<vmem>>) semaphore(%arg34 : memref<!tpu.dma_semaphore, #tpu.memory_space<semaphore_mem>>) {add = true}
      %lt3A_720 = arith.constant 39 : i32
      %lt3A_721 = arith.cmpi slt, %scan3A_169, %lt3A_720 : i32
      %convert_element_type3A_722 = arith.extui %lt3A_721 : i1 to i32
      %cond3A_723 = arith.constant 0 : i32
      %cond3A_724 = arith.cmpi ne, %convert_element_type3A_722, %cond3A_723 : i32
      scf.if %cond3A_724 {
        %add3A_725 = arith.constant 2 : i32
        %add3A_726 = arith.addi %add3A_483, %add3A_725 : i32
        %add3A_727 = arith.addi %mul3A_3, %add3A_726 : i32
        %dma_start3A_728 = arith.constant 0 : i32
        %dma_start3A_729 = tpu.memref_slice %arg5[%add3A_727, %dma_start3A_728] : memref<2560x512xi32, #tpu.memory_space<hbm>> -> memref<1x512xi32, #tpu.memory_space<hbm>>
        %dma_start3A_730 = tpu.memref_squeeze %dma_start3A_729 : memref<1x512xi32, #tpu.memory_space<hbm>> -> memref<512xi32, #tpu.memory_space<hbm>>
        %dma_start3A_731 = arith.constant 0 : i32
        %dma_start3A_732 = tpu.memref_slice %arg5[%add3A_727, %dma_start3A_731] : memref<2560x512xi32, #tpu.memory_space<hbm>> -> memref<1x512xi32, #tpu.memory_space<hbm>>
        %dma_start3A_733 = tpu.memref_squeeze %dma_start3A_732 : memref<1x512xi32, #tpu.memory_space<hbm>> -> memref<512xi32, #tpu.memory_space<hbm>>
        tpu.enqueue_dma source(%dma_start3A_733 : memref<512xi32, #tpu.memory_space<hbm>>) target(%arg14 : memref<512xi32, #tpu.memory_space<vmem>>) target_semaphore(%arg28 : memref<!tpu.dma_semaphore, #tpu.memory_space<semaphore_mem>>)
      } else {
      }
    }
    %scan3A_142 = arith.constant 40 : i32
    %dma_wait3A_143 = arith.constant 0 : i32
    %dma_wait3A_144 = arith.constant 0 : i32
    %dma_wait3A_145 = tpu.memref_slice %arg8[%dma_wait3A_143, %dma_wait3A_144] : memref<10240x128xf32, #tpu.memory_space<vmem_shared>> -> memref<10240x128xf32, #tpu.memory_space<vmem_shared>>
    tpu.wait_indirect_dma semaphore(%arg34 : memref<!tpu.dma_semaphore, #tpu.memory_space<semaphore_mem>>) src(%arg26 : memref<128x128xf32, #tpu.memory_space<vmem>>) dst(%dma_wait3A_145 : memref<10240x128xf32, #tpu.memory_space<vmem_shared>>)
    %dma_wait3A_146 = arith.constant 0 : i32
    %dma_wait3A_147 = tpu.memref_slice %arg9[%dma_wait3A_146] : memref<10240xf32, #tpu.memory_space<vmem_shared>> -> memref<10240xf32, #tpu.memory_space<vmem_shared>>
    tpu.wait_indirect_dma semaphore(%arg34 : memref<!tpu.dma_semaphore, #tpu.memory_space<semaphore_mem>>) src(%arg20 : memref<128xf32, #tpu.memory_space<vmem>>) dst(%dma_wait3A_147 : memref<10240xf32, #tpu.memory_space<vmem_shared>>)
    %barrier3A_148 = arith.constant 0 : index
    tpu.barrier barrier_id(%barrier3A_148)
    %mul3A_149 = arith.constant 640 : i32
    %mul3A_150 = arith.muli %arg1, %mul3A_149 : i32
    %add3A_151 = arith.constant 0 : i32
    %add3A_152 = arith.addi %mul3A_150, %add3A_151 : i32
    "tpu.region"() ({
      %run_scoped3A = tpu.sem_alloc : memref<!tpu.dma_semaphore, #tpu.memory_space<semaphore_mem>>
      %dma_start3A_169 = arith.constant 0 : i32
      %dma_start3A_170 = tpu.memref_slice %arg6[%arg0, %add3A_152, %dma_start3A_169] : memref<2x10240x128xf32, #tpu.memory_space<hbm>> -> memref<1x128x128xf32, #tpu.memory_space<hbm>>
      %dma_start3A_171 = tpu.memref_squeeze %dma_start3A_170 : memref<1x128x128xf32, #tpu.memory_space<hbm>> -> memref<128x128xf32, #tpu.memory_space<hbm>>
      %dma_start3A_172 = arith.constant 0 : i32
      %dma_start3A_173 = tpu.memref_slice %arg8[%add3A_152, %dma_start3A_172] : memref<10240x128xf32, #tpu.memory_space<vmem_shared>> -> memref<128x128xf32, #tpu.memory_space<vmem_shared>>
      tpu.enqueue_dma source(%dma_start3A_173 : memref<128x128xf32, #tpu.memory_space<vmem_shared>>) target(%dma_start3A_171 : memref<128x128xf32, #tpu.memory_space<hbm>>) target_semaphore(%run_scoped3A : memref<!tpu.dma_semaphore, #tpu.memory_space<semaphore_mem>>)
      %dma_wait3A_174 = arith.constant 0 : i32
      %dma_wait3A_175 = tpu.memref_slice %arg6[%arg0, %add3A_152, %dma_wait3A_174] : memref<2x10240x128xf32, #tpu.memory_space<hbm>> -> memref<1x128x128xf32, #tpu.memory_space<hbm>>
      %dma_wait3A_176 = tpu.memref_squeeze %dma_wait3A_175 : memref<1x128x128xf32, #tpu.memory_space<hbm>> -> memref<128x128xf32, #tpu.memory_space<hbm>>
      %dma_wait3A_177 = arith.constant 0 : i32
      %dma_wait3A_178 = tpu.memref_slice %arg8[%add3A_152, %dma_wait3A_177] : memref<10240x128xf32, #tpu.memory_space<vmem_shared>> -> memref<128x128xf32, #tpu.memory_space<vmem_shared>>
      tpu.wait_dma2 semaphore(%run_scoped3A : memref<!tpu.dma_semaphore, #tpu.memory_space<semaphore_mem>>) src(%dma_wait3A_178 : memref<128x128xf32, #tpu.memory_space<vmem_shared>>) dst(%dma_wait3A_176 : memref<128x128xf32, #tpu.memory_space<hbm>>)
      tpu.yield
    }) : () -> ()
    "tpu.region"() ({
      %run_scoped3A = tpu.sem_alloc : memref<!tpu.dma_semaphore, #tpu.memory_space<semaphore_mem>>
      %dma_start3A_169 = tpu.memref_slice %arg7[%arg0, %add3A_152] : memref<2x10240xf32, #tpu.memory_space<hbm>> -> memref<1x128xf32, #tpu.memory_space<hbm>>
      %dma_start3A_170 = tpu.memref_squeeze %dma_start3A_169 : memref<1x128xf32, #tpu.memory_space<hbm>> -> memref<128xf32, #tpu.memory_space<hbm>>
      %dma_start3A_171 = tpu.memref_slice %arg9[%add3A_152] : memref<10240xf32, #tpu.memory_space<vmem_shared>> -> memref<128xf32, #tpu.memory_space<vmem_shared>>
      tpu.enqueue_dma source(%dma_start3A_171 : memref<128xf32, #tpu.memory_space<vmem_shared>>) target(%dma_start3A_170 : memref<128xf32, #tpu.memory_space<hbm>>) target_semaphore(%run_scoped3A : memref<!tpu.dma_semaphore, #tpu.memory_space<semaphore_mem>>)
      %dma_wait3A_172 = tpu.memref_slice %arg7[%arg0, %add3A_152] : memref<2x10240xf32, #tpu.memory_space<hbm>> -> memref<1x128xf32, #tpu.memory_space<hbm>>
      %dma_wait3A_173 = tpu.memref_squeeze %dma_wait3A_172 : memref<1x128xf32, #tpu.memory_space<hbm>> -> memref<128xf32, #tpu.memory_space<hbm>>
      %dma_wait3A_174 = tpu.memref_slice %arg9[%add3A_152] : memref<10240xf32, #tpu.memory_space<vmem_shared>> -> memref<128xf32, #tpu.memory_space<vmem_shared>>
      tpu.wait_dma2 semaphore(%run_scoped3A : memref<!tpu.dma_semaphore, #tpu.memory_space<semaphore_mem>>) src(%dma_wait3A_174 : memref<128xf32, #tpu.memory_space<vmem_shared>>) dst(%dma_wait3A_173 : memref<128xf32, #tpu.memory_space<hbm>>)
      tpu.yield
    }) : () -> ()
    %mul3A_153 = arith.constant 640 : i32
    %mul3A_154 = arith.muli %arg1, %mul3A_153 : i32
    %add3A_155 = arith.constant 128 : i32
    %add3A_156 = arith.addi %mul3A_154, %add3A_155 : i32
    "tpu.region"() ({
      %run_scoped3A = tpu.sem_alloc : memref<!tpu.dma_semaphore, #tpu.memory_space<semaphore_mem>>
      %dma_start3A_169 = arith.constant 0 : i32
      %dma_start3A_170 = tpu.memref_slice %arg6[%arg0, %add3A_156, %dma_start3A_169] : memref<2x10240x128xf32, #tpu.memory_space<hbm>> -> memref<1x128x128xf32, #tpu.memory_space<hbm>>
      %dma_start3A_171 = tpu.memref_squeeze %dma_start3A_170 : memref<1x128x128xf32, #tpu.memory_space<hbm>> -> memref<128x128xf32, #tpu.memory_space<hbm>>
      %dma_start3A_172 = arith.constant 0 : i32
      %dma_start3A_173 = tpu.memref_slice %arg8[%add3A_156, %dma_start3A_172] : memref<10240x128xf32, #tpu.memory_space<vmem_shared>> -> memref<128x128xf32, #tpu.memory_space<vmem_shared>>
      tpu.enqueue_dma source(%dma_start3A_173 : memref<128x128xf32, #tpu.memory_space<vmem_shared>>) target(%dma_start3A_171 : memref<128x128xf32, #tpu.memory_space<hbm>>) target_semaphore(%run_scoped3A : memref<!tpu.dma_semaphore, #tpu.memory_space<semaphore_mem>>)
      %dma_wait3A_174 = arith.constant 0 : i32
      %dma_wait3A_175 = tpu.memref_slice %arg6[%arg0, %add3A_156, %dma_wait3A_174] : memref<2x10240x128xf32, #tpu.memory_space<hbm>> -> memref<1x128x128xf32, #tpu.memory_space<hbm>>
      %dma_wait3A_176 = tpu.memref_squeeze %dma_wait3A_175 : memref<1x128x128xf32, #tpu.memory_space<hbm>> -> memref<128x128xf32, #tpu.memory_space<hbm>>
      %dma_wait3A_177 = arith.constant 0 : i32
      %dma_wait3A_178 = tpu.memref_slice %arg8[%add3A_156, %dma_wait3A_177] : memref<10240x128xf32, #tpu.memory_space<vmem_shared>> -> memref<128x128xf32, #tpu.memory_space<vmem_shared>>
      tpu.wait_dma2 semaphore(%run_scoped3A : memref<!tpu.dma_semaphore, #tpu.memory_space<semaphore_mem>>) src(%dma_wait3A_178 : memref<128x128xf32, #tpu.memory_space<vmem_shared>>) dst(%dma_wait3A_176 : memref<128x128xf32, #tpu.memory_space<hbm>>)
      tpu.yield
    }) : () -> ()
    "tpu.region"() ({
      %run_scoped3A = tpu.sem_alloc : memref<!tpu.dma_semaphore, #tpu.memory_space<semaphore_mem>>
      %dma_start3A_169 = tpu.memref_slice %arg7[%arg0, %add3A_156] : memref<2x10240xf32, #tpu.memory_space<hbm>> -> memref<1x128xf32, #tpu.memory_space<hbm>>
      %dma_start3A_170 = tpu.memref_squeeze %dma_start3A_169 : memref<1x128xf32, #tpu.memory_space<hbm>> -> memref<128xf32, #tpu.memory_space<hbm>>
      %dma_start3A_171 = tpu.memref_slice %arg9[%add3A_156] : memref<10240xf32, #tpu.memory_space<vmem_shared>> -> memref<128xf32, #tpu.memory_space<vmem_shared>>
      tpu.enqueue_dma source(%dma_start3A_171 : memref<128xf32, #tpu.memory_space<vmem_shared>>) target(%dma_start3A_170 : memref<128xf32, #tpu.memory_space<hbm>>) target_semaphore(%run_scoped3A : memref<!tpu.dma_semaphore, #tpu.memory_space<semaphore_mem>>)
      %dma_wait3A_172 = tpu.memref_slice %arg7[%arg0, %add3A_156] : memref<2x10240xf32, #tpu.memory_space<hbm>> -> memref<1x128xf32, #tpu.memory_space<hbm>>
      %dma_wait3A_173 = tpu.memref_squeeze %dma_wait3A_172 : memref<1x128xf32, #tpu.memory_space<hbm>> -> memref<128xf32, #tpu.memory_space<hbm>>
      %dma_wait3A_174 = tpu.memref_slice %arg9[%add3A_156] : memref<10240xf32, #tpu.memory_space<vmem_shared>> -> memref<128xf32, #tpu.memory_space<vmem_shared>>
      tpu.wait_dma2 semaphore(%run_scoped3A : memref<!tpu.dma_semaphore, #tpu.memory_space<semaphore_mem>>) src(%dma_wait3A_174 : memref<128xf32, #tpu.memory_space<vmem_shared>>) dst(%dma_wait3A_173 : memref<128xf32, #tpu.memory_space<hbm>>)
      tpu.yield
    }) : () -> ()
    %mul3A_157 = arith.constant 640 : i32
    %mul3A_158 = arith.muli %arg1, %mul3A_157 : i32
    %add3A_159 = arith.constant 256 : i32
    %add3A_160 = arith.addi %mul3A_158, %add3A_159 : i32
    "tpu.region"() ({
      %run_scoped3A = tpu.sem_alloc : memref<!tpu.dma_semaphore, #tpu.memory_space<semaphore_mem>>
      %dma_start3A_169 = arith.constant 0 : i32
      %dma_start3A_170 = tpu.memref_slice %arg6[%arg0, %add3A_160, %dma_start3A_169] : memref<2x10240x128xf32, #tpu.memory_space<hbm>> -> memref<1x128x128xf32, #tpu.memory_space<hbm>>
      %dma_start3A_171 = tpu.memref_squeeze %dma_start3A_170 : memref<1x128x128xf32, #tpu.memory_space<hbm>> -> memref<128x128xf32, #tpu.memory_space<hbm>>
      %dma_start3A_172 = arith.constant 0 : i32
      %dma_start3A_173 = tpu.memref_slice %arg8[%add3A_160, %dma_start3A_172] : memref<10240x128xf32, #tpu.memory_space<vmem_shared>> -> memref<128x128xf32, #tpu.memory_space<vmem_shared>>
      tpu.enqueue_dma source(%dma_start3A_173 : memref<128x128xf32, #tpu.memory_space<vmem_shared>>) target(%dma_start3A_171 : memref<128x128xf32, #tpu.memory_space<hbm>>) target_semaphore(%run_scoped3A : memref<!tpu.dma_semaphore, #tpu.memory_space<semaphore_mem>>)
      %dma_wait3A_174 = arith.constant 0 : i32
      %dma_wait3A_175 = tpu.memref_slice %arg6[%arg0, %add3A_160, %dma_wait3A_174] : memref<2x10240x128xf32, #tpu.memory_space<hbm>> -> memref<1x128x128xf32, #tpu.memory_space<hbm>>
      %dma_wait3A_176 = tpu.memref_squeeze %dma_wait3A_175 : memref<1x128x128xf32, #tpu.memory_space<hbm>> -> memref<128x128xf32, #tpu.memory_space<hbm>>
      %dma_wait3A_177 = arith.constant 0 : i32
      %dma_wait3A_178 = tpu.memref_slice %arg8[%add3A_160, %dma_wait3A_177] : memref<10240x128xf32, #tpu.memory_space<vmem_shared>> -> memref<128x128xf32, #tpu.memory_space<vmem_shared>>
      tpu.wait_dma2 semaphore(%run_scoped3A : memref<!tpu.dma_semaphore, #tpu.memory_space<semaphore_mem>>) src(%dma_wait3A_178 : memref<128x128xf32, #tpu.memory_space<vmem_shared>>) dst(%dma_wait3A_176 : memref<128x128xf32, #tpu.memory_space<hbm>>)
      tpu.yield
    }) : () -> ()
    "tpu.region"() ({
      %run_scoped3A = tpu.sem_alloc : memref<!tpu.dma_semaphore, #tpu.memory_space<semaphore_mem>>
      %dma_start3A_169 = tpu.memref_slice %arg7[%arg0, %add3A_160] : memref<2x10240xf32, #tpu.memory_space<hbm>> -> memref<1x128xf32, #tpu.memory_space<hbm>>
      %dma_start3A_170 = tpu.memref_squeeze %dma_start3A_169 : memref<1x128xf32, #tpu.memory_space<hbm>> -> memref<128xf32, #tpu.memory_space<hbm>>
      %dma_start3A_171 = tpu.memref_slice %arg9[%add3A_160] : memref<10240xf32, #tpu.memory_space<vmem_shared>> -> memref<128xf32, #tpu.memory_space<vmem_shared>>
      tpu.enqueue_dma source(%dma_start3A_171 : memref<128xf32, #tpu.memory_space<vmem_shared>>) target(%dma_start3A_170 : memref<128xf32, #tpu.memory_space<hbm>>) target_semaphore(%run_scoped3A : memref<!tpu.dma_semaphore, #tpu.memory_space<semaphore_mem>>)
      %dma_wait3A_172 = tpu.memref_slice %arg7[%arg0, %add3A_160] : memref<2x10240xf32, #tpu.memory_space<hbm>> -> memref<1x128xf32, #tpu.memory_space<hbm>>
      %dma_wait3A_173 = tpu.memref_squeeze %dma_wait3A_172 : memref<1x128xf32, #tpu.memory_space<hbm>> -> memref<128xf32, #tpu.memory_space<hbm>>
      %dma_wait3A_174 = tpu.memref_slice %arg9[%add3A_160] : memref<10240xf32, #tpu.memory_space<vmem_shared>> -> memref<128xf32, #tpu.memory_space<vmem_shared>>
      tpu.wait_dma2 semaphore(%run_scoped3A : memref<!tpu.dma_semaphore, #tpu.memory_space<semaphore_mem>>) src(%dma_wait3A_174 : memref<128xf32, #tpu.memory_space<vmem_shared>>) dst(%dma_wait3A_173 : memref<128xf32, #tpu.memory_space<hbm>>)
      tpu.yield
    }) : () -> ()
    %mul3A_161 = arith.constant 640 : i32
    %mul3A_162 = arith.muli %arg1, %mul3A_161 : i32
    %add3A_163 = arith.constant 384 : i32
    %add3A_164 = arith.addi %mul3A_162, %add3A_163 : i32
    "tpu.region"() ({
      %run_scoped3A = tpu.sem_alloc : memref<!tpu.dma_semaphore, #tpu.memory_space<semaphore_mem>>
      %dma_start3A_169 = arith.constant 0 : i32
      %dma_start3A_170 = tpu.memref_slice %arg6[%arg0, %add3A_164, %dma_start3A_169] : memref<2x10240x128xf32, #tpu.memory_space<hbm>> -> memref<1x128x128xf32, #tpu.memory_space<hbm>>
      %dma_start3A_171 = tpu.memref_squeeze %dma_start3A_170 : memref<1x128x128xf32, #tpu.memory_space<hbm>> -> memref<128x128xf32, #tpu.memory_space<hbm>>
      %dma_start3A_172 = arith.constant 0 : i32
      %dma_start3A_173 = tpu.memref_slice %arg8[%add3A_164, %dma_start3A_172] : memref<10240x128xf32, #tpu.memory_space<vmem_shared>> -> memref<128x128xf32, #tpu.memory_space<vmem_shared>>
      tpu.enqueue_dma source(%dma_start3A_173 : memref<128x128xf32, #tpu.memory_space<vmem_shared>>) target(%dma_start3A_171 : memref<128x128xf32, #tpu.memory_space<hbm>>) target_semaphore(%run_scoped3A : memref<!tpu.dma_semaphore, #tpu.memory_space<semaphore_mem>>)
      %dma_wait3A_174 = arith.constant 0 : i32
      %dma_wait3A_175 = tpu.memref_slice %arg6[%arg0, %add3A_164, %dma_wait3A_174] : memref<2x10240x128xf32, #tpu.memory_space<hbm>> -> memref<1x128x128xf32, #tpu.memory_space<hbm>>
      %dma_wait3A_176 = tpu.memref_squeeze %dma_wait3A_175 : memref<1x128x128xf32, #tpu.memory_space<hbm>> -> memref<128x128xf32, #tpu.memory_space<hbm>>
      %dma_wait3A_177 = arith.constant 0 : i32
      %dma_wait3A_178 = tpu.memref_slice %arg8[%add3A_164, %dma_wait3A_177] : memref<10240x128xf32, #tpu.memory_space<vmem_shared>> -> memref<128x128xf32, #tpu.memory_space<vmem_shared>>
      tpu.wait_dma2 semaphore(%run_scoped3A : memref<!tpu.dma_semaphore, #tpu.memory_space<semaphore_mem>>) src(%dma_wait3A_178 : memref<128x128xf32, #tpu.memory_space<vmem_shared>>) dst(%dma_wait3A_176 : memref<128x128xf32, #tpu.memory_space<hbm>>)
      tpu.yield
    }) : () -> ()
    "tpu.region"() ({
      %run_scoped3A = tpu.sem_alloc : memref<!tpu.dma_semaphore, #tpu.memory_space<semaphore_mem>>
      %dma_start3A_169 = tpu.memref_slice %arg7[%arg0, %add3A_164] : memref<2x10240xf32, #tpu.memory_space<hbm>> -> memref<1x128xf32, #tpu.memory_space<hbm>>
      %dma_start3A_170 = tpu.memref_squeeze %dma_start3A_169 : memref<1x128xf32, #tpu.memory_space<hbm>> -> memref<128xf32, #tpu.memory_space<hbm>>
      %dma_start3A_171 = tpu.memref_slice %arg9[%add3A_164] : memref<10240xf32, #tpu.memory_space<vmem_shared>> -> memref<128xf32, #tpu.memory_space<vmem_shared>>
      tpu.enqueue_dma source(%dma_start3A_171 : memref<128xf32, #tpu.memory_space<vmem_shared>>) target(%dma_start3A_170 : memref<128xf32, #tpu.memory_space<hbm>>) target_semaphore(%run_scoped3A : memref<!tpu.dma_semaphore, #tpu.memory_space<semaphore_mem>>)
      %dma_wait3A_172 = tpu.memref_slice %arg7[%arg0, %add3A_164] : memref<2x10240xf32, #tpu.memory_space<hbm>> -> memref<1x128xf32, #tpu.memory_space<hbm>>
      %dma_wait3A_173 = tpu.memref_squeeze %dma_wait3A_172 : memref<1x128xf32, #tpu.memory_space<hbm>> -> memref<128xf32, #tpu.memory_space<hbm>>
      %dma_wait3A_174 = tpu.memref_slice %arg9[%add3A_164] : memref<10240xf32, #tpu.memory_space<vmem_shared>> -> memref<128xf32, #tpu.memory_space<vmem_shared>>
      tpu.wait_dma2 semaphore(%run_scoped3A : memref<!tpu.dma_semaphore, #tpu.memory_space<semaphore_mem>>) src(%dma_wait3A_174 : memref<128xf32, #tpu.memory_space<vmem_shared>>) dst(%dma_wait3A_173 : memref<128xf32, #tpu.memory_space<hbm>>)
      tpu.yield
    }) : () -> ()
    %mul3A_165 = arith.constant 640 : i32
    %mul3A_166 = arith.muli %arg1, %mul3A_165 : i32
    %add3A_167 = arith.constant 512 : i32
    %add3A_168 = arith.addi %mul3A_166, %add3A_167 : i32
    "tpu.region"() ({
      %run_scoped3A = tpu.sem_alloc : memref<!tpu.dma_semaphore, #tpu.memory_space<semaphore_mem>>
      %dma_start3A_169 = arith.constant 0 : i32
      %dma_start3A_170 = tpu.memref_slice %arg6[%arg0, %add3A_168, %dma_start3A_169] : memref<2x10240x128xf32, #tpu.memory_space<hbm>> -> memref<1x128x128xf32, #tpu.memory_space<hbm>>
      %dma_start3A_171 = tpu.memref_squeeze %dma_start3A_170 : memref<1x128x128xf32, #tpu.memory_space<hbm>> -> memref<128x128xf32, #tpu.memory_space<hbm>>
      %dma_start3A_172 = arith.constant 0 : i32
      %dma_start3A_173 = tpu.memref_slice %arg8[%add3A_168, %dma_start3A_172] : memref<10240x128xf32, #tpu.memory_space<vmem_shared>> -> memref<128x128xf32, #tpu.memory_space<vmem_shared>>
      tpu.enqueue_dma source(%dma_start3A_173 : memref<128x128xf32, #tpu.memory_space<vmem_shared>>) target(%dma_start3A_171 : memref<128x128xf32, #tpu.memory_space<hbm>>) target_semaphore(%run_scoped3A : memref<!tpu.dma_semaphore, #tpu.memory_space<semaphore_mem>>)
      %dma_wait3A_174 = arith.constant 0 : i32
      %dma_wait3A_175 = tpu.memref_slice %arg6[%arg0, %add3A_168, %dma_wait3A_174] : memref<2x10240x128xf32, #tpu.memory_space<hbm>> -> memref<1x128x128xf32, #tpu.memory_space<hbm>>
      %dma_wait3A_176 = tpu.memref_squeeze %dma_wait3A_175 : memref<1x128x128xf32, #tpu.memory_space<hbm>> -> memref<128x128xf32, #tpu.memory_space<hbm>>
      %dma_wait3A_177 = arith.constant 0 : i32
      %dma_wait3A_178 = tpu.memref_slice %arg8[%add3A_168, %dma_wait3A_177] : memref<10240x128xf32, #tpu.memory_space<vmem_shared>> -> memref<128x128xf32, #tpu.memory_space<vmem_shared>>
      tpu.wait_dma2 semaphore(%run_scoped3A : memref<!tpu.dma_semaphore, #tpu.memory_space<semaphore_mem>>) src(%dma_wait3A_178 : memref<128x128xf32, #tpu.memory_space<vmem_shared>>) dst(%dma_wait3A_176 : memref<128x128xf32, #tpu.memory_space<hbm>>)
      tpu.yield
    }) : () -> ()
    "tpu.region"() ({
      %run_scoped3A = tpu.sem_alloc : memref<!tpu.dma_semaphore, #tpu.memory_space<semaphore_mem>>
      %dma_start3A_169 = tpu.memref_slice %arg7[%arg0, %add3A_168] : memref<2x10240xf32, #tpu.memory_space<hbm>> -> memref<1x128xf32, #tpu.memory_space<hbm>>
      %dma_start3A_170 = tpu.memref_squeeze %dma_start3A_169 : memref<1x128xf32, #tpu.memory_space<hbm>> -> memref<128xf32, #tpu.memory_space<hbm>>
      %dma_start3A_171 = tpu.memref_slice %arg9[%add3A_168] : memref<10240xf32, #tpu.memory_space<vmem_shared>> -> memref<128xf32, #tpu.memory_space<vmem_shared>>
      tpu.enqueue_dma source(%dma_start3A_171 : memref<128xf32, #tpu.memory_space<vmem_shared>>) target(%dma_start3A_170 : memref<128xf32, #tpu.memory_space<hbm>>) target_semaphore(%run_scoped3A : memref<!tpu.dma_semaphore, #tpu.memory_space<semaphore_mem>>)
      %dma_wait3A_172 = tpu.memref_slice %arg7[%arg0, %add3A_168] : memref<2x10240xf32, #tpu.memory_space<hbm>> -> memref<1x128xf32, #tpu.memory_space<hbm>>
      %dma_wait3A_173 = tpu.memref_squeeze %dma_wait3A_172 : memref<1x128xf32, #tpu.memory_space<hbm>> -> memref<128xf32, #tpu.memory_space<hbm>>
      %dma_wait3A_174 = tpu.memref_slice %arg9[%add3A_168] : memref<10240xf32, #tpu.memory_space<vmem_shared>> -> memref<128xf32, #tpu.memory_space<vmem_shared>>
      tpu.wait_dma2 semaphore(%run_scoped3A : memref<!tpu.dma_semaphore, #tpu.memory_space<semaphore_mem>>) src(%dma_wait3A_174 : memref<128xf32, #tpu.memory_space<vmem_shared>>) dst(%dma_wait3A_173 : memref<128xf32, #tpu.memory_space<hbm>>)
      tpu.yield
    }) : () -> ()
    return
  }
}

module attributes {stable_mosaic.version = 14 : i64} {
  func.func @_dense_body(%arg0: memref<10000x128xf32, #tpu.memory_space<vmem>>, %arg1: memref<128x128xf32, #tpu.memory_space<vmem>>, %arg2: memref<3x128xf32, #tpu.memory_space<vmem>>, %arg3: memref<16x16xf32, #tpu.memory_space<vmem>>, %arg4: memref<128x16xf32, #tpu.memory_space<vmem>>, %arg5: memref<2500x128xf32, #tpu.memory_space<vmem>>, %arg6: memref<2x2500x128xi32, #tpu.memory_space<vmem>>, %arg7: memref<2500x128xi32, #tpu.memory_space<vmem>>, %arg8: memref<10000x128xf32, #tpu.memory_space<vmem>>, %arg9: memref<2x10000xf32, #tpu.memory_space<vmem>>, %arg10: memref<1x16xf32, #tpu.memory_space<vmem>>, %arg11: memref<2560x512xi32, #tpu.memory_space<vmem>>) attributes {dimension_semantics = [], scalar_prefetch = 0 : i64, scratch_operands = 0 : i64, tpu.core_type = #tpu.core_type<tc>} {
    %get3A = arith.constant 0 : index
    %get3A_0 = arith.constant 0 : index
    %get3A_1 = vector.load %arg0[%get3A, %get3A_0] : memref<10000x128xf32, #tpu.memory_space<vmem>>, vector<10000x128xf32>
    %get3A_2 = arith.constant 0 : index
    %get3A_3 = arith.constant 0 : index
    %get3A_4 = vector.load %arg1[%get3A_2, %get3A_3] : memref<128x128xf32, #tpu.memory_space<vmem>>, vector<128x128xf32>
    %dot_general3A = arith.constant dense<0.000000e+00> : vector<10000x128xf32>
    %dot_general3A_5 = tpu.matmul %get3A_1, %get3A_4, %dot_general3A {dimension_numbers = #tpu.dot_dimension_numbers<[1], [1], [0], [0], [0, 0, 1, 0], [], []>, transpose_lhs_hint = false} : vector<10000x128xf32>, vector<128x128xf32>, vector<10000x128xf32> -> vector<10000x128xf32>
    %swap3A = arith.constant 0 : index
    %swap3A_6 = arith.constant 0 : index
    %swap3A_7 = vector.load %arg8[%swap3A, %swap3A_6] : memref<10000x128xf32, #tpu.memory_space<vmem>>, vector<10000x128xf32>
    tpu.vector_store %arg8[%swap3A, %swap3A_6], %dot_general3A_5 {strides = array<i32>} : memref<10000x128xf32, #tpu.memory_space<vmem>>, vector<10000x128xf32>,
    %get3A_8 = arith.constant 0 : index
    %get3A_9 = arith.constant 0 : index
    %get3A_10 = vector.load %arg2[%get3A_8, %get3A_9] : memref<3x128xf32, #tpu.memory_space<vmem>>, vector<3x128xf32>
    %slice3A = vector.extract_strided_slice %get3A_10 {offsets = [0, 0], sizes = [2, 128], strides = [1, 1]} : vector<3x128xf32> to vector<2x128xf32>
    %dot_general3A_11 = arith.constant dense<0.000000e+00> : vector<2x10000xf32>
    %dot_general3A_12 = tpu.matmul %slice3A, %dot_general3A_5, %dot_general3A_11 {dimension_numbers = #tpu.dot_dimension_numbers<[1], [1], [0], [0], [0, 0, 1, 0], [], []>, transpose_lhs_hint = false} : vector<2x128xf32>, vector<10000x128xf32>, vector<2x10000xf32> -> vector<2x10000xf32>
    %swap3A_13 = arith.constant 0 : index
    %swap3A_14 = arith.constant 0 : index
    %swap3A_15 = vector.load %arg9[%swap3A_13, %swap3A_14] : memref<2x10000xf32, #tpu.memory_space<vmem>>, vector<2x10000xf32>
    tpu.vector_store %arg9[%swap3A_13, %swap3A_14], %dot_general3A_12 {strides = array<i32>} : memref<2x10000xf32, #tpu.memory_space<vmem>>, vector<2x10000xf32>,
    %get3A_16 = arith.constant 0 : index
    %get3A_17 = arith.constant 0 : index
    %get3A_18 = vector.load %arg3[%get3A_16, %get3A_17] : memref<16x16xf32, #tpu.memory_space<vmem>>, vector<16x16xf32>
    %get3A_19 = arith.constant 0 : index
    %get3A_20 = arith.constant 0 : index
    %get3A_21 = vector.load %arg4[%get3A_19, %get3A_20] : memref<128x16xf32, #tpu.memory_space<vmem>>, vector<128x16xf32>
    %dot_general3A_22 = arith.constant dense<0.000000e+00> : vector<16x128xf32>
    %dot_general3A_23 = tpu.matmul %get3A_18, %get3A_21, %dot_general3A_22 {dimension_numbers = #tpu.dot_dimension_numbers<[1], [1], [0], [0], [0, 0, 1, 0], [], []>, transpose_lhs_hint = false} : vector<16x16xf32>, vector<128x16xf32>, vector<16x128xf32> -> vector<16x128xf32>
    %slice3A_24 = vector.extract_strided_slice %get3A_10 {offsets = [2, 0], sizes = [1, 128], strides = [1, 1]} : vector<3x128xf32> to vector<1x128xf32>
    %dot_general3A_25 = arith.constant dense<0.000000e+00> : vector<1x16xf32>
    %dot_general3A_26 = tpu.matmul %slice3A_24, %dot_general3A_23, %dot_general3A_25 {dimension_numbers = #tpu.dot_dimension_numbers<[1], [1], [0], [0], [0, 0, 1, 0], [], []>, transpose_lhs_hint = false} : vector<1x128xf32>, vector<16x128xf32>, vector<1x16xf32> -> vector<1x16xf32>
    %swap3A_27 = arith.constant 0 : index
    %swap3A_28 = arith.constant 0 : index
    %swap3A_29 = vector.load %arg10[%swap3A_27, %swap3A_28] : memref<1x16xf32, #tpu.memory_space<vmem>>, vector<1x16xf32>
    tpu.vector_store %arg10[%swap3A_27, %swap3A_28], %dot_general3A_26 {strides = array<i32>} : memref<1x16xf32, #tpu.memory_space<vmem>>, vector<1x16xf32>,
    %iota3A = tpu.iota {dimensions = array<i32: 0>} : vector<60x128xi32>
    %mul3A = arith.constant 128 : i32
    %mul3A_30 = vector.broadcast %mul3A : i32 to vector<60x128xi32>
    %mul3A_31 = arith.muli %iota3A, %mul3A_30 : vector<60x128xi32>
    %iota3A_32 = tpu.iota {dimensions = array<i32: 1>} : vector<60x128xi32>
    %add3A = arith.addi %mul3A_31, %iota3A_32 : vector<60x128xi32>
    %jit3A = arith.constant 10000 : i32
    %eq3A = arith.constant 0 : i32
    %eq3A_33 = arith.cmpi eq, %jit3A, %eq3A : i32
    %jit3A_34 = arith.constant 1 : i32
    %select_n3A = arith.select %eq3A_33, %jit3A_34, %jit3A : i32
    %rem3A = vector.broadcast %select_n3A : i32 to vector<60x128xi32>
    %rem3A_35 = arith.remsi %add3A, %rem3A : vector<60x128xi32>
    %ne3A = arith.constant 0 : i32
    %ne3A_36 = vector.broadcast %ne3A : i32 to vector<60x128xi32>
    %ne3A_37 = arith.cmpi ne, %rem3A_35, %ne3A_36 : vector<60x128xi32>
    %lt3A = arith.constant 0 : i32
    %lt3A_38 = vector.broadcast %lt3A : i32 to vector<60x128xi32>
    %lt3A_39 = arith.cmpi slt, %rem3A_35, %lt3A_38 : vector<60x128xi32>
    %lt3A_40 = arith.constant 0 : i32
    %lt3A_41 = arith.cmpi slt, %select_n3A, %lt3A_40 : i32
    %ne3A_42 = vector.broadcast %lt3A_41 : i1 to vector<60x128xi1>
    %ne3A_43 = vector.broadcast %ne3A_42 : vector<60x128xi1> to vector<60x128xi1>
    %ne3A_44 = arith.xori %lt3A_39, %ne3A_43 : vector<60x128xi1>
    %and3A = arith.andi %ne3A_44, %ne3A_37 : vector<60x128xi1>
    %add3A_45 = vector.broadcast %select_n3A : i32 to vector<60x128xi32>
    %add3A_46 = arith.addi %rem3A_35, %add3A_45 : vector<60x128xi32>
    %select_n3A_47 = arith.select %and3A, %add3A_46, %rem3A_35 : vector<60x128xi1>, vector<60x128xi32>
    %get3A_48 = arith.constant 0 : index
    %get3A_49 = arith.constant 0 : index
    %get3A_50 = vector.load %arg5[%get3A_48, %get3A_49] : memref<2500x128xf32, #tpu.memory_space<vmem>>, vector<2500x128xf32>
    %max3A = arith.constant 9.99999997E-7 : f32
    %max3A_51 = vector.broadcast %max3A : f32 to vector<2500x128xf32>
    %max3A_52 = arith.maximumf %get3A_50, %max3A_51 : vector<2500x128xf32>
    %sqrt3A = math.sqrt %max3A_52 : vector<2500x128xf32>
    %bitcast_convert_type3A = tpu.bitcast %sqrt3A : vector<2500x128xf32> -> vector<2500x128xi32>
    %get3A_53 = arith.constant 0 : index
    %get3A_54 = arith.constant 0 : index
    %get3A_55 = arith.constant 0 : index
    %get3A_56 = vector.load %arg6[%get3A_53, %get3A_54, %get3A_55] : memref<2x2500x128xi32, #tpu.memory_space<vmem>>, vector<1x2500x128xi32>
    %get3A_57 = vector.shape_cast %get3A_56 : vector<1x2500x128xi32> to vector<2500x128xi32>
    %swap3A_58 = arith.constant 0 : index
    %swap3A_59 = arith.constant 0 : index
    %swap3A_60 = vector.load %arg11[%swap3A_58, %swap3A_59] : memref<2560x512xi32, #tpu.memory_space<vmem>>, vector<2500x128xi32>
    tpu.vector_store %arg11[%swap3A_58, %swap3A_59], %get3A_57 {strides = array<i32>} : memref<2560x512xi32, #tpu.memory_space<vmem>>, vector<2500x128xi32>,
    %swap3A_61 = arith.constant 2500 : index
    %swap3A_62 = arith.constant 0 : index
    %swap3A_63 = vector.load %arg11[%swap3A_61, %swap3A_62] : memref<2560x512xi32, #tpu.memory_space<vmem>>, vector<60x128xi32>
    tpu.vector_store %arg11[%swap3A_61, %swap3A_62], %select_n3A_47 {strides = array<i32>} : memref<2560x512xi32, #tpu.memory_space<vmem>>, vector<60x128xi32>,
    %get3A_64 = arith.constant 1 : index
    %get3A_65 = arith.constant 0 : index
    %get3A_66 = arith.constant 0 : index
    %get3A_67 = vector.load %arg6[%get3A_64, %get3A_65, %get3A_66] : memref<2x2500x128xi32, #tpu.memory_space<vmem>>, vector<1x2500x128xi32>
    %get3A_68 = vector.shape_cast %get3A_67 : vector<1x2500x128xi32> to vector<2500x128xi32>
    %swap3A_69 = arith.constant 0 : index
    %swap3A_70 = arith.constant 128 : index
    %swap3A_71 = vector.load %arg11[%swap3A_69, %swap3A_70] : memref<2560x512xi32, #tpu.memory_space<vmem>>, vector<2500x128xi32>
    tpu.vector_store %arg11[%swap3A_69, %swap3A_70], %get3A_68 {strides = array<i32>} : memref<2560x512xi32, #tpu.memory_space<vmem>>, vector<2500x128xi32>,
    %swap3A_72 = arith.constant 2500 : index
    %swap3A_73 = arith.constant 128 : index
    %swap3A_74 = vector.load %arg11[%swap3A_72, %swap3A_73] : memref<2560x512xi32, #tpu.memory_space<vmem>>, vector<60x128xi32>
    tpu.vector_store %arg11[%swap3A_72, %swap3A_73], %select_n3A_47 {strides = array<i32>} : memref<2560x512xi32, #tpu.memory_space<vmem>>, vector<60x128xi32>,
    %get3A_75 = arith.constant 0 : index
    %get3A_76 = arith.constant 0 : index
    %get3A_77 = vector.load %arg7[%get3A_75, %get3A_76] : memref<2500x128xi32, #tpu.memory_space<vmem>>, vector<2500x128xi32>
    %swap3A_78 = arith.constant 0 : index
    %swap3A_79 = arith.constant 256 : index
    %swap3A_80 = vector.load %arg11[%swap3A_78, %swap3A_79] : memref<2560x512xi32, #tpu.memory_space<vmem>>, vector<2500x128xi32>
    tpu.vector_store %arg11[%swap3A_78, %swap3A_79], %get3A_77 {strides = array<i32>} : memref<2560x512xi32, #tpu.memory_space<vmem>>, vector<2500x128xi32>,
    %broadcast_in_dim3A = arith.constant 0 : i32
    %broadcast_in_dim3A_81 = vector.broadcast %broadcast_in_dim3A : i32 to vector<60x128xi32>
    %swap3A_82 = arith.constant 2500 : index
    %swap3A_83 = arith.constant 256 : index
    %swap3A_84 = vector.load %arg11[%swap3A_82, %swap3A_83] : memref<2560x512xi32, #tpu.memory_space<vmem>>, vector<60x128xi32>
    tpu.vector_store %arg11[%swap3A_82, %swap3A_83], %broadcast_in_dim3A_81 {strides = array<i32>} : memref<2560x512xi32, #tpu.memory_space<vmem>>, vector<60x128xi32>,
    %swap3A_85 = arith.constant 0 : index
    %swap3A_86 = arith.constant 384 : index
    %swap3A_87 = vector.load %arg11[%swap3A_85, %swap3A_86] : memref<2560x512xi32, #tpu.memory_space<vmem>>, vector<2500x128xi32>
    tpu.vector_store %arg11[%swap3A_85, %swap3A_86], %bitcast_convert_type3A {strides = array<i32>} : memref<2560x512xi32, #tpu.memory_space<vmem>>, vector<2500x128xi32>,
    %broadcast_in_dim3A_88 = arith.constant 0 : i32
    %broadcast_in_dim3A_89 = vector.broadcast %broadcast_in_dim3A_88 : i32 to vector<60x128xi32>
    %swap3A_90 = arith.constant 2500 : index
    %swap3A_91 = arith.constant 384 : index
    %swap3A_92 = vector.load %arg11[%swap3A_90, %swap3A_91] : memref<2560x512xi32, #tpu.memory_space<vmem>>, vector<60x128xi32>
    tpu.vector_store %arg11[%swap3A_90, %swap3A_91], %broadcast_in_dim3A_89 {strides = array<i32>} : memref<2560x512xi32, #tpu.memory_space<vmem>>, vector<60x128xi32>,
    return
  }
}

module attributes {stable_mosaic.version = 14 : i64} {
  func.func @_combine_body(%arg0: memref<2x10240x128xf32, #tpu.memory_space<vmem>>, %arg1: memref<2x10240x1xf32, #tpu.memory_space<vmem>>, %arg2: memref<1x128xf32, #tpu.memory_space<vmem>>, %arg3: memref<10000x128xf32, #tpu.memory_space<vmem>>) attributes {dimension_semantics = [], scalar_prefetch = 0 : i64, scratch_operands = 0 : i64, tpu.core_type = #tpu.core_type<tc>} {
    %get3A = arith.constant 0 : index
    %get3A_0 = arith.constant 0 : index
    %get3A_1 = arith.constant 0 : index
    %get3A_2 = vector.load %arg0[%get3A, %get3A_0, %get3A_1] : memref<2x10240x128xf32, #tpu.memory_space<vmem>>, vector<1x10000x128xf32>
    %get3A_3 = vector.shape_cast %get3A_2 : vector<1x10000x128xf32> to vector<10000x128xf32>
    %get3A_4 = arith.constant 1 : index
    %get3A_5 = arith.constant 0 : index
    %get3A_6 = arith.constant 0 : index
    %get3A_7 = vector.load %arg0[%get3A_4, %get3A_5, %get3A_6] : memref<2x10240x128xf32, #tpu.memory_space<vmem>>, vector<1x10000x128xf32>
    %get3A_8 = vector.shape_cast %get3A_7 : vector<1x10000x128xf32> to vector<10000x128xf32>
    %add3A = arith.addf %get3A_3, %get3A_8 : vector<10000x128xf32>
    %get3A_9 = arith.constant 0 : index
    %get3A_10 = arith.constant 0 : index
    %get3A_11 = arith.constant 0 : index
    %get3A_12 = vector.load %arg1[%get3A_9, %get3A_10, %get3A_11] : memref<2x10240x1xf32, #tpu.memory_space<vmem>>, vector<1x10000x1xf32>
    %get3A_13 = vector.shape_cast %get3A_12 : vector<1x10000x1xf32> to vector<10000x1xf32>
    %get3A_14 = arith.constant 1 : index
    %get3A_15 = arith.constant 0 : index
    %get3A_16 = arith.constant 0 : index
    %get3A_17 = vector.load %arg1[%get3A_14, %get3A_15, %get3A_16] : memref<2x10240x1xf32, #tpu.memory_space<vmem>>, vector<1x10000x1xf32>
    %get3A_18 = vector.shape_cast %get3A_17 : vector<1x10000x1xf32> to vector<10000x1xf32>
    %add3A_19 = arith.addf %get3A_13, %get3A_18 : vector<10000x1xf32>
    %add3A_20 = arith.constant 1.000000e-16 : f32
    %add3A_21 = vector.broadcast %add3A_20 : f32 to vector<10000x1xf32>
    %add3A_22 = arith.addf %add3A_19, %add3A_21 : vector<10000x1xf32>
    %div3A = vector.broadcast %add3A_22 : vector<10000x1xf32> to vector<10000x128xf32>
    %div3A_23 = arith.divf %add3A, %div3A : vector<10000x128xf32>
    %get3A_24 = arith.constant 0 : index
    %get3A_25 = arith.constant 0 : index
    %get3A_26 = vector.load %arg2[%get3A_24, %get3A_25] : memref<1x128xf32, #tpu.memory_space<vmem>>, vector<1x128xf32>
    %add3A_27 = vector.broadcast %get3A_26 : vector<1x128xf32> to vector<10000x128xf32>
    %add3A_28 = arith.addf %div3A_23, %add3A_27 : vector<10000x128xf32>
    %swap3A = arith.constant 0 : index
    %swap3A_29 = arith.constant 0 : index
    %swap3A_30 = vector.load %arg3[%swap3A, %swap3A_29] : memref<10000x128xf32, #tpu.memory_space<vmem>>, vector<10000x128xf32>
    tpu.vector_store %arg3[%swap3A, %swap3A_29], %add3A_28 {strides = array<i32>} : memref<10000x128xf32, #tpu.memory_space<vmem>>, vector<10000x128xf32>,
    return
  }
}

</mosaic_0001>

<sc_bundles>
// kernel: kernel.5.cloned.1.call-start
scs
__scs_entry_jumppad:
0x0: {  	(pc) =	sbr.rel $0x88, $3  }
0x1: {  	(tag) =	ssettag $0x0;
	lr =	simm.s32 $0x1  }
0x2: {  	[smem:$0x3F98] =	sst lr;
	_ =	strace $0xD0000000  }
0x3: {  	_ = 	snop  }
0x4: {  	_ = 	snop  }
0x5: {  	_ = 	snop  }
0x6: {  	_ = 	snop  }
0x7: {  	_ = 	snop  }
__scs_overlays_trampoline_lowered:
0x8: {  	[smem:$0x3FA7] =	sst s0  }
0x9: {  	[smem:$0x3FA8] =	sst s1  }
0xa: {  	[smem:$0x3FA9] =	sst s2  }
0xb: {  	[smem:$0x3FAA] =	sst s3  }
0xc: {  	[smem:$0x3FAB] =	sst s4  }
0xd: {  	[smem:$0x3FAC] =	sst s5  }
0xe: {  	[smem:$0x3FAD] =	sst s6  }
0xf: {  	[smem:$0x3FAE] =	sst s7  }
0x10: {  	[smem:$0x3FAF] =	sst s8  }
0x11: {  	[smem:$0x3FB0] =	sst s9;
	s0 =	simm.s32 @!p0 $0x0  }
0x12: {  	s1 =	sld [smem:$0x3F96];
	s0 =	simm.s32 @p0 $0x1  }
0x13: {  	[smem:$0x3FB1] =	sst s0;
	s0 =	simm.s32 @!p1 $0x0  }
0x14: {  	s2 =	sld [smem:$0x3F95];
	s0 =	simm.s32 @p1 $0x1  }
0x15: {  	[smem:$0x3FB2] =	sst s0;
	s0 =	simm.s32 @!p2 $0x0  }
0x16: {  	s3 =	sld [smem:$0x3FDB];
	s0 =	simm.s32 @p2 $0x1  }
0x17: {  	s4 =	simm.s32 $0x1BF5;
	[smem:$0x3FB4] =	sst s0  }
0x18: {  	s0 =	sld [smem:$0x3F97];
	_ =	swait.ge [sflag:s4], $0x0  }
0x19: {  	s7 =	sld [smem:$0x3F98]  }
0x1a: {  	s8 =	sadd.s32 $0xFFFFE003, lr  }
0x1b: {  	s9 =	sadd.s32 $0xFFFFFEF7, lr;
	s5 =	simm.s32 $0xFFFFFFFF;
	p2 =	slt.u32 s8, $0xFFFFF086  }
0x1c: {  	p1 =	slt.u32 s9, $0xF7A;
	s5 =	simm.s32 @!p2 $0x0  }
0x1d: {  	s5 =	simm.s32 @p1 $0x1;
	p0 =	seq.s32 s7, s2  }
0x1e: {  	s7 =	smul.u32 @!p0 $0xF7A, s2;
	p2 =	seq.s32 @!p0 s5, $0x0  }
0x1f: {  	s9 =	smul.u32 $0xF7A, s1;
	s8 =	simm.s32 @!p0 $0x1BF5;
	p2 =	por !p2, p0  }
0x20: {  	[sflag:s8] =	ssyncset.s32 @!p0 $0xFFFFF086;
	s6 =	sadd.s32 @!p0 s3, s7;
	s7 =	simm.s32 @!p0 $0x108  }
0x21: {  	s3 =	sadd.s32 s3, s9;
	s6 =	sadd.s32 @!p0 $0x88, s6;
	s7 =	simm.s32 @p2 $0x1082  }
0x22: {  	[simem:s7], [sflag:s8] =	dma.local @!p0 [hbm:s6], $0xF7A  }
0x23: {  	s9 =	sor.u32 $0xD0000000, s2;
	s6 =	simm.s32 $0x108;
	_ =	swait.ge @!p0 [sflag:s8], $0x0  }
0x24: {  	s3 =	sadd.s32 $0x88, s3;
	s6 =	simm.s32 @!p1 $0x1082;
	[sflag:s4] =	ssyncset.s32 $0xFFFFF086  }
0x25: {  	[simem:s6], [sflag:s4] =	dma.local [hbm:s3], $0xF7A  }
0x26: {  	[smem:$0x3F98] =	sst s1;
	(tag) =	ssettag s2;
	_ =	strace s9  }
0x27: {  	s1 =	sld [smem:$0x3FA8]  }
0x28: {  	s2 =	sld [smem:$0x3FA9]  }
0x29: {  	s4 =	sld [smem:$0x3FAB]  }
0x2a: {  	p0 =	seq.s32 s5, $0x0;
	s5 =	sld [smem:$0x3FAC]  }
0x2b: {  	s6 =	sld [smem:$0x3FAD]  }
0x2c: {  	s7 =	sld [smem:$0x3FAE]  }
0x2d: {  	s3 =	simm.s32 $0x108;
	s8 =	sld [smem:$0x3FAF]  }
0x2e: {  	s3 =	simm.s32 @!p0 $0x1082;
	s9 =	sld [smem:$0x3FB0]  }
0x2f: {  	lr =	sadd.s32 s0, s3;
	s0 =	sld [smem:$0x3FA7]  }
0x30: {  	s3 =	sld [smem:$0x3FAA]  }
0x31: {  	[smem:$0x3FB3] =	sst s10  }
0x32: {  	s10 =	sld [smem:$0x3FB1];
	_ =	sdelay $0x3  }
0x33: {  	p0 =	seq.s32 s10, $0x1;
	s10 =	sld [smem:$0x3FB3];
	_ =	sdelay $0x3  }
0x34: {  	[smem:$0x3FB3] =	sst s10  }
0x35: {  	s10 =	sld [smem:$0x3FB2];
	_ =	sdelay $0x3  }
0x36: {  	p1 =	seq.s32 s10, $0x1;
	s10 =	sld [smem:$0x3FB3];
	_ =	sdelay $0x3  }
0x37: {  	[smem:$0x3FB3] =	sst s10  }
0x38: {  	s10 =	sld [smem:$0x3FB4]  }
0x39: {  	_ = 	snop;
	(pc) =	sbr.ind lr, $3  }
0x3a: {  	_ = 	snop  }
0x3b: {  	_ = 	snop  }
0x3c: {  	p2 =	seq.s32 s10, $0x1;
	s10 =	sld [smem:$0x3FB3]  }
0x3d: {  	_ =	shalt  }
0x3e: {  	_ =	shalt  }
0x3f: {  	_ =	shalt  }
0x40: {  	_ =	shalt  }
0x41: {  	_ =	shalt  }
0x42: {  	_ =	shalt  }
0x43: {  	_ =	shalt  }
0x44: {  	_ =	shalt  }
0x45: {  	_ =	shalt  }
0x46: {  	_ =	shalt  }
0x47: {  	_ =	shalt  }
0x48: {  	_ =	shalt  }
0x49: {  	_ =	shalt  }
0x4a: {  	_ =	shalt  }
0x4b: {  	_ =	shalt  }
0x4c: {  	_ =	shalt  }
0x4d: {  	_ =	shalt  }
0x4e: {  	_ =	shalt  }
0x4f: {  	_ =	shalt  }
0x50: {  	_ =	shalt  }
0x51: {  	_ =	shalt  }
0x52: {  	_ =	shalt  }
0x53: {  	_ =	shalt  }
0x54: {  	_ =	shalt  }
0x55: {  	_ =	shalt  }
0x56: {  	_ =	shalt  }
0x57: {  	_ =	shalt  }
0x58: {  	_ =	shalt  }
0x59: {  	_ =	shalt  }
0x5a: {  	_ =	shalt  }
0x5b: {  	_ =	shalt  }
0x5c: {  	_ =	shalt  }
0x5d: {  	_ =	shalt  }
0x5e: {  	_ =	shalt  }
0x5f: {  	_ =	shalt  }
0x60: {  	_ =	shalt  }
0x61: {  	_ =	shalt  }
0x62: {  	_ =	shalt  }
0x63: {  	_ =	shalt  }
0x64: {  	_ =	shalt  }
0x65: {  	_ =	shalt  }
0x66: {  	_ =	shalt  }
0x67: {  	_ =	shalt  }
0x68: {  	_ =	shalt  }
0x69: {  	_ =	shalt  }
0x6a: {  	_ =	shalt  }
0x6b: {  	_ =	shalt  }
0x6c: {  	_ =	shalt  }
0x6d: {  	_ =	shalt  }
0x6e: {  	_ =	shalt  }
0x6f: {  	_ =	shalt  }
0x70: {  	_ =	shalt  }
0x71: {  	_ =	shalt  }
0x72: {  	_ =	shalt  }
0x73: {  	_ =	shalt  }
0x74: {  	_ =	shalt  }
0x75: {  	_ =	shalt  }
0x76: {  	_ =	shalt  }
0x77: {  	_ =	shalt  }
0x78: {  	_ =	shalt  }
0x79: {  	_ =	shalt  }
0x7a: {  	_ =	shalt  }
0x7b: {  	_ =	shalt  }
0x7c: {  	_ =	shalt  }
0x7d: {  	_ =	shalt  }
0x7e: {  	_ =	shalt  }
0x7f: {  	_ =	shalt  }
0x80: {  	_ =	shalt  }
0x81: {  	_ =	shalt  }
0x82: {  	_ =	shalt  }
0x83: {  	_ =	shalt  }
0x84: {  	_ =	shalt  }
0x85: {  	_ =	shalt  }
0x86: {  	_ =	shalt  }
0x87: {  	_ =	shalt  }
.Lfunc_end0:
.L_simem_size_0:
called_computation_lowered:
.L_overlay_start_0:
0x88: {  	s2 =	sld [smem:$0x3FD9]  }
0x89: {  	s3 =	sld [smem:$0x3FFE];
	_ =	sdelay $0x1  }
0x8a: {  	s1 =	srdreg.scid  }
0x8b: {  	s0 =	sand.u32 $0x1, s1  }
0x8c: {  	s17 =	sshll.u32 s0, $0xA;
	s2 =	sadd.s32 s3, s2  }
0x8d: {  	s2 =	sadd.s32 s2, s17  }
0x8e: {  	[smem:$0x3FBF] =	sst s2  }
0x8f: {  	_ = 	snop  }
0x90: {  	s2 =	sld [smem:$0x3FD0];
	(tm) =	ssettm $0x1  }
0x91: {  	s18 =	sld [smem:$0x3FFB];
	_ =	sdelay $0x3  }
0x92: {  	_ =	strace s18  }
0x93: {  	s3 =	sld [smem:$0x3FFC];
	_ =	sdelay $0x3  }
0x94: {  	_ =	strace s3  }
0x95: {  	s3 =	sld [smem:$0x3FFD];
	_ =	sdelay $0x3  }
0x96: {  	_ =	strace s3  }
0x97: {  	_ =	strace $0x8FFFFFFF  }
0x98: {  	s19 =	sld [smem:$0x3FDB];
	_ =	sdelay $0x1  }
0x99: {  	s4 =	simm.s32 $_scs_section_size  }
0x9a: {  	s5 =	simm.s32 $_size__tile_overlayer_lowered;
	s6 =	simm.s32 $_tile_overlayer_lowered  }
0x9b: {  	s22 =	simm.s32 $0x1BFF;
	s21 =	sshll.u32 s6, $0x1;
	s3 =	sadd.s32 s4, s19  }
0x9c: {  	s7 =	simm.s32 $0x0;
	s20 =	sshll.u32 s5, $0x1;
	s5 =	sadd.s32 s21, s3  }
0x9d: {  	[timem:s7], [sflag:s22] =	dma.local [hbm:s5], s20  }
0x9e: {  	_ =	swait.ge [sflag:s22], s20  }
0x9f: {  	s4 =	ssub.s32 $0x0, s20;
	[sflag:s22] =	ssyncset.done $0x0  }
0xa0: {  	[sflag:s22] =	ssyncadd.s32 s4;
	_ =	sdelay $0x1  }
0xa1: {  	s23 =	simm.s32 $0x1B8B  }
0xa2: {  	_ =	swait.ge [sflag:s23], $0x1  }
0xa3: {  	[sflag:s23] =	ssyncset.done $0x0  }
0xa4: {  	s25 =	simm.s32 $0x1B8E;
	s24 =	sld [smem:$0x3FFE];
	[sflag:s23] =	ssyncadd.s32 $0xFFFFFFFF  }
0xa5: {  	s26 =	simm.s32 $execute0_lowered;
	[smem:$0x3FD2] =	sst s25  }
0xa6: {  	s5 =	sshll.u32 s26, $0x1;
	_ =	strace $0x80000046;
	[dreg:$0x1] =	wrdreg $0xFFFFFFFF  }
0xa7: {  	s28 =	simm.s32 $_size_execute0_lowered;
	s3 =	sadd.s32 s3, s5;
	[dreg:$0x0] =	wrdreg $0x0  }
0xa8: {  	s5 =	sshll.u32 s28, $0x1;
	[dreg:$0x2] =	wrdreg s3  }
0xa9: {  	[dreg:$0x3] =	wrdreg s5  }
0xaa: {  	[dreg:$0x4] =	wrdreg $0xC0  }
0xab: {  	_ =	task [dreg:s7], $0x5FFFF  }
0xac: {  	[dreg:$0x1] =	wrdreg $0xFFFFFFFF  }
0xad: {  	[dreg:$0x0] =	wrdreg $0x60  }
0xae: {  	[dreg:$0x2] =	wrdreg s2  }
0xaf: {  	[dreg:$0x3] =	wrdreg s24  }
0xb0: {  	[dreg:$0x4] =	wrdreg $0x0  }
0xb1: {  	[dreg:$0x5] =	wrdreg $0x140000  }
0xb2: {  	[dreg:$0x6] =	wrdreg $0x142800  }
0xb3: {  	[dreg:$0x7] =	wrdreg $0x144F80  }
0xb4: {  	[dreg:$0x8] =	wrdreg $0x9  }
0xb5: {  	_ =	task.clear_ibuf [dreg:s7], $0x9FFFF;
	_ =	strace $0x90000046  }
0xb6: {  	s29 =	simm.s32 $0x9;
	_ =	strace $0x80000048  }
0xb7: {  	_ =	swait.ge [sflag:s29], $0x1  }
0xb8: {  	[sflag:s29] =	ssyncadd.s32 $0xFFFFFFFF  }
0xb9: {  	_ =	strace $0x90000048  }
0xba: {  	_ =	sfence  }
0xbb: {  	s30 =	sld [smem:$0x0];
	_ =	sdelay $0x2  }
0xbc: {  	s31 =	sshll.u32 s1, $0xD;
	s1 =	sshrl.u32 s1, $0x2  }
0xbd: {  	s3 =	sand.u32 $0x4000, s31;
	s1 =	sadd.s32 s1, s30  }
0xbe: {  	s0 =	sor.u32 s3, s0;
	s1 =	sshll.u32 s1, $0x11  }
0xbf: {  	s0 =	sor.u32 s1, s0  }
0xc0: {  	s0 =	sadd.s32 $0x8F2B, s0  }
0xc1: {  	[sflag:s0] =	ssyncadd.remote.s32 $0x1  }
0xc2: {  	_ =	sfence.sel $0xFFFF  }
0xc3: {  	[dreg:$0x0] =	wrdreg $0xFFFFFFFF;
	(pc) =	sbr.abs _section_cstart, $3  }
0xc4: {  	[dreg:$0x1] =	wrdreg $0xFFFFFFFF  }
0xc5: {  	_ =	task.clear_ibuf [dreg:s7], $0x2FFFF;
	_ =	strace $0x9FFFFFFF  }
0xc6: {  	(tm) =	ssettm $0x7FFFFFFF  }
0xc7: {  	_ =	shalt  }
tec
execute0_lowered:
.L_overlay_start_1:
0x0: {  	(tag) =	ssettag $0x1  }
0x1: {  	s0 =	rddreg [dreg:$0x0]  }
0x2: {  	s2 =	srdreg.scid;
	s23 =	stileid.u32  }
0x3: {  	s1 =	rddreg [dreg:$0x1];
	s29 =	simm.s32 $0x0;
	s3 =	smul.u32 $0x280, s23  }
0x4: {  	s6 =	sand.u32 $0x1, s2;
	[smem:$0x7FF] =	sst s29;
	s11 =	smul.u32 $0x14000, s23  }
0x5: {  	s7 =	sadd.s32 $0x2B400, s1;
	s14 =	smul.u32 $0x500, s23;
	s2 =	ssub.s32 $0x2, s6  }
0x6: {  	s8 =	sshll.u32 s6, $0x4;
	s9 =	smul.u32 $0x140000, s6;
	s6 =	sshll.u32 s6, $0x7  }
0x7: {  	s4 =	sshrl.u32 s2, $0x1;
	s12 =	sadd.s32 $0x100, s3;
	s5 =	sadd.s32 $0x180, s3  }
0x8: {  	s17 =	sadd.s32 $0x200, s3;
	s2 =	ssub.s32 s2, s4;
	s4 =	sadd.s32 $0x80, s3  }
0x9: {  	s13 =	sshll.u32 s12, $0x7;
	s15 =	sshll.u32 s5, $0x7;
	s20 =	sshll.u32 s17, $0x7  }
0xa: {  	s11 =	sadd.s32 s11, s9;
	s25 =	sshll.u32 s12, $0x1;
	s26 =	sshll.u32 s5, $0x1  }
0xb: {  	s10 =	sshll.u32 s4, $0x7;
	s11 =	sshrl.u32 s11, $0x3;
	s21 =	sshll.u32 s4, $0x1  }
0xc: {  	s22 =	sadd.s32 s9, s13;
	s18 =	sadd.s32 s9, s15;
	s16 =	sadd.s32 s9, s10  }
0xd: {  	s11 =	sadd.s32 s7, s11;
	s24 =	sshrl.u32 s18, $0x3;
	s9 =	sadd.s32 s9, s20  }
0xe: {  	s18 =	sor.u32 s6, s25;
	[dreg:$0x8] =	wrdreg s11;
	s19 =	sshrl.u32 s16, $0x3  }
0xf: {  	s11 =	sor.u32 s6, s14;
	s16 =	sshrl.u32 s22, $0x3;
	s14 =	sadd.s32 s7, s19  }
0x10: {  	s9 =	sshrl.u32 s9, $0x3;
	s16 =	sadd.s32 s7, s16;
	[dreg:$0x9] =	wrdreg s14  }
0x11: {  	s19 =	sadd.s32 $0x2AA00, s1;
	[dreg:$0xa] =	wrdreg s16;
	s16 =	sadd.s32 s7, s24  }
0x12: {  	s22 =	sshrl.u32 s11, $0x3;
	s7 =	sadd.s32 s7, s9;
	[dreg:$0xb] =	wrdreg s16  }
0x13: {  	s14 =	sor.u32 s6, s21;
	s9 =	sshll.u32 s17, $0x1;
	[dreg:$0xc] =	wrdreg s7  }
0x14: {  	s16 =	sor.u32 s6, s26;
	s6 =	sor.u32 s6, s9;
	s9 =	sadd.s32 s19, s22  }
0x15: {  	s25 =	sshrl.u32 s18, $0x3;
	[dreg:$0xd] =	wrdreg s9  }
0x16: {  	s24 =	sshrl.u32 s14, $0x3;
	s14 =	sadd.s32 s19, s25;
	s9 =	rddreg [dreg:$0x2]  }
0x17: {  	[dreg:$0xf] =	wrdreg s14  }
0x18: {  	s11 =	sadd.s32 s19, s24;
	s14 =	rddreg [dreg:$0x4]  }
0x19: {  	s16 =	sshrl.u32 s16, $0x3;
	[dreg:$0xe] =	wrdreg s11  }
0x1a: {  	s11 =	rddreg [dreg:$0x3];
	s16 =	sadd.s32 s19, s16  }
0x1b: {  	s8 =	sor.u32 s23, s8;
	s6 =	sshrl.u32 s6, $0x3;
	[dreg:$0x10] =	wrdreg s16  }
0x1c: {  	s21 =	smul.u32 $0x1400, s8;
	s6 =	sadd.s32 s19, s6;
	s16 =	rddreg [dreg:$0x5]  }
0x1d: {  	s19 =	smul.u32 $0x50, s8;
	[dreg:$0x11] =	wrdreg s6;
	s6 =	sadd.s32 s10, s9  }
0x1e: {  	s8 =	sadd.s32 s4, s11;
	_ =	strace $0x80000047;
	[dreg:$0x15] =	wrdreg s6  }
0x1f: {  	s10 =	sadd.s32 s13, s9;
	[dreg:$0x16] =	wrdreg s8  }
0x20: {  	s12 =	sadd.s32 s12, s11;
	[dreg:$0x17] =	wrdreg s10  }
0x21: {  	s28 =	simm.s32 $0x14E70;
	s13 =	sadd.s32 s15, s9;
	[dreg:$0x18] =	wrdreg s12  }
0x22: {  	s18 =	sadd.s32 $0x1E00, s1;
	s15 =	sadd.s32 s5, s11;
	[dreg:$0x19] =	wrdreg s13  }
0x23: {  	s22 =	smul.u32 $0x50000, s23;
	s20 =	sadd.s32 s20, s9;
	[dreg:$0x1a] =	wrdreg s15  }
0x24: {  	s7 =	sadd.s32 s18, s21;
	s21 =	sadd.s32 s17, s11;
	[dreg:$0x1b] =	wrdreg s20  }
0x25: {  	s26 =	sshrl.u32 s22, $0x2;
	s22 =	sadd.s32 $0x29E00, s1;
	[dreg:$0x1c] =	wrdreg s21  }
0x26: {  	p0 =	sne.s32 s23, $0x0;
	s24 =	sadd.s32 $0x2A800, s1;
	[dreg:$0x1d] =	wrdreg s22  }
0x27: {  	s25 =	smax.u32 s2, $0x1;
	s1 =	sadd.s32 $0x29E10, s1;
	[dreg:$0x1e] =	wrdreg s24  }
0x28: {  	s23 =	simm.s32 $0x3;
	s30 =	sadd.s32 s26, s9;
	[dreg:$0x1f] =	wrdreg s1  }
0x29: {  	s31 =	sadd.s32 s3, s11;
	s26 =	sadd.s32 $0x10, s7;
	[smem:$0x7FC] =	sst s25  }
0x2a: {  	s17 =	simm.s32 $0x14770;
	s3 =	simm.s32 $0x5;
	[dreg:$0x12] =	wrdreg s7  }
0x2b: {  	s4 =	simm.s32 $0x2;
	s5 =	simm.s32 $0x14C70;
	[smem:$0x7FD] =	sst s26  }
.Ltmp0:
0x2c: {  	s6 =	simm.s32 $0x80;
	s7 =	simm.s32 $0x400;
	(pc) =	sbr.rel .LBB2_1-.Ltmp0, $4  }
0x2d: {  	s22 =	simm.s32 $0x149F0;
	s10 =	simm.s32 $0x150F0;
	s12 =	simm.s32 $0x9  }
0x2e: {  	s15 =	simm.s32 $0x14DF0;
	s1 =	simm.s32 $0x14CF0;
	s20 =	simm.s32 $0x190F0  }
0x2f: {  	s13 =	simm.s32 $0x14D70;
	s24 =	simm.s32 $0x6;
	[dreg:$0x13] =	wrdreg s30  }
0x30: {  	v0 =	vimm.f32 $0.0e+00;
	s25 =	simm.s32 $0x7;
	s26 =	simm.s32 $0x4;
	[dreg:$0x14] =	wrdreg s31  }
.LBB2_10:
0x31: {  	s2 =	simm.s32 $0x8  }
0x32: {  	_ =	swait.ge [sflag:s2], $0x4000  }
0x33: {  	[sflag:s2] =	ssyncset.done $0x0  }
0x34: {  	[sflag:s2] =	ssyncadd.s32 $0xFFFFC000  }
0x35: {  	_ =	swait.ge [sflag:s2], $0x80  }
0x36: {  	[sflag:s2] =	ssyncset.done $0x0  }
0x37: {  	[sflag:s2] =	ssyncadd.s32 $0xFFFFFF80  }
0x38: {  	s8 =	stileid.u32;
	[bflag:$0x0] =	sbarrier.arrive $0xFFFF  }
0x39: {  	s2 =	sshll.u32 s8, $0x6;
	s30 =	rddreg [dreg:$0x13]  }
0x3a: {  	s2 =	sor.u32 $0x1C09, s2;
	s21 =	rddreg [dreg:$0x8];
	s8 =	sshrl.u32 s30, $0x3  }
0x3b: {  	[hbm:s21], [sflag:s2] =	dma.local [spmem:s8], $0x800  }
0x3c: {  	_ =	swait.ge [sflag:s12], $0x800  }
0x3d: {  	[sflag:s12] =	ssyncset.done $0x0;
	s31 =	rddreg [dreg:$0x14]  }
0x3e: {  	s21 =	rddreg [dreg:$0xd];
	[sflag:s12] =	ssyncadd.s32 $0xFFFFF800;
	s8 =	sshrl.u32 s31, $0x3  }
0x3f: {  	[hbm:s21], [sflag:s2] =	dma.local [spmem:s8], $0x10  }
0x40: {  	_ =	swait.ge [sflag:s12], $0x10  }
0x41: {  	[sflag:s12] =	ssyncset.done $0x0;
	s21 =	rddreg [dreg:$0x15]  }
0x42: {  	[sflag:s12] =	ssyncadd.s32 $0xFFFFFFF0;
	s8 =	sshrl.u32 s21, $0x3;
	s21 =	rddreg [dreg:$0x9]  }
0x43: {  	[hbm:s21], [sflag:s2] =	dma.local [spmem:s8], $0x800  }
0x44: {  	_ =	swait.ge [sflag:s12], $0x800  }
0x45: {  	[sflag:s12] =	ssyncset.done $0x0;
	s21 =	rddreg [dreg:$0x16]  }
0x46: {  	[sflag:s12] =	ssyncadd.s32 $0xFFFFF800;
	s8 =	sshrl.u32 s21, $0x3;
	s21 =	rddreg [dreg:$0xe]  }
0x47: {  	[hbm:s21], [sflag:s2] =	dma.local [spmem:s8], $0x10  }
0x48: {  	_ =	swait.ge [sflag:s12], $0x10  }
0x49: {  	[sflag:s12] =	ssyncset.done $0x0;
	s21 =	rddreg [dreg:$0x17]  }
0x4a: {  	[sflag:s12] =	ssyncadd.s32 $0xFFFFFFF0;
	s8 =	sshrl.u32 s21, $0x3;
	s21 =	rddreg [dreg:$0xa]  }
0x4b: {  	[hbm:s21], [sflag:s2] =	dma.local [spmem:s8], $0x800  }
0x4c: {  	_ =	swait.ge [sflag:s12], $0x800  }
0x4d: {  	[sflag:s12] =	ssyncset.done $0x0;
	s21 =	rddreg [dreg:$0x18]  }
0x4e: {  	[sflag:s12] =	ssyncadd.s32 $0xFFFFF800;
	s8 =	sshrl.u32 s21, $0x3;
	s21 =	rddreg [dreg:$0xf]  }
0x4f: {  	[hbm:s21], [sflag:s2] =	dma.local [spmem:s8], $0x10  }
0x50: {  	_ =	swait.ge [sflag:s12], $0x10  }
0x51: {  	[sflag:s12] =	ssyncset.done $0x0;
	s21 =	rddreg [dreg:$0x19]  }
0x52: {  	[sflag:s12] =	ssyncadd.s32 $0xFFFFFFF0;
	s8 =	sshrl.u32 s21, $0x3;
	s21 =	rddreg [dreg:$0xb]  }
0x53: {  	[hbm:s21], [sflag:s2] =	dma.local [spmem:s8], $0x800  }
0x54: {  	_ =	swait.ge [sflag:s12], $0x800  }
0x55: {  	[sflag:s12] =	ssyncset.done $0x0;
	s21 =	rddreg [dreg:$0x1a]  }
0x56: {  	[sflag:s12] =	ssyncadd.s32 $0xFFFFF800;
	s8 =	sshrl.u32 s21, $0x3;
	s21 =	rddreg [dreg:$0x10]  }
0x57: {  	[hbm:s21], [sflag:s2] =	dma.local [spmem:s8], $0x10  }
0x58: {  	_ =	swait.ge [sflag:s12], $0x10  }
0x59: {  	[sflag:s12] =	ssyncset.done $0x0;
	s21 =	rddreg [dreg:$0x1b]  }
0x5a: {  	[sflag:s12] =	ssyncadd.s32 $0xFFFFFFF0;
	s8 =	sshrl.u32 s21, $0x3;
	s21 =	rddreg [dreg:$0xc]  }
0x5b: {  	[hbm:s21], [sflag:s2] =	dma.local [spmem:s8], $0x800  }
0x5c: {  	_ =	swait.ge [sflag:s12], $0x800  }
0x5d: {  	[sflag:s12] =	ssyncset.done $0x0;
	s21 =	rddreg [dreg:$0x1c]  }
0x5e: {  	[sflag:s12] =	ssyncadd.s32 $0xFFFFF800;
	s8 =	sshrl.u32 s21, $0x3;
	s21 =	rddreg [dreg:$0x11]  }
0x5f: {  	[hbm:s21], [sflag:s2] =	dma.local [spmem:s8], $0x10  }
0x60: {  	_ =	swait.ge [sflag:s12], $0x10  }
0x61: {  	s21 =	sld [smem:$0x7FC]  }
0x62: {  	s29 =	rddreg [dreg:$0x7]  }
0x63: {  	s29 =	sadd.s32 $0x1, s29  }
0x64: {  	p1 =	sne.s32 s29, s21  }
.Ltmp1:
0x65: {  	_ = 	snop;
	(pc) =	sbr.rel @!p1 .LBB2_11-.Ltmp1, $3  }
0x66: {  	_ =	sdelay $0x1  }
0x67: {  	[sflag:s12] =	ssyncset.done $0x0  }
0x68: {  	[sflag:s12] =	ssyncadd.s32 $0xFFFFFFF0  }
.LBB2_1:
0x69: {  	s2 =	rddreg [dreg:$0x12]  }
0x6a: {  	s8 =	simm.s32 $0x147F0;
	s21 =	sld [smem:$0x7FD]  }
0x6b: {  	[tilespmem:s8], [sflag:$0x1] =	stream.strided.gather [hbm4b:s2+s6], $0x200, s7, s6, $0x38;
	[tilespmem:$0x1D0F0] =	vst v63  }
0x6c: {  	[dreg:$0x7] =	wrdreg s29;
	s29 =	simm.s32 $0x200;
	s2 =	simm.s32 $0x0  }
0x6d: {  	[tilespmem:s22], [sflag:$0x2] =	stream.strided.gather [hbm4b:s21+s6], $0x200, s7, s6, $0x38;
	[tilespmem:$0x1D0F0] =	vst v63  }
.LBB2_2:
0x6e: {  	p1 =	sne.s32 s29, $0xFE00;
	[tilespmem:s2+$0x15160] =	vst v0  }
0x6f: {  	[tilespmem:s2+$0x150F0] =	vst v0  }
0x70: {  	[tilespmem:s2+$0x15100] =	vst v0  }
.Ltmp2:
0x71: {  	[tilespmem:s2+$0x15110] =	vst v0;
	(pc) =	sbr.rel @p1 .LBB2_2-.Ltmp2, $4  }
0x72: {  	[tilespmem:s2+$0x15120] =	vst v0  }
0x73: {  	[tilespmem:s2+$0x15130] =	vst v0  }
0x74: {  	[tilespmem:s2+$0x15140] =	vst v0  }
0x75: {  	[tilespmem:s2+$0x15150] =	vst v0;
	s2 =	sshra.s32 s29, $0x2;
	s29 =	sadd.s32 $0x200, s29  }
0x76: {  	[tilespmem:s2+$0x15160] =	vst v0  }
0x77: {  	[tilespmem:s2+$0x150F0] =	vst v0  }
0x78: {  	[tilespmem:s2+$0x15100] =	vst v0  }
0x79: {  	[tilespmem:s2+$0x15110] =	vst v0  }
0x7a: {  	[tilespmem:s2+$0x15120] =	vst v0  }
0x7b: {  	[tilespmem:s2+$0x15130] =	vst v0  }
0x7c: {  	[tilespmem:s2+$0x15140] =	vst v0  }
0x7d: {  	[tilespmem:s2+$0x15150] =	vst v0  }
0x7e: {  	[tilespmem:$0x14DF0] =	vst v0  }
0x7f: {  	[tilespmem:$0x14E00] =	vst v0  }
0x80: {  	[tilespmem:$0x14E10] =	vst v0  }
0x81: {  	[tilespmem:$0x14E20] =	vst v0  }
0x82: {  	[tilespmem:$0x14E30] =	vst v0  }
0x83: {  	[tilespmem:$0x14E40] =	vst v0  }
0x84: {  	[tilespmem:$0x14E50] =	vst v0  }
0x85: {  	[tilespmem:$0x14E60] =	vst v0  }
0x86: {  	[spmem:s30] =	stream.linear.scatter [tilespmem:s10], [sflag:$0x9], $0x4000, $0x38;
	[tilespmem:$0x1D0F0] =	vst v63  }
0x87: {  	_ =	swait.ge [sflag:s12], $0x4000  }
0x88: {  	[sflag:s12] =	ssyncset.done $0x0  }
0x89: {  	[sflag:s12] =	ssyncadd.s32 $0xFFFFC000  }
0x8a: {  	[spmem:s31] =	stream.linear.scatter [tilespmem:s15], [sflag:$0x9], $0x80, $0x38;
	[tilespmem:$0x1D0F0] =	vst v63  }
0x8b: {  	_ =	swait.ge [sflag:s12], $0x80  }
0x8c: {  	[sflag:s12] =	ssyncset.done $0x0  }
0x8d: {  	s22 =	rddreg [dreg:$0x15];
	[sflag:s12] =	ssyncadd.s32 $0xFFFFFF80  }
0x8e: {  	[spmem:s22] =	stream.linear.scatter [tilespmem:s10], [sflag:$0x9], $0x4000, $0x38;
	[tilespmem:$0x1D0F0] =	vst v63  }
0x8f: {  	_ =	swait.ge [sflag:s12], $0x4000  }
0x90: {  	[sflag:s12] =	ssyncset.done $0x0  }
0x91: {  	s29 =	rddreg [dreg:$0x16];
	[sflag:s12] =	ssyncadd.s32 $0xFFFFC000  }
0x92: {  	[spmem:s29] =	stream.linear.scatter [tilespmem:s15], [sflag:$0x9], $0x80, $0x38;
	[tilespmem:$0x1D0F0] =	vst v63  }
0x93: {  	_ =	swait.ge [sflag:s12], $0x80  }
0x94: {  	[sflag:s12] =	ssyncset.done $0x0  }
0x95: {  	s31 =	rddreg [dreg:$0x17];
	[sflag:s12] =	ssyncadd.s32 $0xFFFFFF80  }
0x96: {  	[spmem:s31] =	stream.linear.scatter [tilespmem:s10], [sflag:$0x9], $0x4000, $0x38;
	[tilespmem:$0x1D0F0] =	vst v63  }
0x97: {  	_ =	swait.ge [sflag:s12], $0x4000  }
0x98: {  	[sflag:s12] =	ssyncset.done $0x0  }
0x99: {  	s8 =	rddreg [dreg:$0x18];
	[sflag:s12] =	ssyncadd.s32 $0xFFFFC000  }
0x9a: {  	[spmem:s8] =	stream.linear.scatter [tilespmem:s15], [sflag:$0x9], $0x80, $0x38;
	[tilespmem:$0x1D0F0] =	vst v63  }
0x9b: {  	_ =	swait.ge [sflag:s12], $0x80  }
0x9c: {  	[sflag:s12] =	ssyncset.done $0x0  }
0x9d: {  	s21 =	rddreg [dreg:$0x19];
	[sflag:s12] =	ssyncadd.s32 $0xFFFFFF80  }
0x9e: {  	[spmem:s21] =	stream.linear.scatter [tilespmem:s10], [sflag:$0x9], $0x4000, $0x38;
	[tilespmem:$0x1D0F0] =	vst v63  }
0x9f: {  	_ =	swait.ge [sflag:s12], $0x4000  }
0xa0: {  	[sflag:s12] =	ssyncset.done $0x0  }
0xa1: {  	s22 =	rddreg [dreg:$0x1a];
	[sflag:s12] =	ssyncadd.s32 $0xFFFFC000  }
0xa2: {  	[spmem:s22] =	stream.linear.scatter [tilespmem:s15], [sflag:$0x9], $0x80, $0x38;
	[tilespmem:$0x1D0F0] =	vst v63  }
0xa3: {  	_ =	swait.ge [sflag:s12], $0x80  }
0xa4: {  	[sflag:s12] =	ssyncset.done $0x0  }
0xa5: {  	s29 =	rddreg [dreg:$0x1b];
	[sflag:s12] =	ssyncadd.s32 $0xFFFFFF80  }
0xa6: {  	[spmem:s29] =	stream.linear.scatter [tilespmem:s10], [sflag:$0x9], $0x4000, $0x38;
	[tilespmem:$0x1D0F0] =	vst v63  }
0xa7: {  	_ =	swait.ge [sflag:s12], $0x4000  }
0xa8: {  	[sflag:s12] =	ssyncset.done $0x0  }
0xa9: {  	s31 =	rddreg [dreg:$0x1c];
	[sflag:s12] =	ssyncadd.s32 $0xFFFFC000  }
0xaa: {  	[spmem:s31] =	stream.linear.scatter [tilespmem:s15], [sflag:$0x9], $0x80, $0x38;
	[tilespmem:$0x1D0F0] =	vst v63  }
0xab: {  	s2 =	sshrl.u32 @!p0 s14, $0x3;
	s30 =	simm.s32 @!p0 $0x10;
	_ =	swait.ge [sflag:s12], $0x80  }
0xac: {  	s8 =	simm.s32 @!p0 $0x1C09;
	s29 =	simm.s32 @!p0 $0x1;
	[sflag:s12] =	ssyncset.done $0x0  }
0xad: {  	s31 =	simm.s32 @!p0 $0x20;
	s21 =	rddreg [dreg:$0x1d];
	[sflag:s12] =	ssyncadd.s32 $0xFFFFFF80  }
0xae: {  	[spmem:s2@s30], [sflag:s8] =	dma.strided @!p0 [hbm:s21@s31], $0x4F0, s29, $0x10   }
0xaf: {  	s2 =	simm.s32 @!p0 $0x9  }
0xb0: {  	_ =	swait.ge @!p0 [sflag:s2], $0x4F0  }
0xb1: {  	[sflag:s2] =	ssyncset.done @!p0 $0x0  }
0xb2: {  	s21 =	sshrl.u32 @!p0 s16, $0x3;
	s22 =	rddreg [dreg:$0x1f];
	[sflag:s2] =	ssyncadd.s32 @!p0 $0xFFFFFB10  }
0xb3: {  	[spmem:s21@s30], [sflag:s8] =	dma.strided @!p0 [hbm:s22@s31], $0x4F0, s29, $0x10   }
0xb4: {  	_ =	swait.ge @!p0 [sflag:s2], $0x4F0  }
0xb5: {  	[sflag:s2] =	ssyncset.done @!p0 $0x0  }
0xb6: {  	s30 =	simm.s32 $0x0;
	s8 =	rddreg [dreg:$0x1e];
	[sflag:s2] =	ssyncadd.s32 @!p0 $0xFFFFFB10  }
0xb7: {  	[tilespmem:s17], [sflag:$0x9] =	stream.linear.gather [hbm4b:s8+s30], $0x80, $0x38;
	[tilespmem:$0x1D0F0] =	vst v63  }
0xb8: {  	_ =	swait.ge [sflag:s12], $0x80  }
0xb9: {  	[sflag:s12] =	ssyncset.done $0x0  }
0xba: {  	s21 =	simm.s32 $0x1;
	[sflag:s12] =	ssyncadd.s32 $0xFFFFFF80  }
0xbb: {  	_ =	swait.ge [sflag:s21], $0x200  }
0xbc: {  	[sflag:s21] =	ssyncset.done $0x0  }
0xbd: {  	[sflag:s21] =	ssyncadd.s32 $0xFFFFFE00  }
0xbe: {  	v1 =	vld [tilespmem:$0x147F0]  }
0xbf: {  	v2 =	vld [tilespmem:$0x14870]  }
0xc0: {  	v3 =	vld [tilespmem:$0x14800]  }
0xc1: {  	v4 =	vld [tilespmem:$0x14880]  }
0xc2: {  	v5 =	vld [tilespmem:$0x14810]  }
0xc3: {  	[tilespmem:$0x14BF0] =	vst v1;
	v1 =	vld [tilespmem:$0x14890]  }
0xc4: {  	v60 =	vld [tilespmem:$0x14830];
	[tilespmem:$0x14CF0] =	vst v2  }
0xc5: {  	v61 =	vld [tilespmem:$0x148B0];
	[tilespmem:$0x14C00] =	vst v3  }
0xc6: {  	v2 =	vld [tilespmem:$0x14820];
	[tilespmem:$0x14D00] =	vst v4  }
0xc7: {  	v3 =	vld [tilespmem:$0x148A0];
	[tilespmem:$0x14C10] =	vst v5  }
0xc8: {  	[tilespmem:$0x14D10] =	vst v1;
	v1 =	vld [tilespmem:$0x14840]  }
0xc9: {  	v62 =	vld [tilespmem:$0x148D0];
	[tilespmem:$0x14C30] =	vst v60  }
0xca: {  	v63 =	vld [tilespmem:$0x14860];
	[tilespmem:$0x14D30] =	vst v61  }
0xcb: {  	[tilespmem:$0x14C20] =	vst v2;
	v2 =	vld [tilespmem:$0x148C0]  }
0xcc: {  	[tilespmem:$0x14D20] =	vst v3;
	v3 =	vld [tilespmem:$0x14850]  }
0xcd: {  	[tilespmem:$0x14C40] =	vst v1;
	v1 =	vld [tilespmem:$0x148E0]  }
0xce: {  	[tilespmem:$0x14D50] =	vst v62  }
0xcf: {  	[tilespmem:$0x14C60] =	vst v63  }
0xd0: {  	[tilespmem:$0x14D40] =	vst v2  }
0xd1: {  	[tilespmem:$0x14C50] =	vst v3  }
0xd2: {  	s22 =	simm.s32 $0x14BF0;
	[tilespmem:$0x14D60] =	vst v1  }
0xd3: {  	[tilespmem:s10], [sflag:$0x3] =	stream.indirect.gather [hbm4b:s0+s6], $0x80, s22, s6, $0xb8;
	[tilespmem:$0x1D0F0] =	vst v63  }
0xd4: {  	s29 =	simm.s32 $0x14EF0;
	[bflag:$0x0] =	sbarrier.arrive $0xFFFF  }
0xd5: {  	[tilespmem:s29], [sflag:$0x5] =	stream.indirect.gather [spmem:s14], $0x1, s1, s6, $0xb8;
	[tilespmem:$0x1D0F0] =	vst v63  }
0xd6: {  	s31 =	simm.s32 $0x14FF0  }
0xd7: {  	[tilespmem:s31], [sflag:$0x5] =	stream.indirect.gather [spmem:s16], $0x1, s22, s6, $0xb8;
	[tilespmem:$0x1D0F0] =	vst v63  }
0xd8: {  	s22 =	simm.s32 $0x149F0  }
.LBB2_4:
0xd9: {  	_ =	swait.ge [sflag:s3], $0x80  }
0xda: {  	[sflag:s3] =	ssyncset.done $0x0  }
0xdb: {  	[sflag:s3] =	ssyncadd.s32 $0xFFFFFF80  }
0xdc: {  	_ =	swait.ge [sflag:s3], $0x80  }
0xdd: {  	[sflag:s3] =	ssyncset.done $0x0  }
0xde: {  	[sflag:s3] =	ssyncadd.s32 $0xFFFFFF80  }
0xdf: {  	v1 =	vld [tilespmem:$0x148F0];
	_ =	sdelay $0x4  }
0xe0: {  	vm0 =	vgt.s32 v1, $0x0  }
0xe1: {  	v1 =	vnsel vm0, $0x0, v1  }
0xe2: {  	v1 =	vmin.u32 v1, $0xF;
	_ =	sdelay $0x1  }
0xe3: {  	v2 =	vld [tilespmem:$0x14EF0]  }
0xe4: {  	v3 =	vld [tilespmem:$0x14FF0];
	_ =	sdelay $0x1  }
0xe5: {  	v1 =	vld.idx.msk [tilespmem:v1+s17+$0x0], $0xffff;
	_ =	sdelay $0x2  }
0xe6: {  	v2 =	vadd.f32 v3, v2;
	_ =	sdelay $0x1  }
0xe7: {  	v1 =	vadd.f32 v2, v1;
	_ =	sdelay $0x1  }
0xe8: {  	v2 =	vmul.f32 $2.000000030e-01, v1;
	_ =	sdelay $0x1  }
0xe9: {  	v1 =	vmax.f32 v1, v2  }
0xea: {  	v1 =	vmul.f32 $1.442695020e+00, v1;
	_ =	sdelay $0x1  }
0xeb: {  	(erf) = vpow2.f32 v1  }
0xec: {  	v1 =	vld [tilespmem:$0x14900];
	_ =	sdelay $0x3  }
0xed: {  	v2 =	vld [tilespmem:$0x14970]  }
0xee: {  	vm9 =	vgt.s32 v1, $0x0  }
0xef: {  	v1 =	vnsel vm9, $0x0, v1  }
0xf0: {  	v1 =	vmin.u32 v1, $0xF  }
0xf1: {  	v3 =	vpop (erf)  }
0xf2: {  	v4 =	vld [tilespmem:$0x15000];
	v2 =	vmul.f32 v3, v2  }
0xf3: {  	v3 =	vld [tilespmem:$0x14F00]  }
0xf4: {  	[tilespmem:$0x14DF0] =	vst v2  }
0xf5: {  	v1 =	vld.idx.msk [tilespmem:v1+s17+$0x0], $0xffff;
	_ =	sdelay $0x2  }
0xf6: {  	v2 =	vadd.f32 v4, v3;
	_ =	sdelay $0x1  }
0xf7: {  	v1 =	vadd.f32 v2, v1;
	_ =	sdelay $0x1  }
0xf8: {  	v2 =	vmul.f32 $2.000000030e-01, v1;
	_ =	sdelay $0x1  }
0xf9: {  	v1 =	vmax.f32 v1, v2  }
0xfa: {  	v1 =	vmul.f32 $1.442695020e+00, v1;
	_ =	sdelay $0x1  }
0xfb: {  	(erf) = vpow2.f32 v1  }
0xfc: {  	v1 =	vld [tilespmem:$0x14910];
	_ =	sdelay $0x3  }
0xfd: {  	v2 =	vld [tilespmem:$0x14980]  }
0xfe: {  	vm10 =	vgt.s32 v1, $0x0  }
0xff: {  	v1 =	vnsel vm10, $0x0, v1  }
0x100: {  	v1 =	vmin.u32 v1, $0xF  }
0x101: {  	v3 =	vpop (erf)  }
0x102: {  	v10 =	vld [tilespmem:$0x15010];
	v2 =	vmul.f32 v3, v2  }
0x103: {  	v3 =	vld [tilespmem:$0x14F10]  }
0x104: {  	[tilespmem:$0x14E00] =	vst v2  }
0x105: {  	v1 =	vld.idx.msk [tilespmem:v1+s17+$0x0], $0xffff;
	_ =	sdelay $0x2  }
0x106: {  	v2 =	vadd.f32 v10, v3;
	_ =	sdelay $0x1  }
0x107: {  	v1 =	vadd.f32 v2, v1;
	_ =	sdelay $0x1  }
0x108: {  	v2 =	vmul.f32 $2.000000030e-01, v1;
	_ =	sdelay $0x1  }
0x109: {  	v1 =	vmax.f32 v1, v2  }
0x10a: {  	v1 =	vmul.f32 $1.442695020e+00, v1;
	_ =	sdelay $0x1  }
0x10b: {  	(erf) = vpow2.f32 v1  }
0x10c: {  	v1 =	vld [tilespmem:$0x14920];
	_ =	sdelay $0x3  }
0x10d: {  	v2 =	vld [tilespmem:$0x14990]  }
0x10e: {  	vm11 =	vgt.s32 v1, $0x0  }
0x10f: {  	v1 =	vnsel vm11, $0x0, v1  }
0x110: {  	v1 =	vmin.u32 v1, $0xF  }
0x111: {  	v3 =	vpop (erf)  }
0x112: {  	v11 =	vld [tilespmem:$0x15020];
	v2 =	vmul.f32 v3, v2  }
0x113: {  	v3 =	vld [tilespmem:$0x14F20]  }
0x114: {  	[tilespmem:$0x14E10] =	vst v2  }
0x115: {  	v1 =	vld.idx.msk [tilespmem:v1+s17+$0x0], $0xffff;
	_ =	sdelay $0x2  }
0x116: {  	v2 =	vadd.f32 v11, v3;
	_ =	sdelay $0x1  }
0x117: {  	v1 =	vadd.f32 v2, v1;
	_ =	sdelay $0x1  }
0x118: {  	v2 =	vmul.f32 $2.000000030e-01, v1;
	_ =	sdelay $0x1  }
0x119: {  	v1 =	vmax.f32 v1, v2  }
0x11a: {  	v1 =	vmul.f32 $1.442695020e+00, v1;
	_ =	sdelay $0x1  }
0x11b: {  	(erf) = vpow2.f32 v1  }
0x11c: {  	v1 =	vld [tilespmem:$0x14930];
	_ =	sdelay $0x3  }
0x11d: {  	v2 =	vld [tilespmem:$0x149A0]  }
0x11e: {  	vm12 =	vgt.s32 v1, $0x0  }
0x11f: {  	v1 =	vnsel vm12, $0x0, v1  }
0x120: {  	v1 =	vmin.u32 v1, $0xF  }
0x121: {  	v3 =	vpop (erf)  }
0x122: {  	v12 =	vld [tilespmem:$0x15030];
	v2 =	vmul.f32 v3, v2  }
0x123: {  	v3 =	vld [tilespmem:$0x14F30]  }
0x124: {  	[tilespmem:$0x14E20] =	vst v2  }
0x125: {  	v1 =	vld.idx.msk [tilespmem:v1+s17+$0x0], $0xffff;
	_ =	sdelay $0x2  }
0x126: {  	v2 =	vadd.f32 v12, v3;
	_ =	sdelay $0x1  }
0x127: {  	v1 =	vadd.f32 v2, v1;
	_ =	sdelay $0x1  }
0x128: {  	v2 =	vmul.f32 $2.000000030e-01, v1;
	_ =	sdelay $0x1  }
0x129: {  	v1 =	vmax.f32 v1, v2  }
0x12a: {  	v1 =	vmul.f32 $1.442695020e+00, v1;
	_ =	sdelay $0x1  }
0x12b: {  	(erf) = vpow2.f32 v1  }
0x12c: {  	v1 =	vld [tilespmem:$0x14940];
	_ =	sdelay $0x3  }
0x12d: {  	v2 =	vld [tilespmem:$0x149B0]  }
0x12e: {  	vm13 =	vgt.s32 v1, $0x0  }
0x12f: {  	v1 =	vnsel vm13, $0x0, v1  }
0x130: {  	v1 =	vmin.u32 v1, $0xF  }
0x131: {  	v3 =	vpop (erf)  }
0x132: {  	v13 =	vld [tilespmem:$0x15040];
	v2 =	vmul.f32 v3, v2  }
0x133: {  	v3 =	vld [tilespmem:$0x14F40]  }
0x134: {  	[tilespmem:$0x14E30] =	vst v2  }
0x135: {  	v1 =	vld.idx.msk [tilespmem:v1+s17+$0x0], $0xffff;
	_ =	sdelay $0x2  }
0x136: {  	v2 =	vadd.f32 v13, v3;
	_ =	sdelay $0x1  }
0x137: {  	v1 =	vadd.f32 v2, v1;
	_ =	sdelay $0x1  }
0x138: {  	v2 =	vmul.f32 $2.000000030e-01, v1;
	_ =	sdelay $0x1  }
0x139: {  	v1 =	vmax.f32 v1, v2  }
0x13a: {  	v1 =	vmul.f32 $1.442695020e+00, v1;
	_ =	sdelay $0x1  }
0x13b: {  	(erf) = vpow2.f32 v1  }
0x13c: {  	v1 =	vld [tilespmem:$0x14950];
	_ =	sdelay $0x3  }
0x13d: {  	v2 =	vld [tilespmem:$0x149C0]  }
0x13e: {  	vm14 =	vgt.s32 v1, $0x0  }
0x13f: {  	v1 =	vnsel vm14, $0x0, v1  }
0x140: {  	v1 =	vmin.u32 v1, $0xF  }
0x141: {  	v3 =	vpop (erf)  }
0x142: {  	v14 =	vld [tilespmem:$0x15050];
	v2 =	vmul.f32 v3, v2  }
0x143: {  	v3 =	vld [tilespmem:$0x14F50]  }
0x144: {  	[tilespmem:$0x14E40] =	vst v2  }
0x145: {  	v1 =	vld.idx.msk [tilespmem:v1+s17+$0x0], $0xffff;
	_ =	sdelay $0x2  }
0x146: {  	v2 =	vadd.f32 v14, v3;
	_ =	sdelay $0x1  }
0x147: {  	v1 =	vadd.f32 v2, v1;
	_ =	sdelay $0x1  }
0x148: {  	v2 =	vmul.f32 $2.000000030e-01, v1;
	_ =	sdelay $0x1  }
0x149: {  	v1 =	vmax.f32 v1, v2  }
0x14a: {  	v1 =	vmul.f32 $1.442695020e+00, v1;
	_ =	sdelay $0x1  }
0x14b: {  	(erf) = vpow2.f32 v1  }
0x14c: {  	v1 =	vld [tilespmem:$0x14960];
	_ =	sdelay $0x3  }
0x14d: {  	v2 =	vld [tilespmem:$0x149D0]  }
0x14e: {  	vm15 =	vgt.s32 v1, $0x0  }
0x14f: {  	v1 =	vnsel vm15, $0x0, v1  }
0x150: {  	v1 =	vmin.u32 v1, $0xF  }
0x151: {  	v3 =	vpop (erf)  }
0x152: {  	v15 =	vld [tilespmem:$0x15060];
	v2 =	vmul.f32 v3, v2  }
0x153: {  	v3 =	vld [tilespmem:$0x14F60]  }
0x154: {  	[tilespmem:$0x14E50] =	vst v2  }
0x155: {  	v1 =	vld.idx.msk [tilespmem:v1+s17+$0x0], $0xffff;
	_ =	sdelay $0x2  }
0x156: {  	v2 =	vadd.f32 v15, v3;
	_ =	sdelay $0x1  }
0x157: {  	v1 =	vadd.f32 v2, v1;
	_ =	sdelay $0x1  }
0x158: {  	v2 =	vmul.f32 $2.000000030e-01, v1;
	_ =	sdelay $0x1  }
0x159: {  	v1 =	vmax.f32 v1, v2  }
0x15a: {  	v1 =	vmul.f32 $1.442695020e+00, v1;
	_ =	sdelay $0x1  }
0x15b: {  	(erf) = vpow2.f32 v1;
	_ =	sdelay $0x4  }
0x15c: {  	v1 =	vld [tilespmem:$0x149E0];
	_ =	sdelay $0x3  }
0x15d: {  	v2 =	vpop (erf)  }
0x15e: {  	v1 =	vmul.f32 v2, v1  }
0x15f: {  	p1 =	seq.s32 s30, $0x0  }
0x160: {  	s2 =	simm.s32 @!p1 $0x8;
	[tilespmem:$0x14E60] =	vst v1  }
0x161: {  	_ =	swait.ge @!p1 [sflag:s2], $0x4000  }
0x162: {  	[sflag:s2] =	ssyncset.done @!p1 $0x0  }
0x163: {  	[sflag:s2] =	ssyncadd.s32 @!p1 $0xFFFFC000  }
0x164: {  	_ =	swait.ge @!p1 [sflag:s2], $0x80  }
0x165: {  	[sflag:s2] =	ssyncset.done @!p1 $0x0  }
0x166: {  	[sflag:s2] =	ssyncadd.s32 @!p1 $0xFFFFFF80  }
0x167: {  	_ =	swait.ge [sflag:s4], $0x200  }
0x168: {  	[sflag:s4] =	ssyncset.done $0x0  }
0x169: {  	[sflag:s4] =	ssyncadd.s32 $0xFFFFFE00  }
0x16a: {  	v1 =	vld [tilespmem:$0x149F0]  }
0x16b: {  	v2 =	vld [tilespmem:$0x14A70]  }
0x16c: {  	v3 =	vld [tilespmem:$0x14A00]  }
0x16d: {  	v16 =	vld [tilespmem:$0x14A80]  }
0x16e: {  	v5 =	vld [tilespmem:$0x14A10]  }
0x16f: {  	[tilespmem:$0x14C70] =	vst v1;
	v1 =	vld [tilespmem:$0x14A90]  }
0x170: {  	v17 =	vld [tilespmem:$0x14A30];
	[tilespmem:$0x14D70] =	vst v2  }
0x171: {  	v18 =	vld [tilespmem:$0x14AB0];
	[tilespmem:$0x14C80] =	vst v3  }
0x172: {  	v2 =	vld [tilespmem:$0x14A20];
	[tilespmem:$0x14D80] =	vst v16  }
0x173: {  	v3 =	vld [tilespmem:$0x14AA0];
	[tilespmem:$0x14C90] =	vst v5  }
0x174: {  	[tilespmem:$0x14D90] =	vst v1;
	v1 =	vld [tilespmem:$0x14A40]  }
0x175: {  	v19 =	vld [tilespmem:$0x14AD0];
	[tilespmem:$0x14CB0] =	vst v17  }
0x176: {  	v20 =	vld [tilespmem:$0x14A60];
	[tilespmem:$0x14DB0] =	vst v18  }
0x177: {  	[tilespmem:$0x14CA0] =	vst v2;
	v2 =	vld [tilespmem:$0x14AC0]  }
0x178: {  	[tilespmem:$0x14DA0] =	vst v3;
	v3 =	vld [tilespmem:$0x14A50]  }
0x179: {  	[tilespmem:$0x14CC0] =	vst v1;
	v1 =	vld [tilespmem:$0x14AE0]  }
0x17a: {  	[tilespmem:$0x14DD0] =	vst v19  }
0x17b: {  	[tilespmem:$0x14CE0] =	vst v20  }
0x17c: {  	[tilespmem:$0x14DC0] =	vst v2  }
0x17d: {  	[tilespmem:$0x14CD0] =	vst v3  }
0x17e: {  	[tilespmem:$0x14DE0] =	vst v1  }
0x17f: {  	[tilespmem:s20], [sflag:$0x4] =	stream.indirect.gather [hbm4b:s0+s6], $0x80, s5, s6, $0xb8;
	[tilespmem:$0x1D0F0] =	vst v63  }
0x180: {  	s21 =	simm.s32 $0x14F70  }
0x181: {  	[tilespmem:s21], [sflag:$0x6] =	stream.indirect.gather [spmem:s14], $0x1, s13, s6, $0xb8;
	[tilespmem:$0x1D0F0] =	vst v63  }
0x182: {  	s8 =	simm.s32 $0x15070  }
0x183: {  	[tilespmem:s8], [sflag:$0x6] =	stream.indirect.gather [spmem:s16], $0x1, s5, s6, $0xb8;
	[tilespmem:$0x1D0F0] =	vst v63  }
0x184: {  	_ =	swait.ge [sflag:s23], $0x4000  }
0x185: {  	s21 =	simm.s32 $0x0;
	[sflag:s23] =	ssyncset.done $0x0  }
0x186: {  	s2 =	sand.u32 $0x3FFFFFF0, s21;
	[sflag:s23] =	ssyncadd.s32 $0xFFFFC000  }
0x187: {  	s8 =	simm.s32 $0x0;
	v1 =	vld [tilespmem:s2+$0x14DF0]  }
0x188: {  	s29 =	sand.u32 $0x3FFFF800, s8  }
0x189: {  	v3 =	vld [tilespmem:s29+$0x15110]  }
0x18a: {  	v21 =	vld [tilespmem:s29+$0x15120]  }
0x18b: {  	v10 =	vld [tilespmem:s29+$0x15150]  }
0x18c: {  	v11 =	vld [tilespmem:s29+$0x15160];
	v2 =	vbroadcast v1, $0x0  }
0x18d: {  	v12 =	vld [tilespmem:s29+$0x15170]  }
0x18e: {  	v13 =	vld [tilespmem:s29+$0x15180];
	v3 =	vmul.f32 v3, v2  }
0x18f: {  	v14 =	vld [tilespmem:s29+$0x15190];
	v4 =	vmul.f32 v21, v2  }
0x190: {  	v9 =	vld [tilespmem:s29+$0x151A0];
	v23 =	vbroadcast v1, $0x1;
	v22 =	vmul.f32 v10, v2;
	[tilespmem:s29+$0x15110] =	vst v3  }
0x191: {  	v7 =	vld [tilespmem:s29+$0x151B0];
	v11 =	vmul.f32 v11, v2;
	[tilespmem:s29+$0x15120] =	vst v4  }
0x192: {  	v8 =	vld [tilespmem:s29+$0x151C0];
	v12 =	vmul.f32 v12, v23;
	[tilespmem:s29+$0x15150] =	vst v22  }
0x193: {  	v25 =	vld [tilespmem:s29+$0x151E0];
	v13 =	vmul.f32 v13, v23;
	[tilespmem:s29+$0x15160] =	vst v11  }
0x194: {  	v26 =	vld [tilespmem:s29+$0x151F0];
	v14 =	vmul.f32 v14, v23;
	[tilespmem:s29+$0x15170] =	vst v12  }
0x195: {  	v27 =	vld [tilespmem:s29+$0x15200];
	v9 =	vmul.f32 v9, v23;
	[tilespmem:s29+$0x15180] =	vst v13  }
0x196: {  	v6 =	vld [tilespmem:s29+$0x15660];
	v7 =	vmul.f32 v7, v23;
	[tilespmem:s29+$0x15190] =	vst v14  }
0x197: {  	v24 =	vld [tilespmem:s29+$0x151D0];
	v15 =	vbroadcast v1, $0x2;
	v8 =	vmul.f32 v8, v23;
	[tilespmem:s29+$0x151A0] =	vst v9  }
0x198: {  	v28 =	vld [tilespmem:s29+$0x15210];
	v10 =	vmul.f32 v25, v23;
	[tilespmem:s29+$0x151B0] =	vst v7  }
0x199: {  	v29 =	vld [tilespmem:s29+$0x15220];
	v5 =	vbroadcast v1, $0xA;
	v32 =	vmul.f32 v26, v15;
	[tilespmem:s29+$0x151C0] =	vst v8  }
0x19a: {  	v30 =	vld [tilespmem:s29+$0x15230];
	v34 =	vmul.f32 v27, v15;
	[tilespmem:s29+$0x151E0] =	vst v10  }
0x19b: {  	v33 =	vld [tilespmem:s29+$0x15250];
	v3 =	vmul.f32 v6, v5;
	[tilespmem:s29+$0x151F0] =	vst v32  }
0x19c: {  	v35 =	vld [tilespmem:s29+$0x15260];
	v11 =	vmul.f32 v24, v23;
	[tilespmem:s29+$0x15200] =	vst v34  }
0x19d: {  	v36 =	vld [tilespmem:s29+$0x15270];
	v9 =	vmul.f32 v28, v15;
	[tilespmem:s29+$0x15660] =	vst v3  }
0x19e: {  	v31 =	vld [tilespmem:s29+$0x15240];
	v7 =	vmul.f32 v29, v15;
	[tilespmem:s29+$0x151D0] =	vst v11  }
0x19f: {  	v37 =	vld [tilespmem:s29+$0x15280];
	v8 =	vmul.f32 v30, v15;
	[tilespmem:s29+$0x15210] =	vst v9  }
0x1a0: {  	v38 =	vld [tilespmem:s29+$0x15290];
	v41 =	vbroadcast v1, $0x3;
	v10 =	vmul.f32 v33, v15;
	[tilespmem:s29+$0x15220] =	vst v7  }
0x1a1: {  	v39 =	vld [tilespmem:s29+$0x152A0];
	v12 =	vmul.f32 v35, v15;
	[tilespmem:s29+$0x15230] =	vst v8  }
0x1a2: {  	v42 =	vld [tilespmem:s29+$0x152C0];
	v13 =	vmul.f32 v36, v41;
	[tilespmem:s29+$0x15250] =	vst v10  }
0x1a3: {  	v43 =	vld [tilespmem:s29+$0x152D0];
	v11 =	vmul.f32 v31, v15;
	[tilespmem:s29+$0x15260] =	vst v12  }
0x1a4: {  	v44 =	vld [tilespmem:s29+$0x152E0];
	v9 =	vmul.f32 v37, v41;
	[tilespmem:s29+$0x15270] =	vst v13  }
0x1a5: {  	v40 =	vld [tilespmem:s29+$0x152B0];
	v7 =	vmul.f32 v38, v41;
	[tilespmem:s29+$0x15240] =	vst v11  }
0x1a6: {  	v45 =	vld [tilespmem:s29+$0x152F0];
	v8 =	vmul.f32 v39, v41;
	[tilespmem:s29+$0x15280] =	vst v9  }
0x1a7: {  	v46 =	vld [tilespmem:s29+$0x15300];
	v10 =	vmul.f32 v42, v41;
	[tilespmem:s29+$0x15290] =	vst v7  }
0x1a8: {  	v47 =	vld [tilespmem:s29+$0x15310];
	v12 =	vmul.f32 v43, v41;
	[tilespmem:s29+$0x152A0] =	vst v8  }
0x1a9: {  	v49 =	vld [tilespmem:s29+$0x15330];
	v50 =	vbroadcast v1, $0x4;
	v13 =	vmul.f32 v44, v41;
	[tilespmem:s29+$0x152C0] =	vst v10  }
0x1aa: {  	v51 =	vld [tilespmem:s29+$0x15340];
	v11 =	vmul.f32 v40, v41;
	[tilespmem:s29+$0x152D0] =	vst v12  }
0x1ab: {  	v52 =	vld [tilespmem:s29+$0x15350];
	v9 =	vmul.f32 v45, v50;
	[tilespmem:s29+$0x152E0] =	vst v13  }
0x1ac: {  	v48 =	vld [tilespmem:s29+$0x15320];
	v7 =	vmul.f32 v46, v50;
	[tilespmem:s29+$0x152B0] =	vst v11  }
0x1ad: {  	v53 =	vld [tilespmem:s29+$0x15360];
	v8 =	vmul.f32 v47, v50;
	[tilespmem:s29+$0x152F0] =	vst v9  }
0x1ae: {  	v54 =	vld [tilespmem:s29+$0x15370];
	v10 =	vmul.f32 v49, v50;
	[tilespmem:s29+$0x15300] =	vst v7  }
0x1af: {  	v55 =	vld [tilespmem:s29+$0x15380];
	v12 =	vmul.f32 v51, v50;
	[tilespmem:s29+$0x15310] =	vst v8  }
0x1b0: {  	v57 =	vld [tilespmem:s29+$0x153A0];
	v13 =	vmul.f32 v52, v50;
	[tilespmem:s29+$0x15330] =	vst v10  }
0x1b1: {  	v58 =	vld [tilespmem:s29+$0x153B0];
	v59 =	vbroadcast v1, $0x5;
	v11 =	vmul.f32 v48, v50;
	[tilespmem:s29+$0x15340] =	vst v12  }
0x1b2: {  	v60 =	vld [tilespmem:s29+$0x153C0];
	v9 =	vmul.f32 v53, v50;
	[tilespmem:s29+$0x15350] =	vst v13  }
0x1b3: {  	v56 =	vld [tilespmem:s29+$0x15390];
	v7 =	vmul.f32 v54, v59;
	[tilespmem:s29+$0x15320] =	vst v11  }
0x1b4: {  	v61 =	vld [tilespmem:s29+$0x153D0];
	v8 =	vmul.f32 v55, v59;
	[tilespmem:s29+$0x15360] =	vst v9  }
0x1b5: {  	v62 =	vld [tilespmem:s29+$0x153E0];
	v10 =	vmul.f32 v57, v59;
	[tilespmem:s29+$0x15370] =	vst v7  }
0x1b6: {  	v63 =	vld [tilespmem:s29+$0x153F0];
	v12 =	vmul.f32 v58, v59;
	[tilespmem:s29+$0x15380] =	vst v8  }
0x1b7: {  	v19 =	vld [tilespmem:s29+$0x15410];
	v13 =	vmul.f32 v60, v59;
	[tilespmem:s29+$0x153A0] =	vst v10  }
0x1b8: {  	v20 =	vld [tilespmem:s29+$0x15420];
	v11 =	vmul.f32 v56, v59;
	[tilespmem:s29+$0x153B0] =	vst v12  }
0x1b9: {  	v21 =	vld [tilespmem:s29+$0x15430];
	v22 =	vbroadcast v1, $0x6;
	v9 =	vmul.f32 v61, v59;
	[tilespmem:s29+$0x153C0] =	vst v13  }
0x1ba: {  	v18 =	vld [tilespmem:s29+$0x15400];
	v7 =	vmul.f32 v62, v59;
	[tilespmem:s29+$0x15390] =	vst v11  }
0x1bb: {  	v23 =	vld [tilespmem:s29+$0x15440];
	v8 =	vmul.f32 v63, v22;
	[tilespmem:s29+$0x153D0] =	vst v9  }
0x1bc: {  	v24 =	vld [tilespmem:s29+$0x15450];
	v10 =	vmul.f32 v19, v22;
	[tilespmem:s29+$0x153E0] =	vst v7  }
0x1bd: {  	v25 =	vld [tilespmem:s29+$0x15460];
	v12 =	vmul.f32 v20, v22;
	[tilespmem:s29+$0x153F0] =	vst v8  }
0x1be: {  	v27 =	vld [tilespmem:s29+$0x15480];
	v13 =	vmul.f32 v21, v22;
	[tilespmem:s29+$0x15410] =	vst v10  }
0x1bf: {  	v28 =	vld [tilespmem:s29+$0x15490];
	v11 =	vmul.f32 v18, v22;
	[tilespmem:s29+$0x15420] =	vst v12  }
0x1c0: {  	v29 =	vld [tilespmem:s29+$0x154A0];
	v9 =	vmul.f32 v23, v22;
	[tilespmem:s29+$0x15430] =	vst v13  }
0x1c1: {  	v31 =	vbroadcast v1, $0x7;
	v53 =	vld [tilespmem:s29+$0x155F0];
	v7 =	vmul.f32 v24, v22;
	[tilespmem:s29+$0x15400] =	vst v11  }
0x1c2: {  	v57 =	vld [tilespmem:s29+$0x15630];
	v8 =	vmul.f32 v25, v22;
	[tilespmem:s29+$0x15440] =	vst v9  }
0x1c3: {  	v58 =	vld [tilespmem:s29+$0x15640];
	v10 =	vmul.f32 v27, v31;
	[tilespmem:s29+$0x15450] =	vst v7  }
0x1c4: {  	v26 =	vld [tilespmem:s29+$0x15470];
	v12 =	vmul.f32 v28, v31;
	[tilespmem:s29+$0x15460] =	vst v8  }
0x1c5: {  	v30 =	vld [tilespmem:s29+$0x154B0];
	v13 =	vmul.f32 v29, v31;
	[tilespmem:s29+$0x15480] =	vst v10  }
0x1c6: {  	v32 =	vld [tilespmem:s29+$0x154C0];
	v59 =	vmul.f32 v53, v5;
	[tilespmem:s29+$0x15490] =	vst v12  }
0x1c7: {  	v33 =	vld [tilespmem:s29+$0x154D0];
	v18 =	vmul.f32 v57, v5;
	[tilespmem:s29+$0x154A0] =	vst v13  }
0x1c8: {  	v35 =	vld [tilespmem:s29+$0x154F0];
	v20 =	vmul.f32 v58, v5;
	[tilespmem:s29+$0x155F0] =	vst v59  }
0x1c9: {  	v36 =	vld [tilespmem:s29+$0x15500];
	v11 =	vmul.f32 v26, v31;
	[tilespmem:s29+$0x15630] =	vst v18  }
0x1ca: {  	v37 =	vld [tilespmem:s29+$0x15510];
	v9 =	vmul.f32 v30, v31;
	[tilespmem:s29+$0x15640] =	vst v20  }
0x1cb: {  	v4 =	vld [tilespmem:s29+$0x15670];
	v40 =	vbroadcast v1, $0x8;
	v7 =	vmul.f32 v32, v31;
	[tilespmem:s29+$0x15470] =	vst v11  }
0x1cc: {  	v6 =	vld [tilespmem:s29+$0x15680];
	v8 =	vmul.f32 v33, v31;
	[tilespmem:s29+$0x154B0] =	vst v9  }
0x1cd: {  	v3 =	vld [tilespmem:s29+$0x158C0];
	v10 =	vmul.f32 v35, v40;
	[tilespmem:s29+$0x154C0] =	vst v7  }
0x1ce: {  	v61 =	vld [tilespmem:s29+$0x150F0];
	v23 =	vbroadcast v1, $0xB;
	v12 =	vmul.f32 v36, v40;
	[tilespmem:s29+$0x154D0] =	vst v8  }
0x1cf: {  	v34 =	vld [tilespmem:s29+$0x154E0];
	v13 =	vmul.f32 v37, v40;
	[tilespmem:s29+$0x154F0] =	vst v10  }
0x1d0: {  	v38 =	vld [tilespmem:s29+$0x15520];
	v27 =	vbroadcast v1, $0xF;
	v4 =	vmul.f32 v4, v23;
	[tilespmem:s29+$0x15500] =	vst v12  }
0x1d1: {  	v39 =	vld [tilespmem:s29+$0x15530];
	v6 =	vmul.f32 v6, v23;
	[tilespmem:s29+$0x15510] =	vst v13  }
0x1d2: {  	v41 =	vld [tilespmem:s29+$0x15540];
	v3 =	vmul.f32 v3, v27;
	[tilespmem:s29+$0x15670] =	vst v4  }
0x1d3: {  	v43 =	vld [tilespmem:s29+$0x15560];
	v24 =	vmul.f32 v2, v61;
	[tilespmem:s29+$0x15680] =	vst v6  }
0x1d4: {  	v44 =	vld [tilespmem:s29+$0x15570];
	v11 =	vmul.f32 v34, v31;
	[tilespmem:s29+$0x158C0] =	vst v3  }
0x1d5: {  	v45 =	vld [tilespmem:s29+$0x15580];
	v9 =	vmul.f32 v38, v40;
	[tilespmem:s29+$0x150F0] =	vst v24  }
0x1d6: {  	v63 =	vld [tilespmem:s29+$0x15130];
	v7 =	vmul.f32 v39, v40;
	[tilespmem:s29+$0x154E0] =	vst v11  }
0x1d7: {  	v49 =	vbroadcast v1, $0x9;
	v29 =	vld [tilespmem:s29+$0x156E0];
	v8 =	vmul.f32 v41, v40;
	[tilespmem:s29+$0x15520] =	vst v9  }
0x1d8: {  	v42 =	vld [tilespmem:s29+$0x15550];
	v10 =	vmul.f32 v43, v40;
	[tilespmem:s29+$0x15530] =	vst v7  }
0x1d9: {  	v46 =	vld [tilespmem:s29+$0x15590];
	v12 =	vmul.f32 v44, v49;
	[tilespmem:s29+$0x15540] =	vst v8  }
0x1da: {  	v47 =	vld [tilespmem:s29+$0x155A0];
	v13 =	vmul.f32 v45, v49;
	[tilespmem:s29+$0x15560] =	vst v10  }
0x1db: {  	v48 =	vld [tilespmem:s29+$0x155B0];
	v3 =	vmul.f32 v63, v2;
	[tilespmem:s29+$0x15570] =	vst v12  }
0x1dc: {  	v51 =	vld [tilespmem:s29+$0x155D0];
	v6 =	vmul.f32 v29, v23;
	[tilespmem:s29+$0x15580] =	vst v13  }
0x1dd: {  	v52 =	vld [tilespmem:s29+$0x155E0];
	v11 =	vmul.f32 v42, v40;
	[tilespmem:s29+$0x15130] =	vst v3  }
0x1de: {  	v28 =	vld [tilespmem:s29+$0x156D0];
	v9 =	vmul.f32 v46, v49;
	[tilespmem:s29+$0x156E0] =	vst v6  }
0x1df: {  	v26 =	vld [tilespmem:s29+$0x156C0];
	v7 =	vmul.f32 v47, v49;
	[tilespmem:s29+$0x15550] =	vst v11  }
0x1e0: {  	v30 =	vld [tilespmem:s29+$0x156F0];
	v8 =	vmul.f32 v48, v49;
	[tilespmem:s29+$0x15590] =	vst v9  }
0x1e1: {  	v50 =	vld [tilespmem:s29+$0x155C0];
	v10 =	vmul.f32 v51, v49;
	[tilespmem:s29+$0x155A0] =	vst v7  }
0x1e2: {  	v54 =	vld [tilespmem:s29+$0x15600];
	v12 =	vmul.f32 v52, v49;
	[tilespmem:s29+$0x155B0] =	vst v8  }
0x1e3: {  	v55 =	vld [tilespmem:s29+$0x15610];
	v35 =	vbroadcast v1, $0xC;
	v40 =	vmul.f32 v28, v23;
	[tilespmem:s29+$0x155D0] =	vst v10  }
0x1e4: {  	v56 =	vld [tilespmem:s29+$0x15620];
	v32 =	vmul.f32 v26, v23;
	[tilespmem:s29+$0x155E0] =	vst v12  }
0x1e5: {  	v60 =	vld [tilespmem:s29+$0x15650];
	v15 =	vmul.f32 v30, v35;
	[tilespmem:s29+$0x156D0] =	vst v40  }
0x1e6: {  	v62 =	vld [tilespmem:s29+$0x15100];
	v11 =	vmul.f32 v50, v49;
	[tilespmem:s29+$0x156C0] =	vst v32  }
0x1e7: {  	v19 =	vld [tilespmem:s29+$0x15140];
	v9 =	vmul.f32 v54, v5;
	[tilespmem:s29+$0x156F0] =	vst v15  }
0x1e8: {  	v33 =	vld [tilespmem:s29+$0x15720];
	v7 =	vmul.f32 v55, v5;
	[tilespmem:s29+$0x155C0] =	vst v11  }
0x1e9: {  	v61 =	vld [tilespmem:s29+$0x158E0];
	v8 =	vmul.f32 v56, v5;
	[tilespmem:s29+$0x15600] =	vst v9  }
0x1ea: {  	v38 =	vld [tilespmem:s29+$0x15760];
	v5 =	vmul.f32 v60, v5;
	[tilespmem:s29+$0x15610] =	vst v7  }
0x1eb: {  	v21 =	vld [tilespmem:s29+$0x15690];
	v12 =	vmul.f32 v62, v2;
	[tilespmem:s29+$0x15620] =	vst v8  }
0x1ec: {  	v22 =	vld [tilespmem:s29+$0x156A0];
	v2 =	vmul.f32 v19, v2;
	[tilespmem:s29+$0x15650] =	vst v5  }
0x1ed: {  	v25 =	vld [tilespmem:s29+$0x156B0];
	v62 =	vmul.f32 v33, v35;
	[tilespmem:s29+$0x15100] =	vst v12  }
0x1ee: {  	v31 =	vld [tilespmem:s29+$0x15700];
	v63 =	vmul.f32 v61, v27;
	[tilespmem:s29+$0x15140] =	vst v2  }
0x1ef: {  	v34 =	vld [tilespmem:s29+$0x15730];
	v15 =	vmul.f32 v38, v35;
	[tilespmem:s29+$0x15720] =	vst v62  }
0x1f0: {  	v41 =	vld [tilespmem:s29+$0x15790];
	v7 =	vmul.f32 v21, v23;
	[tilespmem:s29+$0x158E0] =	vst v63  }
0x1f1: {  	v46 =	vld [tilespmem:s29+$0x157D0];
	v8 =	vmul.f32 v22, v23;
	[tilespmem:s29+$0x15760] =	vst v15  }
0x1f2: {  	v36 =	vld [tilespmem:s29+$0x15740];
	v5 =	vmul.f32 v25, v23;
	[tilespmem:s29+$0x15690] =	vst v7  }
0x1f3: {  	v44 =	vbroadcast v1, $0xD;
	v9 =	vmul.f32 v31, v35;
	v2 =	vld [tilespmem:s29+$0x15780];
	[tilespmem:s29+$0x156A0] =	vst v8  }
0x1f4: {  	v37 =	vld [tilespmem:s29+$0x15750];
	v12 =	vmul.f32 v34, v35;
	[tilespmem:s29+$0x156B0] =	vst v5  }
0x1f5: {  	v39 =	vld [tilespmem:s29+$0x15770];
	v11 =	vmul.f32 v41, v44;
	[tilespmem:s29+$0x15700] =	vst v9  }
0x1f6: {  	v42 =	vld [tilespmem:s29+$0x157A0];
	v51 =	vmul.f32 v46, v44;
	[tilespmem:s29+$0x15730] =	vst v12  }
0x1f7: {  	v48 =	vld [tilespmem:s29+$0x15800];
	v8 =	vmul.f32 v36, v35;
	[tilespmem:s29+$0x15790] =	vst v11  }
0x1f8: {  	v49 =	vld [tilespmem:s29+$0x15810];
	[tilespmem:s29+$0x157D0] =	vst v51;
	v2 =	vmul.f32 v2, v44  }
0x1f9: {  	v50 =	vld [tilespmem:s29+$0x15820];
	v5 =	vmul.f32 v37, v35;
	[tilespmem:s29+$0x15740] =	vst v8  }
0x1fa: {  	v1 =	vbroadcast v1, $0xE;
	v9 =	vmul.f32 v39, v44;
	[tilespmem:s29+$0x15780] =	vst v2;
	v2 =	vld [tilespmem:s29+$0x157F0]  }
0x1fb: {  	v60 =	vld [tilespmem:s29+$0x158D0];
	v12 =	vmul.f32 v42, v44;
	[tilespmem:s29+$0x15750] =	vst v5  }
0x1fc: {  	v45 =	vld [tilespmem:s29+$0x157C0];
	v11 =	vmul.f32 v48, v1;
	[tilespmem:s29+$0x15770] =	vst v9  }
0x1fd: {  	v47 =	vld [tilespmem:s29+$0x157E0];
	v10 =	vmul.f32 v49, v1;
	[tilespmem:s29+$0x157A0] =	vst v12  }
0x1fe: {  	v43 =	vld [tilespmem:s29+$0x157B0];
	v6 =	vmul.f32 v50, v1;
	[tilespmem:s29+$0x15800] =	vst v11  }
0x1ff: {  	v55 =	vld [tilespmem:s29+$0x15870];
	[tilespmem:s29+$0x15810] =	vst v10;
	v2 =	vmul.f32 v2, v1  }
0x200: {  	v57 =	vld [tilespmem:s29+$0x15890];
	v4 =	vmul.f32 v60, v27;
	[tilespmem:s29+$0x15820] =	vst v6  }
0x201: {  	v5 =	vmul.f32 v45, v44;
	[tilespmem:s29+$0x157F0] =	vst v2;
	v2 =	vld [tilespmem:s29+$0x15860]  }
0x202: {  	v52 =	vld [tilespmem:s29+$0x15830];
	v9 =	vmul.f32 v47, v44;
	[tilespmem:s29+$0x158D0] =	vst v4  }
0x203: {  	v56 =	vld [tilespmem:s29+$0x15880];
	v8 =	vmul.f32 v43, v44;
	[tilespmem:s29+$0x157C0] =	vst v5  }
0x204: {  	v54 =	vld [tilespmem:s29+$0x15850];
	v11 =	vmul.f32 v55, v27;
	[tilespmem:s29+$0x157E0] =	vst v9  }
0x205: {  	v58 =	vld [tilespmem:s29+$0x158A0];
	v6 =	vmul.f32 v57, v27;
	[tilespmem:s29+$0x157B0] =	vst v8  }
0x206: {  	v53 =	vld [tilespmem:s29+$0x15840];
	[tilespmem:s29+$0x15870] =	vst v11;
	v2 =	vmul.f32 v2, v1  }
0x207: {  	v59 =	vld [tilespmem:s29+$0x158B0];
	v5 =	vmul.f32 v52, v1;
	[tilespmem:s29+$0x15890] =	vst v6  }
0x208: {  	[tilespmem:s29+$0x15860] =	vst v2;
	v2 =	vmul.f32 v56, v27  }
0x209: {  	v3 =	vld [tilespmem:s29+$0x15710];
	v9 =	vmul.f32 v54, v1;
	[tilespmem:s29+$0x15830] =	vst v5  }
0x20a: {  	[tilespmem:s29+$0x15880] =	vst v2;
	v2 =	vmul.f32 v58, v27  }
0x20b: {  	[tilespmem:s29+$0x15850] =	vst v9;
	v1 =	vmul.f32 v53, v1  }
0x20c: {  	[tilespmem:s29+$0x158A0] =	vst v2;
	v2 =	vmul.f32 v59, v27  }
0x20d: {  	[tilespmem:s29+$0x15840] =	vst v1  }
0x20e: {  	s31 =	sshll.u32 s30, $0x1;
	s2 =	simm.s32 $0x1;
	[tilespmem:s29+$0x158B0] =	vst v2;
	v2 =	vmul.f32 v3, v35  }
.LBB2_5:
0x20f: {  	s8 =	sshll.u32 s2, $0x4  }
0x210: {  	p1 =	sne.s32 s2, $0x7;
	[tilespmem:s29+$0x15710] =	vst v2;
	s21 =	smov.u32 s2;
	s2 =	sadd.s32 $0x1, s2  }
0x211: {  	s8 =	sand.u32 $0x3FFFFFF0, s8  }
0x212: {  	v1 =	vld [tilespmem:s8+$0x14DF0];
	s8 =	sshll.u32 s21, $0xB  }
0x213: {  	s29 =	sand.u32 $0x3FFFF800, s8  }
0x214: {  	v8 =	vld [tilespmem:s29+$0x151B0]  }
0x215: {  	v9 =	vld [tilespmem:s29+$0x151C0]  }
0x216: {  	v10 =	vld [tilespmem:s29+$0x151A0]  }
0x217: {  	v2 =	vbroadcast v1, $0x0;
	v3 =	vld [tilespmem:s29+$0x15110];
	v7 =	vbroadcast v1, $0x4  }
0x218: {  	v5 =	vld [tilespmem:s29+$0x15120]  }
0x219: {  	v6 =	vld [tilespmem:s29+$0x15660]  }
0x21a: {  	v11 =	vld [tilespmem:s29+$0x15150]  }
0x21b: {  	v12 =	vld [tilespmem:s29+$0x15160]  }
0x21c: {  	v4 =	vbroadcast v1, $0xA;
	v3 =	vmul.f32 v3, v2;
	v13 =	vld [tilespmem:s29+$0x15170]  }
0x21d: {  	v5 =	vmul.f32 v5, v2;
	v14 =	vld [tilespmem:s29+$0x15180]  }
0x21e: {  	[tilespmem:s29+$0x15110] =	vst v3;
	v15 =	vld [tilespmem:s29+$0x15190];
	v3 =	vmul.f32 v6, v4  }
0x21f: {  	[tilespmem:s29+$0x15120] =	vst v5;
	v6 =	vmul.f32 v11, v2;
	v11 =	vbroadcast v1, $0x1;
	v5 =	vld [tilespmem:s29+$0x15670]  }
0x220: {  	v12 =	vmul.f32 v12, v2;
	[tilespmem:s29+$0x15660] =	vst v3;
	v3 =	vld [tilespmem:s29+$0x158C0]  }
0x221: {  	[tilespmem:s29+$0x15150] =	vst v6;
	v13 =	vmul.f32 v13, v11;
	v6 =	vld [tilespmem:s29+$0x15680]  }
0x222: {  	[tilespmem:s29+$0x15160] =	vst v12;
	v12 =	vmul.f32 v14, v11;
	v14 =	vld [tilespmem:s29+$0x151D0]  }
0x223: {  	[tilespmem:s29+$0x15170] =	vst v13;
	v13 =	vmul.f32 v15, v11;
	v15 =	vld [tilespmem:s29+$0x151E0]  }
0x224: {  	v10 =	vmul.f32 v10, v11;
	[tilespmem:s29+$0x15180] =	vst v12;
	v12 =	vld [tilespmem:s29+$0x151F0]  }
0x225: {  	v8 =	vmul.f32 v8, v11;
	[tilespmem:s29+$0x15190] =	vst v13;
	v13 =	vld [tilespmem:s29+$0x15200]  }
0x226: {  	v9 =	vmul.f32 v9, v11;
	[tilespmem:s29+$0x151A0] =	vst v10;
	v10 =	vld [tilespmem:s29+$0x15210]  }
0x227: {  	[tilespmem:s29+$0x151B0] =	vst v8;
	v8 =	vmul.f32 v14, v11;
	v14 =	vbroadcast v1, $0x2;
	v16 =	vld [tilespmem:s29+$0x15220]  }
0x228: {  	[tilespmem:s29+$0x151C0] =	vst v9;
	v9 =	vmul.f32 v15, v11;
	v11 =	vld [tilespmem:s29+$0x15230]  }
0x229: {  	[tilespmem:s29+$0x151D0] =	vst v8;
	v8 =	vmul.f32 v12, v14;
	v12 =	vld [tilespmem:s29+$0x15240]  }
0x22a: {  	[tilespmem:s29+$0x151E0] =	vst v9;
	v9 =	vmul.f32 v13, v14;
	v13 =	vld [tilespmem:s29+$0x15250]  }
0x22b: {  	[tilespmem:s29+$0x151F0] =	vst v8;
	v8 =	vmul.f32 v10, v14;
	v10 =	vld [tilespmem:s29+$0x15260]  }
0x22c: {  	[tilespmem:s29+$0x15200] =	vst v9;
	v9 =	vmul.f32 v16, v14;
	v15 =	vld [tilespmem:s29+$0x15270]  }
0x22d: {  	[tilespmem:s29+$0x15210] =	vst v8;
	v8 =	vmul.f32 v11, v14;
	v11 =	vld [tilespmem:s29+$0x15280]  }
0x22e: {  	[tilespmem:s29+$0x15220] =	vst v9;
	v9 =	vmul.f32 v12, v14;
	v12 =	vld [tilespmem:s29+$0x15290]  }
0x22f: {  	[tilespmem:s29+$0x15230] =	vst v8;
	v8 =	vmul.f32 v13, v14;
	v13 =	vbroadcast v1, $0x3;
	v16 =	vld [tilespmem:s29+$0x152A0]  }
0x230: {  	[tilespmem:s29+$0x15240] =	vst v9;
	v9 =	vmul.f32 v10, v14;
	v10 =	vld [tilespmem:s29+$0x152B0]  }
0x231: {  	[tilespmem:s29+$0x15250] =	vst v8;
	v8 =	vmul.f32 v15, v13;
	v14 =	vld [tilespmem:s29+$0x152C0]  }
0x232: {  	[tilespmem:s29+$0x15260] =	vst v9;
	v9 =	vmul.f32 v11, v13;
	v11 =	vld [tilespmem:s29+$0x152D0]  }
0x233: {  	[tilespmem:s29+$0x15270] =	vst v8;
	v8 =	vmul.f32 v12, v13;
	v12 =	vld [tilespmem:s29+$0x152E0]  }
0x234: {  	[tilespmem:s29+$0x15280] =	vst v9;
	v9 =	vmul.f32 v16, v13;
	v15 =	vld [tilespmem:s29+$0x152F0]  }
0x235: {  	[tilespmem:s29+$0x15290] =	vst v8;
	v8 =	vmul.f32 v10, v13;
	v10 =	vld [tilespmem:s29+$0x15300]  }
0x236: {  	[tilespmem:s29+$0x152A0] =	vst v9;
	v9 =	vmul.f32 v14, v13;
	v14 =	vld [tilespmem:s29+$0x15310]  }
0x237: {  	[tilespmem:s29+$0x152B0] =	vst v8;
	v8 =	vmul.f32 v11, v13;
	v11 =	vld [tilespmem:s29+$0x15320]  }
0x238: {  	[tilespmem:s29+$0x152C0] =	vst v9;
	v9 =	vmul.f32 v12, v13;
	v12 =	vld [tilespmem:s29+$0x15330]  }
0x239: {  	[tilespmem:s29+$0x152D0] =	vst v8;
	v8 =	vmul.f32 v15, v7;
	v13 =	vld [tilespmem:s29+$0x15340]  }
0x23a: {  	[tilespmem:s29+$0x152E0] =	vst v9;
	v9 =	vmul.f32 v10, v7;
	v10 =	vld [tilespmem:s29+$0x15350]  }
0x23b: {  	[tilespmem:s29+$0x152F0] =	vst v8;
	v8 =	vmul.f32 v14, v7;
	v14 =	vld [tilespmem:s29+$0x15360]  }
0x23c: {  	[tilespmem:s29+$0x15300] =	vst v9;
	v9 =	vmul.f32 v11, v7;
	v11 =	vld [tilespmem:s29+$0x15370]  }
0x23d: {  	[tilespmem:s29+$0x15310] =	vst v8;
	v8 =	vmul.f32 v12, v7;
	v12 =	vld [tilespmem:s29+$0x15380]  }
0x23e: {  	[tilespmem:s29+$0x15320] =	vst v9;
	v9 =	vmul.f32 v13, v7;
	v13 =	vld [tilespmem:s29+$0x15390]  }
0x23f: {  	[tilespmem:s29+$0x15330] =	vst v8;
	v8 =	vmul.f32 v10, v7;
	v10 =	vbroadcast v1, $0x5;
	v15 =	vld [tilespmem:s29+$0x153A0]  }
0x240: {  	[tilespmem:s29+$0x15340] =	vst v9;
	v7 =	vmul.f32 v14, v7;
	v9 =	vld [tilespmem:s29+$0x153B0]  }
0x241: {  	[tilespmem:s29+$0x15350] =	vst v8;
	v8 =	vmul.f32 v11, v10;
	v11 =	vld [tilespmem:s29+$0x153C0]  }
0x242: {  	[tilespmem:s29+$0x15360] =	vst v7;
	v7 =	vmul.f32 v12, v10;
	v12 =	vld [tilespmem:s29+$0x153D0]  }
0x243: {  	[tilespmem:s29+$0x15370] =	vst v8;
	v8 =	vmul.f32 v13, v10;
	v13 =	vld [tilespmem:s29+$0x153E0]  }
0x244: {  	[tilespmem:s29+$0x15380] =	vst v7;
	v7 =	vmul.f32 v15, v10;
	v14 =	vld [tilespmem:s29+$0x153F0]  }
0x245: {  	[tilespmem:s29+$0x15390] =	vst v8;
	v8 =	vmul.f32 v9, v10;
	v9 =	vld [tilespmem:s29+$0x15400]  }
0x246: {  	[tilespmem:s29+$0x153A0] =	vst v7;
	v7 =	vmul.f32 v11, v10;
	v11 =	vld [tilespmem:s29+$0x15410]  }
0x247: {  	[tilespmem:s29+$0x153B0] =	vst v8;
	v8 =	vmul.f32 v12, v10;
	v12 =	vbroadcast v1, $0x6;
	v15 =	vld [tilespmem:s29+$0x15420]  }
0x248: {  	[tilespmem:s29+$0x153C0] =	vst v7;
	v7 =	vmul.f32 v13, v10;
	v10 =	vld [tilespmem:s29+$0x15430]  }
0x249: {  	[tilespmem:s29+$0x153D0] =	vst v8;
	v8 =	vmul.f32 v14, v12;
	v13 =	vld [tilespmem:s29+$0x15440]  }
0x24a: {  	[tilespmem:s29+$0x153E0] =	vst v7;
	v7 =	vmul.f32 v9, v12;
	v9 =	vld [tilespmem:s29+$0x15450]  }
0x24b: {  	[tilespmem:s29+$0x153F0] =	vst v8;
	v8 =	vmul.f32 v11, v12;
	v11 =	vld [tilespmem:s29+$0x15460]  }
0x24c: {  	[tilespmem:s29+$0x15400] =	vst v7;
	v7 =	vmul.f32 v15, v12;
	v14 =	vld [tilespmem:s29+$0x15470]  }
0x24d: {  	[tilespmem:s29+$0x15410] =	vst v8;
	v8 =	vmul.f32 v10, v12;
	v10 =	vld [tilespmem:s29+$0x15480]  }
0x24e: {  	[tilespmem:s29+$0x15420] =	vst v7;
	v7 =	vmul.f32 v13, v12;
	v13 =	vld [tilespmem:s29+$0x15490]  }
0x24f: {  	[tilespmem:s29+$0x15430] =	vst v8;
	v8 =	vmul.f32 v9, v12;
	v9 =	vbroadcast v1, $0x7;
	v15 =	vld [tilespmem:s29+$0x154A0]  }
0x250: {  	[tilespmem:s29+$0x15440] =	vst v7;
	v7 =	vmul.f32 v11, v12;
	v11 =	vld [tilespmem:s29+$0x154B0]  }
0x251: {  	[tilespmem:s29+$0x15450] =	vst v8;
	v8 =	vmul.f32 v14, v9;
	v12 =	vld [tilespmem:s29+$0x154C0]  }
0x252: {  	[tilespmem:s29+$0x15460] =	vst v7;
	v7 =	vmul.f32 v10, v9;
	v10 =	vld [tilespmem:s29+$0x154D0]  }
0x253: {  	[tilespmem:s29+$0x15470] =	vst v8;
	v8 =	vmul.f32 v13, v9;
	v13 =	vld [tilespmem:s29+$0x154E0]  }
0x254: {  	[tilespmem:s29+$0x15480] =	vst v7;
	v7 =	vmul.f32 v15, v9;
	v14 =	vld [tilespmem:s29+$0x154F0]  }
0x255: {  	[tilespmem:s29+$0x15490] =	vst v8;
	v8 =	vmul.f32 v11, v9;
	v11 =	vld [tilespmem:s29+$0x15500]  }
0x256: {  	[tilespmem:s29+$0x154A0] =	vst v7;
	v7 =	vmul.f32 v12, v9;
	v12 =	vld [tilespmem:s29+$0x15510]  }
0x257: {  	[tilespmem:s29+$0x154B0] =	vst v8;
	v8 =	vmul.f32 v10, v9;
	v10 =	vbroadcast v1, $0x8;
	v15 =	vld [tilespmem:s29+$0x15520]  }
0x258: {  	[tilespmem:s29+$0x154C0] =	vst v7;
	v7 =	vmul.f32 v13, v9;
	v9 =	vld [tilespmem:s29+$0x15530]  }
0x259: {  	[tilespmem:s29+$0x154D0] =	vst v8;
	v8 =	vmul.f32 v14, v10;
	v13 =	vld [tilespmem:s29+$0x15540]  }
0x25a: {  	[tilespmem:s29+$0x154E0] =	vst v7;
	v7 =	vmul.f32 v11, v10;
	v11 =	vld [tilespmem:s29+$0x15550]  }
0x25b: {  	[tilespmem:s29+$0x154F0] =	vst v8;
	v8 =	vmul.f32 v12, v10;
	v12 =	vld [tilespmem:s29+$0x15560]  }
0x25c: {  	[tilespmem:s29+$0x15500] =	vst v7;
	v7 =	vmul.f32 v15, v10;
	v14 =	vld [tilespmem:s29+$0x15570]  }
0x25d: {  	[tilespmem:s29+$0x15510] =	vst v8;
	v8 =	vmul.f32 v9, v10;
	v9 =	vld [tilespmem:s29+$0x15580]  }
0x25e: {  	[tilespmem:s29+$0x15520] =	vst v7;
	v7 =	vmul.f32 v13, v10;
	v13 =	vld [tilespmem:s29+$0x15590]  }
0x25f: {  	[tilespmem:s29+$0x15530] =	vst v8;
	v8 =	vmul.f32 v11, v10;
	v11 =	vbroadcast v1, $0x9;
	v15 =	vld [tilespmem:s29+$0x155A0]  }
0x260: {  	[tilespmem:s29+$0x15540] =	vst v7;
	v7 =	vmul.f32 v12, v10;
	v10 =	vld [tilespmem:s29+$0x155B0]  }
0x261: {  	[tilespmem:s29+$0x15550] =	vst v8;
	v8 =	vmul.f32 v14, v11;
	v12 =	vld [tilespmem:s29+$0x155C0]  }
0x262: {  	[tilespmem:s29+$0x15560] =	vst v7;
	v7 =	vmul.f32 v9, v11;
	v9 =	vld [tilespmem:s29+$0x155D0]  }
0x263: {  	[tilespmem:s29+$0x15570] =	vst v8;
	v8 =	vmul.f32 v13, v11;
	v13 =	vld [tilespmem:s29+$0x155E0]  }
0x264: {  	[tilespmem:s29+$0x15580] =	vst v7;
	v7 =	vmul.f32 v15, v11;
	v14 =	vld [tilespmem:s29+$0x155F0]  }
0x265: {  	[tilespmem:s29+$0x15590] =	vst v8;
	v8 =	vmul.f32 v10, v11;
	v10 =	vld [tilespmem:s29+$0x15600]  }
0x266: {  	[tilespmem:s29+$0x155A0] =	vst v7;
	v7 =	vmul.f32 v12, v11;
	v12 =	vld [tilespmem:s29+$0x15610]  }
0x267: {  	[tilespmem:s29+$0x155B0] =	vst v8;
	v8 =	vmul.f32 v9, v11;
	v9 =	vld [tilespmem:s29+$0x15620]  }
0x268: {  	[tilespmem:s29+$0x155C0] =	vst v7;
	v7 =	vmul.f32 v13, v11;
	v11 =	vld [tilespmem:s29+$0x15630]  }
0x269: {  	[tilespmem:s29+$0x155D0] =	vst v8;
	v8 =	vmul.f32 v14, v4;
	v13 =	vld [tilespmem:s29+$0x15640]  }
0x26a: {  	[tilespmem:s29+$0x155E0] =	vst v7;
	v7 =	vmul.f32 v10, v4;
	v10 =	vld [tilespmem:s29+$0x15650]  }
0x26b: {  	v14 =	vld [tilespmem:s29+$0x150F0];
	[tilespmem:s29+$0x155F0] =	vst v8;
	v8 =	vmul.f32 v12, v4  }
0x26c: {  	v12 =	vld [tilespmem:s29+$0x15100];
	[tilespmem:s29+$0x15600] =	vst v7;
	v7 =	vmul.f32 v9, v4  }
0x26d: {  	v9 =	vld [tilespmem:s29+$0x15130];
	[tilespmem:s29+$0x15610] =	vst v8;
	v8 =	vmul.f32 v11, v4  }
0x26e: {  	v11 =	vld [tilespmem:s29+$0x15140];
	[tilespmem:s29+$0x15620] =	vst v7;
	v7 =	vmul.f32 v13, v4  }
0x26f: {  	[tilespmem:s29+$0x15630] =	vst v8;
	v8 =	vmul.f32 v10, v4;
	v10 =	vbroadcast v1, $0xB;
	v13 =	vld [tilespmem:s29+$0x15690]  }
0x270: {  	v4 =	vbroadcast v1, $0xF;
	v14 =	vmul.f32 v2, v14;
	[tilespmem:s29+$0x15640] =	vst v7;
	v7 =	vld [tilespmem:s29+$0x156A0]  }
0x271: {  	v12 =	vmul.f32 v12, v2;
	[tilespmem:s29+$0x15650] =	vst v8;
	v5 =	vmul.f32 v5, v10;
	v8 =	vld [tilespmem:s29+$0x156B0]  }
0x272: {  	v6 =	vmul.f32 v6, v10;
	[tilespmem:s29+$0x150F0] =	vst v14;
	v9 =	vmul.f32 v9, v2;
	v14 =	vld [tilespmem:s29+$0x156C0]  }
0x273: {  	v3 =	vmul.f32 v3, v4;
	v11 =	vmul.f32 v11, v2;
	[tilespmem:s29+$0x15670] =	vst v5;
	v2 =	vld [tilespmem:s29+$0x156D0]  }
0x274: {  	[tilespmem:s29+$0x15680] =	vst v6;
	v5 =	vmul.f32 v13, v10;
	v6 =	vld [tilespmem:s29+$0x156E0]  }
0x275: {  	v7 =	vmul.f32 v7, v10;
	v13 =	vld [tilespmem:s29+$0x156F0];
	[tilespmem:s29+$0x158C0] =	vst v3  }
0x276: {  	[tilespmem:s29+$0x15100] =	vst v12;
	v3 =	vmul.f32 v8, v10;
	v8 =	vld [tilespmem:s29+$0x15700]  }
0x277: {  	[tilespmem:s29+$0x15130] =	vst v9;
	v9 =	vmul.f32 v14, v10;
	v12 =	vld [tilespmem:s29+$0x15710]  }
0x278: {  	v14 =	vbroadcast v1, $0xC;
	[tilespmem:s29+$0x15690] =	vst v5;
	v5 =	vmul.f32 v2, v10;
	v15 =	vld [tilespmem:s29+$0x15720]  }
0x279: {  	[tilespmem:s29+$0x156C0] =	vst v9;
	v6 =	vmul.f32 v6, v10;
	v9 =	vld [tilespmem:s29+$0x15730]  }
0x27a: {  	[tilespmem:s29+$0x156A0] =	vst v7;
	v2 =	vmul.f32 v13, v14;
	v7 =	vld [tilespmem:s29+$0x15740]  }
0x27b: {  	[tilespmem:s29+$0x156B0] =	vst v3;
	v3 =	vmul.f32 v8, v14;
	v8 =	vld [tilespmem:s29+$0x15750]  }
0x27c: {  	[tilespmem:s29+$0x156F0] =	vst v2;
	v2 =	vmul.f32 v12, v14;
	v10 =	vld [tilespmem:s29+$0x15760]  }
0x27d: {  	[tilespmem:s29+$0x15700] =	vst v3;
	v3 =	vld [tilespmem:s29+$0x15770]  }
0x27e: {  	[tilespmem:s29+$0x15140] =	vst v11;
	v9 =	vmul.f32 v9, v14;
	v11 =	vld [tilespmem:s29+$0x15780]  }
0x27f: {  	[tilespmem:s29+$0x156D0] =	vst v5;
	v5 =	vmul.f32 v7, v14;
	v7 =	vld [tilespmem:s29+$0x15790]  }
0x280: {  	[tilespmem:s29+$0x15730] =	vst v9;
	v8 =	vmul.f32 v8, v14;
	v9 =	vbroadcast v1, $0xD;
	v12 =	vld [tilespmem:s29+$0x157A0]  }
0x281: {  	[tilespmem:s29+$0x15740] =	vst v5;
	v5 =	vmul.f32 v10, v14;
	v10 =	vld [tilespmem:s29+$0x157B0]  }
0x282: {  	[tilespmem:s29+$0x15750] =	vst v8;
	v3 =	vmul.f32 v3, v9;
	v8 =	vld [tilespmem:s29+$0x157C0]  }
0x283: {  	[tilespmem:s29+$0x15760] =	vst v5;
	v5 =	vmul.f32 v11, v9;
	v11 =	vld [tilespmem:s29+$0x157D0]  }
0x284: {  	[tilespmem:s29+$0x15770] =	vst v3;
	v3 =	vmul.f32 v7, v9;
	v7 =	vld [tilespmem:s29+$0x157E0]  }
0x285: {  	[tilespmem:s29+$0x15780] =	vst v5;
	v5 =	vmul.f32 v12, v9;
	v12 =	vld [tilespmem:s29+$0x157F0]  }
0x286: {  	[tilespmem:s29+$0x15790] =	vst v3;
	v3 =	vmul.f32 v10, v9;
	v10 =	vld [tilespmem:s29+$0x15800]  }
0x287: {  	[tilespmem:s29+$0x157A0] =	vst v5;
	v5 =	vmul.f32 v8, v9;
	v8 =	vld [tilespmem:s29+$0x15810]  }
0x288: {  	v1 =	vbroadcast v1, $0xE;
	[tilespmem:s29+$0x156E0] =	vst v6;
	v6 =	vmul.f32 v11, v9;
	v11 =	vld [tilespmem:s29+$0x15820]  }
0x289: {  	[tilespmem:s29+$0x157C0] =	vst v5;
	v5 =	vmul.f32 v7, v9;
	v7 =	vld [tilespmem:s29+$0x15830]  }
0x28a: {  	[tilespmem:s29+$0x157D0] =	vst v6;
	v6 =	vmul.f32 v12, v1;
	v9 =	vld [tilespmem:s29+$0x15840]  }
0x28b: {  	[tilespmem:s29+$0x157E0] =	vst v5;
	v5 =	vmul.f32 v10, v1;
	v10 =	vld [tilespmem:s29+$0x15850]  }
0x28c: {  	[tilespmem:s29+$0x157F0] =	vst v6;
	v6 =	vmul.f32 v8, v1;
	v8 =	vld [tilespmem:s29+$0x15860]  }
0x28d: {  	[tilespmem:s29+$0x15800] =	vst v5;
	v5 =	vmul.f32 v11, v1;
	v11 =	vld [tilespmem:s29+$0x15870]  }
0x28e: {  	[tilespmem:s29+$0x15810] =	vst v6;
	v6 =	vmul.f32 v7, v1;
	v7 =	vld [tilespmem:s29+$0x15880]  }
0x28f: {  	[tilespmem:s29+$0x15820] =	vst v5;
	v5 =	vmul.f32 v9, v1;
	v9 =	vld [tilespmem:s29+$0x15890]  }
0x290: {  	[tilespmem:s29+$0x15830] =	vst v6;
	v6 =	vmul.f32 v10, v1;
	v10 =	vld [tilespmem:s29+$0x158A0]  }
0x291: {  	[tilespmem:s29+$0x157B0] =	vst v3;
	v1 =	vmul.f32 v8, v1;
	v3 =	vld [tilespmem:s29+$0x158B0]  }
0x292: {  	[tilespmem:s29+$0x15850] =	vst v6;
	v6 =	vmul.f32 v11, v4;
	v8 =	vld [tilespmem:s29+$0x158D0]  }
0x293: {  	[tilespmem:s29+$0x15860] =	vst v1;
	v1 =	vmul.f32 v7, v4;
	v7 =	vld [tilespmem:s29+$0x158E0]  }
0x294: {  	[tilespmem:s29+$0x15870] =	vst v6;
	v6 =	vmul.f32 v9, v4  }
0x295: {  	[tilespmem:s29+$0x15880] =	vst v1;
	v1 =	vmul.f32 v10, v4  }
0x296: {  	v9 =	vmul.f32 v15, v14;
	[tilespmem:s29+$0x15890] =	vst v6  }
0x297: {  	[tilespmem:s29+$0x158A0] =	vst v1;
	v1 =	vmul.f32 v3, v4  }
.Ltmp3:
0x298: {  	[tilespmem:s29+$0x15720] =	vst v9;
	v3 =	vmul.f32 v7, v4;
	(pc) =	sbr.rel @p1 .LBB2_5-.Ltmp3, $4  }
0x299: {  	[tilespmem:s29+$0x158B0] =	vst v1  }
0x29a: {  	v1 =	vmul.f32 v8, v4;
	[tilespmem:s29+$0x158E0] =	vst v3  }
0x29b: {  	[tilespmem:s29+$0x15840] =	vst v5  }
0x29c: {  	[tilespmem:s29+$0x158D0] =	vst v1  }
0x29d: {  	[tilespmem:s29+$0x15710] =	vst v2;
	p1 =	seq.s32 s30, $0x27  }
0x29e: {  	[spmem:s9] =	stream.indirect.scatter.add.f32 [tilespmem:s10], [sflag:$0x7], $0x80, s1, s6, $0xb8;
	[tilespmem:$0x1D0F0] =	vst v63  }
0x29f: {  	s2 =	sadd.s32 @!p1 $0x2, s31  }
0x2a0: {  	s8 =	sadd.s32 @!p1 s19, s2;
	s2 =	sshll.u32 @!p1 s2, $0x4  }
0x2a1: {  	[spmem:s11] =	stream.indirect.scatter.add.f32 [tilespmem:s15], [sflag:$0x7], $0x1, s1, s6, $0xb8;
	[tilespmem:$0x1D0F0] =	vst v63  }
0x2a2: {  	s8 =	sshll.u32 @!p1 s8, $0x6;
	s2 =	sand.u32 @!p1 $0x60, s2  }
0x2a3: {  	s21 =	simm.s32 @!p1 $0x400;
	s8 =	sand.u32 @!p1 $0xFFFFE00, s8;
	s2 =	sadd.s32 @!p1 s18, s2  }
0x2a4: {  	s29 =	simm.s32 @!p1 $0x147F0;
	s8 =	sadd.s32 @!p1 s8, s2;
	s2 =	simm.s32 @!p1 $0x80  }
0x2a5: {  	[tilespmem:s29], [sflag:$0x1] =	stream.strided.gather @!p1 [hbm4b:s8+s2], $0x200, s21, s2, $0x38;
	[tilespmem:$0x1D0F0] =	vst v63  }
0x2a6: {  	_ =	swait.ge [sflag:s24], $0x80  }
0x2a7: {  	[sflag:s24] =	ssyncset.done $0x0  }
0x2a8: {  	[sflag:s24] =	ssyncadd.s32 $0xFFFFFF80  }
0x2a9: {  	_ =	swait.ge [sflag:s24], $0x80  }
0x2aa: {  	[sflag:s24] =	ssyncset.done $0x0  }
0x2ab: {  	[sflag:s24] =	ssyncadd.s32 $0xFFFFFF80  }
0x2ac: {  	v1 =	vld [tilespmem:$0x14AF0];
	_ =	sdelay $0x4  }
0x2ad: {  	vm0 =	vgt.s32 v1, $0x0  }
0x2ae: {  	v1 =	vnsel vm0, $0x0, v1  }
0x2af: {  	v1 =	vmin.u32 v1, $0xF;
	_ =	sdelay $0x1  }
0x2b0: {  	v2 =	vld [tilespmem:$0x14F70]  }
0x2b1: {  	v3 =	vld [tilespmem:$0x15070];
	_ =	sdelay $0x1  }
0x2b2: {  	v1 =	vld.idx.msk [tilespmem:v1+s17+$0x0], $0xffff;
	_ =	sdelay $0x2  }
0x2b3: {  	v2 =	vadd.f32 v3, v2;
	_ =	sdelay $0x1  }
0x2b4: {  	v1 =	vadd.f32 v2, v1;
	_ =	sdelay $0x1  }
0x2b5: {  	v2 =	vmul.f32 $2.000000030e-01, v1;
	_ =	sdelay $0x1  }
0x2b6: {  	v1 =	vmax.f32 v1, v2  }
0x2b7: {  	v1 =	vmul.f32 $1.442695020e+00, v1;
	_ =	sdelay $0x1  }
0x2b8: {  	(erf) = vpow2.f32 v1  }
0x2b9: {  	v1 =	vld [tilespmem:$0x14B00];
	_ =	sdelay $0x3  }
0x2ba: {  	v2 =	vld [tilespmem:$0x14B70]  }
0x2bb: {  	vm9 =	vgt.s32 v1, $0x0  }
0x2bc: {  	v1 =	vnsel vm9, $0x0, v1  }
0x2bd: {  	v1 =	vmin.u32 v1, $0xF  }
0x2be: {  	v3 =	vpop (erf)  }
0x2bf: {  	v4 =	vld [tilespmem:$0x15080];
	v2 =	vmul.f32 v3, v2  }
0x2c0: {  	v3 =	vld [tilespmem:$0x14F80]  }
0x2c1: {  	[tilespmem:$0x14E70] =	vst v2  }
0x2c2: {  	v1 =	vld.idx.msk [tilespmem:v1+s17+$0x0], $0xffff;
	_ =	sdelay $0x2  }
0x2c3: {  	v2 =	vadd.f32 v4, v3;
	_ =	sdelay $0x1  }
0x2c4: {  	v1 =	vadd.f32 v2, v1;
	_ =	sdelay $0x1  }
0x2c5: {  	v2 =	vmul.f32 $2.000000030e-01, v1;
	_ =	sdelay $0x1  }
0x2c6: {  	v1 =	vmax.f32 v1, v2  }
0x2c7: {  	v1 =	vmul.f32 $1.442695020e+00, v1;
	_ =	sdelay $0x1  }
0x2c8: {  	(erf) = vpow2.f32 v1  }
0x2c9: {  	v1 =	vld [tilespmem:$0x14B10];
	_ =	sdelay $0x3  }
0x2ca: {  	v2 =	vld [tilespmem:$0x14B80]  }
0x2cb: {  	vm10 =	vgt.s32 v1, $0x0  }
0x2cc: {  	v1 =	vnsel vm10, $0x0, v1  }
0x2cd: {  	v1 =	vmin.u32 v1, $0xF  }
0x2ce: {  	v3 =	vpop (erf)  }
0x2cf: {  	v15 =	vld [tilespmem:$0x15090];
	v2 =	vmul.f32 v3, v2  }
0x2d0: {  	v3 =	vld [tilespmem:$0x14F90]  }
0x2d1: {  	[tilespmem:$0x14E80] =	vst v2  }
0x2d2: {  	v1 =	vld.idx.msk [tilespmem:v1+s17+$0x0], $0xffff;
	_ =	sdelay $0x2  }
0x2d3: {  	v2 =	vadd.f32 v15, v3;
	_ =	sdelay $0x1  }
0x2d4: {  	v1 =	vadd.f32 v2, v1;
	_ =	sdelay $0x1  }
0x2d5: {  	v2 =	vmul.f32 $2.000000030e-01, v1;
	_ =	sdelay $0x1  }
0x2d6: {  	v1 =	vmax.f32 v1, v2  }
0x2d7: {  	v1 =	vmul.f32 $1.442695020e+00, v1;
	_ =	sdelay $0x1  }
0x2d8: {  	(erf) = vpow2.f32 v1  }
0x2d9: {  	v1 =	vld [tilespmem:$0x14B20];
	_ =	sdelay $0x3  }
0x2da: {  	v2 =	vld [tilespmem:$0x14B90]  }
0x2db: {  	vm11 =	vgt.s32 v1, $0x0  }
0x2dc: {  	v1 =	vnsel vm11, $0x0, v1  }
0x2dd: {  	v1 =	vmin.u32 v1, $0xF  }
0x2de: {  	v3 =	vpop (erf)  }
0x2df: {  	v16 =	vld [tilespmem:$0x150A0];
	v2 =	vmul.f32 v3, v2  }
0x2e0: {  	v3 =	vld [tilespmem:$0x14FA0]  }
0x2e1: {  	[tilespmem:$0x14E90] =	vst v2  }
0x2e2: {  	v1 =	vld.idx.msk [tilespmem:v1+s17+$0x0], $0xffff;
	_ =	sdelay $0x2  }
0x2e3: {  	v2 =	vadd.f32 v16, v3;
	_ =	sdelay $0x1  }
0x2e4: {  	v1 =	vadd.f32 v2, v1;
	_ =	sdelay $0x1  }
0x2e5: {  	v2 =	vmul.f32 $2.000000030e-01, v1;
	_ =	sdelay $0x1  }
0x2e6: {  	v1 =	vmax.f32 v1, v2  }
0x2e7: {  	v1 =	vmul.f32 $1.442695020e+00, v1;
	_ =	sdelay $0x1  }
0x2e8: {  	(erf) = vpow2.f32 v1  }
0x2e9: {  	v1 =	vld [tilespmem:$0x14B30];
	_ =	sdelay $0x3  }
0x2ea: {  	v2 =	vld [tilespmem:$0x14BA0]  }
0x2eb: {  	vm12 =	vgt.s32 v1, $0x0  }
0x2ec: {  	v1 =	vnsel vm12, $0x0, v1  }
0x2ed: {  	v1 =	vmin.u32 v1, $0xF  }
0x2ee: {  	v3 =	vpop (erf)  }
0x2ef: {  	v17 =	vld [tilespmem:$0x150B0];
	v2 =	vmul.f32 v3, v2  }
0x2f0: {  	v3 =	vld [tilespmem:$0x14FB0]  }
0x2f1: {  	[tilespmem:$0x14EA0] =	vst v2  }
0x2f2: {  	v1 =	vld.idx.msk [tilespmem:v1+s17+$0x0], $0xffff;
	_ =	sdelay $0x2  }
0x2f3: {  	v2 =	vadd.f32 v17, v3;
	_ =	sdelay $0x1  }
0x2f4: {  	v1 =	vadd.f32 v2, v1;
	_ =	sdelay $0x1  }
0x2f5: {  	v2 =	vmul.f32 $2.000000030e-01, v1;
	_ =	sdelay $0x1  }
0x2f6: {  	v1 =	vmax.f32 v1, v2  }
0x2f7: {  	v1 =	vmul.f32 $1.442695020e+00, v1;
	_ =	sdelay $0x1  }
0x2f8: {  	(erf) = vpow2.f32 v1  }
0x2f9: {  	v1 =	vld [tilespmem:$0x14B40];
	_ =	sdelay $0x3  }
0x2fa: {  	v2 =	vld [tilespmem:$0x14BB0]  }
0x2fb: {  	vm13 =	vgt.s32 v1, $0x0  }
0x2fc: {  	v1 =	vnsel vm13, $0x0, v1  }
0x2fd: {  	v1 =	vmin.u32 v1, $0xF  }
0x2fe: {  	v3 =	vpop (erf)  }
0x2ff: {  	v18 =	vld [tilespmem:$0x150C0];
	v2 =	vmul.f32 v3, v2  }
0x300: {  	v3 =	vld [tilespmem:$0x14FC0]  }
0x301: {  	[tilespmem:$0x14EB0] =	vst v2  }
0x302: {  	v1 =	vld.idx.msk [tilespmem:v1+s17+$0x0], $0xffff;
	_ =	sdelay $0x2  }
0x303: {  	v2 =	vadd.f32 v18, v3;
	_ =	sdelay $0x1  }
0x304: {  	v1 =	vadd.f32 v2, v1;
	_ =	sdelay $0x1  }
0x305: {  	v2 =	vmul.f32 $2.000000030e-01, v1;
	_ =	sdelay $0x1  }
0x306: {  	v1 =	vmax.f32 v1, v2  }
0x307: {  	v1 =	vmul.f32 $1.442695020e+00, v1;
	_ =	sdelay $0x1  }
0x308: {  	(erf) = vpow2.f32 v1  }
0x309: {  	v1 =	vld [tilespmem:$0x14B50];
	_ =	sdelay $0x3  }
0x30a: {  	v2 =	vld [tilespmem:$0x14BC0]  }
0x30b: {  	vm14 =	vgt.s32 v1, $0x0  }
0x30c: {  	v1 =	vnsel vm14, $0x0, v1  }
0x30d: {  	v1 =	vmin.u32 v1, $0xF  }
0x30e: {  	v3 =	vpop (erf)  }
0x30f: {  	v19 =	vld [tilespmem:$0x150D0];
	v2 =	vmul.f32 v3, v2  }
0x310: {  	v3 =	vld [tilespmem:$0x14FD0]  }
0x311: {  	[tilespmem:$0x14EC0] =	vst v2  }
0x312: {  	v1 =	vld.idx.msk [tilespmem:v1+s17+$0x0], $0xffff;
	_ =	sdelay $0x2  }
0x313: {  	v2 =	vadd.f32 v19, v3;
	_ =	sdelay $0x1  }
0x314: {  	v1 =	vadd.f32 v2, v1;
	_ =	sdelay $0x1  }
0x315: {  	v2 =	vmul.f32 $2.000000030e-01, v1;
	_ =	sdelay $0x1  }
0x316: {  	v1 =	vmax.f32 v1, v2  }
0x317: {  	v1 =	vmul.f32 $1.442695020e+00, v1;
	_ =	sdelay $0x1  }
0x318: {  	(erf) = vpow2.f32 v1  }
0x319: {  	v1 =	vld [tilespmem:$0x14B60];
	_ =	sdelay $0x3  }
0x31a: {  	v2 =	vld [tilespmem:$0x14BD0]  }
0x31b: {  	vm15 =	vgt.s32 v1, $0x0  }
0x31c: {  	v1 =	vnsel vm15, $0x0, v1  }
0x31d: {  	v1 =	vmin.u32 v1, $0xF  }
0x31e: {  	v3 =	vpop (erf)  }
0x31f: {  	v20 =	vld [tilespmem:$0x150E0];
	v2 =	vmul.f32 v3, v2  }
0x320: {  	v3 =	vld [tilespmem:$0x14FE0]  }
0x321: {  	[tilespmem:$0x14ED0] =	vst v2  }
0x322: {  	v1 =	vld.idx.msk [tilespmem:v1+s17+$0x0], $0xffff;
	_ =	sdelay $0x2  }
0x323: {  	v2 =	vadd.f32 v20, v3;
	_ =	sdelay $0x1  }
0x324: {  	v1 =	vadd.f32 v2, v1;
	_ =	sdelay $0x1  }
0x325: {  	v2 =	vmul.f32 $2.000000030e-01, v1;
	_ =	sdelay $0x1  }
0x326: {  	v1 =	vmax.f32 v1, v2  }
0x327: {  	v1 =	vmul.f32 $1.442695020e+00, v1;
	_ =	sdelay $0x1  }
0x328: {  	(erf) = vpow2.f32 v1;
	_ =	sdelay $0x4  }
0x329: {  	v1 =	vld [tilespmem:$0x14BE0];
	_ =	sdelay $0x3  }
0x32a: {  	v2 =	vpop (erf)  }
0x32b: {  	v1 =	vmul.f32 v2, v1;
	_ =	sdelay $0x1  }
0x32c: {  	[tilespmem:$0x14EE0] =	vst v1  }
0x32d: {  	_ =	swait.ge [sflag:s25], $0x4000  }
0x32e: {  	[sflag:s25] =	ssyncset.done $0x0  }
0x32f: {  	[sflag:s25] =	ssyncadd.s32 $0xFFFFC000  }
0x330: {  	_ =	swait.ge [sflag:s25], $0x80  }
0x331: {  	[sflag:s25] =	ssyncset.done $0x0  }
0x332: {  	s8 =	simm.s32 @!p1 $0x1;
	[sflag:s25] =	ssyncadd.s32 $0xFFFFFF80  }
0x333: {  	_ =	swait.ge @!p1 [sflag:s8], $0x200  }
0x334: {  	[sflag:s8] =	ssyncset.done @!p1 $0x0  }
0x335: {  	[sflag:s8] =	ssyncadd.s32 @!p1 $0xFFFFFE00  }
0x336: {  	v1 =	vld @!p1 [tilespmem:$0x147F0]  }
0x337: {  	v2 =	vld @!p1 [tilespmem:$0x14870]  }
0x338: {  	v3 =	vld @!p1 [tilespmem:$0x14800]  }
0x339: {  	v4 =	vld @!p1 [tilespmem:$0x14880]  }
0x33a: {  	v5 =	vld @!p1 [tilespmem:$0x14810]  }
0x33b: {  	[tilespmem:$0x14BF0] =	vst @!p1 v1;
	v1 =	vld @!p1 [tilespmem:$0x14890]  }
0x33c: {  	[tilespmem:$0x14CF0] =	vst @!p1 v2;
	v2 =	vld @!p1 [tilespmem:$0x14820]  }
0x33d: {  	[tilespmem:$0x14C00] =	vst @!p1 v3;
	v3 =	vld @!p1 [tilespmem:$0x148A0]  }
0x33e: {  	[tilespmem:$0x14D00] =	vst @!p1 v4;
	v4 =	vld @!p1 [tilespmem:$0x14830]  }
0x33f: {  	[tilespmem:$0x14C10] =	vst @!p1 v5;
	v5 =	vld @!p1 [tilespmem:$0x148B0]  }
0x340: {  	[tilespmem:$0x14D10] =	vst @!p1 v1;
	v1 =	vld @!p1 [tilespmem:$0x14840]  }
0x341: {  	[tilespmem:$0x14C20] =	vst @!p1 v2;
	v2 =	vld @!p1 [tilespmem:$0x148C0]  }
0x342: {  	[tilespmem:$0x14D20] =	vst @!p1 v3;
	v3 =	vld @!p1 [tilespmem:$0x14850]  }
0x343: {  	[tilespmem:$0x14C30] =	vst @!p1 v4;
	v4 =	vld @!p1 [tilespmem:$0x148D0]  }
0x344: {  	[tilespmem:$0x14D30] =	vst @!p1 v5;
	v5 =	vld @!p1 [tilespmem:$0x14860]  }
0x345: {  	[tilespmem:$0x14C40] =	vst @!p1 v1;
	v1 =	vld @!p1 [tilespmem:$0x148E0]  }
0x346: {  	[tilespmem:$0x14D40] =	vst @!p1 v2  }
0x347: {  	[tilespmem:$0x14C50] =	vst @!p1 v3  }
0x348: {  	[tilespmem:$0x14D50] =	vst @!p1 v4  }
0x349: {  	[tilespmem:$0x14C60] =	vst @!p1 v5  }
0x34a: {  	s21 =	simm.s32 @!p1 $0x150F0;
	s8 =	simm.s32 @!p1 $0x14BF0;
	[tilespmem:$0x14D60] =	vst @!p1 v1  }
0x34b: {  	[tilespmem:s21], [sflag:$0x3] =	stream.indirect.gather @!p1 [hbm4b:s0+s2], $0x80, s8, s2, $0xb8;
	[tilespmem:$0x1D0F0] =	vst v63  }
0x34c: {  	s29 =	simm.s32 @!p1 $0x14EF0;
	s21 =	simm.s32 @!p1 $0x14CF0  }
0x34d: {  	[tilespmem:s29], [sflag:$0x5] =	stream.indirect.gather @!p1 [spmem:s14], $0x1, s21, s2, $0xb8;
	[tilespmem:$0x1D0F0] =	vst v63  }
0x34e: {  	s21 =	simm.s32 @!p1 $0x14FF0  }
0x34f: {  	[tilespmem:s21], [sflag:$0x5] =	stream.indirect.gather @!p1 [spmem:s16], $0x1, s8, s2, $0xb8;
	[tilespmem:$0x1D0F0] =	vst v63  }
0x350: {  	_ =	swait.ge [sflag:s26], $0x4000  }
0x351: {  	s8 =	simm.s32 $0x0;
	[sflag:s26] =	ssyncset.done $0x0  }
0x352: {  	s2 =	sand.u32 $0x3FFFFFF0, s8;
	[sflag:s26] =	ssyncadd.s32 $0xFFFFC000  }
0x353: {  	s21 =	simm.s32 $0x0;
	v1 =	vld [tilespmem:s2+$0x14E70]  }
0x354: {  	s29 =	sand.u32 $0x3FFFF800, s21  }
0x355: {  	v3 =	vld [tilespmem:s29+$0x19110]  }
0x356: {  	v21 =	vld [tilespmem:s29+$0x19120]  }
0x357: {  	v10 =	vld [tilespmem:s29+$0x19150]  }
0x358: {  	v11 =	vld [tilespmem:s29+$0x19160];
	v2 =	vbroadcast v1, $0x0  }
0x359: {  	v12 =	vld [tilespmem:s29+$0x19170]  }
0x35a: {  	v13 =	vld [tilespmem:s29+$0x19180];
	v3 =	vmul.f32 v3, v2  }
0x35b: {  	v14 =	vld [tilespmem:s29+$0x19190];
	v4 =	vmul.f32 v21, v2  }
0x35c: {  	v9 =	vld [tilespmem:s29+$0x191A0];
	v23 =	vbroadcast v1, $0x1;
	v22 =	vmul.f32 v10, v2;
	[tilespmem:s29+$0x19110] =	vst v3  }
0x35d: {  	v7 =	vld [tilespmem:s29+$0x191B0];
	v11 =	vmul.f32 v11, v2;
	[tilespmem:s29+$0x19120] =	vst v4  }
0x35e: {  	v8 =	vld [tilespmem:s29+$0x191C0];
	v12 =	vmul.f32 v12, v23;
	[tilespmem:s29+$0x19150] =	vst v22  }
0x35f: {  	v25 =	vld [tilespmem:s29+$0x191E0];
	v13 =	vmul.f32 v13, v23;
	[tilespmem:s29+$0x19160] =	vst v11  }
0x360: {  	v26 =	vld [tilespmem:s29+$0x191F0];
	v14 =	vmul.f32 v14, v23;
	[tilespmem:s29+$0x19170] =	vst v12  }
0x361: {  	v27 =	vld [tilespmem:s29+$0x19200];
	v9 =	vmul.f32 v9, v23;
	[tilespmem:s29+$0x19180] =	vst v13  }
0x362: {  	v6 =	vld [tilespmem:s29+$0x19660];
	v7 =	vmul.f32 v7, v23;
	[tilespmem:s29+$0x19190] =	vst v14  }
0x363: {  	v24 =	vld [tilespmem:s29+$0x191D0];
	v15 =	vbroadcast v1, $0x2;
	v8 =	vmul.f32 v8, v23;
	[tilespmem:s29+$0x191A0] =	vst v9  }
0x364: {  	v28 =	vld [tilespmem:s29+$0x19210];
	v10 =	vmul.f32 v25, v23;
	[tilespmem:s29+$0x191B0] =	vst v7  }
0x365: {  	v29 =	vld [tilespmem:s29+$0x19220];
	v5 =	vbroadcast v1, $0xA;
	v32 =	vmul.f32 v26, v15;
	[tilespmem:s29+$0x191C0] =	vst v8  }
0x366: {  	v30 =	vld [tilespmem:s29+$0x19230];
	v34 =	vmul.f32 v27, v15;
	[tilespmem:s29+$0x191E0] =	vst v10  }
0x367: {  	v33 =	vld [tilespmem:s29+$0x19250];
	v3 =	vmul.f32 v6, v5;
	[tilespmem:s29+$0x191F0] =	vst v32  }
0x368: {  	v35 =	vld [tilespmem:s29+$0x19260];
	v11 =	vmul.f32 v24, v23;
	[tilespmem:s29+$0x19200] =	vst v34  }
0x369: {  	v36 =	vld [tilespmem:s29+$0x19270];
	v9 =	vmul.f32 v28, v15;
	[tilespmem:s29+$0x19660] =	vst v3  }
0x36a: {  	v31 =	vld [tilespmem:s29+$0x19240];
	v7 =	vmul.f32 v29, v15;
	[tilespmem:s29+$0x191D0] =	vst v11  }
0x36b: {  	v37 =	vld [tilespmem:s29+$0x19280];
	v8 =	vmul.f32 v30, v15;
	[tilespmem:s29+$0x19210] =	vst v9  }
0x36c: {  	v38 =	vld [tilespmem:s29+$0x19290];
	v41 =	vbroadcast v1, $0x3;
	v10 =	vmul.f32 v33, v15;
	[tilespmem:s29+$0x19220] =	vst v7  }
0x36d: {  	v39 =	vld [tilespmem:s29+$0x192A0];
	v12 =	vmul.f32 v35, v15;
	[tilespmem:s29+$0x19230] =	vst v8  }
0x36e: {  	v42 =	vld [tilespmem:s29+$0x192C0];
	v13 =	vmul.f32 v36, v41;
	[tilespmem:s29+$0x19250] =	vst v10  }
0x36f: {  	v43 =	vld [tilespmem:s29+$0x192D0];
	v11 =	vmul.f32 v31, v15;
	[tilespmem:s29+$0x19260] =	vst v12  }
0x370: {  	v44 =	vld [tilespmem:s29+$0x192E0];
	v9 =	vmul.f32 v37, v41;
	[tilespmem:s29+$0x19270] =	vst v13  }
0x371: {  	v40 =	vld [tilespmem:s29+$0x192B0];
	v7 =	vmul.f32 v38, v41;
	[tilespmem:s29+$0x19240] =	vst v11  }
0x372: {  	v45 =	vld [tilespmem:s29+$0x192F0];
	v8 =	vmul.f32 v39, v41;
	[tilespmem:s29+$0x19280] =	vst v9  }
0x373: {  	v46 =	vld [tilespmem:s29+$0x19300];
	v10 =	vmul.f32 v42, v41;
	[tilespmem:s29+$0x19290] =	vst v7  }
0x374: {  	v47 =	vld [tilespmem:s29+$0x19310];
	v12 =	vmul.f32 v43, v41;
	[tilespmem:s29+$0x192A0] =	vst v8  }
0x375: {  	v49 =	vld [tilespmem:s29+$0x19330];
	v50 =	vbroadcast v1, $0x4;
	v13 =	vmul.f32 v44, v41;
	[tilespmem:s29+$0x192C0] =	vst v10  }
0x376: {  	v51 =	vld [tilespmem:s29+$0x19340];
	v11 =	vmul.f32 v40, v41;
	[tilespmem:s29+$0x192D0] =	vst v12  }
0x377: {  	v52 =	vld [tilespmem:s29+$0x19350];
	v9 =	vmul.f32 v45, v50;
	[tilespmem:s29+$0x192E0] =	vst v13  }
0x378: {  	v48 =	vld [tilespmem:s29+$0x19320];
	v7 =	vmul.f32 v46, v50;
	[tilespmem:s29+$0x192B0] =	vst v11  }
0x379: {  	v53 =	vld [tilespmem:s29+$0x19360];
	v8 =	vmul.f32 v47, v50;
	[tilespmem:s29+$0x192F0] =	vst v9  }
0x37a: {  	v54 =	vld [tilespmem:s29+$0x19370];
	v10 =	vmul.f32 v49, v50;
	[tilespmem:s29+$0x19300] =	vst v7  }
0x37b: {  	v55 =	vld [tilespmem:s29+$0x19380];
	v12 =	vmul.f32 v51, v50;
	[tilespmem:s29+$0x19310] =	vst v8  }
0x37c: {  	v57 =	vld [tilespmem:s29+$0x193A0];
	v13 =	vmul.f32 v52, v50;
	[tilespmem:s29+$0x19330] =	vst v10  }
0x37d: {  	v58 =	vld [tilespmem:s29+$0x193B0];
	v59 =	vbroadcast v1, $0x5;
	v11 =	vmul.f32 v48, v50;
	[tilespmem:s29+$0x19340] =	vst v12  }
0x37e: {  	v60 =	vld [tilespmem:s29+$0x193C0];
	v9 =	vmul.f32 v53, v50;
	[tilespmem:s29+$0x19350] =	vst v13  }
0x37f: {  	v56 =	vld [tilespmem:s29+$0x19390];
	v7 =	vmul.f32 v54, v59;
	[tilespmem:s29+$0x19320] =	vst v11  }
0x380: {  	v61 =	vld [tilespmem:s29+$0x193D0];
	v8 =	vmul.f32 v55, v59;
	[tilespmem:s29+$0x19360] =	vst v9  }
0x381: {  	v62 =	vld [tilespmem:s29+$0x193E0];
	v10 =	vmul.f32 v57, v59;
	[tilespmem:s29+$0x19370] =	vst v7  }
0x382: {  	v63 =	vld [tilespmem:s29+$0x193F0];
	v12 =	vmul.f32 v58, v59;
	[tilespmem:s29+$0x19380] =	vst v8  }
0x383: {  	v19 =	vld [tilespmem:s29+$0x19410];
	v13 =	vmul.f32 v60, v59;
	[tilespmem:s29+$0x193A0] =	vst v10  }
0x384: {  	v20 =	vld [tilespmem:s29+$0x19420];
	v11 =	vmul.f32 v56, v59;
	[tilespmem:s29+$0x193B0] =	vst v12  }
0x385: {  	v21 =	vld [tilespmem:s29+$0x19430];
	v22 =	vbroadcast v1, $0x6;
	v9 =	vmul.f32 v61, v59;
	[tilespmem:s29+$0x193C0] =	vst v13  }
0x386: {  	v18 =	vld [tilespmem:s29+$0x19400];
	v7 =	vmul.f32 v62, v59;
	[tilespmem:s29+$0x19390] =	vst v11  }
0x387: {  	v23 =	vld [tilespmem:s29+$0x19440];
	v8 =	vmul.f32 v63, v22;
	[tilespmem:s29+$0x193D0] =	vst v9  }
0x388: {  	v24 =	vld [tilespmem:s29+$0x19450];
	v10 =	vmul.f32 v19, v22;
	[tilespmem:s29+$0x193E0] =	vst v7  }
0x389: {  	v25 =	vld [tilespmem:s29+$0x19460];
	v12 =	vmul.f32 v20, v22;
	[tilespmem:s29+$0x193F0] =	vst v8  }
0x38a: {  	v27 =	vld [tilespmem:s29+$0x19480];
	v13 =	vmul.f32 v21, v22;
	[tilespmem:s29+$0x19410] =	vst v10  }
0x38b: {  	v28 =	vld [tilespmem:s29+$0x19490];
	v11 =	vmul.f32 v18, v22;
	[tilespmem:s29+$0x19420] =	vst v12  }
0x38c: {  	v29 =	vld [tilespmem:s29+$0x194A0];
	v9 =	vmul.f32 v23, v22;
	[tilespmem:s29+$0x19430] =	vst v13  }
0x38d: {  	v31 =	vbroadcast v1, $0x7;
	v53 =	vld [tilespmem:s29+$0x195F0];
	v7 =	vmul.f32 v24, v22;
	[tilespmem:s29+$0x19400] =	vst v11  }
0x38e: {  	v57 =	vld [tilespmem:s29+$0x19630];
	v8 =	vmul.f32 v25, v22;
	[tilespmem:s29+$0x19440] =	vst v9  }
0x38f: {  	v58 =	vld [tilespmem:s29+$0x19640];
	v10 =	vmul.f32 v27, v31;
	[tilespmem:s29+$0x19450] =	vst v7  }
0x390: {  	v26 =	vld [tilespmem:s29+$0x19470];
	v12 =	vmul.f32 v28, v31;
	[tilespmem:s29+$0x19460] =	vst v8  }
0x391: {  	v30 =	vld [tilespmem:s29+$0x194B0];
	v13 =	vmul.f32 v29, v31;
	[tilespmem:s29+$0x19480] =	vst v10  }
0x392: {  	v32 =	vld [tilespmem:s29+$0x194C0];
	v59 =	vmul.f32 v53, v5;
	[tilespmem:s29+$0x19490] =	vst v12  }
0x393: {  	v33 =	vld [tilespmem:s29+$0x194D0];
	v18 =	vmul.f32 v57, v5;
	[tilespmem:s29+$0x194A0] =	vst v13  }
0x394: {  	v35 =	vld [tilespmem:s29+$0x194F0];
	v20 =	vmul.f32 v58, v5;
	[tilespmem:s29+$0x195F0] =	vst v59  }
0x395: {  	v36 =	vld [tilespmem:s29+$0x19500];
	v11 =	vmul.f32 v26, v31;
	[tilespmem:s29+$0x19630] =	vst v18  }
0x396: {  	v37 =	vld [tilespmem:s29+$0x19510];
	v9 =	vmul.f32 v30, v31;
	[tilespmem:s29+$0x19640] =	vst v20  }
0x397: {  	v4 =	vld [tilespmem:s29+$0x19670];
	v40 =	vbroadcast v1, $0x8;
	v7 =	vmul.f32 v32, v31;
	[tilespmem:s29+$0x19470] =	vst v11  }
0x398: {  	v6 =	vld [tilespmem:s29+$0x19680];
	v8 =	vmul.f32 v33, v31;
	[tilespmem:s29+$0x194B0] =	vst v9  }
0x399: {  	v3 =	vld [tilespmem:s29+$0x198C0];
	v10 =	vmul.f32 v35, v40;
	[tilespmem:s29+$0x194C0] =	vst v7  }
0x39a: {  	v61 =	vld [tilespmem:s29+$0x190F0];
	v23 =	vbroadcast v1, $0xB;
	v12 =	vmul.f32 v36, v40;
	[tilespmem:s29+$0x194D0] =	vst v8  }
0x39b: {  	v34 =	vld [tilespmem:s29+$0x194E0];
	v13 =	vmul.f32 v37, v40;
	[tilespmem:s29+$0x194F0] =	vst v10  }
0x39c: {  	v38 =	vld [tilespmem:s29+$0x19520];
	v27 =	vbroadcast v1, $0xF;
	v4 =	vmul.f32 v4, v23;
	[tilespmem:s29+$0x19500] =	vst v12  }
0x39d: {  	v39 =	vld [tilespmem:s29+$0x19530];
	v6 =	vmul.f32 v6, v23;
	[tilespmem:s29+$0x19510] =	vst v13  }
0x39e: {  	v41 =	vld [tilespmem:s29+$0x19540];
	v3 =	vmul.f32 v3, v27;
	[tilespmem:s29+$0x19670] =	vst v4  }
0x39f: {  	v43 =	vld [tilespmem:s29+$0x19560];
	v24 =	vmul.f32 v2, v61;
	[tilespmem:s29+$0x19680] =	vst v6  }
0x3a0: {  	v44 =	vld [tilespmem:s29+$0x19570];
	v11 =	vmul.f32 v34, v31;
	[tilespmem:s29+$0x198C0] =	vst v3  }
0x3a1: {  	v45 =	vld [tilespmem:s29+$0x19580];
	v9 =	vmul.f32 v38, v40;
	[tilespmem:s29+$0x190F0] =	vst v24  }
0x3a2: {  	v63 =	vld [tilespmem:s29+$0x19130];
	v7 =	vmul.f32 v39, v40;
	[tilespmem:s29+$0x194E0] =	vst v11  }
0x3a3: {  	v49 =	vbroadcast v1, $0x9;
	v29 =	vld [tilespmem:s29+$0x196E0];
	v8 =	vmul.f32 v41, v40;
	[tilespmem:s29+$0x19520] =	vst v9  }
0x3a4: {  	v42 =	vld [tilespmem:s29+$0x19550];
	v10 =	vmul.f32 v43, v40;
	[tilespmem:s29+$0x19530] =	vst v7  }
0x3a5: {  	v46 =	vld [tilespmem:s29+$0x19590];
	v12 =	vmul.f32 v44, v49;
	[tilespmem:s29+$0x19540] =	vst v8  }
0x3a6: {  	v47 =	vld [tilespmem:s29+$0x195A0];
	v13 =	vmul.f32 v45, v49;
	[tilespmem:s29+$0x19560] =	vst v10  }
0x3a7: {  	v48 =	vld [tilespmem:s29+$0x195B0];
	v3 =	vmul.f32 v63, v2;
	[tilespmem:s29+$0x19570] =	vst v12  }
0x3a8: {  	v51 =	vld [tilespmem:s29+$0x195D0];
	v6 =	vmul.f32 v29, v23;
	[tilespmem:s29+$0x19580] =	vst v13  }
0x3a9: {  	v52 =	vld [tilespmem:s29+$0x195E0];
	v11 =	vmul.f32 v42, v40;
	[tilespmem:s29+$0x19130] =	vst v3  }
0x3aa: {  	v28 =	vld [tilespmem:s29+$0x196D0];
	v9 =	vmul.f32 v46, v49;
	[tilespmem:s29+$0x196E0] =	vst v6  }
0x3ab: {  	v26 =	vld [tilespmem:s29+$0x196C0];
	v7 =	vmul.f32 v47, v49;
	[tilespmem:s29+$0x19550] =	vst v11  }
0x3ac: {  	v30 =	vld [tilespmem:s29+$0x196F0];
	v8 =	vmul.f32 v48, v49;
	[tilespmem:s29+$0x19590] =	vst v9  }
0x3ad: {  	v50 =	vld [tilespmem:s29+$0x195C0];
	v10 =	vmul.f32 v51, v49;
	[tilespmem:s29+$0x195A0] =	vst v7  }
0x3ae: {  	v54 =	vld [tilespmem:s29+$0x19600];
	v12 =	vmul.f32 v52, v49;
	[tilespmem:s29+$0x195B0] =	vst v8  }
0x3af: {  	v55 =	vld [tilespmem:s29+$0x19610];
	v35 =	vbroadcast v1, $0xC;
	v40 =	vmul.f32 v28, v23;
	[tilespmem:s29+$0x195D0] =	vst v10  }
0x3b0: {  	v56 =	vld [tilespmem:s29+$0x19620];
	v32 =	vmul.f32 v26, v23;
	[tilespmem:s29+$0x195E0] =	vst v12  }
0x3b1: {  	v60 =	vld [tilespmem:s29+$0x19650];
	v15 =	vmul.f32 v30, v35;
	[tilespmem:s29+$0x196D0] =	vst v40  }
0x3b2: {  	v62 =	vld [tilespmem:s29+$0x19100];
	v11 =	vmul.f32 v50, v49;
	[tilespmem:s29+$0x196C0] =	vst v32  }
0x3b3: {  	v19 =	vld [tilespmem:s29+$0x19140];
	v9 =	vmul.f32 v54, v5;
	[tilespmem:s29+$0x196F0] =	vst v15  }
0x3b4: {  	v33 =	vld [tilespmem:s29+$0x19720];
	v7 =	vmul.f32 v55, v5;
	[tilespmem:s29+$0x195C0] =	vst v11  }
0x3b5: {  	v61 =	vld [tilespmem:s29+$0x198E0];
	v8 =	vmul.f32 v56, v5;
	[tilespmem:s29+$0x19600] =	vst v9  }
0x3b6: {  	v38 =	vld [tilespmem:s29+$0x19760];
	v5 =	vmul.f32 v60, v5;
	[tilespmem:s29+$0x19610] =	vst v7  }
0x3b7: {  	v21 =	vld [tilespmem:s29+$0x19690];
	v12 =	vmul.f32 v62, v2;
	[tilespmem:s29+$0x19620] =	vst v8  }
0x3b8: {  	v22 =	vld [tilespmem:s29+$0x196A0];
	v2 =	vmul.f32 v19, v2;
	[tilespmem:s29+$0x19650] =	vst v5  }
0x3b9: {  	v25 =	vld [tilespmem:s29+$0x196B0];
	v62 =	vmul.f32 v33, v35;
	[tilespmem:s29+$0x19100] =	vst v12  }
0x3ba: {  	v31 =	vld [tilespmem:s29+$0x19700];
	v63 =	vmul.f32 v61, v27;
	[tilespmem:s29+$0x19140] =	vst v2  }
0x3bb: {  	v34 =	vld [tilespmem:s29+$0x19730];
	v15 =	vmul.f32 v38, v35;
	[tilespmem:s29+$0x19720] =	vst v62  }
0x3bc: {  	v41 =	vld [tilespmem:s29+$0x19790];
	v7 =	vmul.f32 v21, v23;
	[tilespmem:s29+$0x198E0] =	vst v63  }
0x3bd: {  	v46 =	vld [tilespmem:s29+$0x197D0];
	v8 =	vmul.f32 v22, v23;
	[tilespmem:s29+$0x19760] =	vst v15  }
0x3be: {  	v36 =	vld [tilespmem:s29+$0x19740];
	v5 =	vmul.f32 v25, v23;
	[tilespmem:s29+$0x19690] =	vst v7  }
0x3bf: {  	v44 =	vbroadcast v1, $0xD;
	v9 =	vmul.f32 v31, v35;
	v2 =	vld [tilespmem:s29+$0x19780];
	[tilespmem:s29+$0x196A0] =	vst v8  }
0x3c0: {  	v37 =	vld [tilespmem:s29+$0x19750];
	v12 =	vmul.f32 v34, v35;
	[tilespmem:s29+$0x196B0] =	vst v5  }
0x3c1: {  	v39 =	vld [tilespmem:s29+$0x19770];
	v11 =	vmul.f32 v41, v44;
	[tilespmem:s29+$0x19700] =	vst v9  }
0x3c2: {  	v42 =	vld [tilespmem:s29+$0x197A0];
	v51 =	vmul.f32 v46, v44;
	[tilespmem:s29+$0x19730] =	vst v12  }
0x3c3: {  	v48 =	vld [tilespmem:s29+$0x19800];
	v8 =	vmul.f32 v36, v35;
	[tilespmem:s29+$0x19790] =	vst v11  }
0x3c4: {  	v49 =	vld [tilespmem:s29+$0x19810];
	[tilespmem:s29+$0x197D0] =	vst v51;
	v2 =	vmul.f32 v2, v44  }
0x3c5: {  	v50 =	vld [tilespmem:s29+$0x19820];
	v5 =	vmul.f32 v37, v35;
	[tilespmem:s29+$0x19740] =	vst v8  }
0x3c6: {  	v1 =	vbroadcast v1, $0xE;
	v9 =	vmul.f32 v39, v44;
	[tilespmem:s29+$0x19780] =	vst v2;
	v2 =	vld [tilespmem:s29+$0x197F0]  }
0x3c7: {  	v60 =	vld [tilespmem:s29+$0x198D0];
	v12 =	vmul.f32 v42, v44;
	[tilespmem:s29+$0x19750] =	vst v5  }
0x3c8: {  	v45 =	vld [tilespmem:s29+$0x197C0];
	v11 =	vmul.f32 v48, v1;
	[tilespmem:s29+$0x19770] =	vst v9  }
0x3c9: {  	v47 =	vld [tilespmem:s29+$0x197E0];
	v10 =	vmul.f32 v49, v1;
	[tilespmem:s29+$0x197A0] =	vst v12  }
0x3ca: {  	v43 =	vld [tilespmem:s29+$0x197B0];
	v6 =	vmul.f32 v50, v1;
	[tilespmem:s29+$0x19800] =	vst v11  }
0x3cb: {  	v55 =	vld [tilespmem:s29+$0x19870];
	[tilespmem:s29+$0x19810] =	vst v10;
	v2 =	vmul.f32 v2, v1  }
0x3cc: {  	v57 =	vld [tilespmem:s29+$0x19890];
	v4 =	vmul.f32 v60, v27;
	[tilespmem:s29+$0x19820] =	vst v6  }
0x3cd: {  	v5 =	vmul.f32 v45, v44;
	[tilespmem:s29+$0x197F0] =	vst v2;
	v2 =	vld [tilespmem:s29+$0x19860]  }
0x3ce: {  	v52 =	vld [tilespmem:s29+$0x19830];
	v9 =	vmul.f32 v47, v44;
	[tilespmem:s29+$0x198D0] =	vst v4  }
0x3cf: {  	v56 =	vld [tilespmem:s29+$0x19880];
	v8 =	vmul.f32 v43, v44;
	[tilespmem:s29+$0x197C0] =	vst v5  }
0x3d0: {  	v54 =	vld [tilespmem:s29+$0x19850];
	v11 =	vmul.f32 v55, v27;
	[tilespmem:s29+$0x197E0] =	vst v9  }
0x3d1: {  	v58 =	vld [tilespmem:s29+$0x198A0];
	v6 =	vmul.f32 v57, v27;
	[tilespmem:s29+$0x197B0] =	vst v8  }
0x3d2: {  	v53 =	vld [tilespmem:s29+$0x19840];
	[tilespmem:s29+$0x19870] =	vst v11;
	v2 =	vmul.f32 v2, v1  }
0x3d3: {  	v59 =	vld [tilespmem:s29+$0x198B0];
	v5 =	vmul.f32 v52, v1;
	[tilespmem:s29+$0x19890] =	vst v6  }
0x3d4: {  	[tilespmem:s29+$0x19860] =	vst v2;
	v2 =	vmul.f32 v56, v27  }
0x3d5: {  	v3 =	vld [tilespmem:s29+$0x19710];
	v9 =	vmul.f32 v54, v1;
	[tilespmem:s29+$0x19830] =	vst v5  }
0x3d6: {  	[tilespmem:s29+$0x19880] =	vst v2;
	v2 =	vmul.f32 v58, v27  }
0x3d7: {  	[tilespmem:s29+$0x19850] =	vst v9;
	v1 =	vmul.f32 v53, v1  }
0x3d8: {  	[tilespmem:s29+$0x198A0] =	vst v2;
	v2 =	vmul.f32 v59, v27  }
0x3d9: {  	[tilespmem:s29+$0x19840] =	vst v1  }
0x3da: {  	s2 =	simm.s32 $0x1;
	[tilespmem:s29+$0x198B0] =	vst v2;
	v2 =	vmul.f32 v3, v35  }
.LBB2_7:
0x3db: {  	s8 =	sshll.u32 s2, $0x4  }
0x3dc: {  	p2 =	sne.s32 s2, $0x7;
	[tilespmem:s29+$0x19710] =	vst v2;
	s21 =	smov.u32 s2;
	s2 =	sadd.s32 $0x1, s2  }
0x3dd: {  	s8 =	sand.u32 $0x3FFFFFF0, s8  }
0x3de: {  	v1 =	vld [tilespmem:s8+$0x14E70];
	s8 =	sshll.u32 s21, $0xB  }
0x3df: {  	s29 =	sand.u32 $0x3FFFF800, s8  }
0x3e0: {  	v8 =	vld [tilespmem:s29+$0x191B0]  }
0x3e1: {  	v9 =	vld [tilespmem:s29+$0x191C0]  }
0x3e2: {  	v10 =	vld [tilespmem:s29+$0x191A0]  }
0x3e3: {  	v2 =	vbroadcast v1, $0x0;
	v3 =	vld [tilespmem:s29+$0x19110];
	v7 =	vbroadcast v1, $0x4  }
0x3e4: {  	v5 =	vld [tilespmem:s29+$0x19120]  }
0x3e5: {  	v6 =	vld [tilespmem:s29+$0x19660]  }
0x3e6: {  	v11 =	vld [tilespmem:s29+$0x19150]  }
0x3e7: {  	v12 =	vld [tilespmem:s29+$0x19160]  }
0x3e8: {  	v4 =	vbroadcast v1, $0xA;
	v3 =	vmul.f32 v3, v2;
	v13 =	vld [tilespmem:s29+$0x19170]  }
0x3e9: {  	v5 =	vmul.f32 v5, v2;
	v14 =	vld [tilespmem:s29+$0x19180]  }
0x3ea: {  	[tilespmem:s29+$0x19110] =	vst v3;
	v15 =	vld [tilespmem:s29+$0x19190];
	v3 =	vmul.f32 v6, v4  }
0x3eb: {  	[tilespmem:s29+$0x19120] =	vst v5;
	v6 =	vmul.f32 v11, v2;
	v11 =	vbroadcast v1, $0x1;
	v5 =	vld [tilespmem:s29+$0x19670]  }
0x3ec: {  	v12 =	vmul.f32 v12, v2;
	[tilespmem:s29+$0x19660] =	vst v3;
	v3 =	vld [tilespmem:s29+$0x198C0]  }
0x3ed: {  	[tilespmem:s29+$0x19150] =	vst v6;
	v13 =	vmul.f32 v13, v11;
	v6 =	vld [tilespmem:s29+$0x19680]  }
0x3ee: {  	[tilespmem:s29+$0x19160] =	vst v12;
	v12 =	vmul.f32 v14, v11;
	v14 =	vld [tilespmem:s29+$0x191D0]  }
0x3ef: {  	[tilespmem:s29+$0x19170] =	vst v13;
	v13 =	vmul.f32 v15, v11;
	v15 =	vld [tilespmem:s29+$0x191E0]  }
0x3f0: {  	v10 =	vmul.f32 v10, v11;
	[tilespmem:s29+$0x19180] =	vst v12;
	v12 =	vld [tilespmem:s29+$0x191F0]  }
0x3f1: {  	v8 =	vmul.f32 v8, v11;
	[tilespmem:s29+$0x19190] =	vst v13;
	v13 =	vld [tilespmem:s29+$0x19200]  }
0x3f2: {  	v9 =	vmul.f32 v9, v11;
	[tilespmem:s29+$0x191A0] =	vst v10;
	v10 =	vld [tilespmem:s29+$0x19210]  }
0x3f3: {  	[tilespmem:s29+$0x191B0] =	vst v8;
	v8 =	vmul.f32 v14, v11;
	v14 =	vbroadcast v1, $0x2;
	v16 =	vld [tilespmem:s29+$0x19220]  }
0x3f4: {  	[tilespmem:s29+$0x191C0] =	vst v9;
	v9 =	vmul.f32 v15, v11;
	v11 =	vld [tilespmem:s29+$0x19230]  }
0x3f5: {  	[tilespmem:s29+$0x191D0] =	vst v8;
	v8 =	vmul.f32 v12, v14;
	v12 =	vld [tilespmem:s29+$0x19240]  }
0x3f6: {  	[tilespmem:s29+$0x191E0] =	vst v9;
	v9 =	vmul.f32 v13, v14;
	v13 =	vld [tilespmem:s29+$0x19250]  }
0x3f7: {  	[tilespmem:s29+$0x191F0] =	vst v8;
	v8 =	vmul.f32 v10, v14;
	v10 =	vld [tilespmem:s29+$0x19260]  }
0x3f8: {  	[tilespmem:s29+$0x19200] =	vst v9;
	v9 =	vmul.f32 v16, v14;
	v15 =	vld [tilespmem:s29+$0x19270]  }
0x3f9: {  	[tilespmem:s29+$0x19210] =	vst v8;
	v8 =	vmul.f32 v11, v14;
	v11 =	vld [tilespmem:s29+$0x19280]  }
0x3fa: {  	[tilespmem:s29+$0x19220] =	vst v9;
	v9 =	vmul.f32 v12, v14;
	v12 =	vld [tilespmem:s29+$0x19290]  }
0x3fb: {  	[tilespmem:s29+$0x19230] =	vst v8;
	v8 =	vmul.f32 v13, v14;
	v13 =	vbroadcast v1, $0x3;
	v16 =	vld [tilespmem:s29+$0x192A0]  }
0x3fc: {  	[tilespmem:s29+$0x19240] =	vst v9;
	v9 =	vmul.f32 v10, v14;
	v10 =	vld [tilespmem:s29+$0x192B0]  }
0x3fd: {  	[tilespmem:s29+$0x19250] =	vst v8;
	v8 =	vmul.f32 v15, v13;
	v14 =	vld [tilespmem:s29+$0x192C0]  }
0x3fe: {  	[tilespmem:s29+$0x19260] =	vst v9;
	v9 =	vmul.f32 v11, v13;
	v11 =	vld [tilespmem:s29+$0x192D0]  }
0x3ff: {  	[tilespmem:s29+$0x19270] =	vst v8;
	v8 =	vmul.f32 v12, v13;
	v12 =	vld [tilespmem:s29+$0x192E0]  }
0x400: {  	[tilespmem:s29+$0x19280] =	vst v9;
	v9 =	vmul.f32 v16, v13;
	v15 =	vld [tilespmem:s29+$0x192F0]  }
0x401: {  	[tilespmem:s29+$0x19290] =	vst v8;
	v8 =	vmul.f32 v10, v13;
	v10 =	vld [tilespmem:s29+$0x19300]  }
0x402: {  	[tilespmem:s29+$0x192A0] =	vst v9;
	v9 =	vmul.f32 v14, v13;
	v14 =	vld [tilespmem:s29+$0x19310]  }
0x403: {  	[tilespmem:s29+$0x192B0] =	vst v8;
	v8 =	vmul.f32 v11, v13;
	v11 =	vld [tilespmem:s29+$0x19320]  }
0x404: {  	[tilespmem:s29+$0x192C0] =	vst v9;
	v9 =	vmul.f32 v12, v13;
	v12 =	vld [tilespmem:s29+$0x19330]  }
0x405: {  	[tilespmem:s29+$0x192D0] =	vst v8;
	v8 =	vmul.f32 v15, v7;
	v13 =	vld [tilespmem:s29+$0x19340]  }
0x406: {  	[tilespmem:s29+$0x192E0] =	vst v9;
	v9 =	vmul.f32 v10, v7;
	v10 =	vld [tilespmem:s29+$0x19350]  }
0x407: {  	[tilespmem:s29+$0x192F0] =	vst v8;
	v8 =	vmul.f32 v14, v7;
	v14 =	vld [tilespmem:s29+$0x19360]  }
0x408: {  	[tilespmem:s29+$0x19300] =	vst v9;
	v9 =	vmul.f32 v11, v7;
	v11 =	vld [tilespmem:s29+$0x19370]  }
0x409: {  	[tilespmem:s29+$0x19310] =	vst v8;
	v8 =	vmul.f32 v12, v7;
	v12 =	vld [tilespmem:s29+$0x19380]  }
0x40a: {  	[tilespmem:s29+$0x19320] =	vst v9;
	v9 =	vmul.f32 v13, v7;
	v13 =	vld [tilespmem:s29+$0x19390]  }
0x40b: {  	[tilespmem:s29+$0x19330] =	vst v8;
	v8 =	vmul.f32 v10, v7;
	v10 =	vbroadcast v1, $0x5;
	v15 =	vld [tilespmem:s29+$0x193A0]  }
0x40c: {  	[tilespmem:s29+$0x19340] =	vst v9;
	v7 =	vmul.f32 v14, v7;
	v9 =	vld [tilespmem:s29+$0x193B0]  }
0x40d: {  	[tilespmem:s29+$0x19350] =	vst v8;
	v8 =	vmul.f32 v11, v10;
	v11 =	vld [tilespmem:s29+$0x193C0]  }
0x40e: {  	[tilespmem:s29+$0x19360] =	vst v7;
	v7 =	vmul.f32 v12, v10;
	v12 =	vld [tilespmem:s29+$0x193D0]  }
0x40f: {  	[tilespmem:s29+$0x19370] =	vst v8;
	v8 =	vmul.f32 v13, v10;
	v13 =	vld [tilespmem:s29+$0x193E0]  }
0x410: {  	[tilespmem:s29+$0x19380] =	vst v7;
	v7 =	vmul.f32 v15, v10;
	v14 =	vld [tilespmem:s29+$0x193F0]  }
0x411: {  	[tilespmem:s29+$0x19390] =	vst v8;
	v8 =	vmul.f32 v9, v10;
	v9 =	vld [tilespmem:s29+$0x19400]  }
0x412: {  	[tilespmem:s29+$0x193A0] =	vst v7;
	v7 =	vmul.f32 v11, v10;
	v11 =	vld [tilespmem:s29+$0x19410]  }
0x413: {  	[tilespmem:s29+$0x193B0] =	vst v8;
	v8 =	vmul.f32 v12, v10;
	v12 =	vbroadcast v1, $0x6;
	v15 =	vld [tilespmem:s29+$0x19420]  }
0x414: {  	[tilespmem:s29+$0x193C0] =	vst v7;
	v7 =	vmul.f32 v13, v10;
	v10 =	vld [tilespmem:s29+$0x19430]  }
0x415: {  	[tilespmem:s29+$0x193D0] =	vst v8;
	v8 =	vmul.f32 v14, v12;
	v13 =	vld [tilespmem:s29+$0x19440]  }
0x416: {  	[tilespmem:s29+$0x193E0] =	vst v7;
	v7 =	vmul.f32 v9, v12;
	v9 =	vld [tilespmem:s29+$0x19450]  }
0x417: {  	[tilespmem:s29+$0x193F0] =	vst v8;
	v8 =	vmul.f32 v11, v12;
	v11 =	vld [tilespmem:s29+$0x19460]  }
0x418: {  	[tilespmem:s29+$0x19400] =	vst v7;
	v7 =	vmul.f32 v15, v12;
	v14 =	vld [tilespmem:s29+$0x19470]  }
0x419: {  	[tilespmem:s29+$0x19410] =	vst v8;
	v8 =	vmul.f32 v10, v12;
	v10 =	vld [tilespmem:s29+$0x19480]  }
0x41a: {  	[tilespmem:s29+$0x19420] =	vst v7;
	v7 =	vmul.f32 v13, v12;
	v13 =	vld [tilespmem:s29+$0x19490]  }
0x41b: {  	[tilespmem:s29+$0x19430] =	vst v8;
	v8 =	vmul.f32 v9, v12;
	v9 =	vbroadcast v1, $0x7;
	v15 =	vld [tilespmem:s29+$0x194A0]  }
0x41c: {  	[tilespmem:s29+$0x19440] =	vst v7;
	v7 =	vmul.f32 v11, v12;
	v11 =	vld [tilespmem:s29+$0x194B0]  }
0x41d: {  	[tilespmem:s29+$0x19450] =	vst v8;
	v8 =	vmul.f32 v14, v9;
	v12 =	vld [tilespmem:s29+$0x194C0]  }
0x41e: {  	[tilespmem:s29+$0x19460] =	vst v7;
	v7 =	vmul.f32 v10, v9;
	v10 =	vld [tilespmem:s29+$0x194D0]  }
0x41f: {  	[tilespmem:s29+$0x19470] =	vst v8;
	v8 =	vmul.f32 v13, v9;
	v13 =	vld [tilespmem:s29+$0x194E0]  }
0x420: {  	[tilespmem:s29+$0x19480] =	vst v7;
	v7 =	vmul.f32 v15, v9;
	v14 =	vld [tilespmem:s29+$0x194F0]  }
0x421: {  	[tilespmem:s29+$0x19490] =	vst v8;
	v8 =	vmul.f32 v11, v9;
	v11 =	vld [tilespmem:s29+$0x19500]  }
0x422: {  	[tilespmem:s29+$0x194A0] =	vst v7;
	v7 =	vmul.f32 v12, v9;
	v12 =	vld [tilespmem:s29+$0x19510]  }
0x423: {  	[tilespmem:s29+$0x194B0] =	vst v8;
	v8 =	vmul.f32 v10, v9;
	v10 =	vbroadcast v1, $0x8;
	v15 =	vld [tilespmem:s29+$0x19520]  }
0x424: {  	[tilespmem:s29+$0x194C0] =	vst v7;
	v7 =	vmul.f32 v13, v9;
	v9 =	vld [tilespmem:s29+$0x19530]  }
0x425: {  	[tilespmem:s29+$0x194D0] =	vst v8;
	v8 =	vmul.f32 v14, v10;
	v13 =	vld [tilespmem:s29+$0x19540]  }
0x426: {  	[tilespmem:s29+$0x194E0] =	vst v7;
	v7 =	vmul.f32 v11, v10;
	v11 =	vld [tilespmem:s29+$0x19550]  }
0x427: {  	[tilespmem:s29+$0x194F0] =	vst v8;
	v8 =	vmul.f32 v12, v10;
	v12 =	vld [tilespmem:s29+$0x19560]  }
0x428: {  	[tilespmem:s29+$0x19500] =	vst v7;
	v7 =	vmul.f32 v15, v10;
	v14 =	vld [tilespmem:s29+$0x19570]  }
0x429: {  	[tilespmem:s29+$0x19510] =	vst v8;
	v8 =	vmul.f32 v9, v10;
	v9 =	vld [tilespmem:s29+$0x19580]  }
0x42a: {  	[tilespmem:s29+$0x19520] =	vst v7;
	v7 =	vmul.f32 v13, v10;
	v13 =	vld [tilespmem:s29+$0x19590]  }
0x42b: {  	[tilespmem:s29+$0x19530] =	vst v8;
	v8 =	vmul.f32 v11, v10;
	v11 =	vbroadcast v1, $0x9;
	v15 =	vld [tilespmem:s29+$0x195A0]  }
0x42c: {  	[tilespmem:s29+$0x19540] =	vst v7;
	v7 =	vmul.f32 v12, v10;
	v10 =	vld [tilespmem:s29+$0x195B0]  }
0x42d: {  	[tilespmem:s29+$0x19550] =	vst v8;
	v8 =	vmul.f32 v14, v11;
	v12 =	vld [tilespmem:s29+$0x195C0]  }
0x42e: {  	[tilespmem:s29+$0x19560] =	vst v7;
	v7 =	vmul.f32 v9, v11;
	v9 =	vld [tilespmem:s29+$0x195D0]  }
0x42f: {  	[tilespmem:s29+$0x19570] =	vst v8;
	v8 =	vmul.f32 v13, v11;
	v13 =	vld [tilespmem:s29+$0x195E0]  }
0x430: {  	[tilespmem:s29+$0x19580] =	vst v7;
	v7 =	vmul.f32 v15, v11;
	v14 =	vld [tilespmem:s29+$0x195F0]  }
0x431: {  	[tilespmem:s29+$0x19590] =	vst v8;
	v8 =	vmul.f32 v10, v11;
	v10 =	vld [tilespmem:s29+$0x19600]  }
0x432: {  	[tilespmem:s29+$0x195A0] =	vst v7;
	v7 =	vmul.f32 v12, v11;
	v12 =	vld [tilespmem:s29+$0x19610]  }
0x433: {  	[tilespmem:s29+$0x195B0] =	vst v8;
	v8 =	vmul.f32 v9, v11;
	v9 =	vld [tilespmem:s29+$0x19620]  }
0x434: {  	[tilespmem:s29+$0x195C0] =	vst v7;
	v7 =	vmul.f32 v13, v11;
	v11 =	vld [tilespmem:s29+$0x19630]  }
0x435: {  	[tilespmem:s29+$0x195D0] =	vst v8;
	v8 =	vmul.f32 v14, v4;
	v13 =	vld [tilespmem:s29+$0x19640]  }
0x436: {  	[tilespmem:s29+$0x195E0] =	vst v7;
	v7 =	vmul.f32 v10, v4;
	v10 =	vld [tilespmem:s29+$0x19650]  }
0x437: {  	v14 =	vld [tilespmem:s29+$0x190F0];
	[tilespmem:s29+$0x195F0] =	vst v8;
	v8 =	vmul.f32 v12, v4  }
0x438: {  	v12 =	vld [tilespmem:s29+$0x19100];
	[tilespmem:s29+$0x19600] =	vst v7;
	v7 =	vmul.f32 v9, v4  }
0x439: {  	v9 =	vld [tilespmem:s29+$0x19130];
	[tilespmem:s29+$0x19610] =	vst v8;
	v8 =	vmul.f32 v11, v4  }
0x43a: {  	v11 =	vld [tilespmem:s29+$0x19140];
	[tilespmem:s29+$0x19620] =	vst v7;
	v7 =	vmul.f32 v13, v4  }
0x43b: {  	[tilespmem:s29+$0x19630] =	vst v8;
	v8 =	vmul.f32 v10, v4;
	v10 =	vbroadcast v1, $0xB;
	v13 =	vld [tilespmem:s29+$0x19690]  }
0x43c: {  	v4 =	vbroadcast v1, $0xF;
	v14 =	vmul.f32 v2, v14;
	[tilespmem:s29+$0x19640] =	vst v7;
	v7 =	vld [tilespmem:s29+$0x196A0]  }
0x43d: {  	v12 =	vmul.f32 v12, v2;
	[tilespmem:s29+$0x19650] =	vst v8;
	v5 =	vmul.f32 v5, v10;
	v8 =	vld [tilespmem:s29+$0x196B0]  }
0x43e: {  	v6 =	vmul.f32 v6, v10;
	[tilespmem:s29+$0x190F0] =	vst v14;
	v9 =	vmul.f32 v9, v2;
	v14 =	vld [tilespmem:s29+$0x196C0]  }
0x43f: {  	v3 =	vmul.f32 v3, v4;
	v11 =	vmul.f32 v11, v2;
	[tilespmem:s29+$0x19670] =	vst v5;
	v2 =	vld [tilespmem:s29+$0x196D0]  }
0x440: {  	[tilespmem:s29+$0x19680] =	vst v6;
	v5 =	vmul.f32 v13, v10;
	v6 =	vld [tilespmem:s29+$0x196E0]  }
0x441: {  	v7 =	vmul.f32 v7, v10;
	v13 =	vld [tilespmem:s29+$0x196F0];
	[tilespmem:s29+$0x198C0] =	vst v3  }
0x442: {  	[tilespmem:s29+$0x19100] =	vst v12;
	v3 =	vmul.f32 v8, v10;
	v8 =	vld [tilespmem:s29+$0x19700]  }
0x443: {  	[tilespmem:s29+$0x19130] =	vst v9;
	v9 =	vmul.f32 v14, v10;
	v12 =	vld [tilespmem:s29+$0x19710]  }
0x444: {  	v14 =	vbroadcast v1, $0xC;
	[tilespmem:s29+$0x19690] =	vst v5;
	v5 =	vmul.f32 v2, v10;
	v15 =	vld [tilespmem:s29+$0x19720]  }
0x445: {  	[tilespmem:s29+$0x196C0] =	vst v9;
	v6 =	vmul.f32 v6, v10;
	v9 =	vld [tilespmem:s29+$0x19730]  }
0x446: {  	[tilespmem:s29+$0x196A0] =	vst v7;
	v2 =	vmul.f32 v13, v14;
	v7 =	vld [tilespmem:s29+$0x19740]  }
0x447: {  	[tilespmem:s29+$0x196B0] =	vst v3;
	v3 =	vmul.f32 v8, v14;
	v8 =	vld [tilespmem:s29+$0x19750]  }
0x448: {  	[tilespmem:s29+$0x196F0] =	vst v2;
	v2 =	vmul.f32 v12, v14;
	v10 =	vld [tilespmem:s29+$0x19760]  }
0x449: {  	[tilespmem:s29+$0x19700] =	vst v3;
	v3 =	vld [tilespmem:s29+$0x19770]  }
0x44a: {  	[tilespmem:s29+$0x19140] =	vst v11;
	v9 =	vmul.f32 v9, v14;
	v11 =	vld [tilespmem:s29+$0x19780]  }
0x44b: {  	[tilespmem:s29+$0x196D0] =	vst v5;
	v5 =	vmul.f32 v7, v14;
	v7 =	vld [tilespmem:s29+$0x19790]  }
0x44c: {  	[tilespmem:s29+$0x19730] =	vst v9;
	v8 =	vmul.f32 v8, v14;
	v9 =	vbroadcast v1, $0xD;
	v12 =	vld [tilespmem:s29+$0x197A0]  }
0x44d: {  	[tilespmem:s29+$0x19740] =	vst v5;
	v5 =	vmul.f32 v10, v14;
	v10 =	vld [tilespmem:s29+$0x197B0]  }
0x44e: {  	[tilespmem:s29+$0x19750] =	vst v8;
	v3 =	vmul.f32 v3, v9;
	v8 =	vld [tilespmem:s29+$0x197C0]  }
0x44f: {  	[tilespmem:s29+$0x19760] =	vst v5;
	v5 =	vmul.f32 v11, v9;
	v11 =	vld [tilespmem:s29+$0x197D0]  }
0x450: {  	[tilespmem:s29+$0x19770] =	vst v3;
	v3 =	vmul.f32 v7, v9;
	v7 =	vld [tilespmem:s29+$0x197E0]  }
0x451: {  	[tilespmem:s29+$0x19780] =	vst v5;
	v5 =	vmul.f32 v12, v9;
	v12 =	vld [tilespmem:s29+$0x197F0]  }
0x452: {  	[tilespmem:s29+$0x19790] =	vst v3;
	v3 =	vmul.f32 v10, v9;
	v10 =	vld [tilespmem:s29+$0x19800]  }
0x453: {  	[tilespmem:s29+$0x197A0] =	vst v5;
	v5 =	vmul.f32 v8, v9;
	v8 =	vld [tilespmem:s29+$0x19810]  }
0x454: {  	v1 =	vbroadcast v1, $0xE;
	[tilespmem:s29+$0x196E0] =	vst v6;
	v6 =	vmul.f32 v11, v9;
	v11 =	vld [tilespmem:s29+$0x19820]  }
0x455: {  	[tilespmem:s29+$0x197C0] =	vst v5;
	v5 =	vmul.f32 v7, v9;
	v7 =	vld [tilespmem:s29+$0x19830]  }
0x456: {  	[tilespmem:s29+$0x197D0] =	vst v6;
	v6 =	vmul.f32 v12, v1;
	v9 =	vld [tilespmem:s29+$0x19840]  }
0x457: {  	[tilespmem:s29+$0x197E0] =	vst v5;
	v5 =	vmul.f32 v10, v1;
	v10 =	vld [tilespmem:s29+$0x19850]  }
0x458: {  	[tilespmem:s29+$0x197F0] =	vst v6;
	v6 =	vmul.f32 v8, v1;
	v8 =	vld [tilespmem:s29+$0x19860]  }
0x459: {  	[tilespmem:s29+$0x19800] =	vst v5;
	v5 =	vmul.f32 v11, v1;
	v11 =	vld [tilespmem:s29+$0x19870]  }
0x45a: {  	[tilespmem:s29+$0x19810] =	vst v6;
	v6 =	vmul.f32 v7, v1;
	v7 =	vld [tilespmem:s29+$0x19880]  }
0x45b: {  	[tilespmem:s29+$0x19820] =	vst v5;
	v5 =	vmul.f32 v9, v1;
	v9 =	vld [tilespmem:s29+$0x19890]  }
0x45c: {  	[tilespmem:s29+$0x19830] =	vst v6;
	v6 =	vmul.f32 v10, v1;
	v10 =	vld [tilespmem:s29+$0x198A0]  }
0x45d: {  	[tilespmem:s29+$0x197B0] =	vst v3;
	v1 =	vmul.f32 v8, v1;
	v3 =	vld [tilespmem:s29+$0x198B0]  }
0x45e: {  	[tilespmem:s29+$0x19850] =	vst v6;
	v6 =	vmul.f32 v11, v4;
	v8 =	vld [tilespmem:s29+$0x198D0]  }
0x45f: {  	[tilespmem:s29+$0x19860] =	vst v1;
	v1 =	vmul.f32 v7, v4;
	v7 =	vld [tilespmem:s29+$0x198E0]  }
0x460: {  	[tilespmem:s29+$0x19870] =	vst v6;
	v6 =	vmul.f32 v9, v4  }
0x461: {  	[tilespmem:s29+$0x19880] =	vst v1;
	v1 =	vmul.f32 v10, v4  }
0x462: {  	v9 =	vmul.f32 v15, v14;
	[tilespmem:s29+$0x19890] =	vst v6  }
0x463: {  	[tilespmem:s29+$0x198A0] =	vst v1;
	v1 =	vmul.f32 v3, v4  }
.Ltmp4:
0x464: {  	[tilespmem:s29+$0x19720] =	vst v9;
	v3 =	vmul.f32 v7, v4;
	(pc) =	sbr.rel @p2 .LBB2_7-.Ltmp4, $4  }
0x465: {  	[tilespmem:s29+$0x198B0] =	vst v1  }
0x466: {  	v1 =	vmul.f32 v8, v4;
	[tilespmem:s29+$0x198E0] =	vst v3  }
0x467: {  	[tilespmem:s29+$0x19840] =	vst v5  }
0x468: {  	[tilespmem:s29+$0x198D0] =	vst v1  }
.Ltmp5:
0x469: {  	(pc) =	sbr.rel @p1 .LBB2_10-.Ltmp5, $4  }
0x46a: {  	[tilespmem:s29+$0x19710] =	vst v2  }
0x46b: {  	[spmem:s9] =	stream.indirect.scatter.add.f32 [tilespmem:s20], [sflag:$0x8], $0x80, s13, s6, $0xb8;
	[tilespmem:$0x1D0F0] =	vst v63  }
0x46c: {  	_ = 	snop  }
0x46d: {  	[spmem:s11] =	stream.indirect.scatter.add.f32 [tilespmem:s28], [sflag:$0x8], $0x1, s13, s6, $0xb8;
	[tilespmem:$0x1D0F0] =	vst v63  }
0x46e: {  	s2 =	sadd.s32 $0x3, s31  }
.Ltmp6:
0x46f: {  	s8 =	sadd.s32 s19, s2;
	s2 =	sshll.u32 s2, $0x4;
	(pc) =	sbr.rel .LBB2_4-.Ltmp6, $4  }
0x470: {  	s8 =	sshll.u32 s8, $0x6;
	s2 =	sand.u32 $0x70, s2  }
0x471: {  	s8 =	sand.u32 $0xFFFFE00, s8;
	s2 =	sadd.s32 s18, s2  }
0x472: {  	s30 =	sadd.s32 $0x1, s30;
	s2 =	sadd.s32 s8, s2  }
0x473: {  	[tilespmem:s22], [sflag:$0x2] =	stream.strided.gather [hbm4b:s2+s6], $0x200, s7, s6, $0x38;
	[tilespmem:$0x1D0F0] =	vst v63  }
.LBB2_11:
0x474: {  	_ =	sfence.sel $0x180000  }
0x475: {  	[bflag:$0x0] =	sbarrier.arrive $0xFFFF  }
0x476: {  	_ =	strace $0x90000047  }
0x477: {  	[bflag:$0x2] =	sbarrier.arrive $0xFFFF  }
0x478: {  	s0 =	rddreg [dreg:$0x6]  }
0x479: {  	s0 =	sadd.s32 @!p0 $0x100000, s0  }
0x47a: {  	[sflag:s0] =	ssyncadd.tile.s32 @!p0 $0x1;
	_ =	shalt  }
.Lfunc_end2:
_tile_overlayer_lowered:
.L_overlay_start_2:
0x47b: {  	(tag) =	ssettag $0x2  }
0x47c: {  	s0 =	rddreg [dreg:$0x0];
	s2 =	stileid.u32  }
0x47d: {  	s1 =	rddreg [dreg:$0x1];
	p0 =	sne.s32 s2, $0x0  }
0x47e: {  	s3 =	rddreg [dreg:$0x2];
	[bflag:$0x3] =	sbarrier.arrive $0xFFFF;
	s2 =	simm.s32 @!p0 $0x1C09  }
0x47f: {  	[timem:s3], [sflag:s2] =	dma.local @!p0 [hbm:s0], s1  }
0x480: {  	s0 =	simm.s32 @!p0 $0x9  }
0x481: {  	_ =	swait.ge @!p0 [sflag:s0], s1  }
0x482: {  	s1 =	ssub.s32 @!p0 $0x0, s1;
	[sflag:s0] =	ssyncset.done @!p0 $0x0  }
0x483: {  	[sflag:s0] =	ssyncadd.s32 @!p0 s1  }
0x484: {  	[bflag:$0x3] =	sbarrier.arrive $0xFFFF  }
0x485: {  	_ =	shalt  }

</sc_bundles>
